<compile_context>
chip_gen: v7x
topology: tpu7x:2x2x1
jax: 0.10.2.dev20260603
libtpu: 0.0.44.dev20260713+nightly
codegen_flags: <defaults>
</compile_context>

<pallas_src>
import jax
import jax.numpy as jnp
from jax import lax
from jax.experimental import pallas as pl
from jax.experimental.pallas import tpu as pltpu
from jax.experimental.pallas import tpu_sc as plsc

NN = 10000
EE = 320000
NC = 2
NS = 16
NW = NC * NS
EB = 125
ER = EE // EB
RPT = ER // NW
CH = 632
CHL = NN - 15 * CH

_MESH = plsc.VectorSubcoreMesh(core_axis_name="c", subcore_axis_name="s",
                               num_cores=NC, num_subcores=NS)



_DCH = 640


def _deg_body(dst_hbm, out_hbm, dst_v, ones_v, chunk_v, deg_sh):
    cid = lax.axis_index("c")
    sid = lax.axis_index("s")
    wid = sid * NC + cid

    for i in range(_DCH // 16):
        chunk_v[pl.ds(i * 16, 16)] = jnp.zeros((16,), jnp.float32)
    pltpu.sync_copy(chunk_v, deg_sh.at[pl.ds(sid * _DCH, _DCH)])
    plsc.subcore_barrier()

    pltpu.sync_copy(dst_hbm.at[pl.ds(wid * RPT, RPT)], dst_v)
    for i in range(8):
        ones_v[pl.ds(i * 16, 16)] = jnp.ones((16,), jnp.float32)

    def body(j, carry):
        pltpu.sync_copy(ones_v.at[pl.ds(0, EB)], deg_sh.at[dst_v.at[j]],
                        add=True)
        return carry

    lax.fori_loop(0, RPT, body, 0)
    plsc.subcore_barrier()

    pltpu.sync_copy(deg_sh.at[pl.ds(sid * _DCH, _DCH)], chunk_v)

    @pl.when(sid < 15)
    def _():
        pltpu.sync_copy(chunk_v, out_hbm.at[pl.ds(cid * NN + sid * _DCH,
                                                  _DCH)])

    @pl.when(sid == 15)
    def _():
        pltpu.sync_copy(chunk_v.at[pl.ds(0, NN - 15 * _DCH)],
                        out_hbm.at[pl.ds(cid * NN + 15 * _DCH,
                                         NN - 15 * _DCH)])


_deg_kernel = pl.kernel(
    _deg_body,
    out_type=jax.ShapeDtypeStruct((NC * NN,), jnp.float32),
    mesh=_MESH,
    scratch_types=[
        pltpu.VMEM((RPT, EB), jnp.int32),
        pltpu.VMEM((128,), jnp.float32),
        pltpu.VMEM((_DCH,), jnp.float32),
        pltpu.VMEM_SHARED((NS * _DCH,), jnp.float32),
    ],
)


_NBT = 8


def _make_scat(width):
    def body(hs_hbm, src_hbm, dst_hbm, zeros_hbm, out_hbm,
             src_v, dst_v, rows_v, gsem, acc_sh):
        cid = lax.axis_index("c")
        sid = lax.axis_index("s")
        wid = sid * NC + cid

        @pl.when(sid < 15)
        def _():
            pltpu.sync_copy(zeros_hbm.at[pl.ds(sid * CH, CH)],
                            acc_sh.at[pl.ds(sid * CH, CH)])

        @pl.when(sid == 15)
        def _():
            pltpu.sync_copy(zeros_hbm.at[pl.ds(15 * CH, CHL)],
                            acc_sh.at[pl.ds(15 * CH, CHL)])

        pltpu.sync_copy(src_hbm.at[pl.ds(wid * RPT, RPT)], src_v)
        pltpu.sync_copy(dst_hbm.at[pl.ds(wid * RPT, RPT)], dst_v)
        plsc.subcore_barrier()

        def gstart(j, b):
            pltpu.async_copy(hs_hbm.at[src_v.at[j]], rows_v.at[b],
                             gsem.at[b])

        def gwait(j, b):
            pltpu.make_async_copy(hs_hbm.at[src_v.at[j]], rows_v.at[b],
                                  gsem.at[b]).wait()

        for b in range(_NBT):
            gstart(b, b)

        def rnd(r, carry):
            base = r * _NBT
            for b in range(_NBT):
                j = base + b
                gwait(j, b)
                pltpu.sync_copy(rows_v.at[b], acc_sh.at[dst_v.at[j]],
                                add=True)
                jn = j + _NBT

                @pl.when(jn < RPT)
                def _():
                    gstart(jn, b)
            return carry

        lax.fori_loop(0, RPT // _NBT, rnd, 0)
        plsc.subcore_barrier()

        @pl.when(sid < 15)
        def _():
            pltpu.sync_copy(acc_sh.at[pl.ds(sid * CH, CH)],
                            out_hbm.at[pl.ds(cid * NN + sid * CH, CH)])

        @pl.when(sid == 15)
        def _():
            pltpu.sync_copy(acc_sh.at[pl.ds(15 * CH, CHL)],
                            out_hbm.at[pl.ds(cid * NN + 15 * CH, CHL)])

    return pl.kernel(
        body,
        out_type=jax.ShapeDtypeStruct((NC * NN, width), jnp.float32),
        mesh=_MESH,
        compiler_params=pltpu.CompilerParams(use_tc_tiling_on_sc=False),
        scratch_types=[
            pltpu.VMEM((RPT, EB), jnp.int32),
            pltpu.VMEM((RPT, EB), jnp.int32),
            pltpu.VMEM((_NBT, EB, width), jnp.float32),
            pltpu.SemaphoreType.DMA((_NBT,)),
            pltpu.VMEM_SHARED((NN, width), jnp.float32),
        ],
    )


_scat64 = _make_scat(64)
_scat32 = _make_scat(32)



def _tc_a1(x_ref, w1_ref, ws1_ref, bs1_ref, h1m_ref, xs_ref):
    h1m_ref[...] = jnp.dot(x_ref[...], w1_ref[...])
    xs_ref[...] = jnp.dot(x_ref[...], ws1_ref[...]) + bs1_ref[...]


def _tc_a2(h1m_ref, degp_ref, dinv_ref, hs1_ref):
    deg = degp_ref[:, 0:1] + degp_ref[:, 1:2] + 1.0
    dinv = lax.rsqrt(deg)
    dinv_ref[...] = dinv
    hs1_ref[...] = h1m_ref[...] * dinv


def _bn(h, g, be):
    m = jnp.mean(h, axis=0, keepdims=True)
    v = jnp.mean((h - m) ** 2, axis=0, keepdims=True)
    return (h - m) * lax.rsqrt(v + 1e-5) * g + be


def _accsum(ref):
    return ref[pl.ds(0, NN), :] + ref[pl.ds(NN, NN), :]


def _tc_b(acc_ref, hs1_ref, xs_ref, dinv_ref, b1_ref, g1_ref, be1_ref,
          w2_ref, ws2_ref, bs2_ref, hs2_ref, h1s_ref):
    dinv = dinv_ref[...]
    conv = dinv * (_accsum(acc_ref) + hs1_ref[...]) + b1_ref[...]
    h = _bn(jnp.maximum(conv, 0.0), g1_ref[...], be1_ref[...])
    h1 = h + xs_ref[...]
    hs2_ref[...] = jnp.dot(h1, w2_ref[...]) * dinv
    h1s_ref[...] = jnp.dot(h1, ws2_ref[...]) + bs2_ref[...]


def _tc_c(acc_ref, hs2_ref, dinv_ref, b2_ref, g2_ref, be2_ref, w3_ref,
          hs3_ref):
    dinv = dinv_ref[...]
    conv = dinv * (_accsum(acc_ref) + hs2_ref[...]) + b2_ref[...]
    h2 = _bn(jnp.maximum(conv, 0.0), g2_ref[...], be2_ref[...])
    hs3_ref[...] = jnp.dot(h2, w3_ref[...]) * dinv


_BM = 1024
_BN = 1024
_NGI = pl.cdiv(NN, _BM)
_NGJ = pl.cdiv(NN, _BN)


_ZPAD = max(_NGI * _BM, _NGJ * _BN) - NN


def _tc_decode(acc_ref, hs3_ref, dinv_ref, b3_ref, h1s_ref,
               adj_ref, zout_ref, z_v):
    i = pl.program_id(0)
    j = pl.program_id(1)

    @pl.when((i == 0) & (j == 0))
    def _():
        z = (dinv_ref[...] * (_accsum(acc_ref) + hs3_ref[...])
             + b3_ref[...] + h1s_ref[...])
        z_v[pl.ds(0, NN), :] = z
        z_v[pl.ds(NN, _ZPAD), :] = jnp.zeros((_ZPAD, 32), jnp.float32)
        zout_ref[...] = z

    zi = z_v[pl.ds(i * _BM, _BM), :]
    zj = z_v[pl.ds(j * _BN, _BN), :]
    prod = lax.dot_general(zi, zj, (((1,), (1,)), ((), ())))
    adj_ref[...] = jax.nn.sigmoid(prod)


def _f32(shape):
    return jax.ShapeDtypeStruct(shape, jnp.float32)


def kernel(x, edge_index, W1, b1, W2, b2, W3, b3, Ws1, bs1, Ws2, bs2,
           g1, be1, g2, be2):
    src2d = edge_index[0].reshape(ER, EB)
    dst2d = edge_index[1].reshape(ER, EB)
    zeros64 = jnp.zeros((NN, 64), jnp.float32)
    zeros32 = jnp.zeros((NN, 32), jnp.float32)

    degp = _deg_kernel(dst2d).reshape(NC, NN).T
    h1m, xs = pl.pallas_call(
        _tc_a1,
        out_shape=(_f32((NN, 64)), _f32((NN, 64))),
    )(x, W1, Ws1, bs1)
    dinv, hs1 = pl.pallas_call(
        _tc_a2,
        out_shape=(_f32((NN, 1)), _f32((NN, 64))),
    )(h1m, degp)

    acc1 = _scat64(hs1, src2d, dst2d, zeros64)
    hs2, h1s = pl.pallas_call(
        _tc_b,
        out_shape=(_f32((NN, 64)), _f32((NN, 32))),
    )(acc1, hs1, xs, dinv, b1, g1, be1, W2, Ws2, bs2)

    acc2 = _scat64(hs2, src2d, dst2d, zeros64)
    hs3 = pl.pallas_call(
        _tc_c,
        out_shape=_f32((NN, 32)),
    )(acc2, hs2, dinv, b2, g2, be2, W3)

    acc3 = _scat32(hs3, src2d, dst2d, zeros32)
    adj, z = pl.pallas_call(
        _tc_decode,
        grid=(_NGI, _NGJ),
        in_specs=[
            pl.BlockSpec((NC * NN, 32), lambda i, j: (0, 0)),
            pl.BlockSpec((NN, 32), lambda i, j: (0, 0)),
            pl.BlockSpec((NN, 1), lambda i, j: (0, 0)),
            pl.BlockSpec((32,), lambda i, j: (0,)),
            pl.BlockSpec((NN, 32), lambda i, j: (0, 0)),
        ],
        out_specs=(
            pl.BlockSpec((_BM, _BN), lambda i, j: (i, j)),
            pl.BlockSpec((NN, 32), lambda i, j: (0, 0)),
        ),
        out_shape=(_f32((NN, NN)), _f32((NN, 32))),
        scratch_shapes=[pltpu.VMEM((NN + _ZPAD, 32), jnp.float32)],
    )(acc3, hs3, dinv, b3, h1s)
    return adj, z

# --- scband reference (transcript-rebuilt; emitter-appended) ---
"""Pipeline reference for scband-improved-gae-45268955300494 (READ-ONLY COPY).

The authoritative reference and input builder live on the scoring server;
editing this copy changes nothing except your own understanding.
"""

import jax, jax.numpy as jnp
import numpy as np

N = 10000
E = 320000
D = 128
H = 64
L = 32


def gcn_conv(x, edge_index, W, b):
    n = x.shape[0]
    src = edge_index[0]
    dst = edge_index[1]
    loop = jnp.arange(n, dtype=src.dtype)
    s = jnp.concatenate([src, loop])
    d = jnp.concatenate([dst, loop])
    deg = jnp.zeros((n,), x.dtype).at[d].add(1.0)
    dinv = jnp.where(deg > 0, deg ** -0.5, 0.0)
    norm = dinv[s] * dinv[d]
    h = x @ W
    out = jnp.zeros((n, h.shape[1]), x.dtype).at[d].add(h[s] * norm[:, None])
    return out + b


def batch_norm(h, gamma, beta):
    m = h.mean(axis=0)
    v = h.var(axis=0)
    return (h - m) / jnp.sqrt(v + 1e-5) * gamma + beta


def setup_inputs(seed: int = 0):
    key = jax.random.key(seed)
    ks = jax.random.split(key, 12)
    x = jax.random.normal(ks[0], (N, D), dtype=jnp.float32)
    edge_index = jax.random.randint(ks[1], (2, E), 0, N, dtype=jnp.int32)
    W1 = jax.random.normal(ks[2], (D, H), dtype=jnp.float32) * 0.05
    b1 = jnp.zeros((H,), jnp.float32)
    W2 = jax.random.normal(ks[3], (H, H), dtype=jnp.float32) * 0.05
    b2 = jnp.zeros((H,), jnp.float32)
    W3 = jax.random.normal(ks[4], (H, L), dtype=jnp.float32) * 0.05
    b3 = jnp.zeros((L,), jnp.float32)
    Ws1 = jax.random.normal(ks[5], (D, H), dtype=jnp.float32) * 0.05
    bs1 = jnp.zeros((H,), jnp.float32)
    Ws2 = jax.random.normal(ks[6], (H, L), dtype=jnp.float32) * 0.05
    bs2 = jnp.zeros((L,), jnp.float32)
    g1 = jnp.ones((H,), jnp.float32)
    be1 = jnp.zeros((H,), jnp.float32)
    g2 = jnp.ones((H,), jnp.float32)
    be2 = jnp.zeros((H,), jnp.float32)
    return {"x": x, "edge_index": edge_index, "W1": W1, "b1": b1, "W2": W2, "b2": b2, "W3": W3, "b3": b3, "Ws1": Ws1, "bs1": bs1, "Ws2": Ws2, "bs2": bs2, "g1": g1, "be1": be1, "g2": g2, "be2": be2}


def reference(x, edge_index, W1, b1, W2, b2, W3, b3, Ws1, bs1, Ws2, bs2, g1, be1, g2, be2):
    h1 = jax.nn.relu(gcn_conv(x, edge_index, W1, b1))
    h1 = batch_norm(h1, g1, be1)
    h1 = h1 + x @ Ws1 + bs1
    h2 = jax.nn.relu(gcn_conv(h1, edge_index, W2, b2))
    h2 = batch_norm(h2, g2, be2)
    z = gcn_conv(h2, edge_index, W3, b3)
    z = z + h1 @ Ws2 + bs2
    adj_pred = jax.nn.sigmoid(z @ z.T)
    return adj_pred, z

if __name__ == "__main__":
    import jax
    _d = setup_inputs()
    print(jax.jit(kernel)(*tuple(_d.values())))

</pallas_src>

<mosaic_0001>
#map = affine_map<(d0, d1) -> (0, 0)>
#map1 = affine_map<(d0, d1) -> (0)>
module attributes {stable_mosaic.version = 14 : i64} {
  func.func @_deg_body(%arg0: i32, %arg1: i32, %arg2: memref<2560x125xi32, #tpu.memory_space<hbm>>, %arg3: memref<20000xf32, #tpu.memory_space<hbm>>, %arg4: memref<80x125xi32, #tpu.memory_space<vmem>>, %arg5: memref<128xf32, #tpu.memory_space<vmem>>, %arg6: memref<640xf32, #tpu.memory_space<vmem>>, %arg7: memref<10240xf32, #tpu.memory_space<vmem_shared>>) attributes {dimension_semantics = [#tpu.dimension_semantics<core_parallel>, #tpu.dimension_semantics<subcore_parallel>], iteration_bounds = array<i64: 2, 16>, scalar_prefetch = 0 : i64, scratch_operands = 4 : i64, tpu.core_type = #tpu.core_type<sc_vector_subcore>, window_params = [{transform_indices = #map}, {transform_indices = #map1}]} {
    %mul3A = arith.constant 2 : i32
    %mul3A_0 = arith.muli %arg1, %mul3A : i32
    %add3A = arith.addi %mul3A_0, %arg0 : i32
    %broadcast_in_dim3A = arith.constant 0.000000e+00 : f32
    %broadcast_in_dim3A_1 = vector.broadcast %broadcast_in_dim3A : f32 to vector<16xf32>
    %swap3A = arith.constant 0 : index
    %swap3A_2 = tpu.vector_load %arg6[%swap3A] {strides = array<i32>} : memref<640xf32, #tpu.memory_space<vmem>>, vector<16xf32>,
    %swap3A_3 = vector.shape_cast %swap3A_2 : vector<16xf32> to vector<16xf32>
    %swap3A_4 = vector.shape_cast %broadcast_in_dim3A_1 : vector<16xf32> to vector<16xf32>
    tpu.vector_store %arg6[%swap3A], %swap3A_4 {strides = array<i32>} : memref<640xf32, #tpu.memory_space<vmem>>, vector<16xf32>,
    %broadcast_in_dim3A_5 = arith.constant 0.000000e+00 : f32
    %broadcast_in_dim3A_6 = vector.broadcast %broadcast_in_dim3A_5 : f32 to vector<16xf32>
    %swap3A_7 = arith.constant 16 : index
    %swap3A_8 = tpu.vector_load %arg6[%swap3A_7] {strides = array<i32>} : memref<640xf32, #tpu.memory_space<vmem>>, vector<16xf32>,
    %swap3A_9 = vector.shape_cast %swap3A_8 : vector<16xf32> to vector<16xf32>
    %swap3A_10 = vector.shape_cast %broadcast_in_dim3A_6 : vector<16xf32> to vector<16xf32>
    tpu.vector_store %arg6[%swap3A_7], %swap3A_10 {strides = array<i32>} : memref<640xf32, #tpu.memory_space<vmem>>, vector<16xf32>,
    %broadcast_in_dim3A_11 = arith.constant 0.000000e+00 : f32
    %broadcast_in_dim3A_12 = vector.broadcast %broadcast_in_dim3A_11 : f32 to vector<16xf32>
    %swap3A_13 = arith.constant 32 : index
    %swap3A_14 = tpu.vector_load %arg6[%swap3A_13] {strides = array<i32>} : memref<640xf32, #tpu.memory_space<vmem>>, vector<16xf32>,
    %swap3A_15 = vector.shape_cast %swap3A_14 : vector<16xf32> to vector<16xf32>
    %swap3A_16 = vector.shape_cast %broadcast_in_dim3A_12 : vector<16xf32> to vector<16xf32>
    tpu.vector_store %arg6[%swap3A_13], %swap3A_16 {strides = array<i32>} : memref<640xf32, #tpu.memory_space<vmem>>, vector<16xf32>,
    %broadcast_in_dim3A_17 = arith.constant 0.000000e+00 : f32
    %broadcast_in_dim3A_18 = vector.broadcast %broadcast_in_dim3A_17 : f32 to vector<16xf32>
    %swap3A_19 = arith.constant 48 : index
    %swap3A_20 = tpu.vector_load %arg6[%swap3A_19] {strides = array<i32>} : memref<640xf32, #tpu.memory_space<vmem>>, vector<16xf32>,
    %swap3A_21 = vector.shape_cast %swap3A_20 : vector<16xf32> to vector<16xf32>
    %swap3A_22 = vector.shape_cast %broadcast_in_dim3A_18 : vector<16xf32> to vector<16xf32>
    tpu.vector_store %arg6[%swap3A_19], %swap3A_22 {strides = array<i32>} : memref<640xf32, #tpu.memory_space<vmem>>, vector<16xf32>,
    %broadcast_in_dim3A_23 = arith.constant 0.000000e+00 : f32
    %broadcast_in_dim3A_24 = vector.broadcast %broadcast_in_dim3A_23 : f32 to vector<16xf32>
    %swap3A_25 = arith.constant 64 : index
    %swap3A_26 = tpu.vector_load %arg6[%swap3A_25] {strides = array<i32>} : memref<640xf32, #tpu.memory_space<vmem>>, vector<16xf32>,
    %swap3A_27 = vector.shape_cast %swap3A_26 : vector<16xf32> to vector<16xf32>
    %swap3A_28 = vector.shape_cast %broadcast_in_dim3A_24 : vector<16xf32> to vector<16xf32>
    tpu.vector_store %arg6[%swap3A_25], %swap3A_28 {strides = array<i32>} : memref<640xf32, #tpu.memory_space<vmem>>, vector<16xf32>,
    %broadcast_in_dim3A_29 = arith.constant 0.000000e+00 : f32
    %broadcast_in_dim3A_30 = vector.broadcast %broadcast_in_dim3A_29 : f32 to vector<16xf32>
    %swap3A_31 = arith.constant 80 : index
    %swap3A_32 = tpu.vector_load %arg6[%swap3A_31] {strides = array<i32>} : memref<640xf32, #tpu.memory_space<vmem>>, vector<16xf32>,
    %swap3A_33 = vector.shape_cast %swap3A_32 : vector<16xf32> to vector<16xf32>
    %swap3A_34 = vector.shape_cast %broadcast_in_dim3A_30 : vector<16xf32> to vector<16xf32>
    tpu.vector_store %arg6[%swap3A_31], %swap3A_34 {strides = array<i32>} : memref<640xf32, #tpu.memory_space<vmem>>, vector<16xf32>,
    %broadcast_in_dim3A_35 = arith.constant 0.000000e+00 : f32
    %broadcast_in_dim3A_36 = vector.broadcast %broadcast_in_dim3A_35 : f32 to vector<16xf32>
    %swap3A_37 = arith.constant 96 : index
    %swap3A_38 = tpu.vector_load %arg6[%swap3A_37] {strides = array<i32>} : memref<640xf32, #tpu.memory_space<vmem>>, vector<16xf32>,
    %swap3A_39 = vector.shape_cast %swap3A_38 : vector<16xf32> to vector<16xf32>
    %swap3A_40 = vector.shape_cast %broadcast_in_dim3A_36 : vector<16xf32> to vector<16xf32>
    tpu.vector_store %arg6[%swap3A_37], %swap3A_40 {strides = array<i32>} : memref<640xf32, #tpu.memory_space<vmem>>, vector<16xf32>,
    %broadcast_in_dim3A_41 = arith.constant 0.000000e+00 : f32
    %broadcast_in_dim3A_42 = vector.broadcast %broadcast_in_dim3A_41 : f32 to vector<16xf32>
    %swap3A_43 = arith.constant 112 : index
    %swap3A_44 = tpu.vector_load %arg6[%swap3A_43] {strides = array<i32>} : memref<640xf32, #tpu.memory_space<vmem>>, vector<16xf32>,
    %swap3A_45 = vector.shape_cast %swap3A_44 : vector<16xf32> to vector<16xf32>
    %swap3A_46 = vector.shape_cast %broadcast_in_dim3A_42 : vector<16xf32> to vector<16xf32>
    tpu.vector_store %arg6[%swap3A_43], %swap3A_46 {strides = array<i32>} : memref<640xf32, #tpu.memory_space<vmem>>, vector<16xf32>,
    %broadcast_in_dim3A_47 = arith.constant 0.000000e+00 : f32
    %broadcast_in_dim3A_48 = vector.broadcast %broadcast_in_dim3A_47 : f32 to vector<16xf32>
    %swap3A_49 = arith.constant 128 : index
    %swap3A_50 = tpu.vector_load %arg6[%swap3A_49] {strides = array<i32>} : memref<640xf32, #tpu.memory_space<vmem>>, vector<16xf32>,
    %swap3A_51 = vector.shape_cast %swap3A_50 : vector<16xf32> to vector<16xf32>
    %swap3A_52 = vector.shape_cast %broadcast_in_dim3A_48 : vector<16xf32> to vector<16xf32>
    tpu.vector_store %arg6[%swap3A_49], %swap3A_52 {strides = array<i32>} : memref<640xf32, #tpu.memory_space<vmem>>, vector<16xf32>,
    %broadcast_in_dim3A_53 = arith.constant 0.000000e+00 : f32
    %broadcast_in_dim3A_54 = vector.broadcast %broadcast_in_dim3A_53 : f32 to vector<16xf32>
    %swap3A_55 = arith.constant 144 : index
    %swap3A_56 = tpu.vector_load %arg6[%swap3A_55] {strides = array<i32>} : memref<640xf32, #tpu.memory_space<vmem>>, vector<16xf32>,
    %swap3A_57 = vector.shape_cast %swap3A_56 : vector<16xf32> to vector<16xf32>
    %swap3A_58 = vector.shape_cast %broadcast_in_dim3A_54 : vector<16xf32> to vector<16xf32>
    tpu.vector_store %arg6[%swap3A_55], %swap3A_58 {strides = array<i32>} : memref<640xf32, #tpu.memory_space<vmem>>, vector<16xf32>,
    %broadcast_in_dim3A_59 = arith.constant 0.000000e+00 : f32
    %broadcast_in_dim3A_60 = vector.broadcast %broadcast_in_dim3A_59 : f32 to vector<16xf32>
    %swap3A_61 = arith.constant 160 : index
    %swap3A_62 = tpu.vector_load %arg6[%swap3A_61] {strides = array<i32>} : memref<640xf32, #tpu.memory_space<vmem>>, vector<16xf32>,
    %swap3A_63 = vector.shape_cast %swap3A_62 : vector<16xf32> to vector<16xf32>
    %swap3A_64 = vector.shape_cast %broadcast_in_dim3A_60 : vector<16xf32> to vector<16xf32>
    tpu.vector_store %arg6[%swap3A_61], %swap3A_64 {strides = array<i32>} : memref<640xf32, #tpu.memory_space<vmem>>, vector<16xf32>,
    %broadcast_in_dim3A_65 = arith.constant 0.000000e+00 : f32
    %broadcast_in_dim3A_66 = vector.broadcast %broadcast_in_dim3A_65 : f32 to vector<16xf32>
    %swap3A_67 = arith.constant 176 : index
    %swap3A_68 = tpu.vector_load %arg6[%swap3A_67] {strides = array<i32>} : memref<640xf32, #tpu.memory_space<vmem>>, vector<16xf32>,
    %swap3A_69 = vector.shape_cast %swap3A_68 : vector<16xf32> to vector<16xf32>
    %swap3A_70 = vector.shape_cast %broadcast_in_dim3A_66 : vector<16xf32> to vector<16xf32>
    tpu.vector_store %arg6[%swap3A_67], %swap3A_70 {strides = array<i32>} : memref<640xf32, #tpu.memory_space<vmem>>, vector<16xf32>,
    %broadcast_in_dim3A_71 = arith.constant 0.000000e+00 : f32
    %broadcast_in_dim3A_72 = vector.broadcast %broadcast_in_dim3A_71 : f32 to vector<16xf32>
    %swap3A_73 = arith.constant 192 : index
    %swap3A_74 = tpu.vector_load %arg6[%swap3A_73] {strides = array<i32>} : memref<640xf32, #tpu.memory_space<vmem>>, vector<16xf32>,
    %swap3A_75 = vector.shape_cast %swap3A_74 : vector<16xf32> to vector<16xf32>
    %swap3A_76 = vector.shape_cast %broadcast_in_dim3A_72 : vector<16xf32> to vector<16xf32>
    tpu.vector_store %arg6[%swap3A_73], %swap3A_76 {strides = array<i32>} : memref<640xf32, #tpu.memory_space<vmem>>, vector<16xf32>,
    %broadcast_in_dim3A_77 = arith.constant 0.000000e+00 : f32
    %broadcast_in_dim3A_78 = vector.broadcast %broadcast_in_dim3A_77 : f32 to vector<16xf32>
    %swap3A_79 = arith.constant 208 : index
    %swap3A_80 = tpu.vector_load %arg6[%swap3A_79] {strides = array<i32>} : memref<640xf32, #tpu.memory_space<vmem>>, vector<16xf32>,
    %swap3A_81 = vector.shape_cast %swap3A_80 : vector<16xf32> to vector<16xf32>
    %swap3A_82 = vector.shape_cast %broadcast_in_dim3A_78 : vector<16xf32> to vector<16xf32>
    tpu.vector_store %arg6[%swap3A_79], %swap3A_82 {strides = array<i32>} : memref<640xf32, #tpu.memory_space<vmem>>, vector<16xf32>,
    %broadcast_in_dim3A_83 = arith.constant 0.000000e+00 : f32
    %broadcast_in_dim3A_84 = vector.broadcast %broadcast_in_dim3A_83 : f32 to vector<16xf32>
    %swap3A_85 = arith.constant 224 : index
    %swap3A_86 = tpu.vector_load %arg6[%swap3A_85] {strides = array<i32>} : memref<640xf32, #tpu.memory_space<vmem>>, vector<16xf32>,
    %swap3A_87 = vector.shape_cast %swap3A_86 : vector<16xf32> to vector<16xf32>
    %swap3A_88 = vector.shape_cast %broadcast_in_dim3A_84 : vector<16xf32> to vector<16xf32>
    tpu.vector_store %arg6[%swap3A_85], %swap3A_88 {strides = array<i32>} : memref<640xf32, #tpu.memory_space<vmem>>, vector<16xf32>,
    %broadcast_in_dim3A_89 = arith.constant 0.000000e+00 : f32
    %broadcast_in_dim3A_90 = vector.broadcast %broadcast_in_dim3A_89 : f32 to vector<16xf32>
    %swap3A_91 = arith.constant 240 : index
    %swap3A_92 = tpu.vector_load %arg6[%swap3A_91] {strides = array<i32>} : memref<640xf32, #tpu.memory_space<vmem>>, vector<16xf32>,
    %swap3A_93 = vector.shape_cast %swap3A_92 : vector<16xf32> to vector<16xf32>
    %swap3A_94 = vector.shape_cast %broadcast_in_dim3A_90 : vector<16xf32> to vector<16xf32>
    tpu.vector_store %arg6[%swap3A_91], %swap3A_94 {strides = array<i32>} : memref<640xf32, #tpu.memory_space<vmem>>, vector<16xf32>,
    %broadcast_in_dim3A_95 = arith.constant 0.000000e+00 : f32
    %broadcast_in_dim3A_96 = vector.broadcast %broadcast_in_dim3A_95 : f32 to vector<16xf32>
    %swap3A_97 = arith.constant 256 : index
    %swap3A_98 = tpu.vector_load %arg6[%swap3A_97] {strides = array<i32>} : memref<640xf32, #tpu.memory_space<vmem>>, vector<16xf32>,
    %swap3A_99 = vector.shape_cast %swap3A_98 : vector<16xf32> to vector<16xf32>
    %swap3A_100 = vector.shape_cast %broadcast_in_dim3A_96 : vector<16xf32> to vector<16xf32>
    tpu.vector_store %arg6[%swap3A_97], %swap3A_100 {strides = array<i32>} : memref<640xf32, #tpu.memory_space<vmem>>, vector<16xf32>,
    %broadcast_in_dim3A_101 = arith.constant 0.000000e+00 : f32
    %broadcast_in_dim3A_102 = vector.broadcast %broadcast_in_dim3A_101 : f32 to vector<16xf32>
    %swap3A_103 = arith.constant 272 : index
    %swap3A_104 = tpu.vector_load %arg6[%swap3A_103] {strides = array<i32>} : memref<640xf32, #tpu.memory_space<vmem>>, vector<16xf32>,
    %swap3A_105 = vector.shape_cast %swap3A_104 : vector<16xf32> to vector<16xf32>
    %swap3A_106 = vector.shape_cast %broadcast_in_dim3A_102 : vector<16xf32> to vector<16xf32>
    tpu.vector_store %arg6[%swap3A_103], %swap3A_106 {strides = array<i32>} : memref<640xf32, #tpu.memory_space<vmem>>, vector<16xf32>,
    %broadcast_in_dim3A_107 = arith.constant 0.000000e+00 : f32
    %broadcast_in_dim3A_108 = vector.broadcast %broadcast_in_dim3A_107 : f32 to vector<16xf32>
    %swap3A_109 = arith.constant 288 : index
    %swap3A_110 = tpu.vector_load %arg6[%swap3A_109] {strides = array<i32>} : memref<640xf32, #tpu.memory_space<vmem>>, vector<16xf32>,
    %swap3A_111 = vector.shape_cast %swap3A_110 : vector<16xf32> to vector<16xf32>
    %swap3A_112 = vector.shape_cast %broadcast_in_dim3A_108 : vector<16xf32> to vector<16xf32>
    tpu.vector_store %arg6[%swap3A_109], %swap3A_112 {strides = array<i32>} : memref<640xf32, #tpu.memory_space<vmem>>, vector<16xf32>,
    %broadcast_in_dim3A_113 = arith.constant 0.000000e+00 : f32
    %broadcast_in_dim3A_114 = vector.broadcast %broadcast_in_dim3A_113 : f32 to vector<16xf32>
    %swap3A_115 = arith.constant 304 : index
    %swap3A_116 = tpu.vector_load %arg6[%swap3A_115] {strides = array<i32>} : memref<640xf32, #tpu.memory_space<vmem>>, vector<16xf32>,
    %swap3A_117 = vector.shape_cast %swap3A_116 : vector<16xf32> to vector<16xf32>
    %swap3A_118 = vector.shape_cast %broadcast_in_dim3A_114 : vector<16xf32> to vector<16xf32>
    tpu.vector_store %arg6[%swap3A_115], %swap3A_118 {strides = array<i32>} : memref<640xf32, #tpu.memory_space<vmem>>, vector<16xf32>,
    %broadcast_in_dim3A_119 = arith.constant 0.000000e+00 : f32
    %broadcast_in_dim3A_120 = vector.broadcast %broadcast_in_dim3A_119 : f32 to vector<16xf32>
    %swap3A_121 = arith.constant 320 : index
    %swap3A_122 = tpu.vector_load %arg6[%swap3A_121] {strides = array<i32>} : memref<640xf32, #tpu.memory_space<vmem>>, vector<16xf32>,
    %swap3A_123 = vector.shape_cast %swap3A_122 : vector<16xf32> to vector<16xf32>
    %swap3A_124 = vector.shape_cast %broadcast_in_dim3A_120 : vector<16xf32> to vector<16xf32>
    tpu.vector_store %arg6[%swap3A_121], %swap3A_124 {strides = array<i32>} : memref<640xf32, #tpu.memory_space<vmem>>, vector<16xf32>,
    %broadcast_in_dim3A_125 = arith.constant 0.000000e+00 : f32
    %broadcast_in_dim3A_126 = vector.broadcast %broadcast_in_dim3A_125 : f32 to vector<16xf32>
    %swap3A_127 = arith.constant 336 : index
    %swap3A_128 = tpu.vector_load %arg6[%swap3A_127] {strides = array<i32>} : memref<640xf32, #tpu.memory_space<vmem>>, vector<16xf32>,
    %swap3A_129 = vector.shape_cast %swap3A_128 : vector<16xf32> to vector<16xf32>
    %swap3A_130 = vector.shape_cast %broadcast_in_dim3A_126 : vector<16xf32> to vector<16xf32>
    tpu.vector_store %arg6[%swap3A_127], %swap3A_130 {strides = array<i32>} : memref<640xf32, #tpu.memory_space<vmem>>, vector<16xf32>,
    %broadcast_in_dim3A_131 = arith.constant 0.000000e+00 : f32
    %broadcast_in_dim3A_132 = vector.broadcast %broadcast_in_dim3A_131 : f32 to vector<16xf32>
    %swap3A_133 = arith.constant 352 : index
    %swap3A_134 = tpu.vector_load %arg6[%swap3A_133] {strides = array<i32>} : memref<640xf32, #tpu.memory_space<vmem>>, vector<16xf32>,
    %swap3A_135 = vector.shape_cast %swap3A_134 : vector<16xf32> to vector<16xf32>
    %swap3A_136 = vector.shape_cast %broadcast_in_dim3A_132 : vector<16xf32> to vector<16xf32>
    tpu.vector_store %arg6[%swap3A_133], %swap3A_136 {strides = array<i32>} : memref<640xf32, #tpu.memory_space<vmem>>, vector<16xf32>,
    %broadcast_in_dim3A_137 = arith.constant 0.000000e+00 : f32
    %broadcast_in_dim3A_138 = vector.broadcast %broadcast_in_dim3A_137 : f32 to vector<16xf32>
    %swap3A_139 = arith.constant 368 : index
    %swap3A_140 = tpu.vector_load %arg6[%swap3A_139] {strides = array<i32>} : memref<640xf32, #tpu.memory_space<vmem>>, vector<16xf32>,
    %swap3A_141 = vector.shape_cast %swap3A_140 : vector<16xf32> to vector<16xf32>
    %swap3A_142 = vector.shape_cast %broadcast_in_dim3A_138 : vector<16xf32> to vector<16xf32>
    tpu.vector_store %arg6[%swap3A_139], %swap3A_142 {strides = array<i32>} : memref<640xf32, #tpu.memory_space<vmem>>, vector<16xf32>,
    %broadcast_in_dim3A_143 = arith.constant 0.000000e+00 : f32
    %broadcast_in_dim3A_144 = vector.broadcast %broadcast_in_dim3A_143 : f32 to vector<16xf32>
    %swap3A_145 = arith.constant 384 : index
    %swap3A_146 = tpu.vector_load %arg6[%swap3A_145] {strides = array<i32>} : memref<640xf32, #tpu.memory_space<vmem>>, vector<16xf32>,
    %swap3A_147 = vector.shape_cast %swap3A_146 : vector<16xf32> to vector<16xf32>
    %swap3A_148 = vector.shape_cast %broadcast_in_dim3A_144 : vector<16xf32> to vector<16xf32>
    tpu.vector_store %arg6[%swap3A_145], %swap3A_148 {strides = array<i32>} : memref<640xf32, #tpu.memory_space<vmem>>, vector<16xf32>,
    %broadcast_in_dim3A_149 = arith.constant 0.000000e+00 : f32
    %broadcast_in_dim3A_150 = vector.broadcast %broadcast_in_dim3A_149 : f32 to vector<16xf32>
    %swap3A_151 = arith.constant 400 : index
    %swap3A_152 = tpu.vector_load %arg6[%swap3A_151] {strides = array<i32>} : memref<640xf32, #tpu.memory_space<vmem>>, vector<16xf32>,
    %swap3A_153 = vector.shape_cast %swap3A_152 : vector<16xf32> to vector<16xf32>
    %swap3A_154 = vector.shape_cast %broadcast_in_dim3A_150 : vector<16xf32> to vector<16xf32>
    tpu.vector_store %arg6[%swap3A_151], %swap3A_154 {strides = array<i32>} : memref<640xf32, #tpu.memory_space<vmem>>, vector<16xf32>,
    %broadcast_in_dim3A_155 = arith.constant 0.000000e+00 : f32
    %broadcast_in_dim3A_156 = vector.broadcast %broadcast_in_dim3A_155 : f32 to vector<16xf32>
    %swap3A_157 = arith.constant 416 : index
    %swap3A_158 = tpu.vector_load %arg6[%swap3A_157] {strides = array<i32>} : memref<640xf32, #tpu.memory_space<vmem>>, vector<16xf32>,
    %swap3A_159 = vector.shape_cast %swap3A_158 : vector<16xf32> to vector<16xf32>
    %swap3A_160 = vector.shape_cast %broadcast_in_dim3A_156 : vector<16xf32> to vector<16xf32>
    tpu.vector_store %arg6[%swap3A_157], %swap3A_160 {strides = array<i32>} : memref<640xf32, #tpu.memory_space<vmem>>, vector<16xf32>,
    %broadcast_in_dim3A_161 = arith.constant 0.000000e+00 : f32
    %broadcast_in_dim3A_162 = vector.broadcast %broadcast_in_dim3A_161 : f32 to vector<16xf32>
    %swap3A_163 = arith.constant 432 : index
    %swap3A_164 = tpu.vector_load %arg6[%swap3A_163] {strides = array<i32>} : memref<640xf32, #tpu.memory_space<vmem>>, vector<16xf32>,
    %swap3A_165 = vector.shape_cast %swap3A_164 : vector<16xf32> to vector<16xf32>
    %swap3A_166 = vector.shape_cast %broadcast_in_dim3A_162 : vector<16xf32> to vector<16xf32>
    tpu.vector_store %arg6[%swap3A_163], %swap3A_166 {strides = array<i32>} : memref<640xf32, #tpu.memory_space<vmem>>, vector<16xf32>,
    %broadcast_in_dim3A_167 = arith.constant 0.000000e+00 : f32
    %broadcast_in_dim3A_168 = vector.broadcast %broadcast_in_dim3A_167 : f32 to vector<16xf32>
    %swap3A_169 = arith.constant 448 : index
    %swap3A_170 = tpu.vector_load %arg6[%swap3A_169] {strides = array<i32>} : memref<640xf32, #tpu.memory_space<vmem>>, vector<16xf32>,
    %swap3A_171 = vector.shape_cast %swap3A_170 : vector<16xf32> to vector<16xf32>
    %swap3A_172 = vector.shape_cast %broadcast_in_dim3A_168 : vector<16xf32> to vector<16xf32>
    tpu.vector_store %arg6[%swap3A_169], %swap3A_172 {strides = array<i32>} : memref<640xf32, #tpu.memory_space<vmem>>, vector<16xf32>,
    %broadcast_in_dim3A_173 = arith.constant 0.000000e+00 : f32
    %broadcast_in_dim3A_174 = vector.broadcast %broadcast_in_dim3A_173 : f32 to vector<16xf32>
    %swap3A_175 = arith.constant 464 : index
    %swap3A_176 = tpu.vector_load %arg6[%swap3A_175] {strides = array<i32>} : memref<640xf32, #tpu.memory_space<vmem>>, vector<16xf32>,
    %swap3A_177 = vector.shape_cast %swap3A_176 : vector<16xf32> to vector<16xf32>
    %swap3A_178 = vector.shape_cast %broadcast_in_dim3A_174 : vector<16xf32> to vector<16xf32>
    tpu.vector_store %arg6[%swap3A_175], %swap3A_178 {strides = array<i32>} : memref<640xf32, #tpu.memory_space<vmem>>, vector<16xf32>,
    %broadcast_in_dim3A_179 = arith.constant 0.000000e+00 : f32
    %broadcast_in_dim3A_180 = vector.broadcast %broadcast_in_dim3A_179 : f32 to vector<16xf32>
    %swap3A_181 = arith.constant 480 : index
    %swap3A_182 = tpu.vector_load %arg6[%swap3A_181] {strides = array<i32>} : memref<640xf32, #tpu.memory_space<vmem>>, vector<16xf32>,
    %swap3A_183 = vector.shape_cast %swap3A_182 : vector<16xf32> to vector<16xf32>
    %swap3A_184 = vector.shape_cast %broadcast_in_dim3A_180 : vector<16xf32> to vector<16xf32>
    tpu.vector_store %arg6[%swap3A_181], %swap3A_184 {strides = array<i32>} : memref<640xf32, #tpu.memory_space<vmem>>, vector<16xf32>,
    %broadcast_in_dim3A_185 = arith.constant 0.000000e+00 : f32
    %broadcast_in_dim3A_186 = vector.broadcast %broadcast_in_dim3A_185 : f32 to vector<16xf32>
    %swap3A_187 = arith.constant 496 : index
    %swap3A_188 = tpu.vector_load %arg6[%swap3A_187] {strides = array<i32>} : memref<640xf32, #tpu.memory_space<vmem>>, vector<16xf32>,
    %swap3A_189 = vector.shape_cast %swap3A_188 : vector<16xf32> to vector<16xf32>
    %swap3A_190 = vector.shape_cast %broadcast_in_dim3A_186 : vector<16xf32> to vector<16xf32>
    tpu.vector_store %arg6[%swap3A_187], %swap3A_190 {strides = array<i32>} : memref<640xf32, #tpu.memory_space<vmem>>, vector<16xf32>,
    %broadcast_in_dim3A_191 = arith.constant 0.000000e+00 : f32
    %broadcast_in_dim3A_192 = vector.broadcast %broadcast_in_dim3A_191 : f32 to vector<16xf32>
    %swap3A_193 = arith.constant 512 : index
    %swap3A_194 = tpu.vector_load %arg6[%swap3A_193] {strides = array<i32>} : memref<640xf32, #tpu.memory_space<vmem>>, vector<16xf32>,
    %swap3A_195 = vector.shape_cast %swap3A_194 : vector<16xf32> to vector<16xf32>
    %swap3A_196 = vector.shape_cast %broadcast_in_dim3A_192 : vector<16xf32> to vector<16xf32>
    tpu.vector_store %arg6[%swap3A_193], %swap3A_196 {strides = array<i32>} : memref<640xf32, #tpu.memory_space<vmem>>, vector<16xf32>,
    %broadcast_in_dim3A_197 = arith.constant 0.000000e+00 : f32
    %broadcast_in_dim3A_198 = vector.broadcast %broadcast_in_dim3A_197 : f32 to vector<16xf32>
    %swap3A_199 = arith.constant 528 : index
    %swap3A_200 = tpu.vector_load %arg6[%swap3A_199] {strides = array<i32>} : memref<640xf32, #tpu.memory_space<vmem>>, vector<16xf32>,
    %swap3A_201 = vector.shape_cast %swap3A_200 : vector<16xf32> to vector<16xf32>
    %swap3A_202 = vector.shape_cast %broadcast_in_dim3A_198 : vector<16xf32> to vector<16xf32>
    tpu.vector_store %arg6[%swap3A_199], %swap3A_202 {strides = array<i32>} : memref<640xf32, #tpu.memory_space<vmem>>, vector<16xf32>,
    %broadcast_in_dim3A_203 = arith.constant 0.000000e+00 : f32
    %broadcast_in_dim3A_204 = vector.broadcast %broadcast_in_dim3A_203 : f32 to vector<16xf32>
    %swap3A_205 = arith.constant 544 : index
    %swap3A_206 = tpu.vector_load %arg6[%swap3A_205] {strides = array<i32>} : memref<640xf32, #tpu.memory_space<vmem>>, vector<16xf32>,
    %swap3A_207 = vector.shape_cast %swap3A_206 : vector<16xf32> to vector<16xf32>
    %swap3A_208 = vector.shape_cast %broadcast_in_dim3A_204 : vector<16xf32> to vector<16xf32>
    tpu.vector_store %arg6[%swap3A_205], %swap3A_208 {strides = array<i32>} : memref<640xf32, #tpu.memory_space<vmem>>, vector<16xf32>,
    %broadcast_in_dim3A_209 = arith.constant 0.000000e+00 : f32
    %broadcast_in_dim3A_210 = vector.broadcast %broadcast_in_dim3A_209 : f32 to vector<16xf32>
    %swap3A_211 = arith.constant 560 : index
    %swap3A_212 = tpu.vector_load %arg6[%swap3A_211] {strides = array<i32>} : memref<640xf32, #tpu.memory_space<vmem>>, vector<16xf32>,
    %swap3A_213 = vector.shape_cast %swap3A_212 : vector<16xf32> to vector<16xf32>
    %swap3A_214 = vector.shape_cast %broadcast_in_dim3A_210 : vector<16xf32> to vector<16xf32>
    tpu.vector_store %arg6[%swap3A_211], %swap3A_214 {strides = array<i32>} : memref<640xf32, #tpu.memory_space<vmem>>, vector<16xf32>,
    %broadcast_in_dim3A_215 = arith.constant 0.000000e+00 : f32
    %broadcast_in_dim3A_216 = vector.broadcast %broadcast_in_dim3A_215 : f32 to vector<16xf32>
    %swap3A_217 = arith.constant 576 : index
    %swap3A_218 = tpu.vector_load %arg6[%swap3A_217] {strides = array<i32>} : memref<640xf32, #tpu.memory_space<vmem>>, vector<16xf32>,
    %swap3A_219 = vector.shape_cast %swap3A_218 : vector<16xf32> to vector<16xf32>
    %swap3A_220 = vector.shape_cast %broadcast_in_dim3A_216 : vector<16xf32> to vector<16xf32>
    tpu.vector_store %arg6[%swap3A_217], %swap3A_220 {strides = array<i32>} : memref<640xf32, #tpu.memory_space<vmem>>, vector<16xf32>,
    %broadcast_in_dim3A_221 = arith.constant 0.000000e+00 : f32
    %broadcast_in_dim3A_222 = vector.broadcast %broadcast_in_dim3A_221 : f32 to vector<16xf32>
    %swap3A_223 = arith.constant 592 : index
    %swap3A_224 = tpu.vector_load %arg6[%swap3A_223] {strides = array<i32>} : memref<640xf32, #tpu.memory_space<vmem>>, vector<16xf32>,
    %swap3A_225 = vector.shape_cast %swap3A_224 : vector<16xf32> to vector<16xf32>
    %swap3A_226 = vector.shape_cast %broadcast_in_dim3A_222 : vector<16xf32> to vector<16xf32>
    tpu.vector_store %arg6[%swap3A_223], %swap3A_226 {strides = array<i32>} : memref<640xf32, #tpu.memory_space<vmem>>, vector<16xf32>,
    %broadcast_in_dim3A_227 = arith.constant 0.000000e+00 : f32
    %broadcast_in_dim3A_228 = vector.broadcast %broadcast_in_dim3A_227 : f32 to vector<16xf32>
    %swap3A_229 = arith.constant 608 : index
    %swap3A_230 = tpu.vector_load %arg6[%swap3A_229] {strides = array<i32>} : memref<640xf32, #tpu.memory_space<vmem>>, vector<16xf32>,
    %swap3A_231 = vector.shape_cast %swap3A_230 : vector<16xf32> to vector<16xf32>
    %swap3A_232 = vector.shape_cast %broadcast_in_dim3A_228 : vector<16xf32> to vector<16xf32>
    tpu.vector_store %arg6[%swap3A_229], %swap3A_232 {strides = array<i32>} : memref<640xf32, #tpu.memory_space<vmem>>, vector<16xf32>,
    %broadcast_in_dim3A_233 = arith.constant 0.000000e+00 : f32
    %broadcast_in_dim3A_234 = vector.broadcast %broadcast_in_dim3A_233 : f32 to vector<16xf32>
    %swap3A_235 = arith.constant 624 : index
    %swap3A_236 = tpu.vector_load %arg6[%swap3A_235] {strides = array<i32>} : memref<640xf32, #tpu.memory_space<vmem>>, vector<16xf32>,
    %swap3A_237 = vector.shape_cast %swap3A_236 : vector<16xf32> to vector<16xf32>
    %swap3A_238 = vector.shape_cast %broadcast_in_dim3A_234 : vector<16xf32> to vector<16xf32>
    tpu.vector_store %arg6[%swap3A_235], %swap3A_238 {strides = array<i32>} : memref<640xf32, #tpu.memory_space<vmem>>, vector<16xf32>,
    %mul3A_239 = arith.constant 640 : i32
    %mul3A_240 = arith.muli %arg1, %mul3A_239 : i32
    "tpu.region"() ({
      %run_scoped3A = tpu.sem_alloc : memref<!tpu.dma_semaphore, #tpu.memory_space<semaphore_mem>>
      %dma_start3A = tpu.memref_slice %arg7[%mul3A_240] : memref<10240xf32, #tpu.memory_space<vmem_shared>> -> memref<640xf32, #tpu.memory_space<vmem_shared>>
      %dma_start3A_305 = tpu.memref_slice %arg7[%mul3A_240] : memref<10240xf32, #tpu.memory_space<vmem_shared>> -> memref<640xf32, #tpu.memory_space<vmem_shared>>
      tpu.enqueue_dma source(%arg6 : memref<640xf32, #tpu.memory_space<vmem>>) target(%dma_start3A_305 : memref<640xf32, #tpu.memory_space<vmem_shared>>) target_semaphore(%run_scoped3A : memref<!tpu.dma_semaphore, #tpu.memory_space<semaphore_mem>>)
      %dma_wait3A = tpu.memref_slice %arg7[%mul3A_240] : memref<10240xf32, #tpu.memory_space<vmem_shared>> -> memref<640xf32, #tpu.memory_space<vmem_shared>>
      %dma_wait3A_306 = tpu.memref_slice %arg7[%mul3A_240] : memref<10240xf32, #tpu.memory_space<vmem_shared>> -> memref<640xf32, #tpu.memory_space<vmem_shared>>
      tpu.wait_dma2 semaphore(%run_scoped3A : memref<!tpu.dma_semaphore, #tpu.memory_space<semaphore_mem>>) src(%arg6 : memref<640xf32, #tpu.memory_space<vmem>>) dst(%dma_wait3A_306 : memref<640xf32, #tpu.memory_space<vmem_shared>>)
      tpu.yield
    }) : () -> ()
    %barrier3A = arith.constant 0 : index
    tpu.barrier barrier_id(%barrier3A)
    %mul3A_241 = arith.constant 80 : i32
    %mul3A_242 = arith.muli %add3A, %mul3A_241 : i32
    "tpu.region"() ({
      %run_scoped3A = tpu.sem_alloc : memref<!tpu.dma_semaphore, #tpu.memory_space<semaphore_mem>>
      %dma_start3A = arith.constant 0 : i32
      %dma_start3A_305 = tpu.memref_slice %arg2[%mul3A_242, %dma_start3A] : memref<2560x125xi32, #tpu.memory_space<hbm>> -> memref<80x125xi32, #tpu.memory_space<hbm>>
      %dma_start3A_306 = arith.constant 0 : i32
      %dma_start3A_307 = tpu.memref_slice %arg2[%mul3A_242, %dma_start3A_306] : memref<2560x125xi32, #tpu.memory_space<hbm>> -> memref<80x125xi32, #tpu.memory_space<hbm>>
      tpu.enqueue_dma source(%dma_start3A_307 : memref<80x125xi32, #tpu.memory_space<hbm>>) target(%arg4 : memref<80x125xi32, #tpu.memory_space<vmem>>) target_semaphore(%run_scoped3A : memref<!tpu.dma_semaphore, #tpu.memory_space<semaphore_mem>>)
      %dma_wait3A = arith.constant 0 : i32
      %dma_wait3A_308 = tpu.memref_slice %arg2[%mul3A_242, %dma_wait3A] : memref<2560x125xi32, #tpu.memory_space<hbm>> -> memref<80x125xi32, #tpu.memory_space<hbm>>
      %dma_wait3A_309 = arith.constant 0 : i32
      %dma_wait3A_310 = tpu.memref_slice %arg2[%mul3A_242, %dma_wait3A_309] : memref<2560x125xi32, #tpu.memory_space<hbm>> -> memref<80x125xi32, #tpu.memory_space<hbm>>
      tpu.wait_dma2 semaphore(%run_scoped3A : memref<!tpu.dma_semaphore, #tpu.memory_space<semaphore_mem>>) src(%dma_wait3A_310 : memref<80x125xi32, #tpu.memory_space<hbm>>) dst(%arg4 : memref<80x125xi32, #tpu.memory_space<vmem>>)
      tpu.yield
    }) : () -> ()
    %broadcast_in_dim3A_243 = arith.constant 1.000000e+00 : f32
    %broadcast_in_dim3A_244 = vector.broadcast %broadcast_in_dim3A_243 : f32 to vector<16xf32>
    %swap3A_245 = arith.constant 0 : index
    %swap3A_246 = tpu.vector_load %arg5[%swap3A_245] {strides = array<i32>} : memref<128xf32, #tpu.memory_space<vmem>>, vector<16xf32>,
    %swap3A_247 = vector.shape_cast %swap3A_246 : vector<16xf32> to vector<16xf32>
    %swap3A_248 = vector.shape_cast %broadcast_in_dim3A_244 : vector<16xf32> to vector<16xf32>
    tpu.vector_store %arg5[%swap3A_245], %swap3A_248 {strides = array<i32>} : memref<128xf32, #tpu.memory_space<vmem>>, vector<16xf32>,
    %broadcast_in_dim3A_249 = arith.constant 1.000000e+00 : f32
    %broadcast_in_dim3A_250 = vector.broadcast %broadcast_in_dim3A_249 : f32 to vector<16xf32>
    %swap3A_251 = arith.constant 16 : index
    %swap3A_252 = tpu.vector_load %arg5[%swap3A_251] {strides = array<i32>} : memref<128xf32, #tpu.memory_space<vmem>>, vector<16xf32>,
    %swap3A_253 = vector.shape_cast %swap3A_252 : vector<16xf32> to vector<16xf32>
    %swap3A_254 = vector.shape_cast %broadcast_in_dim3A_250 : vector<16xf32> to vector<16xf32>
    tpu.vector_store %arg5[%swap3A_251], %swap3A_254 {strides = array<i32>} : memref<128xf32, #tpu.memory_space<vmem>>, vector<16xf32>,
    %broadcast_in_dim3A_255 = arith.constant 1.000000e+00 : f32
    %broadcast_in_dim3A_256 = vector.broadcast %broadcast_in_dim3A_255 : f32 to vector<16xf32>
    %swap3A_257 = arith.constant 32 : index
    %swap3A_258 = tpu.vector_load %arg5[%swap3A_257] {strides = array<i32>} : memref<128xf32, #tpu.memory_space<vmem>>, vector<16xf32>,
    %swap3A_259 = vector.shape_cast %swap3A_258 : vector<16xf32> to vector<16xf32>
    %swap3A_260 = vector.shape_cast %broadcast_in_dim3A_256 : vector<16xf32> to vector<16xf32>
    tpu.vector_store %arg5[%swap3A_257], %swap3A_260 {strides = array<i32>} : memref<128xf32, #tpu.memory_space<vmem>>, vector<16xf32>,
    %broadcast_in_dim3A_261 = arith.constant 1.000000e+00 : f32
    %broadcast_in_dim3A_262 = vector.broadcast %broadcast_in_dim3A_261 : f32 to vector<16xf32>
    %swap3A_263 = arith.constant 48 : index
    %swap3A_264 = tpu.vector_load %arg5[%swap3A_263] {strides = array<i32>} : memref<128xf32, #tpu.memory_space<vmem>>, vector<16xf32>,
    %swap3A_265 = vector.shape_cast %swap3A_264 : vector<16xf32> to vector<16xf32>
    %swap3A_266 = vector.shape_cast %broadcast_in_dim3A_262 : vector<16xf32> to vector<16xf32>
    tpu.vector_store %arg5[%swap3A_263], %swap3A_266 {strides = array<i32>} : memref<128xf32, #tpu.memory_space<vmem>>, vector<16xf32>,
    %broadcast_in_dim3A_267 = arith.constant 1.000000e+00 : f32
    %broadcast_in_dim3A_268 = vector.broadcast %broadcast_in_dim3A_267 : f32 to vector<16xf32>
    %swap3A_269 = arith.constant 64 : index
    %swap3A_270 = tpu.vector_load %arg5[%swap3A_269] {strides = array<i32>} : memref<128xf32, #tpu.memory_space<vmem>>, vector<16xf32>,
    %swap3A_271 = vector.shape_cast %swap3A_270 : vector<16xf32> to vector<16xf32>
    %swap3A_272 = vector.shape_cast %broadcast_in_dim3A_268 : vector<16xf32> to vector<16xf32>
    tpu.vector_store %arg5[%swap3A_269], %swap3A_272 {strides = array<i32>} : memref<128xf32, #tpu.memory_space<vmem>>, vector<16xf32>,
    %broadcast_in_dim3A_273 = arith.constant 1.000000e+00 : f32
    %broadcast_in_dim3A_274 = vector.broadcast %broadcast_in_dim3A_273 : f32 to vector<16xf32>
    %swap3A_275 = arith.constant 80 : index
    %swap3A_276 = tpu.vector_load %arg5[%swap3A_275] {strides = array<i32>} : memref<128xf32, #tpu.memory_space<vmem>>, vector<16xf32>,
    %swap3A_277 = vector.shape_cast %swap3A_276 : vector<16xf32> to vector<16xf32>
    %swap3A_278 = vector.shape_cast %broadcast_in_dim3A_274 : vector<16xf32> to vector<16xf32>
    tpu.vector_store %arg5[%swap3A_275], %swap3A_278 {strides = array<i32>} : memref<128xf32, #tpu.memory_space<vmem>>, vector<16xf32>,
    %broadcast_in_dim3A_279 = arith.constant 1.000000e+00 : f32
    %broadcast_in_dim3A_280 = vector.broadcast %broadcast_in_dim3A_279 : f32 to vector<16xf32>
    %swap3A_281 = arith.constant 96 : index
    %swap3A_282 = tpu.vector_load %arg5[%swap3A_281] {strides = array<i32>} : memref<128xf32, #tpu.memory_space<vmem>>, vector<16xf32>,
    %swap3A_283 = vector.shape_cast %swap3A_282 : vector<16xf32> to vector<16xf32>
    %swap3A_284 = vector.shape_cast %broadcast_in_dim3A_280 : vector<16xf32> to vector<16xf32>
    tpu.vector_store %arg5[%swap3A_281], %swap3A_284 {strides = array<i32>} : memref<128xf32, #tpu.memory_space<vmem>>, vector<16xf32>,
    %broadcast_in_dim3A_285 = arith.constant 1.000000e+00 : f32
    %broadcast_in_dim3A_286 = vector.broadcast %broadcast_in_dim3A_285 : f32 to vector<16xf32>
    %swap3A_287 = arith.constant 112 : index
    %swap3A_288 = tpu.vector_load %arg5[%swap3A_287] {strides = array<i32>} : memref<128xf32, #tpu.memory_space<vmem>>, vector<16xf32>,
    %swap3A_289 = vector.shape_cast %swap3A_288 : vector<16xf32> to vector<16xf32>
    %swap3A_290 = vector.shape_cast %broadcast_in_dim3A_286 : vector<16xf32> to vector<16xf32>
    tpu.vector_store %arg5[%swap3A_287], %swap3A_290 {strides = array<i32>} : memref<128xf32, #tpu.memory_space<vmem>>, vector<16xf32>,
    %scan3A = arith.constant 0 : i32
    %scan3A_291 = arith.constant 0 : i32
    %scan3A_292 = arith.constant 80 : i32
    %scan3A_293 = arith.addi %scan3A_291, %scan3A_292 : i32
    %scan3A_294 = arith.constant 1 : i32
    scf.for %scan3A_305 = %scan3A_291 to %scan3A_293 step %scan3A_294  : i32 {
      "tpu.region"() ({
        %run_scoped3A = tpu.sem_alloc : memref<!tpu.dma_semaphore, #tpu.memory_space<semaphore_mem>>
        %dma_start3A = arith.constant 0 : i32
        %dma_start3A_306 = tpu.memref_slice %arg5[%dma_start3A] : memref<128xf32, #tpu.memory_space<vmem>> -> memref<125xf32, #tpu.memory_space<vmem>>
        %dma_start3A_307 = arith.constant 0 : i32
        %dma_start3A_308 = tpu.memref_slice %arg4[%scan3A_305, %dma_start3A_307] : memref<80x125xi32, #tpu.memory_space<vmem>> -> memref<1x125xi32, #tpu.memory_space<vmem>>
        %dma_start3A_309 = tpu.memref_squeeze %dma_start3A_308 : memref<1x125xi32, #tpu.memory_space<vmem>> -> memref<125xi32, #tpu.memory_space<vmem>>
        %dma_start3A_310 = arith.constant 0 : i32
        %dma_start3A_311 = tpu.memref_slice %arg7[%dma_start3A_310] : memref<10240xf32, #tpu.memory_space<vmem_shared>> -> memref<10240xf32, #tpu.memory_space<vmem_shared>>
        tpu.enqueue_indirect_dma source(%dma_start3A_306 : memref<125xf32, #tpu.memory_space<vmem>>) target(%dma_start3A_311 : memref<10240xf32, #tpu.memory_space<vmem_shared>>) offsets(%dma_start3A_309 : memref<125xi32, #tpu.memory_space<vmem>>) semaphore(%run_scoped3A : memref<!tpu.dma_semaphore, #tpu.memory_space<semaphore_mem>>) {add = true}
        %dma_wait3A = arith.constant 0 : i32
        %dma_wait3A_312 = tpu.memref_slice %arg5[%dma_wait3A] : memref<128xf32, #tpu.memory_space<vmem>> -> memref<125xf32, #tpu.memory_space<vmem>>
        %dma_wait3A_313 = arith.constant 0 : i32
        %dma_wait3A_314 = tpu.memref_slice %arg4[%scan3A_305, %dma_wait3A_313] : memref<80x125xi32, #tpu.memory_space<vmem>> -> memref<1x125xi32, #tpu.memory_space<vmem>>
        %dma_wait3A_315 = tpu.memref_squeeze %dma_wait3A_314 : memref<1x125xi32, #tpu.memory_space<vmem>> -> memref<125xi32, #tpu.memory_space<vmem>>
        %dma_wait3A_316 = arith.constant 0 : i32
        %dma_wait3A_317 = tpu.memref_slice %arg7[%dma_wait3A_316] : memref<10240xf32, #tpu.memory_space<vmem_shared>> -> memref<10240xf32, #tpu.memory_space<vmem_shared>>
        tpu.wait_indirect_dma semaphore(%run_scoped3A : memref<!tpu.dma_semaphore, #tpu.memory_space<semaphore_mem>>) src(%dma_wait3A_312 : memref<125xf32, #tpu.memory_space<vmem>>) dst(%dma_wait3A_317 : memref<10240xf32, #tpu.memory_space<vmem_shared>>)
        tpu.yield
      }) : () -> ()
    }
    %scan3A_295 = arith.constant 80 : i32
    %barrier3A_296 = arith.constant 0 : index
    tpu.barrier barrier_id(%barrier3A_296)
    %mul3A_297 = arith.constant 640 : i32
    %mul3A_298 = arith.muli %arg1, %mul3A_297 : i32
    "tpu.region"() ({
      %run_scoped3A = tpu.sem_alloc : memref<!tpu.dma_semaphore, #tpu.memory_space<semaphore_mem>>
      %dma_start3A = tpu.memref_slice %arg7[%mul3A_298] : memref<10240xf32, #tpu.memory_space<vmem_shared>> -> memref<640xf32, #tpu.memory_space<vmem_shared>>
      %dma_start3A_305 = tpu.memref_slice %arg7[%mul3A_298] : memref<10240xf32, #tpu.memory_space<vmem_shared>> -> memref<640xf32, #tpu.memory_space<vmem_shared>>
      tpu.enqueue_dma source(%dma_start3A_305 : memref<640xf32, #tpu.memory_space<vmem_shared>>) target(%arg6 : memref<640xf32, #tpu.memory_space<vmem>>) target_semaphore(%run_scoped3A : memref<!tpu.dma_semaphore, #tpu.memory_space<semaphore_mem>>)
      %dma_wait3A = tpu.memref_slice %arg7[%mul3A_298] : memref<10240xf32, #tpu.memory_space<vmem_shared>> -> memref<640xf32, #tpu.memory_space<vmem_shared>>
      %dma_wait3A_306 = tpu.memref_slice %arg7[%mul3A_298] : memref<10240xf32, #tpu.memory_space<vmem_shared>> -> memref<640xf32, #tpu.memory_space<vmem_shared>>
      tpu.wait_dma2 semaphore(%run_scoped3A : memref<!tpu.dma_semaphore, #tpu.memory_space<semaphore_mem>>) src(%dma_wait3A_306 : memref<640xf32, #tpu.memory_space<vmem_shared>>) dst(%arg6 : memref<640xf32, #tpu.memory_space<vmem>>)
      tpu.yield
    }) : () -> ()
    %lt3A = arith.constant 15 : i32
    %lt3A_299 = arith.cmpi slt, %arg1, %lt3A : i32
    %convert_element_type3A = arith.extui %lt3A_299 : i1 to i32
    %cond3A = arith.constant 0 : i32
    %cond3A_300 = arith.cmpi ne, %convert_element_type3A, %cond3A : i32
    scf.if %cond3A_300 {
      %mul3A_305 = arith.constant 10000 : i32
      %mul3A_306 = arith.muli %arg0, %mul3A_305 : i32
      %mul3A_307 = arith.constant 640 : i32
      %mul3A_308 = arith.muli %arg1, %mul3A_307 : i32
      %add3A_309 = arith.addi %mul3A_306, %mul3A_308 : i32
      "tpu.region"() ({
        %run_scoped3A = tpu.sem_alloc : memref<!tpu.dma_semaphore, #tpu.memory_space<semaphore_mem>>
        %dma_start3A = tpu.memref_slice %arg3[%add3A_309] : memref<20000xf32, #tpu.memory_space<hbm>> -> memref<640xf32, #tpu.memory_space<hbm>>
        %dma_start3A_310 = tpu.memref_slice %arg3[%add3A_309] : memref<20000xf32, #tpu.memory_space<hbm>> -> memref<640xf32, #tpu.memory_space<hbm>>
        tpu.enqueue_dma source(%arg6 : memref<640xf32, #tpu.memory_space<vmem>>) target(%dma_start3A_310 : memref<640xf32, #tpu.memory_space<hbm>>) target_semaphore(%run_scoped3A : memref<!tpu.dma_semaphore, #tpu.memory_space<semaphore_mem>>)
        %dma_wait3A = tpu.memref_slice %arg3[%add3A_309] : memref<20000xf32, #tpu.memory_space<hbm>> -> memref<640xf32, #tpu.memory_space<hbm>>
        %dma_wait3A_311 = tpu.memref_slice %arg3[%add3A_309] : memref<20000xf32, #tpu.memory_space<hbm>> -> memref<640xf32, #tpu.memory_space<hbm>>
        tpu.wait_dma2 semaphore(%run_scoped3A : memref<!tpu.dma_semaphore, #tpu.memory_space<semaphore_mem>>) src(%arg6 : memref<640xf32, #tpu.memory_space<vmem>>) dst(%dma_wait3A_311 : memref<640xf32, #tpu.memory_space<hbm>>)
        tpu.yield
      }) : () -> ()
    } else {
    }
    %eq3A = arith.constant 15 : i32
    %eq3A_301 = arith.cmpi eq, %arg1, %eq3A : i32
    %convert_element_type3A_302 = arith.extui %eq3A_301 : i1 to i32
    %cond3A_303 = arith.constant 0 : i32
    %cond3A_304 = arith.cmpi ne, %convert_element_type3A_302, %cond3A_303 : i32
    scf.if %cond3A_304 {
      %mul3A_305 = arith.constant 10000 : i32
      %mul3A_306 = arith.muli %arg0, %mul3A_305 : i32
      %add3A_307 = arith.constant 9600 : i32
      %add3A_308 = arith.addi %mul3A_306, %add3A_307 : i32
      "tpu.region"() ({
        %run_scoped3A = tpu.sem_alloc : memref<!tpu.dma_semaphore, #tpu.memory_space<semaphore_mem>>
        %dma_start3A = arith.constant 0 : i32
        %dma_start3A_309 = tpu.memref_slice %arg6[%dma_start3A] : memref<640xf32, #tpu.memory_space<vmem>> -> memref<400xf32, #tpu.memory_space<vmem>>
        %dma_start3A_310 = tpu.memref_slice %arg3[%add3A_308] : memref<20000xf32, #tpu.memory_space<hbm>> -> memref<400xf32, #tpu.memory_space<hbm>>
        %dma_start3A_311 = tpu.memref_slice %arg3[%add3A_308] : memref<20000xf32, #tpu.memory_space<hbm>> -> memref<400xf32, #tpu.memory_space<hbm>>
        %dma_start3A_312 = arith.constant 0 : i32
        %dma_start3A_313 = tpu.memref_slice %arg6[%dma_start3A_312] : memref<640xf32, #tpu.memory_space<vmem>> -> memref<400xf32, #tpu.memory_space<vmem>>
        tpu.enqueue_dma source(%dma_start3A_313 : memref<400xf32, #tpu.memory_space<vmem>>) target(%dma_start3A_311 : memref<400xf32, #tpu.memory_space<hbm>>) target_semaphore(%run_scoped3A : memref<!tpu.dma_semaphore, #tpu.memory_space<semaphore_mem>>)
        %dma_wait3A = arith.constant 0 : i32
        %dma_wait3A_314 = tpu.memref_slice %arg6[%dma_wait3A] : memref<640xf32, #tpu.memory_space<vmem>> -> memref<400xf32, #tpu.memory_space<vmem>>
        %dma_wait3A_315 = tpu.memref_slice %arg3[%add3A_308] : memref<20000xf32, #tpu.memory_space<hbm>> -> memref<400xf32, #tpu.memory_space<hbm>>
        %dma_wait3A_316 = tpu.memref_slice %arg3[%add3A_308] : memref<20000xf32, #tpu.memory_space<hbm>> -> memref<400xf32, #tpu.memory_space<hbm>>
        %dma_wait3A_317 = arith.constant 0 : i32
        %dma_wait3A_318 = tpu.memref_slice %arg6[%dma_wait3A_317] : memref<640xf32, #tpu.memory_space<vmem>> -> memref<400xf32, #tpu.memory_space<vmem>>
        tpu.wait_dma2 semaphore(%run_scoped3A : memref<!tpu.dma_semaphore, #tpu.memory_space<semaphore_mem>>) src(%dma_wait3A_318 : memref<400xf32, #tpu.memory_space<vmem>>) dst(%dma_wait3A_316 : memref<400xf32, #tpu.memory_space<hbm>>)
        tpu.yield
      }) : () -> ()
    } else {
    }
    return
  }
}

#map = affine_map<(d0, d1) -> (0, 0)>
module attributes {stable_mosaic.version = 14 : i64} {
  func.func @body(%arg0: i32, %arg1: i32, %arg2: memref<10000x64xf32, #tpu.memory_space<hbm>>, %arg3: memref<2560x125xi32, #tpu.memory_space<hbm>>, %arg4: memref<2560x125xi32, #tpu.memory_space<hbm>>, %arg5: memref<10000x64xf32, #tpu.memory_space<hbm>>, %arg6: memref<20000x64xf32, #tpu.memory_space<hbm>>, %arg7: memref<80x125xi32, #tpu.memory_space<vmem>>, %arg8: memref<80x125xi32, #tpu.memory_space<vmem>>, %arg9: memref<8x125x64xf32, #tpu.memory_space<vmem>>, %arg10: memref<8x!tpu.dma_semaphore, #tpu.memory_space<semaphore_mem>>, %arg11: memref<10000x64xf32, #tpu.memory_space<vmem_shared>>) attributes {dimension_semantics = [#tpu.dimension_semantics<core_parallel>, #tpu.dimension_semantics<subcore_parallel>], iteration_bounds = array<i64: 2, 16>, scalar_prefetch = 0 : i64, scratch_operands = 5 : i64, tpu.core_type = #tpu.core_type<sc_vector_subcore>, window_params = [{transform_indices = #map}, {transform_indices = #map}, {transform_indices = #map}, {transform_indices = #map}, {transform_indices = #map}]} {
    %mul3A = arith.constant 2 : i32
    %mul3A_0 = arith.muli %arg1, %mul3A : i32
    %add3A = arith.addi %mul3A_0, %arg0 : i32
    %lt3A = arith.constant 15 : i32
    %lt3A_1 = arith.cmpi slt, %arg1, %lt3A : i32
    %convert_element_type3A = arith.extui %lt3A_1 : i1 to i32
    %cond3A = arith.constant 0 : i32
    %cond3A_2 = arith.cmpi ne, %convert_element_type3A, %cond3A : i32
    scf.if %cond3A_2 {
      %mul3A_146 = arith.constant 632 : i32
      %mul3A_147 = arith.muli %arg1, %mul3A_146 : i32
      %mul3A_148 = arith.constant 632 : i32
      %mul3A_149 = arith.muli %arg1, %mul3A_148 : i32
      "tpu.region"() ({
        %run_scoped3A = tpu.sem_alloc : memref<!tpu.dma_semaphore, #tpu.memory_space<semaphore_mem>>
        %dma_start3A_150 = arith.constant 0 : i32
        %dma_start3A_151 = tpu.memref_slice %arg11[%mul3A_149, %dma_start3A_150] : memref<10000x64xf32, #tpu.memory_space<vmem_shared>> -> memref<632x64xf32, #tpu.memory_space<vmem_shared>>
        %dma_start3A_152 = arith.constant 0 : i32
        %dma_start3A_153 = tpu.memref_slice %arg5[%mul3A_147, %dma_start3A_152] : memref<10000x64xf32, #tpu.memory_space<hbm>> -> memref<632x64xf32, #tpu.memory_space<hbm>>
        tpu.enqueue_dma source(%dma_start3A_153 : memref<632x64xf32, #tpu.memory_space<hbm>>) target(%dma_start3A_151 : memref<632x64xf32, #tpu.memory_space<vmem_shared>>) target_semaphore(%run_scoped3A : memref<!tpu.dma_semaphore, #tpu.memory_space<semaphore_mem>>)
        %dma_wait3A = arith.constant 0 : i32
        %dma_wait3A_154 = tpu.memref_slice %arg11[%mul3A_149, %dma_wait3A] : memref<10000x64xf32, #tpu.memory_space<vmem_shared>> -> memref<632x64xf32, #tpu.memory_space<vmem_shared>>
        %dma_wait3A_155 = arith.constant 0 : i32
        %dma_wait3A_156 = tpu.memref_slice %arg5[%mul3A_147, %dma_wait3A_155] : memref<10000x64xf32, #tpu.memory_space<hbm>> -> memref<632x64xf32, #tpu.memory_space<hbm>>
        tpu.wait_dma2 semaphore(%run_scoped3A : memref<!tpu.dma_semaphore, #tpu.memory_space<semaphore_mem>>) src(%dma_wait3A_156 : memref<632x64xf32, #tpu.memory_space<hbm>>) dst(%dma_wait3A_154 : memref<632x64xf32, #tpu.memory_space<vmem_shared>>)
        tpu.yield
      }) : () -> ()
    } else {
    }
    %eq3A = arith.constant 15 : i32
    %eq3A_3 = arith.cmpi eq, %arg1, %eq3A : i32
    %convert_element_type3A_4 = arith.extui %eq3A_3 : i1 to i32
    %cond3A_5 = arith.constant 0 : i32
    %cond3A_6 = arith.cmpi ne, %convert_element_type3A_4, %cond3A_5 : i32
    scf.if %cond3A_6 {
      "tpu.region"() ({
        %run_scoped3A = tpu.sem_alloc : memref<!tpu.dma_semaphore, #tpu.memory_space<semaphore_mem>>
        %dma_start3A_146 = arith.constant 9480 : i32
        %dma_start3A_147 = arith.constant 0 : i32
        %dma_start3A_148 = tpu.memref_slice %arg11[%dma_start3A_146, %dma_start3A_147] : memref<10000x64xf32, #tpu.memory_space<vmem_shared>> -> memref<520x64xf32, #tpu.memory_space<vmem_shared>>
        %dma_start3A_149 = arith.constant 9480 : i32
        %dma_start3A_150 = arith.constant 0 : i32
        %dma_start3A_151 = tpu.memref_slice %arg5[%dma_start3A_149, %dma_start3A_150] : memref<10000x64xf32, #tpu.memory_space<hbm>> -> memref<520x64xf32, #tpu.memory_space<hbm>>
        tpu.enqueue_dma source(%dma_start3A_151 : memref<520x64xf32, #tpu.memory_space<hbm>>) target(%dma_start3A_148 : memref<520x64xf32, #tpu.memory_space<vmem_shared>>) target_semaphore(%run_scoped3A : memref<!tpu.dma_semaphore, #tpu.memory_space<semaphore_mem>>)
        %dma_wait3A = arith.constant 9480 : i32
        %dma_wait3A_152 = arith.constant 0 : i32
        %dma_wait3A_153 = tpu.memref_slice %arg11[%dma_wait3A, %dma_wait3A_152] : memref<10000x64xf32, #tpu.memory_space<vmem_shared>> -> memref<520x64xf32, #tpu.memory_space<vmem_shared>>
        %dma_wait3A_154 = arith.constant 9480 : i32
        %dma_wait3A_155 = arith.constant 0 : i32
        %dma_wait3A_156 = tpu.memref_slice %arg5[%dma_wait3A_154, %dma_wait3A_155] : memref<10000x64xf32, #tpu.memory_space<hbm>> -> memref<520x64xf32, #tpu.memory_space<hbm>>
        tpu.wait_dma2 semaphore(%run_scoped3A : memref<!tpu.dma_semaphore, #tpu.memory_space<semaphore_mem>>) src(%dma_wait3A_156 : memref<520x64xf32, #tpu.memory_space<hbm>>) dst(%dma_wait3A_153 : memref<520x64xf32, #tpu.memory_space<vmem_shared>>)
        tpu.yield
      }) : () -> ()
    } else {
    }
    %mul3A_7 = arith.constant 80 : i32
    %mul3A_8 = arith.muli %add3A, %mul3A_7 : i32
    "tpu.region"() ({
      %run_scoped3A = tpu.sem_alloc : memref<!tpu.dma_semaphore, #tpu.memory_space<semaphore_mem>>
      %dma_start3A_146 = arith.constant 0 : i32
      %dma_start3A_147 = tpu.memref_slice %arg3[%mul3A_8, %dma_start3A_146] : memref<2560x125xi32, #tpu.memory_space<hbm>> -> memref<80x125xi32, #tpu.memory_space<hbm>>
      %dma_start3A_148 = arith.constant 0 : i32
      %dma_start3A_149 = tpu.memref_slice %arg3[%mul3A_8, %dma_start3A_148] : memref<2560x125xi32, #tpu.memory_space<hbm>> -> memref<80x125xi32, #tpu.memory_space<hbm>>
      tpu.enqueue_dma source(%dma_start3A_149 : memref<80x125xi32, #tpu.memory_space<hbm>>) target(%arg7 : memref<80x125xi32, #tpu.memory_space<vmem>>) target_semaphore(%run_scoped3A : memref<!tpu.dma_semaphore, #tpu.memory_space<semaphore_mem>>)
      %dma_wait3A = arith.constant 0 : i32
      %dma_wait3A_150 = tpu.memref_slice %arg3[%mul3A_8, %dma_wait3A] : memref<2560x125xi32, #tpu.memory_space<hbm>> -> memref<80x125xi32, #tpu.memory_space<hbm>>
      %dma_wait3A_151 = arith.constant 0 : i32
      %dma_wait3A_152 = tpu.memref_slice %arg3[%mul3A_8, %dma_wait3A_151] : memref<2560x125xi32, #tpu.memory_space<hbm>> -> memref<80x125xi32, #tpu.memory_space<hbm>>
      tpu.wait_dma2 semaphore(%run_scoped3A : memref<!tpu.dma_semaphore, #tpu.memory_space<semaphore_mem>>) src(%dma_wait3A_152 : memref<80x125xi32, #tpu.memory_space<hbm>>) dst(%arg7 : memref<80x125xi32, #tpu.memory_space<vmem>>)
      tpu.yield
    }) : () -> ()
    %mul3A_9 = arith.constant 80 : i32
    %mul3A_10 = arith.muli %add3A, %mul3A_9 : i32
    "tpu.region"() ({
      %run_scoped3A = tpu.sem_alloc : memref<!tpu.dma_semaphore, #tpu.memory_space<semaphore_mem>>
      %dma_start3A_146 = arith.constant 0 : i32
      %dma_start3A_147 = tpu.memref_slice %arg4[%mul3A_10, %dma_start3A_146] : memref<2560x125xi32, #tpu.memory_space<hbm>> -> memref<80x125xi32, #tpu.memory_space<hbm>>
      %dma_start3A_148 = arith.constant 0 : i32
      %dma_start3A_149 = tpu.memref_slice %arg4[%mul3A_10, %dma_start3A_148] : memref<2560x125xi32, #tpu.memory_space<hbm>> -> memref<80x125xi32, #tpu.memory_space<hbm>>
      tpu.enqueue_dma source(%dma_start3A_149 : memref<80x125xi32, #tpu.memory_space<hbm>>) target(%arg8 : memref<80x125xi32, #tpu.memory_space<vmem>>) target_semaphore(%run_scoped3A : memref<!tpu.dma_semaphore, #tpu.memory_space<semaphore_mem>>)
      %dma_wait3A = arith.constant 0 : i32
      %dma_wait3A_150 = tpu.memref_slice %arg4[%mul3A_10, %dma_wait3A] : memref<2560x125xi32, #tpu.memory_space<hbm>> -> memref<80x125xi32, #tpu.memory_space<hbm>>
      %dma_wait3A_151 = arith.constant 0 : i32
      %dma_wait3A_152 = tpu.memref_slice %arg4[%mul3A_10, %dma_wait3A_151] : memref<2560x125xi32, #tpu.memory_space<hbm>> -> memref<80x125xi32, #tpu.memory_space<hbm>>
      tpu.wait_dma2 semaphore(%run_scoped3A : memref<!tpu.dma_semaphore, #tpu.memory_space<semaphore_mem>>) src(%dma_wait3A_152 : memref<80x125xi32, #tpu.memory_space<hbm>>) dst(%arg8 : memref<80x125xi32, #tpu.memory_space<vmem>>)
      tpu.yield
    }) : () -> ()
    %barrier3A = arith.constant 0 : index
    tpu.barrier barrier_id(%barrier3A)
    %dma_start3A = arith.constant 0 : i32
    %dma_start3A_11 = arith.constant 0 : i32
    %dma_start3A_12 = arith.constant 0 : i32
    %dma_start3A_13 = arith.constant 0 : i32
    %dma_start3A_14 = arith.constant 0 : i32
    %dma_start3A_15 = tpu.memref_slice %arg9[%dma_start3A_11, %dma_start3A_13, %dma_start3A_14] : memref<8x125x64xf32, #tpu.memory_space<vmem>> -> memref<1x125x64xf32, #tpu.memory_space<vmem>>
    %dma_start3A_16 = tpu.memref_squeeze %dma_start3A_15 : memref<1x125x64xf32, #tpu.memory_space<vmem>> -> memref<125x64xf32, #tpu.memory_space<vmem>>
    %dma_start3A_17 = arith.constant 0 : i32
    %dma_start3A_18 = tpu.memref_slice %arg7[%dma_start3A, %dma_start3A_17] : memref<80x125xi32, #tpu.memory_space<vmem>> -> memref<1x125xi32, #tpu.memory_space<vmem>>
    %dma_start3A_19 = tpu.memref_squeeze %dma_start3A_18 : memref<1x125xi32, #tpu.memory_space<vmem>> -> memref<125xi32, #tpu.memory_space<vmem>>
    %dma_start3A_20 = arith.constant 0 : i32
    %dma_start3A_21 = arith.constant 0 : i32
    %dma_start3A_22 = tpu.memref_slice %arg2[%dma_start3A_20, %dma_start3A_21] : memref<10000x64xf32, #tpu.memory_space<hbm>> -> memref<10000x64xf32, #tpu.memory_space<hbm>>
    %dma_start3A_23 = tpu.memref_slice %arg10[%dma_start3A_12] : memref<8x!tpu.dma_semaphore, #tpu.memory_space<semaphore_mem>> -> memref<1x!tpu.dma_semaphore, #tpu.memory_space<semaphore_mem>>
    %dma_start3A_24 = tpu.memref_squeeze %dma_start3A_23 : memref<1x!tpu.dma_semaphore, #tpu.memory_space<semaphore_mem>> -> memref<!tpu.dma_semaphore, #tpu.memory_space<semaphore_mem>>
    tpu.enqueue_indirect_dma source(%dma_start3A_22 : memref<10000x64xf32, #tpu.memory_space<hbm>>) target(%dma_start3A_16 : memref<125x64xf32, #tpu.memory_space<vmem>>) offsets(%dma_start3A_19 : memref<125xi32, #tpu.memory_space<vmem>>) semaphore(%dma_start3A_24 : memref<!tpu.dma_semaphore, #tpu.memory_space<semaphore_mem>>)
    %dma_start3A_25 = arith.constant 1 : i32
    %dma_start3A_26 = arith.constant 1 : i32
    %dma_start3A_27 = arith.constant 1 : i32
    %dma_start3A_28 = arith.constant 0 : i32
    %dma_start3A_29 = arith.constant 0 : i32
    %dma_start3A_30 = tpu.memref_slice %arg9[%dma_start3A_26, %dma_start3A_28, %dma_start3A_29] : memref<8x125x64xf32, #tpu.memory_space<vmem>> -> memref<1x125x64xf32, #tpu.memory_space<vmem>>
    %dma_start3A_31 = tpu.memref_squeeze %dma_start3A_30 : memref<1x125x64xf32, #tpu.memory_space<vmem>> -> memref<125x64xf32, #tpu.memory_space<vmem>>
    %dma_start3A_32 = arith.constant 0 : i32
    %dma_start3A_33 = tpu.memref_slice %arg7[%dma_start3A_25, %dma_start3A_32] : memref<80x125xi32, #tpu.memory_space<vmem>> -> memref<1x125xi32, #tpu.memory_space<vmem>>
    %dma_start3A_34 = tpu.memref_squeeze %dma_start3A_33 : memref<1x125xi32, #tpu.memory_space<vmem>> -> memref<125xi32, #tpu.memory_space<vmem>>
    %dma_start3A_35 = arith.constant 0 : i32
    %dma_start3A_36 = arith.constant 0 : i32
    %dma_start3A_37 = tpu.memref_slice %arg2[%dma_start3A_35, %dma_start3A_36] : memref<10000x64xf32, #tpu.memory_space<hbm>> -> memref<10000x64xf32, #tpu.memory_space<hbm>>
    %dma_start3A_38 = tpu.memref_slice %arg10[%dma_start3A_27] : memref<8x!tpu.dma_semaphore, #tpu.memory_space<semaphore_mem>> -> memref<1x!tpu.dma_semaphore, #tpu.memory_space<semaphore_mem>>
    %dma_start3A_39 = tpu.memref_squeeze %dma_start3A_38 : memref<1x!tpu.dma_semaphore, #tpu.memory_space<semaphore_mem>> -> memref<!tpu.dma_semaphore, #tpu.memory_space<semaphore_mem>>
    tpu.enqueue_indirect_dma source(%dma_start3A_37 : memref<10000x64xf32, #tpu.memory_space<hbm>>) target(%dma_start3A_31 : memref<125x64xf32, #tpu.memory_space<vmem>>) offsets(%dma_start3A_34 : memref<125xi32, #tpu.memory_space<vmem>>) semaphore(%dma_start3A_39 : memref<!tpu.dma_semaphore, #tpu.memory_space<semaphore_mem>>)
    %dma_start3A_40 = arith.constant 2 : i32
    %dma_start3A_41 = arith.constant 2 : i32
    %dma_start3A_42 = arith.constant 2 : i32
    %dma_start3A_43 = arith.constant 0 : i32
    %dma_start3A_44 = arith.constant 0 : i32
    %dma_start3A_45 = tpu.memref_slice %arg9[%dma_start3A_41, %dma_start3A_43, %dma_start3A_44] : memref<8x125x64xf32, #tpu.memory_space<vmem>> -> memref<1x125x64xf32, #tpu.memory_space<vmem>>
    %dma_start3A_46 = tpu.memref_squeeze %dma_start3A_45 : memref<1x125x64xf32, #tpu.memory_space<vmem>> -> memref<125x64xf32, #tpu.memory_space<vmem>>
    %dma_start3A_47 = arith.constant 0 : i32
    %dma_start3A_48 = tpu.memref_slice %arg7[%dma_start3A_40, %dma_start3A_47] : memref<80x125xi32, #tpu.memory_space<vmem>> -> memref<1x125xi32, #tpu.memory_space<vmem>>
    %dma_start3A_49 = tpu.memref_squeeze %dma_start3A_48 : memref<1x125xi32, #tpu.memory_space<vmem>> -> memref<125xi32, #tpu.memory_space<vmem>>
    %dma_start3A_50 = arith.constant 0 : i32
    %dma_start3A_51 = arith.constant 0 : i32
    %dma_start3A_52 = tpu.memref_slice %arg2[%dma_start3A_50, %dma_start3A_51] : memref<10000x64xf32, #tpu.memory_space<hbm>> -> memref<10000x64xf32, #tpu.memory_space<hbm>>
    %dma_start3A_53 = tpu.memref_slice %arg10[%dma_start3A_42] : memref<8x!tpu.dma_semaphore, #tpu.memory_space<semaphore_mem>> -> memref<1x!tpu.dma_semaphore, #tpu.memory_space<semaphore_mem>>
    %dma_start3A_54 = tpu.memref_squeeze %dma_start3A_53 : memref<1x!tpu.dma_semaphore, #tpu.memory_space<semaphore_mem>> -> memref<!tpu.dma_semaphore, #tpu.memory_space<semaphore_mem>>
    tpu.enqueue_indirect_dma source(%dma_start3A_52 : memref<10000x64xf32, #tpu.memory_space<hbm>>) target(%dma_start3A_46 : memref<125x64xf32, #tpu.memory_space<vmem>>) offsets(%dma_start3A_49 : memref<125xi32, #tpu.memory_space<vmem>>) semaphore(%dma_start3A_54 : memref<!tpu.dma_semaphore, #tpu.memory_space<semaphore_mem>>)
    %dma_start3A_55 = arith.constant 3 : i32
    %dma_start3A_56 = arith.constant 3 : i32
    %dma_start3A_57 = arith.constant 3 : i32
    %dma_start3A_58 = arith.constant 0 : i32
    %dma_start3A_59 = arith.constant 0 : i32
    %dma_start3A_60 = tpu.memref_slice %arg9[%dma_start3A_56, %dma_start3A_58, %dma_start3A_59] : memref<8x125x64xf32, #tpu.memory_space<vmem>> -> memref<1x125x64xf32, #tpu.memory_space<vmem>>
    %dma_start3A_61 = tpu.memref_squeeze %dma_start3A_60 : memref<1x125x64xf32, #tpu.memory_space<vmem>> -> memref<125x64xf32, #tpu.memory_space<vmem>>
    %dma_start3A_62 = arith.constant 0 : i32
    %dma_start3A_63 = tpu.memref_slice %arg7[%dma_start3A_55, %dma_start3A_62] : memref<80x125xi32, #tpu.memory_space<vmem>> -> memref<1x125xi32, #tpu.memory_space<vmem>>
    %dma_start3A_64 = tpu.memref_squeeze %dma_start3A_63 : memref<1x125xi32, #tpu.memory_space<vmem>> -> memref<125xi32, #tpu.memory_space<vmem>>
    %dma_start3A_65 = arith.constant 0 : i32
    %dma_start3A_66 = arith.constant 0 : i32
    %dma_start3A_67 = tpu.memref_slice %arg2[%dma_start3A_65, %dma_start3A_66] : memref<10000x64xf32, #tpu.memory_space<hbm>> -> memref<10000x64xf32, #tpu.memory_space<hbm>>
    %dma_start3A_68 = tpu.memref_slice %arg10[%dma_start3A_57] : memref<8x!tpu.dma_semaphore, #tpu.memory_space<semaphore_mem>> -> memref<1x!tpu.dma_semaphore, #tpu.memory_space<semaphore_mem>>
    %dma_start3A_69 = tpu.memref_squeeze %dma_start3A_68 : memref<1x!tpu.dma_semaphore, #tpu.memory_space<semaphore_mem>> -> memref<!tpu.dma_semaphore, #tpu.memory_space<semaphore_mem>>
    tpu.enqueue_indirect_dma source(%dma_start3A_67 : memref<10000x64xf32, #tpu.memory_space<hbm>>) target(%dma_start3A_61 : memref<125x64xf32, #tpu.memory_space<vmem>>) offsets(%dma_start3A_64 : memref<125xi32, #tpu.memory_space<vmem>>) semaphore(%dma_start3A_69 : memref<!tpu.dma_semaphore, #tpu.memory_space<semaphore_mem>>)
    %dma_start3A_70 = arith.constant 4 : i32
    %dma_start3A_71 = arith.constant 4 : i32
    %dma_start3A_72 = arith.constant 4 : i32
    %dma_start3A_73 = arith.constant 0 : i32
    %dma_start3A_74 = arith.constant 0 : i32
    %dma_start3A_75 = tpu.memref_slice %arg9[%dma_start3A_71, %dma_start3A_73, %dma_start3A_74] : memref<8x125x64xf32, #tpu.memory_space<vmem>> -> memref<1x125x64xf32, #tpu.memory_space<vmem>>
    %dma_start3A_76 = tpu.memref_squeeze %dma_start3A_75 : memref<1x125x64xf32, #tpu.memory_space<vmem>> -> memref<125x64xf32, #tpu.memory_space<vmem>>
    %dma_start3A_77 = arith.constant 0 : i32
    %dma_start3A_78 = tpu.memref_slice %arg7[%dma_start3A_70, %dma_start3A_77] : memref<80x125xi32, #tpu.memory_space<vmem>> -> memref<1x125xi32, #tpu.memory_space<vmem>>
    %dma_start3A_79 = tpu.memref_squeeze %dma_start3A_78 : memref<1x125xi32, #tpu.memory_space<vmem>> -> memref<125xi32, #tpu.memory_space<vmem>>
    %dma_start3A_80 = arith.constant 0 : i32
    %dma_start3A_81 = arith.constant 0 : i32
    %dma_start3A_82 = tpu.memref_slice %arg2[%dma_start3A_80, %dma_start3A_81] : memref<10000x64xf32, #tpu.memory_space<hbm>> -> memref<10000x64xf32, #tpu.memory_space<hbm>>
    %dma_start3A_83 = tpu.memref_slice %arg10[%dma_start3A_72] : memref<8x!tpu.dma_semaphore, #tpu.memory_space<semaphore_mem>> -> memref<1x!tpu.dma_semaphore, #tpu.memory_space<semaphore_mem>>
    %dma_start3A_84 = tpu.memref_squeeze %dma_start3A_83 : memref<1x!tpu.dma_semaphore, #tpu.memory_space<semaphore_mem>> -> memref<!tpu.dma_semaphore, #tpu.memory_space<semaphore_mem>>
    tpu.enqueue_indirect_dma source(%dma_start3A_82 : memref<10000x64xf32, #tpu.memory_space<hbm>>) target(%dma_start3A_76 : memref<125x64xf32, #tpu.memory_space<vmem>>) offsets(%dma_start3A_79 : memref<125xi32, #tpu.memory_space<vmem>>) semaphore(%dma_start3A_84 : memref<!tpu.dma_semaphore, #tpu.memory_space<semaphore_mem>>)
    %dma_start3A_85 = arith.constant 5 : i32
    %dma_start3A_86 = arith.constant 5 : i32
    %dma_start3A_87 = arith.constant 5 : i32
    %dma_start3A_88 = arith.constant 0 : i32
    %dma_start3A_89 = arith.constant 0 : i32
    %dma_start3A_90 = tpu.memref_slice %arg9[%dma_start3A_86, %dma_start3A_88, %dma_start3A_89] : memref<8x125x64xf32, #tpu.memory_space<vmem>> -> memref<1x125x64xf32, #tpu.memory_space<vmem>>
    %dma_start3A_91 = tpu.memref_squeeze %dma_start3A_90 : memref<1x125x64xf32, #tpu.memory_space<vmem>> -> memref<125x64xf32, #tpu.memory_space<vmem>>
    %dma_start3A_92 = arith.constant 0 : i32
    %dma_start3A_93 = tpu.memref_slice %arg7[%dma_start3A_85, %dma_start3A_92] : memref<80x125xi32, #tpu.memory_space<vmem>> -> memref<1x125xi32, #tpu.memory_space<vmem>>
    %dma_start3A_94 = tpu.memref_squeeze %dma_start3A_93 : memref<1x125xi32, #tpu.memory_space<vmem>> -> memref<125xi32, #tpu.memory_space<vmem>>
    %dma_start3A_95 = arith.constant 0 : i32
    %dma_start3A_96 = arith.constant 0 : i32
    %dma_start3A_97 = tpu.memref_slice %arg2[%dma_start3A_95, %dma_start3A_96] : memref<10000x64xf32, #tpu.memory_space<hbm>> -> memref<10000x64xf32, #tpu.memory_space<hbm>>
    %dma_start3A_98 = tpu.memref_slice %arg10[%dma_start3A_87] : memref<8x!tpu.dma_semaphore, #tpu.memory_space<semaphore_mem>> -> memref<1x!tpu.dma_semaphore, #tpu.memory_space<semaphore_mem>>
    %dma_start3A_99 = tpu.memref_squeeze %dma_start3A_98 : memref<1x!tpu.dma_semaphore, #tpu.memory_space<semaphore_mem>> -> memref<!tpu.dma_semaphore, #tpu.memory_space<semaphore_mem>>
    tpu.enqueue_indirect_dma source(%dma_start3A_97 : memref<10000x64xf32, #tpu.memory_space<hbm>>) target(%dma_start3A_91 : memref<125x64xf32, #tpu.memory_space<vmem>>) offsets(%dma_start3A_94 : memref<125xi32, #tpu.memory_space<vmem>>) semaphore(%dma_start3A_99 : memref<!tpu.dma_semaphore, #tpu.memory_space<semaphore_mem>>)
    %dma_start3A_100 = arith.constant 6 : i32
    %dma_start3A_101 = arith.constant 6 : i32
    %dma_start3A_102 = arith.constant 6 : i32
    %dma_start3A_103 = arith.constant 0 : i32
    %dma_start3A_104 = arith.constant 0 : i32
    %dma_start3A_105 = tpu.memref_slice %arg9[%dma_start3A_101, %dma_start3A_103, %dma_start3A_104] : memref<8x125x64xf32, #tpu.memory_space<vmem>> -> memref<1x125x64xf32, #tpu.memory_space<vmem>>
    %dma_start3A_106 = tpu.memref_squeeze %dma_start3A_105 : memref<1x125x64xf32, #tpu.memory_space<vmem>> -> memref<125x64xf32, #tpu.memory_space<vmem>>
    %dma_start3A_107 = arith.constant 0 : i32
    %dma_start3A_108 = tpu.memref_slice %arg7[%dma_start3A_100, %dma_start3A_107] : memref<80x125xi32, #tpu.memory_space<vmem>> -> memref<1x125xi32, #tpu.memory_space<vmem>>
    %dma_start3A_109 = tpu.memref_squeeze %dma_start3A_108 : memref<1x125xi32, #tpu.memory_space<vmem>> -> memref<125xi32, #tpu.memory_space<vmem>>
    %dma_start3A_110 = arith.constant 0 : i32
    %dma_start3A_111 = arith.constant 0 : i32
    %dma_start3A_112 = tpu.memref_slice %arg2[%dma_start3A_110, %dma_start3A_111] : memref<10000x64xf32, #tpu.memory_space<hbm>> -> memref<10000x64xf32, #tpu.memory_space<hbm>>
    %dma_start3A_113 = tpu.memref_slice %arg10[%dma_start3A_102] : memref<8x!tpu.dma_semaphore, #tpu.memory_space<semaphore_mem>> -> memref<1x!tpu.dma_semaphore, #tpu.memory_space<semaphore_mem>>
    %dma_start3A_114 = tpu.memref_squeeze %dma_start3A_113 : memref<1x!tpu.dma_semaphore, #tpu.memory_space<semaphore_mem>> -> memref<!tpu.dma_semaphore, #tpu.memory_space<semaphore_mem>>
    tpu.enqueue_indirect_dma source(%dma_start3A_112 : memref<10000x64xf32, #tpu.memory_space<hbm>>) target(%dma_start3A_106 : memref<125x64xf32, #tpu.memory_space<vmem>>) offsets(%dma_start3A_109 : memref<125xi32, #tpu.memory_space<vmem>>) semaphore(%dma_start3A_114 : memref<!tpu.dma_semaphore, #tpu.memory_space<semaphore_mem>>)
    %dma_start3A_115 = arith.constant 7 : i32
    %dma_start3A_116 = arith.constant 7 : i32
    %dma_start3A_117 = arith.constant 7 : i32
    %dma_start3A_118 = arith.constant 0 : i32
    %dma_start3A_119 = arith.constant 0 : i32
    %dma_start3A_120 = tpu.memref_slice %arg9[%dma_start3A_116, %dma_start3A_118, %dma_start3A_119] : memref<8x125x64xf32, #tpu.memory_space<vmem>> -> memref<1x125x64xf32, #tpu.memory_space<vmem>>
    %dma_start3A_121 = tpu.memref_squeeze %dma_start3A_120 : memref<1x125x64xf32, #tpu.memory_space<vmem>> -> memref<125x64xf32, #tpu.memory_space<vmem>>
    %dma_start3A_122 = arith.constant 0 : i32
    %dma_start3A_123 = tpu.memref_slice %arg7[%dma_start3A_115, %dma_start3A_122] : memref<80x125xi32, #tpu.memory_space<vmem>> -> memref<1x125xi32, #tpu.memory_space<vmem>>
    %dma_start3A_124 = tpu.memref_squeeze %dma_start3A_123 : memref<1x125xi32, #tpu.memory_space<vmem>> -> memref<125xi32, #tpu.memory_space<vmem>>
    %dma_start3A_125 = arith.constant 0 : i32
    %dma_start3A_126 = arith.constant 0 : i32
    %dma_start3A_127 = tpu.memref_slice %arg2[%dma_start3A_125, %dma_start3A_126] : memref<10000x64xf32, #tpu.memory_space<hbm>> -> memref<10000x64xf32, #tpu.memory_space<hbm>>
    %dma_start3A_128 = tpu.memref_slice %arg10[%dma_start3A_117] : memref<8x!tpu.dma_semaphore, #tpu.memory_space<semaphore_mem>> -> memref<1x!tpu.dma_semaphore, #tpu.memory_space<semaphore_mem>>
    %dma_start3A_129 = tpu.memref_squeeze %dma_start3A_128 : memref<1x!tpu.dma_semaphore, #tpu.memory_space<semaphore_mem>> -> memref<!tpu.dma_semaphore, #tpu.memory_space<semaphore_mem>>
    tpu.enqueue_indirect_dma source(%dma_start3A_127 : memref<10000x64xf32, #tpu.memory_space<hbm>>) target(%dma_start3A_121 : memref<125x64xf32, #tpu.memory_space<vmem>>) offsets(%dma_start3A_124 : memref<125xi32, #tpu.memory_space<vmem>>) semaphore(%dma_start3A_129 : memref<!tpu.dma_semaphore, #tpu.memory_space<semaphore_mem>>)
    %scan3A = arith.constant 0 : i32
    %scan3A_130 = arith.constant 0 : i32
    %scan3A_131 = arith.constant 10 : i32
    %scan3A_132 = arith.addi %scan3A_130, %scan3A_131 : i32
    %scan3A_133 = arith.constant 1 : i32
    scf.for %scan3A_146 = %scan3A_130 to %scan3A_132 step %scan3A_133  : i32 {
      %mul3A_147 = arith.constant 8 : i32
      %mul3A_148 = arith.muli %scan3A_146, %mul3A_147 : i32
      %add3A_149 = arith.constant 0 : i32
      %add3A_150 = arith.addi %mul3A_148, %add3A_149 : i32
      %dma_wait3A = arith.constant 0 : i32
      %dma_wait3A_151 = arith.constant 0 : i32
      %dma_wait3A_152 = arith.constant 0 : i32
      %dma_wait3A_153 = arith.constant 0 : i32
      %dma_wait3A_154 = tpu.memref_slice %arg9[%dma_wait3A, %dma_wait3A_152, %dma_wait3A_153] : memref<8x125x64xf32, #tpu.memory_space<vmem>> -> memref<1x125x64xf32, #tpu.memory_space<vmem>>
      %dma_wait3A_155 = tpu.memref_squeeze %dma_wait3A_154 : memref<1x125x64xf32, #tpu.memory_space<vmem>> -> memref<125x64xf32, #tpu.memory_space<vmem>>
      %dma_wait3A_156 = arith.constant 0 : i32
      %dma_wait3A_157 = tpu.memref_slice %arg7[%add3A_150, %dma_wait3A_156] : memref<80x125xi32, #tpu.memory_space<vmem>> -> memref<1x125xi32, #tpu.memory_space<vmem>>
      %dma_wait3A_158 = tpu.memref_squeeze %dma_wait3A_157 : memref<1x125xi32, #tpu.memory_space<vmem>> -> memref<125xi32, #tpu.memory_space<vmem>>
      %dma_wait3A_159 = arith.constant 0 : i32
      %dma_wait3A_160 = arith.constant 0 : i32
      %dma_wait3A_161 = tpu.memref_slice %arg2[%dma_wait3A_159, %dma_wait3A_160] : memref<10000x64xf32, #tpu.memory_space<hbm>> -> memref<10000x64xf32, #tpu.memory_space<hbm>>
      %dma_wait3A_162 = tpu.memref_slice %arg10[%dma_wait3A_151] : memref<8x!tpu.dma_semaphore, #tpu.memory_space<semaphore_mem>> -> memref<1x!tpu.dma_semaphore, #tpu.memory_space<semaphore_mem>>
      %dma_wait3A_163 = tpu.memref_squeeze %dma_wait3A_162 : memref<1x!tpu.dma_semaphore, #tpu.memory_space<semaphore_mem>> -> memref<!tpu.dma_semaphore, #tpu.memory_space<semaphore_mem>>
      tpu.wait_indirect_dma semaphore(%dma_wait3A_163 : memref<!tpu.dma_semaphore, #tpu.memory_space<semaphore_mem>>) src(%dma_wait3A_161 : memref<10000x64xf32, #tpu.memory_space<hbm>>) dst(%dma_wait3A_155 : memref<125x64xf32, #tpu.memory_space<vmem>>)
      %run_scoped3A = arith.constant 0 : i32
      "tpu.region"() ({
        %run_scoped3A_339 = tpu.sem_alloc : memref<!tpu.dma_semaphore, #tpu.memory_space<semaphore_mem>>
        %dma_start3A_340 = arith.constant 0 : i32
        %dma_start3A_341 = arith.constant 0 : i32
        %dma_start3A_342 = tpu.memref_slice %arg9[%run_scoped3A, %dma_start3A_340, %dma_start3A_341] : memref<8x125x64xf32, #tpu.memory_space<vmem>> -> memref<1x125x64xf32, #tpu.memory_space<vmem>>
        %dma_start3A_343 = tpu.memref_squeeze %dma_start3A_342 : memref<1x125x64xf32, #tpu.memory_space<vmem>> -> memref<125x64xf32, #tpu.memory_space<vmem>>
        %dma_start3A_344 = arith.constant 0 : i32
        %dma_start3A_345 = tpu.memref_slice %arg8[%add3A_150, %dma_start3A_344] : memref<80x125xi32, #tpu.memory_space<vmem>> -> memref<1x125xi32, #tpu.memory_space<vmem>>
        %dma_start3A_346 = tpu.memref_squeeze %dma_start3A_345 : memref<1x125xi32, #tpu.memory_space<vmem>> -> memref<125xi32, #tpu.memory_space<vmem>>
        %dma_start3A_347 = arith.constant 0 : i32
        %dma_start3A_348 = arith.constant 0 : i32
        %dma_start3A_349 = tpu.memref_slice %arg11[%dma_start3A_347, %dma_start3A_348] : memref<10000x64xf32, #tpu.memory_space<vmem_shared>> -> memref<10000x64xf32, #tpu.memory_space<vmem_shared>>
        tpu.enqueue_indirect_dma source(%dma_start3A_343 : memref<125x64xf32, #tpu.memory_space<vmem>>) target(%dma_start3A_349 : memref<10000x64xf32, #tpu.memory_space<vmem_shared>>) offsets(%dma_start3A_346 : memref<125xi32, #tpu.memory_space<vmem>>) semaphore(%run_scoped3A_339 : memref<!tpu.dma_semaphore, #tpu.memory_space<semaphore_mem>>) {add = true}
        %dma_wait3A_350 = arith.constant 0 : i32
        %dma_wait3A_351 = arith.constant 0 : i32
        %dma_wait3A_352 = tpu.memref_slice %arg9[%run_scoped3A, %dma_wait3A_350, %dma_wait3A_351] : memref<8x125x64xf32, #tpu.memory_space<vmem>> -> memref<1x125x64xf32, #tpu.memory_space<vmem>>
        %dma_wait3A_353 = tpu.memref_squeeze %dma_wait3A_352 : memref<1x125x64xf32, #tpu.memory_space<vmem>> -> memref<125x64xf32, #tpu.memory_space<vmem>>
        %dma_wait3A_354 = arith.constant 0 : i32
        %dma_wait3A_355 = tpu.memref_slice %arg8[%add3A_150, %dma_wait3A_354] : memref<80x125xi32, #tpu.memory_space<vmem>> -> memref<1x125xi32, #tpu.memory_space<vmem>>
        %dma_wait3A_356 = tpu.memref_squeeze %dma_wait3A_355 : memref<1x125xi32, #tpu.memory_space<vmem>> -> memref<125xi32, #tpu.memory_space<vmem>>
        %dma_wait3A_357 = arith.constant 0 : i32
        %dma_wait3A_358 = arith.constant 0 : i32
        %dma_wait3A_359 = tpu.memref_slice %arg11[%dma_wait3A_357, %dma_wait3A_358] : memref<10000x64xf32, #tpu.memory_space<vmem_shared>> -> memref<10000x64xf32, #tpu.memory_space<vmem_shared>>
        tpu.wait_indirect_dma semaphore(%run_scoped3A_339 : memref<!tpu.dma_semaphore, #tpu.memory_space<semaphore_mem>>) src(%dma_wait3A_353 : memref<125x64xf32, #tpu.memory_space<vmem>>) dst(%dma_wait3A_359 : memref<10000x64xf32, #tpu.memory_space<vmem_shared>>)
        tpu.yield
      }) : () -> ()
      %add3A_164 = arith.constant 8 : i32
      %add3A_165 = arith.addi %add3A_150, %add3A_164 : i32
      %lt3A_166 = arith.constant 80 : i32
      %lt3A_167 = arith.cmpi slt, %add3A_165, %lt3A_166 : i32
      %convert_element_type3A_168 = arith.extui %lt3A_167 : i1 to i32
      %cond3A_169 = arith.constant 0 : i32
      %cond3A_170 = arith.cmpi ne, %convert_element_type3A_168, %cond3A_169 : i32
      scf.if %cond3A_170 {
        %dma_start3A_339 = arith.constant 0 : i32
        %dma_start3A_340 = arith.constant 0 : i32
        %dma_start3A_341 = arith.constant 0 : i32
        %dma_start3A_342 = arith.constant 0 : i32
        %dma_start3A_343 = tpu.memref_slice %arg9[%dma_start3A_339, %dma_start3A_341, %dma_start3A_342] : memref<8x125x64xf32, #tpu.memory_space<vmem>> -> memref<1x125x64xf32, #tpu.memory_space<vmem>>
        %dma_start3A_344 = tpu.memref_squeeze %dma_start3A_343 : memref<1x125x64xf32, #tpu.memory_space<vmem>> -> memref<125x64xf32, #tpu.memory_space<vmem>>
        %dma_start3A_345 = arith.constant 0 : i32
        %dma_start3A_346 = tpu.memref_slice %arg7[%add3A_165, %dma_start3A_345] : memref<80x125xi32, #tpu.memory_space<vmem>> -> memref<1x125xi32, #tpu.memory_space<vmem>>
        %dma_start3A_347 = tpu.memref_squeeze %dma_start3A_346 : memref<1x125xi32, #tpu.memory_space<vmem>> -> memref<125xi32, #tpu.memory_space<vmem>>
        %dma_start3A_348 = arith.constant 0 : i32
        %dma_start3A_349 = arith.constant 0 : i32
        %dma_start3A_350 = tpu.memref_slice %arg2[%dma_start3A_348, %dma_start3A_349] : memref<10000x64xf32, #tpu.memory_space<hbm>> -> memref<10000x64xf32, #tpu.memory_space<hbm>>
        %dma_start3A_351 = tpu.memref_slice %arg10[%dma_start3A_340] : memref<8x!tpu.dma_semaphore, #tpu.memory_space<semaphore_mem>> -> memref<1x!tpu.dma_semaphore, #tpu.memory_space<semaphore_mem>>
        %dma_start3A_352 = tpu.memref_squeeze %dma_start3A_351 : memref<1x!tpu.dma_semaphore, #tpu.memory_space<semaphore_mem>> -> memref<!tpu.dma_semaphore, #tpu.memory_space<semaphore_mem>>
        tpu.enqueue_indirect_dma source(%dma_start3A_350 : memref<10000x64xf32, #tpu.memory_space<hbm>>) target(%dma_start3A_344 : memref<125x64xf32, #tpu.memory_space<vmem>>) offsets(%dma_start3A_347 : memref<125xi32, #tpu.memory_space<vmem>>) semaphore(%dma_start3A_352 : memref<!tpu.dma_semaphore, #tpu.memory_space<semaphore_mem>>)
      } else {
      }
      %add3A_171 = arith.constant 1 : i32
      %add3A_172 = arith.addi %mul3A_148, %add3A_171 : i32
      %dma_wait3A_173 = arith.constant 1 : i32
      %dma_wait3A_174 = arith.constant 1 : i32
      %dma_wait3A_175 = arith.constant 0 : i32
      %dma_wait3A_176 = arith.constant 0 : i32
      %dma_wait3A_177 = tpu.memref_slice %arg9[%dma_wait3A_173, %dma_wait3A_175, %dma_wait3A_176] : memref<8x125x64xf32, #tpu.memory_space<vmem>> -> memref<1x125x64xf32, #tpu.memory_space<vmem>>
      %dma_wait3A_178 = tpu.memref_squeeze %dma_wait3A_177 : memref<1x125x64xf32, #tpu.memory_space<vmem>> -> memref<125x64xf32, #tpu.memory_space<vmem>>
      %dma_wait3A_179 = arith.constant 0 : i32
      %dma_wait3A_180 = tpu.memref_slice %arg7[%add3A_172, %dma_wait3A_179] : memref<80x125xi32, #tpu.memory_space<vmem>> -> memref<1x125xi32, #tpu.memory_space<vmem>>
      %dma_wait3A_181 = tpu.memref_squeeze %dma_wait3A_180 : memref<1x125xi32, #tpu.memory_space<vmem>> -> memref<125xi32, #tpu.memory_space<vmem>>
      %dma_wait3A_182 = arith.constant 0 : i32
      %dma_wait3A_183 = arith.constant 0 : i32
      %dma_wait3A_184 = tpu.memref_slice %arg2[%dma_wait3A_182, %dma_wait3A_183] : memref<10000x64xf32, #tpu.memory_space<hbm>> -> memref<10000x64xf32, #tpu.memory_space<hbm>>
      %dma_wait3A_185 = tpu.memref_slice %arg10[%dma_wait3A_174] : memref<8x!tpu.dma_semaphore, #tpu.memory_space<semaphore_mem>> -> memref<1x!tpu.dma_semaphore, #tpu.memory_space<semaphore_mem>>
      %dma_wait3A_186 = tpu.memref_squeeze %dma_wait3A_185 : memref<1x!tpu.dma_semaphore, #tpu.memory_space<semaphore_mem>> -> memref<!tpu.dma_semaphore, #tpu.memory_space<semaphore_mem>>
      tpu.wait_indirect_dma semaphore(%dma_wait3A_186 : memref<!tpu.dma_semaphore, #tpu.memory_space<semaphore_mem>>) src(%dma_wait3A_184 : memref<10000x64xf32, #tpu.memory_space<hbm>>) dst(%dma_wait3A_178 : memref<125x64xf32, #tpu.memory_space<vmem>>)
      %run_scoped3A_187 = arith.constant 1 : i32
      "tpu.region"() ({
        %run_scoped3A_339 = tpu.sem_alloc : memref<!tpu.dma_semaphore, #tpu.memory_space<semaphore_mem>>
        %dma_start3A_340 = arith.constant 0 : i32
        %dma_start3A_341 = arith.constant 0 : i32
        %dma_start3A_342 = tpu.memref_slice %arg9[%run_scoped3A_187, %dma_start3A_340, %dma_start3A_341] : memref<8x125x64xf32, #tpu.memory_space<vmem>> -> memref<1x125x64xf32, #tpu.memory_space<vmem>>
        %dma_start3A_343 = tpu.memref_squeeze %dma_start3A_342 : memref<1x125x64xf32, #tpu.memory_space<vmem>> -> memref<125x64xf32, #tpu.memory_space<vmem>>
        %dma_start3A_344 = arith.constant 0 : i32
        %dma_start3A_345 = tpu.memref_slice %arg8[%add3A_172, %dma_start3A_344] : memref<80x125xi32, #tpu.memory_space<vmem>> -> memref<1x125xi32, #tpu.memory_space<vmem>>
        %dma_start3A_346 = tpu.memref_squeeze %dma_start3A_345 : memref<1x125xi32, #tpu.memory_space<vmem>> -> memref<125xi32, #tpu.memory_space<vmem>>
        %dma_start3A_347 = arith.constant 0 : i32
        %dma_start3A_348 = arith.constant 0 : i32
        %dma_start3A_349 = tpu.memref_slice %arg11[%dma_start3A_347, %dma_start3A_348] : memref<10000x64xf32, #tpu.memory_space<vmem_shared>> -> memref<10000x64xf32, #tpu.memory_space<vmem_shared>>
        tpu.enqueue_indirect_dma source(%dma_start3A_343 : memref<125x64xf32, #tpu.memory_space<vmem>>) target(%dma_start3A_349 : memref<10000x64xf32, #tpu.memory_space<vmem_shared>>) offsets(%dma_start3A_346 : memref<125xi32, #tpu.memory_space<vmem>>) semaphore(%run_scoped3A_339 : memref<!tpu.dma_semaphore, #tpu.memory_space<semaphore_mem>>) {add = true}
        %dma_wait3A_350 = arith.constant 0 : i32
        %dma_wait3A_351 = arith.constant 0 : i32
        %dma_wait3A_352 = tpu.memref_slice %arg9[%run_scoped3A_187, %dma_wait3A_350, %dma_wait3A_351] : memref<8x125x64xf32, #tpu.memory_space<vmem>> -> memref<1x125x64xf32, #tpu.memory_space<vmem>>
        %dma_wait3A_353 = tpu.memref_squeeze %dma_wait3A_352 : memref<1x125x64xf32, #tpu.memory_space<vmem>> -> memref<125x64xf32, #tpu.memory_space<vmem>>
        %dma_wait3A_354 = arith.constant 0 : i32
        %dma_wait3A_355 = tpu.memref_slice %arg8[%add3A_172, %dma_wait3A_354] : memref<80x125xi32, #tpu.memory_space<vmem>> -> memref<1x125xi32, #tpu.memory_space<vmem>>
        %dma_wait3A_356 = tpu.memref_squeeze %dma_wait3A_355 : memref<1x125xi32, #tpu.memory_space<vmem>> -> memref<125xi32, #tpu.memory_space<vmem>>
        %dma_wait3A_357 = arith.constant 0 : i32
        %dma_wait3A_358 = arith.constant 0 : i32
        %dma_wait3A_359 = tpu.memref_slice %arg11[%dma_wait3A_357, %dma_wait3A_358] : memref<10000x64xf32, #tpu.memory_space<vmem_shared>> -> memref<10000x64xf32, #tpu.memory_space<vmem_shared>>
        tpu.wait_indirect_dma semaphore(%run_scoped3A_339 : memref<!tpu.dma_semaphore, #tpu.memory_space<semaphore_mem>>) src(%dma_wait3A_353 : memref<125x64xf32, #tpu.memory_space<vmem>>) dst(%dma_wait3A_359 : memref<10000x64xf32, #tpu.memory_space<vmem_shared>>)
        tpu.yield
      }) : () -> ()
      %add3A_188 = arith.constant 8 : i32
      %add3A_189 = arith.addi %add3A_172, %add3A_188 : i32
      %lt3A_190 = arith.constant 80 : i32
      %lt3A_191 = arith.cmpi slt, %add3A_189, %lt3A_190 : i32
      %convert_element_type3A_192 = arith.extui %lt3A_191 : i1 to i32
      %cond3A_193 = arith.constant 0 : i32
      %cond3A_194 = arith.cmpi ne, %convert_element_type3A_192, %cond3A_193 : i32
      scf.if %cond3A_194 {
        %dma_start3A_339 = arith.constant 1 : i32
        %dma_start3A_340 = arith.constant 1 : i32
        %dma_start3A_341 = arith.constant 0 : i32
        %dma_start3A_342 = arith.constant 0 : i32
        %dma_start3A_343 = tpu.memref_slice %arg9[%dma_start3A_339, %dma_start3A_341, %dma_start3A_342] : memref<8x125x64xf32, #tpu.memory_space<vmem>> -> memref<1x125x64xf32, #tpu.memory_space<vmem>>
        %dma_start3A_344 = tpu.memref_squeeze %dma_start3A_343 : memref<1x125x64xf32, #tpu.memory_space<vmem>> -> memref<125x64xf32, #tpu.memory_space<vmem>>
        %dma_start3A_345 = arith.constant 0 : i32
        %dma_start3A_346 = tpu.memref_slice %arg7[%add3A_189, %dma_start3A_345] : memref<80x125xi32, #tpu.memory_space<vmem>> -> memref<1x125xi32, #tpu.memory_space<vmem>>
        %dma_start3A_347 = tpu.memref_squeeze %dma_start3A_346 : memref<1x125xi32, #tpu.memory_space<vmem>> -> memref<125xi32, #tpu.memory_space<vmem>>
        %dma_start3A_348 = arith.constant 0 : i32
        %dma_start3A_349 = arith.constant 0 : i32
        %dma_start3A_350 = tpu.memref_slice %arg2[%dma_start3A_348, %dma_start3A_349] : memref<10000x64xf32, #tpu.memory_space<hbm>> -> memref<10000x64xf32, #tpu.memory_space<hbm>>
        %dma_start3A_351 = tpu.memref_slice %arg10[%dma_start3A_340] : memref<8x!tpu.dma_semaphore, #tpu.memory_space<semaphore_mem>> -> memref<1x!tpu.dma_semaphore, #tpu.memory_space<semaphore_mem>>
        %dma_start3A_352 = tpu.memref_squeeze %dma_start3A_351 : memref<1x!tpu.dma_semaphore, #tpu.memory_space<semaphore_mem>> -> memref<!tpu.dma_semaphore, #tpu.memory_space<semaphore_mem>>
        tpu.enqueue_indirect_dma source(%dma_start3A_350 : memref<10000x64xf32, #tpu.memory_space<hbm>>) target(%dma_start3A_344 : memref<125x64xf32, #tpu.memory_space<vmem>>) offsets(%dma_start3A_347 : memref<125xi32, #tpu.memory_space<vmem>>) semaphore(%dma_start3A_352 : memref<!tpu.dma_semaphore, #tpu.memory_space<semaphore_mem>>)
      } else {
      }
      %add3A_195 = arith.constant 2 : i32
      %add3A_196 = arith.addi %mul3A_148, %add3A_195 : i32
      %dma_wait3A_197 = arith.constant 2 : i32
      %dma_wait3A_198 = arith.constant 2 : i32
      %dma_wait3A_199 = arith.constant 0 : i32
      %dma_wait3A_200 = arith.constant 0 : i32
      %dma_wait3A_201 = tpu.memref_slice %arg9[%dma_wait3A_197, %dma_wait3A_199, %dma_wait3A_200] : memref<8x125x64xf32, #tpu.memory_space<vmem>> -> memref<1x125x64xf32, #tpu.memory_space<vmem>>
      %dma_wait3A_202 = tpu.memref_squeeze %dma_wait3A_201 : memref<1x125x64xf32, #tpu.memory_space<vmem>> -> memref<125x64xf32, #tpu.memory_space<vmem>>
      %dma_wait3A_203 = arith.constant 0 : i32
      %dma_wait3A_204 = tpu.memref_slice %arg7[%add3A_196, %dma_wait3A_203] : memref<80x125xi32, #tpu.memory_space<vmem>> -> memref<1x125xi32, #tpu.memory_space<vmem>>
      %dma_wait3A_205 = tpu.memref_squeeze %dma_wait3A_204 : memref<1x125xi32, #tpu.memory_space<vmem>> -> memref<125xi32, #tpu.memory_space<vmem>>
      %dma_wait3A_206 = arith.constant 0 : i32
      %dma_wait3A_207 = arith.constant 0 : i32
      %dma_wait3A_208 = tpu.memref_slice %arg2[%dma_wait3A_206, %dma_wait3A_207] : memref<10000x64xf32, #tpu.memory_space<hbm>> -> memref<10000x64xf32, #tpu.memory_space<hbm>>
      %dma_wait3A_209 = tpu.memref_slice %arg10[%dma_wait3A_198] : memref<8x!tpu.dma_semaphore, #tpu.memory_space<semaphore_mem>> -> memref<1x!tpu.dma_semaphore, #tpu.memory_space<semaphore_mem>>
      %dma_wait3A_210 = tpu.memref_squeeze %dma_wait3A_209 : memref<1x!tpu.dma_semaphore, #tpu.memory_space<semaphore_mem>> -> memref<!tpu.dma_semaphore, #tpu.memory_space<semaphore_mem>>
      tpu.wait_indirect_dma semaphore(%dma_wait3A_210 : memref<!tpu.dma_semaphore, #tpu.memory_space<semaphore_mem>>) src(%dma_wait3A_208 : memref<10000x64xf32, #tpu.memory_space<hbm>>) dst(%dma_wait3A_202 : memref<125x64xf32, #tpu.memory_space<vmem>>)
      %run_scoped3A_211 = arith.constant 2 : i32
      "tpu.region"() ({
        %run_scoped3A_339 = tpu.sem_alloc : memref<!tpu.dma_semaphore, #tpu.memory_space<semaphore_mem>>
        %dma_start3A_340 = arith.constant 0 : i32
        %dma_start3A_341 = arith.constant 0 : i32
        %dma_start3A_342 = tpu.memref_slice %arg9[%run_scoped3A_211, %dma_start3A_340, %dma_start3A_341] : memref<8x125x64xf32, #tpu.memory_space<vmem>> -> memref<1x125x64xf32, #tpu.memory_space<vmem>>
        %dma_start3A_343 = tpu.memref_squeeze %dma_start3A_342 : memref<1x125x64xf32, #tpu.memory_space<vmem>> -> memref<125x64xf32, #tpu.memory_space<vmem>>
        %dma_start3A_344 = arith.constant 0 : i32
        %dma_start3A_345 = tpu.memref_slice %arg8[%add3A_196, %dma_start3A_344] : memref<80x125xi32, #tpu.memory_space<vmem>> -> memref<1x125xi32, #tpu.memory_space<vmem>>
        %dma_start3A_346 = tpu.memref_squeeze %dma_start3A_345 : memref<1x125xi32, #tpu.memory_space<vmem>> -> memref<125xi32, #tpu.memory_space<vmem>>
        %dma_start3A_347 = arith.constant 0 : i32
        %dma_start3A_348 = arith.constant 0 : i32
        %dma_start3A_349 = tpu.memref_slice %arg11[%dma_start3A_347, %dma_start3A_348] : memref<10000x64xf32, #tpu.memory_space<vmem_shared>> -> memref<10000x64xf32, #tpu.memory_space<vmem_shared>>
        tpu.enqueue_indirect_dma source(%dma_start3A_343 : memref<125x64xf32, #tpu.memory_space<vmem>>) target(%dma_start3A_349 : memref<10000x64xf32, #tpu.memory_space<vmem_shared>>) offsets(%dma_start3A_346 : memref<125xi32, #tpu.memory_space<vmem>>) semaphore(%run_scoped3A_339 : memref<!tpu.dma_semaphore, #tpu.memory_space<semaphore_mem>>) {add = true}
        %dma_wait3A_350 = arith.constant 0 : i32
        %dma_wait3A_351 = arith.constant 0 : i32
        %dma_wait3A_352 = tpu.memref_slice %arg9[%run_scoped3A_211, %dma_wait3A_350, %dma_wait3A_351] : memref<8x125x64xf32, #tpu.memory_space<vmem>> -> memref<1x125x64xf32, #tpu.memory_space<vmem>>
        %dma_wait3A_353 = tpu.memref_squeeze %dma_wait3A_352 : memref<1x125x64xf32, #tpu.memory_space<vmem>> -> memref<125x64xf32, #tpu.memory_space<vmem>>
        %dma_wait3A_354 = arith.constant 0 : i32
        %dma_wait3A_355 = tpu.memref_slice %arg8[%add3A_196, %dma_wait3A_354] : memref<80x125xi32, #tpu.memory_space<vmem>> -> memref<1x125xi32, #tpu.memory_space<vmem>>
        %dma_wait3A_356 = tpu.memref_squeeze %dma_wait3A_355 : memref<1x125xi32, #tpu.memory_space<vmem>> -> memref<125xi32, #tpu.memory_space<vmem>>
        %dma_wait3A_357 = arith.constant 0 : i32
        %dma_wait3A_358 = arith.constant 0 : i32
        %dma_wait3A_359 = tpu.memref_slice %arg11[%dma_wait3A_357, %dma_wait3A_358] : memref<10000x64xf32, #tpu.memory_space<vmem_shared>> -> memref<10000x64xf32, #tpu.memory_space<vmem_shared>>
        tpu.wait_indirect_dma semaphore(%run_scoped3A_339 : memref<!tpu.dma_semaphore, #tpu.memory_space<semaphore_mem>>) src(%dma_wait3A_353 : memref<125x64xf32, #tpu.memory_space<vmem>>) dst(%dma_wait3A_359 : memref<10000x64xf32, #tpu.memory_space<vmem_shared>>)
        tpu.yield
      }) : () -> ()
      %add3A_212 = arith.constant 8 : i32
      %add3A_213 = arith.addi %add3A_196, %add3A_212 : i32
      %lt3A_214 = arith.constant 80 : i32
      %lt3A_215 = arith.cmpi slt, %add3A_213, %lt3A_214 : i32
      %convert_element_type3A_216 = arith.extui %lt3A_215 : i1 to i32
      %cond3A_217 = arith.constant 0 : i32
      %cond3A_218 = arith.cmpi ne, %convert_element_type3A_216, %cond3A_217 : i32
      scf.if %cond3A_218 {
        %dma_start3A_339 = arith.constant 2 : i32
        %dma_start3A_340 = arith.constant 2 : i32
        %dma_start3A_341 = arith.constant 0 : i32
        %dma_start3A_342 = arith.constant 0 : i32
        %dma_start3A_343 = tpu.memref_slice %arg9[%dma_start3A_339, %dma_start3A_341, %dma_start3A_342] : memref<8x125x64xf32, #tpu.memory_space<vmem>> -> memref<1x125x64xf32, #tpu.memory_space<vmem>>
        %dma_start3A_344 = tpu.memref_squeeze %dma_start3A_343 : memref<1x125x64xf32, #tpu.memory_space<vmem>> -> memref<125x64xf32, #tpu.memory_space<vmem>>
        %dma_start3A_345 = arith.constant 0 : i32
        %dma_start3A_346 = tpu.memref_slice %arg7[%add3A_213, %dma_start3A_345] : memref<80x125xi32, #tpu.memory_space<vmem>> -> memref<1x125xi32, #tpu.memory_space<vmem>>
        %dma_start3A_347 = tpu.memref_squeeze %dma_start3A_346 : memref<1x125xi32, #tpu.memory_space<vmem>> -> memref<125xi32, #tpu.memory_space<vmem>>
        %dma_start3A_348 = arith.constant 0 : i32
        %dma_start3A_349 = arith.constant 0 : i32
        %dma_start3A_350 = tpu.memref_slice %arg2[%dma_start3A_348, %dma_start3A_349] : memref<10000x64xf32, #tpu.memory_space<hbm>> -> memref<10000x64xf32, #tpu.memory_space<hbm>>
        %dma_start3A_351 = tpu.memref_slice %arg10[%dma_start3A_340] : memref<8x!tpu.dma_semaphore, #tpu.memory_space<semaphore_mem>> -> memref<1x!tpu.dma_semaphore, #tpu.memory_space<semaphore_mem>>
        %dma_start3A_352 = tpu.memref_squeeze %dma_start3A_351 : memref<1x!tpu.dma_semaphore, #tpu.memory_space<semaphore_mem>> -> memref<!tpu.dma_semaphore, #tpu.memory_space<semaphore_mem>>
        tpu.enqueue_indirect_dma source(%dma_start3A_350 : memref<10000x64xf32, #tpu.memory_space<hbm>>) target(%dma_start3A_344 : memref<125x64xf32, #tpu.memory_space<vmem>>) offsets(%dma_start3A_347 : memref<125xi32, #tpu.memory_space<vmem>>) semaphore(%dma_start3A_352 : memref<!tpu.dma_semaphore, #tpu.memory_space<semaphore_mem>>)
      } else {
      }
      %add3A_219 = arith.constant 3 : i32
      %add3A_220 = arith.addi %mul3A_148, %add3A_219 : i32
      %dma_wait3A_221 = arith.constant 3 : i32
      %dma_wait3A_222 = arith.constant 3 : i32
      %dma_wait3A_223 = arith.constant 0 : i32
      %dma_wait3A_224 = arith.constant 0 : i32
      %dma_wait3A_225 = tpu.memref_slice %arg9[%dma_wait3A_221, %dma_wait3A_223, %dma_wait3A_224] : memref<8x125x64xf32, #tpu.memory_space<vmem>> -> memref<1x125x64xf32, #tpu.memory_space<vmem>>
      %dma_wait3A_226 = tpu.memref_squeeze %dma_wait3A_225 : memref<1x125x64xf32, #tpu.memory_space<vmem>> -> memref<125x64xf32, #tpu.memory_space<vmem>>
      %dma_wait3A_227 = arith.constant 0 : i32
      %dma_wait3A_228 = tpu.memref_slice %arg7[%add3A_220, %dma_wait3A_227] : memref<80x125xi32, #tpu.memory_space<vmem>> -> memref<1x125xi32, #tpu.memory_space<vmem>>
      %dma_wait3A_229 = tpu.memref_squeeze %dma_wait3A_228 : memref<1x125xi32, #tpu.memory_space<vmem>> -> memref<125xi32, #tpu.memory_space<vmem>>
      %dma_wait3A_230 = arith.constant 0 : i32
      %dma_wait3A_231 = arith.constant 0 : i32
      %dma_wait3A_232 = tpu.memref_slice %arg2[%dma_wait3A_230, %dma_wait3A_231] : memref<10000x64xf32, #tpu.memory_space<hbm>> -> memref<10000x64xf32, #tpu.memory_space<hbm>>
      %dma_wait3A_233 = tpu.memref_slice %arg10[%dma_wait3A_222] : memref<8x!tpu.dma_semaphore, #tpu.memory_space<semaphore_mem>> -> memref<1x!tpu.dma_semaphore, #tpu.memory_space<semaphore_mem>>
      %dma_wait3A_234 = tpu.memref_squeeze %dma_wait3A_233 : memref<1x!tpu.dma_semaphore, #tpu.memory_space<semaphore_mem>> -> memref<!tpu.dma_semaphore, #tpu.memory_space<semaphore_mem>>
      tpu.wait_indirect_dma semaphore(%dma_wait3A_234 : memref<!tpu.dma_semaphore, #tpu.memory_space<semaphore_mem>>) src(%dma_wait3A_232 : memref<10000x64xf32, #tpu.memory_space<hbm>>) dst(%dma_wait3A_226 : memref<125x64xf32, #tpu.memory_space<vmem>>)
      %run_scoped3A_235 = arith.constant 3 : i32
      "tpu.region"() ({
        %run_scoped3A_339 = tpu.sem_alloc : memref<!tpu.dma_semaphore, #tpu.memory_space<semaphore_mem>>
        %dma_start3A_340 = arith.constant 0 : i32
        %dma_start3A_341 = arith.constant 0 : i32
        %dma_start3A_342 = tpu.memref_slice %arg9[%run_scoped3A_235, %dma_start3A_340, %dma_start3A_341] : memref<8x125x64xf32, #tpu.memory_space<vmem>> -> memref<1x125x64xf32, #tpu.memory_space<vmem>>
        %dma_start3A_343 = tpu.memref_squeeze %dma_start3A_342 : memref<1x125x64xf32, #tpu.memory_space<vmem>> -> memref<125x64xf32, #tpu.memory_space<vmem>>
        %dma_start3A_344 = arith.constant 0 : i32
        %dma_start3A_345 = tpu.memref_slice %arg8[%add3A_220, %dma_start3A_344] : memref<80x125xi32, #tpu.memory_space<vmem>> -> memref<1x125xi32, #tpu.memory_space<vmem>>
        %dma_start3A_346 = tpu.memref_squeeze %dma_start3A_345 : memref<1x125xi32, #tpu.memory_space<vmem>> -> memref<125xi32, #tpu.memory_space<vmem>>
        %dma_start3A_347 = arith.constant 0 : i32
        %dma_start3A_348 = arith.constant 0 : i32
        %dma_start3A_349 = tpu.memref_slice %arg11[%dma_start3A_347, %dma_start3A_348] : memref<10000x64xf32, #tpu.memory_space<vmem_shared>> -> memref<10000x64xf32, #tpu.memory_space<vmem_shared>>
        tpu.enqueue_indirect_dma source(%dma_start3A_343 : memref<125x64xf32, #tpu.memory_space<vmem>>) target(%dma_start3A_349 : memref<10000x64xf32, #tpu.memory_space<vmem_shared>>) offsets(%dma_start3A_346 : memref<125xi32, #tpu.memory_space<vmem>>) semaphore(%run_scoped3A_339 : memref<!tpu.dma_semaphore, #tpu.memory_space<semaphore_mem>>) {add = true}
        %dma_wait3A_350 = arith.constant 0 : i32
        %dma_wait3A_351 = arith.constant 0 : i32
        %dma_wait3A_352 = tpu.memref_slice %arg9[%run_scoped3A_235, %dma_wait3A_350, %dma_wait3A_351] : memref<8x125x64xf32, #tpu.memory_space<vmem>> -> memref<1x125x64xf32, #tpu.memory_space<vmem>>
        %dma_wait3A_353 = tpu.memref_squeeze %dma_wait3A_352 : memref<1x125x64xf32, #tpu.memory_space<vmem>> -> memref<125x64xf32, #tpu.memory_space<vmem>>
        %dma_wait3A_354 = arith.constant 0 : i32
        %dma_wait3A_355 = tpu.memref_slice %arg8[%add3A_220, %dma_wait3A_354] : memref<80x125xi32, #tpu.memory_space<vmem>> -> memref<1x125xi32, #tpu.memory_space<vmem>>
        %dma_wait3A_356 = tpu.memref_squeeze %dma_wait3A_355 : memref<1x125xi32, #tpu.memory_space<vmem>> -> memref<125xi32, #tpu.memory_space<vmem>>
        %dma_wait3A_357 = arith.constant 0 : i32
        %dma_wait3A_358 = arith.constant 0 : i32
        %dma_wait3A_359 = tpu.memref_slice %arg11[%dma_wait3A_357, %dma_wait3A_358] : memref<10000x64xf32, #tpu.memory_space<vmem_shared>> -> memref<10000x64xf32, #tpu.memory_space<vmem_shared>>
        tpu.wait_indirect_dma semaphore(%run_scoped3A_339 : memref<!tpu.dma_semaphore, #tpu.memory_space<semaphore_mem>>) src(%dma_wait3A_353 : memref<125x64xf32, #tpu.memory_space<vmem>>) dst(%dma_wait3A_359 : memref<10000x64xf32, #tpu.memory_space<vmem_shared>>)
        tpu.yield
      }) : () -> ()
      %add3A_236 = arith.constant 8 : i32
      %add3A_237 = arith.addi %add3A_220, %add3A_236 : i32
      %lt3A_238 = arith.constant 80 : i32
      %lt3A_239 = arith.cmpi slt, %add3A_237, %lt3A_238 : i32
      %convert_element_type3A_240 = arith.extui %lt3A_239 : i1 to i32
      %cond3A_241 = arith.constant 0 : i32
      %cond3A_242 = arith.cmpi ne, %convert_element_type3A_240, %cond3A_241 : i32
      scf.if %cond3A_242 {
        %dma_start3A_339 = arith.constant 3 : i32
        %dma_start3A_340 = arith.constant 3 : i32
        %dma_start3A_341 = arith.constant 0 : i32
        %dma_start3A_342 = arith.constant 0 : i32
        %dma_start3A_343 = tpu.memref_slice %arg9[%dma_start3A_339, %dma_start3A_341, %dma_start3A_342] : memref<8x125x64xf32, #tpu.memory_space<vmem>> -> memref<1x125x64xf32, #tpu.memory_space<vmem>>
        %dma_start3A_344 = tpu.memref_squeeze %dma_start3A_343 : memref<1x125x64xf32, #tpu.memory_space<vmem>> -> memref<125x64xf32, #tpu.memory_space<vmem>>
        %dma_start3A_345 = arith.constant 0 : i32
        %dma_start3A_346 = tpu.memref_slice %arg7[%add3A_237, %dma_start3A_345] : memref<80x125xi32, #tpu.memory_space<vmem>> -> memref<1x125xi32, #tpu.memory_space<vmem>>
        %dma_start3A_347 = tpu.memref_squeeze %dma_start3A_346 : memref<1x125xi32, #tpu.memory_space<vmem>> -> memref<125xi32, #tpu.memory_space<vmem>>
        %dma_start3A_348 = arith.constant 0 : i32
        %dma_start3A_349 = arith.constant 0 : i32
        %dma_start3A_350 = tpu.memref_slice %arg2[%dma_start3A_348, %dma_start3A_349] : memref<10000x64xf32, #tpu.memory_space<hbm>> -> memref<10000x64xf32, #tpu.memory_space<hbm>>
        %dma_start3A_351 = tpu.memref_slice %arg10[%dma_start3A_340] : memref<8x!tpu.dma_semaphore, #tpu.memory_space<semaphore_mem>> -> memref<1x!tpu.dma_semaphore, #tpu.memory_space<semaphore_mem>>
        %dma_start3A_352 = tpu.memref_squeeze %dma_start3A_351 : memref<1x!tpu.dma_semaphore, #tpu.memory_space<semaphore_mem>> -> memref<!tpu.dma_semaphore, #tpu.memory_space<semaphore_mem>>
        tpu.enqueue_indirect_dma source(%dma_start3A_350 : memref<10000x64xf32, #tpu.memory_space<hbm>>) target(%dma_start3A_344 : memref<125x64xf32, #tpu.memory_space<vmem>>) offsets(%dma_start3A_347 : memref<125xi32, #tpu.memory_space<vmem>>) semaphore(%dma_start3A_352 : memref<!tpu.dma_semaphore, #tpu.memory_space<semaphore_mem>>)
      } else {
      }
      %add3A_243 = arith.constant 4 : i32
      %add3A_244 = arith.addi %mul3A_148, %add3A_243 : i32
      %dma_wait3A_245 = arith.constant 4 : i32
      %dma_wait3A_246 = arith.constant 4 : i32
      %dma_wait3A_247 = arith.constant 0 : i32
      %dma_wait3A_248 = arith.constant 0 : i32
      %dma_wait3A_249 = tpu.memref_slice %arg9[%dma_wait3A_245, %dma_wait3A_247, %dma_wait3A_248] : memref<8x125x64xf32, #tpu.memory_space<vmem>> -> memref<1x125x64xf32, #tpu.memory_space<vmem>>
      %dma_wait3A_250 = tpu.memref_squeeze %dma_wait3A_249 : memref<1x125x64xf32, #tpu.memory_space<vmem>> -> memref<125x64xf32, #tpu.memory_space<vmem>>
      %dma_wait3A_251 = arith.constant 0 : i32
      %dma_wait3A_252 = tpu.memref_slice %arg7[%add3A_244, %dma_wait3A_251] : memref<80x125xi32, #tpu.memory_space<vmem>> -> memref<1x125xi32, #tpu.memory_space<vmem>>
      %dma_wait3A_253 = tpu.memref_squeeze %dma_wait3A_252 : memref<1x125xi32, #tpu.memory_space<vmem>> -> memref<125xi32, #tpu.memory_space<vmem>>
      %dma_wait3A_254 = arith.constant 0 : i32
      %dma_wait3A_255 = arith.constant 0 : i32
      %dma_wait3A_256 = tpu.memref_slice %arg2[%dma_wait3A_254, %dma_wait3A_255] : memref<10000x64xf32, #tpu.memory_space<hbm>> -> memref<10000x64xf32, #tpu.memory_space<hbm>>
      %dma_wait3A_257 = tpu.memref_slice %arg10[%dma_wait3A_246] : memref<8x!tpu.dma_semaphore, #tpu.memory_space<semaphore_mem>> -> memref<1x!tpu.dma_semaphore, #tpu.memory_space<semaphore_mem>>
      %dma_wait3A_258 = tpu.memref_squeeze %dma_wait3A_257 : memref<1x!tpu.dma_semaphore, #tpu.memory_space<semaphore_mem>> -> memref<!tpu.dma_semaphore, #tpu.memory_space<semaphore_mem>>
      tpu.wait_indirect_dma semaphore(%dma_wait3A_258 : memref<!tpu.dma_semaphore, #tpu.memory_space<semaphore_mem>>) src(%dma_wait3A_256 : memref<10000x64xf32, #tpu.memory_space<hbm>>) dst(%dma_wait3A_250 : memref<125x64xf32, #tpu.memory_space<vmem>>)
      %run_scoped3A_259 = arith.constant 4 : i32
      "tpu.region"() ({
        %run_scoped3A_339 = tpu.sem_alloc : memref<!tpu.dma_semaphore, #tpu.memory_space<semaphore_mem>>
        %dma_start3A_340 = arith.constant 0 : i32
        %dma_start3A_341 = arith.constant 0 : i32
        %dma_start3A_342 = tpu.memref_slice %arg9[%run_scoped3A_259, %dma_start3A_340, %dma_start3A_341] : memref<8x125x64xf32, #tpu.memory_space<vmem>> -> memref<1x125x64xf32, #tpu.memory_space<vmem>>
        %dma_start3A_343 = tpu.memref_squeeze %dma_start3A_342 : memref<1x125x64xf32, #tpu.memory_space<vmem>> -> memref<125x64xf32, #tpu.memory_space<vmem>>
        %dma_start3A_344 = arith.constant 0 : i32
        %dma_start3A_345 = tpu.memref_slice %arg8[%add3A_244, %dma_start3A_344] : memref<80x125xi32, #tpu.memory_space<vmem>> -> memref<1x125xi32, #tpu.memory_space<vmem>>
        %dma_start3A_346 = tpu.memref_squeeze %dma_start3A_345 : memref<1x125xi32, #tpu.memory_space<vmem>> -> memref<125xi32, #tpu.memory_space<vmem>>
        %dma_start3A_347 = arith.constant 0 : i32
        %dma_start3A_348 = arith.constant 0 : i32
        %dma_start3A_349 = tpu.memref_slice %arg11[%dma_start3A_347, %dma_start3A_348] : memref<10000x64xf32, #tpu.memory_space<vmem_shared>> -> memref<10000x64xf32, #tpu.memory_space<vmem_shared>>
        tpu.enqueue_indirect_dma source(%dma_start3A_343 : memref<125x64xf32, #tpu.memory_space<vmem>>) target(%dma_start3A_349 : memref<10000x64xf32, #tpu.memory_space<vmem_shared>>) offsets(%dma_start3A_346 : memref<125xi32, #tpu.memory_space<vmem>>) semaphore(%run_scoped3A_339 : memref<!tpu.dma_semaphore, #tpu.memory_space<semaphore_mem>>) {add = true}
        %dma_wait3A_350 = arith.constant 0 : i32
        %dma_wait3A_351 = arith.constant 0 : i32
        %dma_wait3A_352 = tpu.memref_slice %arg9[%run_scoped3A_259, %dma_wait3A_350, %dma_wait3A_351] : memref<8x125x64xf32, #tpu.memory_space<vmem>> -> memref<1x125x64xf32, #tpu.memory_space<vmem>>
        %dma_wait3A_353 = tpu.memref_squeeze %dma_wait3A_352 : memref<1x125x64xf32, #tpu.memory_space<vmem>> -> memref<125x64xf32, #tpu.memory_space<vmem>>
        %dma_wait3A_354 = arith.constant 0 : i32
        %dma_wait3A_355 = tpu.memref_slice %arg8[%add3A_244, %dma_wait3A_354] : memref<80x125xi32, #tpu.memory_space<vmem>> -> memref<1x125xi32, #tpu.memory_space<vmem>>
        %dma_wait3A_356 = tpu.memref_squeeze %dma_wait3A_355 : memref<1x125xi32, #tpu.memory_space<vmem>> -> memref<125xi32, #tpu.memory_space<vmem>>
        %dma_wait3A_357 = arith.constant 0 : i32
        %dma_wait3A_358 = arith.constant 0 : i32
        %dma_wait3A_359 = tpu.memref_slice %arg11[%dma_wait3A_357, %dma_wait3A_358] : memref<10000x64xf32, #tpu.memory_space<vmem_shared>> -> memref<10000x64xf32, #tpu.memory_space<vmem_shared>>
        tpu.wait_indirect_dma semaphore(%run_scoped3A_339 : memref<!tpu.dma_semaphore, #tpu.memory_space<semaphore_mem>>) src(%dma_wait3A_353 : memref<125x64xf32, #tpu.memory_space<vmem>>) dst(%dma_wait3A_359 : memref<10000x64xf32, #tpu.memory_space<vmem_shared>>)
        tpu.yield
      }) : () -> ()
      %add3A_260 = arith.constant 8 : i32
      %add3A_261 = arith.addi %add3A_244, %add3A_260 : i32
      %lt3A_262 = arith.constant 80 : i32
      %lt3A_263 = arith.cmpi slt, %add3A_261, %lt3A_262 : i32
      %convert_element_type3A_264 = arith.extui %lt3A_263 : i1 to i32
      %cond3A_265 = arith.constant 0 : i32
      %cond3A_266 = arith.cmpi ne, %convert_element_type3A_264, %cond3A_265 : i32
      scf.if %cond3A_266 {
        %dma_start3A_339 = arith.constant 4 : i32
        %dma_start3A_340 = arith.constant 4 : i32
        %dma_start3A_341 = arith.constant 0 : i32
        %dma_start3A_342 = arith.constant 0 : i32
        %dma_start3A_343 = tpu.memref_slice %arg9[%dma_start3A_339, %dma_start3A_341, %dma_start3A_342] : memref<8x125x64xf32, #tpu.memory_space<vmem>> -> memref<1x125x64xf32, #tpu.memory_space<vmem>>
        %dma_start3A_344 = tpu.memref_squeeze %dma_start3A_343 : memref<1x125x64xf32, #tpu.memory_space<vmem>> -> memref<125x64xf32, #tpu.memory_space<vmem>>
        %dma_start3A_345 = arith.constant 0 : i32
        %dma_start3A_346 = tpu.memref_slice %arg7[%add3A_261, %dma_start3A_345] : memref<80x125xi32, #tpu.memory_space<vmem>> -> memref<1x125xi32, #tpu.memory_space<vmem>>
        %dma_start3A_347 = tpu.memref_squeeze %dma_start3A_346 : memref<1x125xi32, #tpu.memory_space<vmem>> -> memref<125xi32, #tpu.memory_space<vmem>>
        %dma_start3A_348 = arith.constant 0 : i32
        %dma_start3A_349 = arith.constant 0 : i32
        %dma_start3A_350 = tpu.memref_slice %arg2[%dma_start3A_348, %dma_start3A_349] : memref<10000x64xf32, #tpu.memory_space<hbm>> -> memref<10000x64xf32, #tpu.memory_space<hbm>>
        %dma_start3A_351 = tpu.memref_slice %arg10[%dma_start3A_340] : memref<8x!tpu.dma_semaphore, #tpu.memory_space<semaphore_mem>> -> memref<1x!tpu.dma_semaphore, #tpu.memory_space<semaphore_mem>>
        %dma_start3A_352 = tpu.memref_squeeze %dma_start3A_351 : memref<1x!tpu.dma_semaphore, #tpu.memory_space<semaphore_mem>> -> memref<!tpu.dma_semaphore, #tpu.memory_space<semaphore_mem>>
        tpu.enqueue_indirect_dma source(%dma_start3A_350 : memref<10000x64xf32, #tpu.memory_space<hbm>>) target(%dma_start3A_344 : memref<125x64xf32, #tpu.memory_space<vmem>>) offsets(%dma_start3A_347 : memref<125xi32, #tpu.memory_space<vmem>>) semaphore(%dma_start3A_352 : memref<!tpu.dma_semaphore, #tpu.memory_space<semaphore_mem>>)
      } else {
      }
      %add3A_267 = arith.constant 5 : i32
      %add3A_268 = arith.addi %mul3A_148, %add3A_267 : i32
      %dma_wait3A_269 = arith.constant 5 : i32
      %dma_wait3A_270 = arith.constant 5 : i32
      %dma_wait3A_271 = arith.constant 0 : i32
      %dma_wait3A_272 = arith.constant 0 : i32
      %dma_wait3A_273 = tpu.memref_slice %arg9[%dma_wait3A_269, %dma_wait3A_271, %dma_wait3A_272] : memref<8x125x64xf32, #tpu.memory_space<vmem>> -> memref<1x125x64xf32, #tpu.memory_space<vmem>>
      %dma_wait3A_274 = tpu.memref_squeeze %dma_wait3A_273 : memref<1x125x64xf32, #tpu.memory_space<vmem>> -> memref<125x64xf32, #tpu.memory_space<vmem>>
      %dma_wait3A_275 = arith.constant 0 : i32
      %dma_wait3A_276 = tpu.memref_slice %arg7[%add3A_268, %dma_wait3A_275] : memref<80x125xi32, #tpu.memory_space<vmem>> -> memref<1x125xi32, #tpu.memory_space<vmem>>
      %dma_wait3A_277 = tpu.memref_squeeze %dma_wait3A_276 : memref<1x125xi32, #tpu.memory_space<vmem>> -> memref<125xi32, #tpu.memory_space<vmem>>
      %dma_wait3A_278 = arith.constant 0 : i32
      %dma_wait3A_279 = arith.constant 0 : i32
      %dma_wait3A_280 = tpu.memref_slice %arg2[%dma_wait3A_278, %dma_wait3A_279] : memref<10000x64xf32, #tpu.memory_space<hbm>> -> memref<10000x64xf32, #tpu.memory_space<hbm>>
      %dma_wait3A_281 = tpu.memref_slice %arg10[%dma_wait3A_270] : memref<8x!tpu.dma_semaphore, #tpu.memory_space<semaphore_mem>> -> memref<1x!tpu.dma_semaphore, #tpu.memory_space<semaphore_mem>>
      %dma_wait3A_282 = tpu.memref_squeeze %dma_wait3A_281 : memref<1x!tpu.dma_semaphore, #tpu.memory_space<semaphore_mem>> -> memref<!tpu.dma_semaphore, #tpu.memory_space<semaphore_mem>>
      tpu.wait_indirect_dma semaphore(%dma_wait3A_282 : memref<!tpu.dma_semaphore, #tpu.memory_space<semaphore_mem>>) src(%dma_wait3A_280 : memref<10000x64xf32, #tpu.memory_space<hbm>>) dst(%dma_wait3A_274 : memref<125x64xf32, #tpu.memory_space<vmem>>)
      %run_scoped3A_283 = arith.constant 5 : i32
      "tpu.region"() ({
        %run_scoped3A_339 = tpu.sem_alloc : memref<!tpu.dma_semaphore, #tpu.memory_space<semaphore_mem>>
        %dma_start3A_340 = arith.constant 0 : i32
        %dma_start3A_341 = arith.constant 0 : i32
        %dma_start3A_342 = tpu.memref_slice %arg9[%run_scoped3A_283, %dma_start3A_340, %dma_start3A_341] : memref<8x125x64xf32, #tpu.memory_space<vmem>> -> memref<1x125x64xf32, #tpu.memory_space<vmem>>
        %dma_start3A_343 = tpu.memref_squeeze %dma_start3A_342 : memref<1x125x64xf32, #tpu.memory_space<vmem>> -> memref<125x64xf32, #tpu.memory_space<vmem>>
        %dma_start3A_344 = arith.constant 0 : i32
        %dma_start3A_345 = tpu.memref_slice %arg8[%add3A_268, %dma_start3A_344] : memref<80x125xi32, #tpu.memory_space<vmem>> -> memref<1x125xi32, #tpu.memory_space<vmem>>
        %dma_start3A_346 = tpu.memref_squeeze %dma_start3A_345 : memref<1x125xi32, #tpu.memory_space<vmem>> -> memref<125xi32, #tpu.memory_space<vmem>>
        %dma_start3A_347 = arith.constant 0 : i32
        %dma_start3A_348 = arith.constant 0 : i32
        %dma_start3A_349 = tpu.memref_slice %arg11[%dma_start3A_347, %dma_start3A_348] : memref<10000x64xf32, #tpu.memory_space<vmem_shared>> -> memref<10000x64xf32, #tpu.memory_space<vmem_shared>>
        tpu.enqueue_indirect_dma source(%dma_start3A_343 : memref<125x64xf32, #tpu.memory_space<vmem>>) target(%dma_start3A_349 : memref<10000x64xf32, #tpu.memory_space<vmem_shared>>) offsets(%dma_start3A_346 : memref<125xi32, #tpu.memory_space<vmem>>) semaphore(%run_scoped3A_339 : memref<!tpu.dma_semaphore, #tpu.memory_space<semaphore_mem>>) {add = true}
        %dma_wait3A_350 = arith.constant 0 : i32
        %dma_wait3A_351 = arith.constant 0 : i32
        %dma_wait3A_352 = tpu.memref_slice %arg9[%run_scoped3A_283, %dma_wait3A_350, %dma_wait3A_351] : memref<8x125x64xf32, #tpu.memory_space<vmem>> -> memref<1x125x64xf32, #tpu.memory_space<vmem>>
        %dma_wait3A_353 = tpu.memref_squeeze %dma_wait3A_352 : memref<1x125x64xf32, #tpu.memory_space<vmem>> -> memref<125x64xf32, #tpu.memory_space<vmem>>
        %dma_wait3A_354 = arith.constant 0 : i32
        %dma_wait3A_355 = tpu.memref_slice %arg8[%add3A_268, %dma_wait3A_354] : memref<80x125xi32, #tpu.memory_space<vmem>> -> memref<1x125xi32, #tpu.memory_space<vmem>>
        %dma_wait3A_356 = tpu.memref_squeeze %dma_wait3A_355 : memref<1x125xi32, #tpu.memory_space<vmem>> -> memref<125xi32, #tpu.memory_space<vmem>>
        %dma_wait3A_357 = arith.constant 0 : i32
        %dma_wait3A_358 = arith.constant 0 : i32
        %dma_wait3A_359 = tpu.memref_slice %arg11[%dma_wait3A_357, %dma_wait3A_358] : memref<10000x64xf32, #tpu.memory_space<vmem_shared>> -> memref<10000x64xf32, #tpu.memory_space<vmem_shared>>
        tpu.wait_indirect_dma semaphore(%run_scoped3A_339 : memref<!tpu.dma_semaphore, #tpu.memory_space<semaphore_mem>>) src(%dma_wait3A_353 : memref<125x64xf32, #tpu.memory_space<vmem>>) dst(%dma_wait3A_359 : memref<10000x64xf32, #tpu.memory_space<vmem_shared>>)
        tpu.yield
      }) : () -> ()
      %add3A_284 = arith.constant 8 : i32
      %add3A_285 = arith.addi %add3A_268, %add3A_284 : i32
      %lt3A_286 = arith.constant 80 : i32
      %lt3A_287 = arith.cmpi slt, %add3A_285, %lt3A_286 : i32
      %convert_element_type3A_288 = arith.extui %lt3A_287 : i1 to i32
      %cond3A_289 = arith.constant 0 : i32
      %cond3A_290 = arith.cmpi ne, %convert_element_type3A_288, %cond3A_289 : i32
      scf.if %cond3A_290 {
        %dma_start3A_339 = arith.constant 5 : i32
        %dma_start3A_340 = arith.constant 5 : i32
        %dma_start3A_341 = arith.constant 0 : i32
        %dma_start3A_342 = arith.constant 0 : i32
        %dma_start3A_343 = tpu.memref_slice %arg9[%dma_start3A_339, %dma_start3A_341, %dma_start3A_342] : memref<8x125x64xf32, #tpu.memory_space<vmem>> -> memref<1x125x64xf32, #tpu.memory_space<vmem>>
        %dma_start3A_344 = tpu.memref_squeeze %dma_start3A_343 : memref<1x125x64xf32, #tpu.memory_space<vmem>> -> memref<125x64xf32, #tpu.memory_space<vmem>>
        %dma_start3A_345 = arith.constant 0 : i32
        %dma_start3A_346 = tpu.memref_slice %arg7[%add3A_285, %dma_start3A_345] : memref<80x125xi32, #tpu.memory_space<vmem>> -> memref<1x125xi32, #tpu.memory_space<vmem>>
        %dma_start3A_347 = tpu.memref_squeeze %dma_start3A_346 : memref<1x125xi32, #tpu.memory_space<vmem>> -> memref<125xi32, #tpu.memory_space<vmem>>
        %dma_start3A_348 = arith.constant 0 : i32
        %dma_start3A_349 = arith.constant 0 : i32
        %dma_start3A_350 = tpu.memref_slice %arg2[%dma_start3A_348, %dma_start3A_349] : memref<10000x64xf32, #tpu.memory_space<hbm>> -> memref<10000x64xf32, #tpu.memory_space<hbm>>
        %dma_start3A_351 = tpu.memref_slice %arg10[%dma_start3A_340] : memref<8x!tpu.dma_semaphore, #tpu.memory_space<semaphore_mem>> -> memref<1x!tpu.dma_semaphore, #tpu.memory_space<semaphore_mem>>
        %dma_start3A_352 = tpu.memref_squeeze %dma_start3A_351 : memref<1x!tpu.dma_semaphore, #tpu.memory_space<semaphore_mem>> -> memref<!tpu.dma_semaphore, #tpu.memory_space<semaphore_mem>>
        tpu.enqueue_indirect_dma source(%dma_start3A_350 : memref<10000x64xf32, #tpu.memory_space<hbm>>) target(%dma_start3A_344 : memref<125x64xf32, #tpu.memory_space<vmem>>) offsets(%dma_start3A_347 : memref<125xi32, #tpu.memory_space<vmem>>) semaphore(%dma_start3A_352 : memref<!tpu.dma_semaphore, #tpu.memory_space<semaphore_mem>>)
      } else {
      }
      %add3A_291 = arith.constant 6 : i32
      %add3A_292 = arith.addi %mul3A_148, %add3A_291 : i32
      %dma_wait3A_293 = arith.constant 6 : i32
      %dma_wait3A_294 = arith.constant 6 : i32
      %dma_wait3A_295 = arith.constant 0 : i32
      %dma_wait3A_296 = arith.constant 0 : i32
      %dma_wait3A_297 = tpu.memref_slice %arg9[%dma_wait3A_293, %dma_wait3A_295, %dma_wait3A_296] : memref<8x125x64xf32, #tpu.memory_space<vmem>> -> memref<1x125x64xf32, #tpu.memory_space<vmem>>
      %dma_wait3A_298 = tpu.memref_squeeze %dma_wait3A_297 : memref<1x125x64xf32, #tpu.memory_space<vmem>> -> memref<125x64xf32, #tpu.memory_space<vmem>>
      %dma_wait3A_299 = arith.constant 0 : i32
      %dma_wait3A_300 = tpu.memref_slice %arg7[%add3A_292, %dma_wait3A_299] : memref<80x125xi32, #tpu.memory_space<vmem>> -> memref<1x125xi32, #tpu.memory_space<vmem>>
      %dma_wait3A_301 = tpu.memref_squeeze %dma_wait3A_300 : memref<1x125xi32, #tpu.memory_space<vmem>> -> memref<125xi32, #tpu.memory_space<vmem>>
      %dma_wait3A_302 = arith.constant 0 : i32
      %dma_wait3A_303 = arith.constant 0 : i32
      %dma_wait3A_304 = tpu.memref_slice %arg2[%dma_wait3A_302, %dma_wait3A_303] : memref<10000x64xf32, #tpu.memory_space<hbm>> -> memref<10000x64xf32, #tpu.memory_space<hbm>>
      %dma_wait3A_305 = tpu.memref_slice %arg10[%dma_wait3A_294] : memref<8x!tpu.dma_semaphore, #tpu.memory_space<semaphore_mem>> -> memref<1x!tpu.dma_semaphore, #tpu.memory_space<semaphore_mem>>
      %dma_wait3A_306 = tpu.memref_squeeze %dma_wait3A_305 : memref<1x!tpu.dma_semaphore, #tpu.memory_space<semaphore_mem>> -> memref<!tpu.dma_semaphore, #tpu.memory_space<semaphore_mem>>
      tpu.wait_indirect_dma semaphore(%dma_wait3A_306 : memref<!tpu.dma_semaphore, #tpu.memory_space<semaphore_mem>>) src(%dma_wait3A_304 : memref<10000x64xf32, #tpu.memory_space<hbm>>) dst(%dma_wait3A_298 : memref<125x64xf32, #tpu.memory_space<vmem>>)
      %run_scoped3A_307 = arith.constant 6 : i32
      "tpu.region"() ({
        %run_scoped3A_339 = tpu.sem_alloc : memref<!tpu.dma_semaphore, #tpu.memory_space<semaphore_mem>>
        %dma_start3A_340 = arith.constant 0 : i32
        %dma_start3A_341 = arith.constant 0 : i32
        %dma_start3A_342 = tpu.memref_slice %arg9[%run_scoped3A_307, %dma_start3A_340, %dma_start3A_341] : memref<8x125x64xf32, #tpu.memory_space<vmem>> -> memref<1x125x64xf32, #tpu.memory_space<vmem>>
        %dma_start3A_343 = tpu.memref_squeeze %dma_start3A_342 : memref<1x125x64xf32, #tpu.memory_space<vmem>> -> memref<125x64xf32, #tpu.memory_space<vmem>>
        %dma_start3A_344 = arith.constant 0 : i32
        %dma_start3A_345 = tpu.memref_slice %arg8[%add3A_292, %dma_start3A_344] : memref<80x125xi32, #tpu.memory_space<vmem>> -> memref<1x125xi32, #tpu.memory_space<vmem>>
        %dma_start3A_346 = tpu.memref_squeeze %dma_start3A_345 : memref<1x125xi32, #tpu.memory_space<vmem>> -> memref<125xi32, #tpu.memory_space<vmem>>
        %dma_start3A_347 = arith.constant 0 : i32
        %dma_start3A_348 = arith.constant 0 : i32
        %dma_start3A_349 = tpu.memref_slice %arg11[%dma_start3A_347, %dma_start3A_348] : memref<10000x64xf32, #tpu.memory_space<vmem_shared>> -> memref<10000x64xf32, #tpu.memory_space<vmem_shared>>
        tpu.enqueue_indirect_dma source(%dma_start3A_343 : memref<125x64xf32, #tpu.memory_space<vmem>>) target(%dma_start3A_349 : memref<10000x64xf32, #tpu.memory_space<vmem_shared>>) offsets(%dma_start3A_346 : memref<125xi32, #tpu.memory_space<vmem>>) semaphore(%run_scoped3A_339 : memref<!tpu.dma_semaphore, #tpu.memory_space<semaphore_mem>>) {add = true}
        %dma_wait3A_350 = arith.constant 0 : i32
        %dma_wait3A_351 = arith.constant 0 : i32
        %dma_wait3A_352 = tpu.memref_slice %arg9[%run_scoped3A_307, %dma_wait3A_350, %dma_wait3A_351] : memref<8x125x64xf32, #tpu.memory_space<vmem>> -> memref<1x125x64xf32, #tpu.memory_space<vmem>>
        %dma_wait3A_353 = tpu.memref_squeeze %dma_wait3A_352 : memref<1x125x64xf32, #tpu.memory_space<vmem>> -> memref<125x64xf32, #tpu.memory_space<vmem>>
        %dma_wait3A_354 = arith.constant 0 : i32
        %dma_wait3A_355 = tpu.memref_slice %arg8[%add3A_292, %dma_wait3A_354] : memref<80x125xi32, #tpu.memory_space<vmem>> -> memref<1x125xi32, #tpu.memory_space<vmem>>
        %dma_wait3A_356 = tpu.memref_squeeze %dma_wait3A_355 : memref<1x125xi32, #tpu.memory_space<vmem>> -> memref<125xi32, #tpu.memory_space<vmem>>
        %dma_wait3A_357 = arith.constant 0 : i32
        %dma_wait3A_358 = arith.constant 0 : i32
        %dma_wait3A_359 = tpu.memref_slice %arg11[%dma_wait3A_357, %dma_wait3A_358] : memref<10000x64xf32, #tpu.memory_space<vmem_shared>> -> memref<10000x64xf32, #tpu.memory_space<vmem_shared>>
        tpu.wait_indirect_dma semaphore(%run_scoped3A_339 : memref<!tpu.dma_semaphore, #tpu.memory_space<semaphore_mem>>) src(%dma_wait3A_353 : memref<125x64xf32, #tpu.memory_space<vmem>>) dst(%dma_wait3A_359 : memref<10000x64xf32, #tpu.memory_space<vmem_shared>>)
        tpu.yield
      }) : () -> ()
      %add3A_308 = arith.constant 8 : i32
      %add3A_309 = arith.addi %add3A_292, %add3A_308 : i32
      %lt3A_310 = arith.constant 80 : i32
      %lt3A_311 = arith.cmpi slt, %add3A_309, %lt3A_310 : i32
      %convert_element_type3A_312 = arith.extui %lt3A_311 : i1 to i32
      %cond3A_313 = arith.constant 0 : i32
      %cond3A_314 = arith.cmpi ne, %convert_element_type3A_312, %cond3A_313 : i32
      scf.if %cond3A_314 {
        %dma_start3A_339 = arith.constant 6 : i32
        %dma_start3A_340 = arith.constant 6 : i32
        %dma_start3A_341 = arith.constant 0 : i32
        %dma_start3A_342 = arith.constant 0 : i32
        %dma_start3A_343 = tpu.memref_slice %arg9[%dma_start3A_339, %dma_start3A_341, %dma_start3A_342] : memref<8x125x64xf32, #tpu.memory_space<vmem>> -> memref<1x125x64xf32, #tpu.memory_space<vmem>>
        %dma_start3A_344 = tpu.memref_squeeze %dma_start3A_343 : memref<1x125x64xf32, #tpu.memory_space<vmem>> -> memref<125x64xf32, #tpu.memory_space<vmem>>
        %dma_start3A_345 = arith.constant 0 : i32
        %dma_start3A_346 = tpu.memref_slice %arg7[%add3A_309, %dma_start3A_345] : memref<80x125xi32, #tpu.memory_space<vmem>> -> memref<1x125xi32, #tpu.memory_space<vmem>>
        %dma_start3A_347 = tpu.memref_squeeze %dma_start3A_346 : memref<1x125xi32, #tpu.memory_space<vmem>> -> memref<125xi32, #tpu.memory_space<vmem>>
        %dma_start3A_348 = arith.constant 0 : i32
        %dma_start3A_349 = arith.constant 0 : i32
        %dma_start3A_350 = tpu.memref_slice %arg2[%dma_start3A_348, %dma_start3A_349] : memref<10000x64xf32, #tpu.memory_space<hbm>> -> memref<10000x64xf32, #tpu.memory_space<hbm>>
        %dma_start3A_351 = tpu.memref_slice %arg10[%dma_start3A_340] : memref<8x!tpu.dma_semaphore, #tpu.memory_space<semaphore_mem>> -> memref<1x!tpu.dma_semaphore, #tpu.memory_space<semaphore_mem>>
        %dma_start3A_352 = tpu.memref_squeeze %dma_start3A_351 : memref<1x!tpu.dma_semaphore, #tpu.memory_space<semaphore_mem>> -> memref<!tpu.dma_semaphore, #tpu.memory_space<semaphore_mem>>
        tpu.enqueue_indirect_dma source(%dma_start3A_350 : memref<10000x64xf32, #tpu.memory_space<hbm>>) target(%dma_start3A_344 : memref<125x64xf32, #tpu.memory_space<vmem>>) offsets(%dma_start3A_347 : memref<125xi32, #tpu.memory_space<vmem>>) semaphore(%dma_start3A_352 : memref<!tpu.dma_semaphore, #tpu.memory_space<semaphore_mem>>)
      } else {
      }
      %add3A_315 = arith.constant 7 : i32
      %add3A_316 = arith.addi %mul3A_148, %add3A_315 : i32
      %dma_wait3A_317 = arith.constant 7 : i32
      %dma_wait3A_318 = arith.constant 7 : i32
      %dma_wait3A_319 = arith.constant 0 : i32
      %dma_wait3A_320 = arith.constant 0 : i32
      %dma_wait3A_321 = tpu.memref_slice %arg9[%dma_wait3A_317, %dma_wait3A_319, %dma_wait3A_320] : memref<8x125x64xf32, #tpu.memory_space<vmem>> -> memref<1x125x64xf32, #tpu.memory_space<vmem>>
      %dma_wait3A_322 = tpu.memref_squeeze %dma_wait3A_321 : memref<1x125x64xf32, #tpu.memory_space<vmem>> -> memref<125x64xf32, #tpu.memory_space<vmem>>
      %dma_wait3A_323 = arith.constant 0 : i32
      %dma_wait3A_324 = tpu.memref_slice %arg7[%add3A_316, %dma_wait3A_323] : memref<80x125xi32, #tpu.memory_space<vmem>> -> memref<1x125xi32, #tpu.memory_space<vmem>>
      %dma_wait3A_325 = tpu.memref_squeeze %dma_wait3A_324 : memref<1x125xi32, #tpu.memory_space<vmem>> -> memref<125xi32, #tpu.memory_space<vmem>>
      %dma_wait3A_326 = arith.constant 0 : i32
      %dma_wait3A_327 = arith.constant 0 : i32
      %dma_wait3A_328 = tpu.memref_slice %arg2[%dma_wait3A_326, %dma_wait3A_327] : memref<10000x64xf32, #tpu.memory_space<hbm>> -> memref<10000x64xf32, #tpu.memory_space<hbm>>
      %dma_wait3A_329 = tpu.memref_slice %arg10[%dma_wait3A_318] : memref<8x!tpu.dma_semaphore, #tpu.memory_space<semaphore_mem>> -> memref<1x!tpu.dma_semaphore, #tpu.memory_space<semaphore_mem>>
      %dma_wait3A_330 = tpu.memref_squeeze %dma_wait3A_329 : memref<1x!tpu.dma_semaphore, #tpu.memory_space<semaphore_mem>> -> memref<!tpu.dma_semaphore, #tpu.memory_space<semaphore_mem>>
      tpu.wait_indirect_dma semaphore(%dma_wait3A_330 : memref<!tpu.dma_semaphore, #tpu.memory_space<semaphore_mem>>) src(%dma_wait3A_328 : memref<10000x64xf32, #tpu.memory_space<hbm>>) dst(%dma_wait3A_322 : memref<125x64xf32, #tpu.memory_space<vmem>>)
      %run_scoped3A_331 = arith.constant 7 : i32
      "tpu.region"() ({
        %run_scoped3A_339 = tpu.sem_alloc : memref<!tpu.dma_semaphore, #tpu.memory_space<semaphore_mem>>
        %dma_start3A_340 = arith.constant 0 : i32
        %dma_start3A_341 = arith.constant 0 : i32
        %dma_start3A_342 = tpu.memref_slice %arg9[%run_scoped3A_331, %dma_start3A_340, %dma_start3A_341] : memref<8x125x64xf32, #tpu.memory_space<vmem>> -> memref<1x125x64xf32, #tpu.memory_space<vmem>>
        %dma_start3A_343 = tpu.memref_squeeze %dma_start3A_342 : memref<1x125x64xf32, #tpu.memory_space<vmem>> -> memref<125x64xf32, #tpu.memory_space<vmem>>
        %dma_start3A_344 = arith.constant 0 : i32
        %dma_start3A_345 = tpu.memref_slice %arg8[%add3A_316, %dma_start3A_344] : memref<80x125xi32, #tpu.memory_space<vmem>> -> memref<1x125xi32, #tpu.memory_space<vmem>>
        %dma_start3A_346 = tpu.memref_squeeze %dma_start3A_345 : memref<1x125xi32, #tpu.memory_space<vmem>> -> memref<125xi32, #tpu.memory_space<vmem>>
        %dma_start3A_347 = arith.constant 0 : i32
        %dma_start3A_348 = arith.constant 0 : i32
        %dma_start3A_349 = tpu.memref_slice %arg11[%dma_start3A_347, %dma_start3A_348] : memref<10000x64xf32, #tpu.memory_space<vmem_shared>> -> memref<10000x64xf32, #tpu.memory_space<vmem_shared>>
        tpu.enqueue_indirect_dma source(%dma_start3A_343 : memref<125x64xf32, #tpu.memory_space<vmem>>) target(%dma_start3A_349 : memref<10000x64xf32, #tpu.memory_space<vmem_shared>>) offsets(%dma_start3A_346 : memref<125xi32, #tpu.memory_space<vmem>>) semaphore(%run_scoped3A_339 : memref<!tpu.dma_semaphore, #tpu.memory_space<semaphore_mem>>) {add = true}
        %dma_wait3A_350 = arith.constant 0 : i32
        %dma_wait3A_351 = arith.constant 0 : i32
        %dma_wait3A_352 = tpu.memref_slice %arg9[%run_scoped3A_331, %dma_wait3A_350, %dma_wait3A_351] : memref<8x125x64xf32, #tpu.memory_space<vmem>> -> memref<1x125x64xf32, #tpu.memory_space<vmem>>
        %dma_wait3A_353 = tpu.memref_squeeze %dma_wait3A_352 : memref<1x125x64xf32, #tpu.memory_space<vmem>> -> memref<125x64xf32, #tpu.memory_space<vmem>>
        %dma_wait3A_354 = arith.constant 0 : i32
        %dma_wait3A_355 = tpu.memref_slice %arg8[%add3A_316, %dma_wait3A_354] : memref<80x125xi32, #tpu.memory_space<vmem>> -> memref<1x125xi32, #tpu.memory_space<vmem>>
        %dma_wait3A_356 = tpu.memref_squeeze %dma_wait3A_355 : memref<1x125xi32, #tpu.memory_space<vmem>> -> memref<125xi32, #tpu.memory_space<vmem>>
        %dma_wait3A_357 = arith.constant 0 : i32
        %dma_wait3A_358 = arith.constant 0 : i32
        %dma_wait3A_359 = tpu.memref_slice %arg11[%dma_wait3A_357, %dma_wait3A_358] : memref<10000x64xf32, #tpu.memory_space<vmem_shared>> -> memref<10000x64xf32, #tpu.memory_space<vmem_shared>>
        tpu.wait_indirect_dma semaphore(%run_scoped3A_339 : memref<!tpu.dma_semaphore, #tpu.memory_space<semaphore_mem>>) src(%dma_wait3A_353 : memref<125x64xf32, #tpu.memory_space<vmem>>) dst(%dma_wait3A_359 : memref<10000x64xf32, #tpu.memory_space<vmem_shared>>)
        tpu.yield
      }) : () -> ()
      %add3A_332 = arith.constant 8 : i32
      %add3A_333 = arith.addi %add3A_316, %add3A_332 : i32
      %lt3A_334 = arith.constant 80 : i32
      %lt3A_335 = arith.cmpi slt, %add3A_333, %lt3A_334 : i32
      %convert_element_type3A_336 = arith.extui %lt3A_335 : i1 to i32
      %cond3A_337 = arith.constant 0 : i32
      %cond3A_338 = arith.cmpi ne, %convert_element_type3A_336, %cond3A_337 : i32
      scf.if %cond3A_338 {
        %dma_start3A_339 = arith.constant 7 : i32
        %dma_start3A_340 = arith.constant 7 : i32
        %dma_start3A_341 = arith.constant 0 : i32
        %dma_start3A_342 = arith.constant 0 : i32
        %dma_start3A_343 = tpu.memref_slice %arg9[%dma_start3A_339, %dma_start3A_341, %dma_start3A_342] : memref<8x125x64xf32, #tpu.memory_space<vmem>> -> memref<1x125x64xf32, #tpu.memory_space<vmem>>
        %dma_start3A_344 = tpu.memref_squeeze %dma_start3A_343 : memref<1x125x64xf32, #tpu.memory_space<vmem>> -> memref<125x64xf32, #tpu.memory_space<vmem>>
        %dma_start3A_345 = arith.constant 0 : i32
        %dma_start3A_346 = tpu.memref_slice %arg7[%add3A_333, %dma_start3A_345] : memref<80x125xi32, #tpu.memory_space<vmem>> -> memref<1x125xi32, #tpu.memory_space<vmem>>
        %dma_start3A_347 = tpu.memref_squeeze %dma_start3A_346 : memref<1x125xi32, #tpu.memory_space<vmem>> -> memref<125xi32, #tpu.memory_space<vmem>>
        %dma_start3A_348 = arith.constant 0 : i32
        %dma_start3A_349 = arith.constant 0 : i32
        %dma_start3A_350 = tpu.memref_slice %arg2[%dma_start3A_348, %dma_start3A_349] : memref<10000x64xf32, #tpu.memory_space<hbm>> -> memref<10000x64xf32, #tpu.memory_space<hbm>>
        %dma_start3A_351 = tpu.memref_slice %arg10[%dma_start3A_340] : memref<8x!tpu.dma_semaphore, #tpu.memory_space<semaphore_mem>> -> memref<1x!tpu.dma_semaphore, #tpu.memory_space<semaphore_mem>>
        %dma_start3A_352 = tpu.memref_squeeze %dma_start3A_351 : memref<1x!tpu.dma_semaphore, #tpu.memory_space<semaphore_mem>> -> memref<!tpu.dma_semaphore, #tpu.memory_space<semaphore_mem>>
        tpu.enqueue_indirect_dma source(%dma_start3A_350 : memref<10000x64xf32, #tpu.memory_space<hbm>>) target(%dma_start3A_344 : memref<125x64xf32, #tpu.memory_space<vmem>>) offsets(%dma_start3A_347 : memref<125xi32, #tpu.memory_space<vmem>>) semaphore(%dma_start3A_352 : memref<!tpu.dma_semaphore, #tpu.memory_space<semaphore_mem>>)
      } else {
      }
    }
    %scan3A_134 = arith.constant 10 : i32
    %barrier3A_135 = arith.constant 0 : index
    tpu.barrier barrier_id(%barrier3A_135)
    %lt3A_136 = arith.constant 15 : i32
    %lt3A_137 = arith.cmpi slt, %arg1, %lt3A_136 : i32
    %convert_element_type3A_138 = arith.extui %lt3A_137 : i1 to i32
    %cond3A_139 = arith.constant 0 : i32
    %cond3A_140 = arith.cmpi ne, %convert_element_type3A_138, %cond3A_139 : i32
    scf.if %cond3A_140 {
      %mul3A_146 = arith.constant 632 : i32
      %mul3A_147 = arith.muli %arg1, %mul3A_146 : i32
      %mul3A_148 = arith.constant 10000 : i32
      %mul3A_149 = arith.muli %arg0, %mul3A_148 : i32
      %mul3A_150 = arith.constant 632 : i32
      %mul3A_151 = arith.muli %arg1, %mul3A_150 : i32
      %add3A_152 = arith.addi %mul3A_149, %mul3A_151 : i32
      "tpu.region"() ({
        %run_scoped3A = tpu.sem_alloc : memref<!tpu.dma_semaphore, #tpu.memory_space<semaphore_mem>>
        %dma_start3A_153 = arith.constant 0 : i32
        %dma_start3A_154 = tpu.memref_slice %arg6[%add3A_152, %dma_start3A_153] : memref<20000x64xf32, #tpu.memory_space<hbm>> -> memref<632x64xf32, #tpu.memory_space<hbm>>
        %dma_start3A_155 = arith.constant 0 : i32
        %dma_start3A_156 = tpu.memref_slice %arg11[%mul3A_147, %dma_start3A_155] : memref<10000x64xf32, #tpu.memory_space<vmem_shared>> -> memref<632x64xf32, #tpu.memory_space<vmem_shared>>
        tpu.enqueue_dma source(%dma_start3A_156 : memref<632x64xf32, #tpu.memory_space<vmem_shared>>) target(%dma_start3A_154 : memref<632x64xf32, #tpu.memory_space<hbm>>) target_semaphore(%run_scoped3A : memref<!tpu.dma_semaphore, #tpu.memory_space<semaphore_mem>>)
        %dma_wait3A = arith.constant 0 : i32
        %dma_wait3A_157 = tpu.memref_slice %arg6[%add3A_152, %dma_wait3A] : memref<20000x64xf32, #tpu.memory_space<hbm>> -> memref<632x64xf32, #tpu.memory_space<hbm>>
        %dma_wait3A_158 = arith.constant 0 : i32
        %dma_wait3A_159 = tpu.memref_slice %arg11[%mul3A_147, %dma_wait3A_158] : memref<10000x64xf32, #tpu.memory_space<vmem_shared>> -> memref<632x64xf32, #tpu.memory_space<vmem_shared>>
        tpu.wait_dma2 semaphore(%run_scoped3A : memref<!tpu.dma_semaphore, #tpu.memory_space<semaphore_mem>>) src(%dma_wait3A_159 : memref<632x64xf32, #tpu.memory_space<vmem_shared>>) dst(%dma_wait3A_157 : memref<632x64xf32, #tpu.memory_space<hbm>>)
        tpu.yield
      }) : () -> ()
    } else {
    }
    %eq3A_141 = arith.constant 15 : i32
    %eq3A_142 = arith.cmpi eq, %arg1, %eq3A_141 : i32
    %convert_element_type3A_143 = arith.extui %eq3A_142 : i1 to i32
    %cond3A_144 = arith.constant 0 : i32
    %cond3A_145 = arith.cmpi ne, %convert_element_type3A_143, %cond3A_144 : i32
    scf.if %cond3A_145 {
      %mul3A_146 = arith.constant 10000 : i32
      %mul3A_147 = arith.muli %arg0, %mul3A_146 : i32
      %add3A_148 = arith.constant 9480 : i32
      %add3A_149 = arith.addi %mul3A_147, %add3A_148 : i32
      "tpu.region"() ({
        %run_scoped3A = tpu.sem_alloc : memref<!tpu.dma_semaphore, #tpu.memory_space<semaphore_mem>>
        %dma_start3A_150 = arith.constant 0 : i32
        %dma_start3A_151 = tpu.memref_slice %arg6[%add3A_149, %dma_start3A_150] : memref<20000x64xf32, #tpu.memory_space<hbm>> -> memref<520x64xf32, #tpu.memory_space<hbm>>
        %dma_start3A_152 = arith.constant 9480 : i32
        %dma_start3A_153 = arith.constant 0 : i32
        %dma_start3A_154 = tpu.memref_slice %arg11[%dma_start3A_152, %dma_start3A_153] : memref<10000x64xf32, #tpu.memory_space<vmem_shared>> -> memref<520x64xf32, #tpu.memory_space<vmem_shared>>
        tpu.enqueue_dma source(%dma_start3A_154 : memref<520x64xf32, #tpu.memory_space<vmem_shared>>) target(%dma_start3A_151 : memref<520x64xf32, #tpu.memory_space<hbm>>) target_semaphore(%run_scoped3A : memref<!tpu.dma_semaphore, #tpu.memory_space<semaphore_mem>>)
        %dma_wait3A = arith.constant 0 : i32
        %dma_wait3A_155 = tpu.memref_slice %arg6[%add3A_149, %dma_wait3A] : memref<20000x64xf32, #tpu.memory_space<hbm>> -> memref<520x64xf32, #tpu.memory_space<hbm>>
        %dma_wait3A_156 = arith.constant 9480 : i32
        %dma_wait3A_157 = arith.constant 0 : i32
        %dma_wait3A_158 = tpu.memref_slice %arg11[%dma_wait3A_156, %dma_wait3A_157] : memref<10000x64xf32, #tpu.memory_space<vmem_shared>> -> memref<520x64xf32, #tpu.memory_space<vmem_shared>>
        tpu.wait_dma2 semaphore(%run_scoped3A : memref<!tpu.dma_semaphore, #tpu.memory_space<semaphore_mem>>) src(%dma_wait3A_158 : memref<520x64xf32, #tpu.memory_space<vmem_shared>>) dst(%dma_wait3A_155 : memref<520x64xf32, #tpu.memory_space<hbm>>)
        tpu.yield
      }) : () -> ()
    } else {
    }
    return
  }
}

#map = affine_map<(d0, d1) -> (0, 0)>
module attributes {stable_mosaic.version = 14 : i64} {
  func.func @body(%arg0: i32, %arg1: i32, %arg2: memref<10000x32xf32, #tpu.memory_space<hbm>>, %arg3: memref<2560x125xi32, #tpu.memory_space<hbm>>, %arg4: memref<2560x125xi32, #tpu.memory_space<hbm>>, %arg5: memref<10000x32xf32, #tpu.memory_space<hbm>>, %arg6: memref<20000x32xf32, #tpu.memory_space<hbm>>, %arg7: memref<80x125xi32, #tpu.memory_space<vmem>>, %arg8: memref<80x125xi32, #tpu.memory_space<vmem>>, %arg9: memref<8x125x32xf32, #tpu.memory_space<vmem>>, %arg10: memref<8x!tpu.dma_semaphore, #tpu.memory_space<semaphore_mem>>, %arg11: memref<10000x32xf32, #tpu.memory_space<vmem_shared>>) attributes {dimension_semantics = [#tpu.dimension_semantics<core_parallel>, #tpu.dimension_semantics<subcore_parallel>], iteration_bounds = array<i64: 2, 16>, scalar_prefetch = 0 : i64, scratch_operands = 5 : i64, tpu.core_type = #tpu.core_type<sc_vector_subcore>, window_params = [{transform_indices = #map}, {transform_indices = #map}, {transform_indices = #map}, {transform_indices = #map}, {transform_indices = #map}]} {
    %mul3A = arith.constant 2 : i32
    %mul3A_0 = arith.muli %arg1, %mul3A : i32
    %add3A = arith.addi %mul3A_0, %arg0 : i32
    %lt3A = arith.constant 15 : i32
    %lt3A_1 = arith.cmpi slt, %arg1, %lt3A : i32
    %convert_element_type3A = arith.extui %lt3A_1 : i1 to i32
    %cond3A = arith.constant 0 : i32
    %cond3A_2 = arith.cmpi ne, %convert_element_type3A, %cond3A : i32
    scf.if %cond3A_2 {
      %mul3A_146 = arith.constant 632 : i32
      %mul3A_147 = arith.muli %arg1, %mul3A_146 : i32
      %mul3A_148 = arith.constant 632 : i32
      %mul3A_149 = arith.muli %arg1, %mul3A_148 : i32
      "tpu.region"() ({
        %run_scoped3A = tpu.sem_alloc : memref<!tpu.dma_semaphore, #tpu.memory_space<semaphore_mem>>
        %dma_start3A_150 = arith.constant 0 : i32
        %dma_start3A_151 = tpu.memref_slice %arg11[%mul3A_149, %dma_start3A_150] : memref<10000x32xf32, #tpu.memory_space<vmem_shared>> -> memref<632x32xf32, #tpu.memory_space<vmem_shared>>
        %dma_start3A_152 = arith.constant 0 : i32
        %dma_start3A_153 = tpu.memref_slice %arg5[%mul3A_147, %dma_start3A_152] : memref<10000x32xf32, #tpu.memory_space<hbm>> -> memref<632x32xf32, #tpu.memory_space<hbm>>
        tpu.enqueue_dma source(%dma_start3A_153 : memref<632x32xf32, #tpu.memory_space<hbm>>) target(%dma_start3A_151 : memref<632x32xf32, #tpu.memory_space<vmem_shared>>) target_semaphore(%run_scoped3A : memref<!tpu.dma_semaphore, #tpu.memory_space<semaphore_mem>>)
        %dma_wait3A = arith.constant 0 : i32
        %dma_wait3A_154 = tpu.memref_slice %arg11[%mul3A_149, %dma_wait3A] : memref<10000x32xf32, #tpu.memory_space<vmem_shared>> -> memref<632x32xf32, #tpu.memory_space<vmem_shared>>
        %dma_wait3A_155 = arith.constant 0 : i32
        %dma_wait3A_156 = tpu.memref_slice %arg5[%mul3A_147, %dma_wait3A_155] : memref<10000x32xf32, #tpu.memory_space<hbm>> -> memref<632x32xf32, #tpu.memory_space<hbm>>
        tpu.wait_dma2 semaphore(%run_scoped3A : memref<!tpu.dma_semaphore, #tpu.memory_space<semaphore_mem>>) src(%dma_wait3A_156 : memref<632x32xf32, #tpu.memory_space<hbm>>) dst(%dma_wait3A_154 : memref<632x32xf32, #tpu.memory_space<vmem_shared>>)
        tpu.yield
      }) : () -> ()
    } else {
    }
    %eq3A = arith.constant 15 : i32
    %eq3A_3 = arith.cmpi eq, %arg1, %eq3A : i32
    %convert_element_type3A_4 = arith.extui %eq3A_3 : i1 to i32
    %cond3A_5 = arith.constant 0 : i32
    %cond3A_6 = arith.cmpi ne, %convert_element_type3A_4, %cond3A_5 : i32
    scf.if %cond3A_6 {
      "tpu.region"() ({
        %run_scoped3A = tpu.sem_alloc : memref<!tpu.dma_semaphore, #tpu.memory_space<semaphore_mem>>
        %dma_start3A_146 = arith.constant 9480 : i32
        %dma_start3A_147 = arith.constant 0 : i32
        %dma_start3A_148 = tpu.memref_slice %arg11[%dma_start3A_146, %dma_start3A_147] : memref<10000x32xf32, #tpu.memory_space<vmem_shared>> -> memref<520x32xf32, #tpu.memory_space<vmem_shared>>
        %dma_start3A_149 = arith.constant 9480 : i32
        %dma_start3A_150 = arith.constant 0 : i32
        %dma_start3A_151 = tpu.memref_slice %arg5[%dma_start3A_149, %dma_start3A_150] : memref<10000x32xf32, #tpu.memory_space<hbm>> -> memref<520x32xf32, #tpu.memory_space<hbm>>
        tpu.enqueue_dma source(%dma_start3A_151 : memref<520x32xf32, #tpu.memory_space<hbm>>) target(%dma_start3A_148 : memref<520x32xf32, #tpu.memory_space<vmem_shared>>) target_semaphore(%run_scoped3A : memref<!tpu.dma_semaphore, #tpu.memory_space<semaphore_mem>>)
        %dma_wait3A = arith.constant 9480 : i32
        %dma_wait3A_152 = arith.constant 0 : i32
        %dma_wait3A_153 = tpu.memref_slice %arg11[%dma_wait3A, %dma_wait3A_152] : memref<10000x32xf32, #tpu.memory_space<vmem_shared>> -> memref<520x32xf32, #tpu.memory_space<vmem_shared>>
        %dma_wait3A_154 = arith.constant 9480 : i32
        %dma_wait3A_155 = arith.constant 0 : i32
        %dma_wait3A_156 = tpu.memref_slice %arg5[%dma_wait3A_154, %dma_wait3A_155] : memref<10000x32xf32, #tpu.memory_space<hbm>> -> memref<520x32xf32, #tpu.memory_space<hbm>>
        tpu.wait_dma2 semaphore(%run_scoped3A : memref<!tpu.dma_semaphore, #tpu.memory_space<semaphore_mem>>) src(%dma_wait3A_156 : memref<520x32xf32, #tpu.memory_space<hbm>>) dst(%dma_wait3A_153 : memref<520x32xf32, #tpu.memory_space<vmem_shared>>)
        tpu.yield
      }) : () -> ()
    } else {
    }
    %mul3A_7 = arith.constant 80 : i32
    %mul3A_8 = arith.muli %add3A, %mul3A_7 : i32
    "tpu.region"() ({
      %run_scoped3A = tpu.sem_alloc : memref<!tpu.dma_semaphore, #tpu.memory_space<semaphore_mem>>
      %dma_start3A_146 = arith.constant 0 : i32
      %dma_start3A_147 = tpu.memref_slice %arg3[%mul3A_8, %dma_start3A_146] : memref<2560x125xi32, #tpu.memory_space<hbm>> -> memref<80x125xi32, #tpu.memory_space<hbm>>
      %dma_start3A_148 = arith.constant 0 : i32
      %dma_start3A_149 = tpu.memref_slice %arg3[%mul3A_8, %dma_start3A_148] : memref<2560x125xi32, #tpu.memory_space<hbm>> -> memref<80x125xi32, #tpu.memory_space<hbm>>
      tpu.enqueue_dma source(%dma_start3A_149 : memref<80x125xi32, #tpu.memory_space<hbm>>) target(%arg7 : memref<80x125xi32, #tpu.memory_space<vmem>>) target_semaphore(%run_scoped3A : memref<!tpu.dma_semaphore, #tpu.memory_space<semaphore_mem>>)
      %dma_wait3A = arith.constant 0 : i32
      %dma_wait3A_150 = tpu.memref_slice %arg3[%mul3A_8, %dma_wait3A] : memref<2560x125xi32, #tpu.memory_space<hbm>> -> memref<80x125xi32, #tpu.memory_space<hbm>>
      %dma_wait3A_151 = arith.constant 0 : i32
      %dma_wait3A_152 = tpu.memref_slice %arg3[%mul3A_8, %dma_wait3A_151] : memref<2560x125xi32, #tpu.memory_space<hbm>> -> memref<80x125xi32, #tpu.memory_space<hbm>>
      tpu.wait_dma2 semaphore(%run_scoped3A : memref<!tpu.dma_semaphore, #tpu.memory_space<semaphore_mem>>) src(%dma_wait3A_152 : memref<80x125xi32, #tpu.memory_space<hbm>>) dst(%arg7 : memref<80x125xi32, #tpu.memory_space<vmem>>)
      tpu.yield
    }) : () -> ()
    %mul3A_9 = arith.constant 80 : i32
    %mul3A_10 = arith.muli %add3A, %mul3A_9 : i32
    "tpu.region"() ({
      %run_scoped3A = tpu.sem_alloc : memref<!tpu.dma_semaphore, #tpu.memory_space<semaphore_mem>>
      %dma_start3A_146 = arith.constant 0 : i32
      %dma_start3A_147 = tpu.memref_slice %arg4[%mul3A_10, %dma_start3A_146] : memref<2560x125xi32, #tpu.memory_space<hbm>> -> memref<80x125xi32, #tpu.memory_space<hbm>>
      %dma_start3A_148 = arith.constant 0 : i32
      %dma_start3A_149 = tpu.memref_slice %arg4[%mul3A_10, %dma_start3A_148] : memref<2560x125xi32, #tpu.memory_space<hbm>> -> memref<80x125xi32, #tpu.memory_space<hbm>>
      tpu.enqueue_dma source(%dma_start3A_149 : memref<80x125xi32, #tpu.memory_space<hbm>>) target(%arg8 : memref<80x125xi32, #tpu.memory_space<vmem>>) target_semaphore(%run_scoped3A : memref<!tpu.dma_semaphore, #tpu.memory_space<semaphore_mem>>)
      %dma_wait3A = arith.constant 0 : i32
      %dma_wait3A_150 = tpu.memref_slice %arg4[%mul3A_10, %dma_wait3A] : memref<2560x125xi32, #tpu.memory_space<hbm>> -> memref<80x125xi32, #tpu.memory_space<hbm>>
      %dma_wait3A_151 = arith.constant 0 : i32
      %dma_wait3A_152 = tpu.memref_slice %arg4[%mul3A_10, %dma_wait3A_151] : memref<2560x125xi32, #tpu.memory_space<hbm>> -> memref<80x125xi32, #tpu.memory_space<hbm>>
      tpu.wait_dma2 semaphore(%run_scoped3A : memref<!tpu.dma_semaphore, #tpu.memory_space<semaphore_mem>>) src(%dma_wait3A_152 : memref<80x125xi32, #tpu.memory_space<hbm>>) dst(%arg8 : memref<80x125xi32, #tpu.memory_space<vmem>>)
      tpu.yield
    }) : () -> ()
    %barrier3A = arith.constant 0 : index
    tpu.barrier barrier_id(%barrier3A)
    %dma_start3A = arith.constant 0 : i32
    %dma_start3A_11 = arith.constant 0 : i32
    %dma_start3A_12 = arith.constant 0 : i32
    %dma_start3A_13 = arith.constant 0 : i32
    %dma_start3A_14 = arith.constant 0 : i32
    %dma_start3A_15 = tpu.memref_slice %arg9[%dma_start3A_11, %dma_start3A_13, %dma_start3A_14] : memref<8x125x32xf32, #tpu.memory_space<vmem>> -> memref<1x125x32xf32, #tpu.memory_space<vmem>>
    %dma_start3A_16 = tpu.memref_squeeze %dma_start3A_15 : memref<1x125x32xf32, #tpu.memory_space<vmem>> -> memref<125x32xf32, #tpu.memory_space<vmem>>
    %dma_start3A_17 = arith.constant 0 : i32
    %dma_start3A_18 = tpu.memref_slice %arg7[%dma_start3A, %dma_start3A_17] : memref<80x125xi32, #tpu.memory_space<vmem>> -> memref<1x125xi32, #tpu.memory_space<vmem>>
    %dma_start3A_19 = tpu.memref_squeeze %dma_start3A_18 : memref<1x125xi32, #tpu.memory_space<vmem>> -> memref<125xi32, #tpu.memory_space<vmem>>
    %dma_start3A_20 = arith.constant 0 : i32
    %dma_start3A_21 = arith.constant 0 : i32
    %dma_start3A_22 = tpu.memref_slice %arg2[%dma_start3A_20, %dma_start3A_21] : memref<10000x32xf32, #tpu.memory_space<hbm>> -> memref<10000x32xf32, #tpu.memory_space<hbm>>
    %dma_start3A_23 = tpu.memref_slice %arg10[%dma_start3A_12] : memref<8x!tpu.dma_semaphore, #tpu.memory_space<semaphore_mem>> -> memref<1x!tpu.dma_semaphore, #tpu.memory_space<semaphore_mem>>
    %dma_start3A_24 = tpu.memref_squeeze %dma_start3A_23 : memref<1x!tpu.dma_semaphore, #tpu.memory_space<semaphore_mem>> -> memref<!tpu.dma_semaphore, #tpu.memory_space<semaphore_mem>>
    tpu.enqueue_indirect_dma source(%dma_start3A_22 : memref<10000x32xf32, #tpu.memory_space<hbm>>) target(%dma_start3A_16 : memref<125x32xf32, #tpu.memory_space<vmem>>) offsets(%dma_start3A_19 : memref<125xi32, #tpu.memory_space<vmem>>) semaphore(%dma_start3A_24 : memref<!tpu.dma_semaphore, #tpu.memory_space<semaphore_mem>>)
    %dma_start3A_25 = arith.constant 1 : i32
    %dma_start3A_26 = arith.constant 1 : i32
    %dma_start3A_27 = arith.constant 1 : i32
    %dma_start3A_28 = arith.constant 0 : i32
    %dma_start3A_29 = arith.constant 0 : i32
    %dma_start3A_30 = tpu.memref_slice %arg9[%dma_start3A_26, %dma_start3A_28, %dma_start3A_29] : memref<8x125x32xf32, #tpu.memory_space<vmem>> -> memref<1x125x32xf32, #tpu.memory_space<vmem>>
    %dma_start3A_31 = tpu.memref_squeeze %dma_start3A_30 : memref<1x125x32xf32, #tpu.memory_space<vmem>> -> memref<125x32xf32, #tpu.memory_space<vmem>>
    %dma_start3A_32 = arith.constant 0 : i32
    %dma_start3A_33 = tpu.memref_slice %arg7[%dma_start3A_25, %dma_start3A_32] : memref<80x125xi32, #tpu.memory_space<vmem>> -> memref<1x125xi32, #tpu.memory_space<vmem>>
    %dma_start3A_34 = tpu.memref_squeeze %dma_start3A_33 : memref<1x125xi32, #tpu.memory_space<vmem>> -> memref<125xi32, #tpu.memory_space<vmem>>
    %dma_start3A_35 = arith.constant 0 : i32
    %dma_start3A_36 = arith.constant 0 : i32
    %dma_start3A_37 = tpu.memref_slice %arg2[%dma_start3A_35, %dma_start3A_36] : memref<10000x32xf32, #tpu.memory_space<hbm>> -> memref<10000x32xf32, #tpu.memory_space<hbm>>
    %dma_start3A_38 = tpu.memref_slice %arg10[%dma_start3A_27] : memref<8x!tpu.dma_semaphore, #tpu.memory_space<semaphore_mem>> -> memref<1x!tpu.dma_semaphore, #tpu.memory_space<semaphore_mem>>
    %dma_start3A_39 = tpu.memref_squeeze %dma_start3A_38 : memref<1x!tpu.dma_semaphore, #tpu.memory_space<semaphore_mem>> -> memref<!tpu.dma_semaphore, #tpu.memory_space<semaphore_mem>>
    tpu.enqueue_indirect_dma source(%dma_start3A_37 : memref<10000x32xf32, #tpu.memory_space<hbm>>) target(%dma_start3A_31 : memref<125x32xf32, #tpu.memory_space<vmem>>) offsets(%dma_start3A_34 : memref<125xi32, #tpu.memory_space<vmem>>) semaphore(%dma_start3A_39 : memref<!tpu.dma_semaphore, #tpu.memory_space<semaphore_mem>>)
    %dma_start3A_40 = arith.constant 2 : i32
    %dma_start3A_41 = arith.constant 2 : i32
    %dma_start3A_42 = arith.constant 2 : i32
    %dma_start3A_43 = arith.constant 0 : i32
    %dma_start3A_44 = arith.constant 0 : i32
    %dma_start3A_45 = tpu.memref_slice %arg9[%dma_start3A_41, %dma_start3A_43, %dma_start3A_44] : memref<8x125x32xf32, #tpu.memory_space<vmem>> -> memref<1x125x32xf32, #tpu.memory_space<vmem>>
    %dma_start3A_46 = tpu.memref_squeeze %dma_start3A_45 : memref<1x125x32xf32, #tpu.memory_space<vmem>> -> memref<125x32xf32, #tpu.memory_space<vmem>>
    %dma_start3A_47 = arith.constant 0 : i32
    %dma_start3A_48 = tpu.memref_slice %arg7[%dma_start3A_40, %dma_start3A_47] : memref<80x125xi32, #tpu.memory_space<vmem>> -> memref<1x125xi32, #tpu.memory_space<vmem>>
    %dma_start3A_49 = tpu.memref_squeeze %dma_start3A_48 : memref<1x125xi32, #tpu.memory_space<vmem>> -> memref<125xi32, #tpu.memory_space<vmem>>
    %dma_start3A_50 = arith.constant 0 : i32
    %dma_start3A_51 = arith.constant 0 : i32
    %dma_start3A_52 = tpu.memref_slice %arg2[%dma_start3A_50, %dma_start3A_51] : memref<10000x32xf32, #tpu.memory_space<hbm>> -> memref<10000x32xf32, #tpu.memory_space<hbm>>
    %dma_start3A_53 = tpu.memref_slice %arg10[%dma_start3A_42] : memref<8x!tpu.dma_semaphore, #tpu.memory_space<semaphore_mem>> -> memref<1x!tpu.dma_semaphore, #tpu.memory_space<semaphore_mem>>
    %dma_start3A_54 = tpu.memref_squeeze %dma_start3A_53 : memref<1x!tpu.dma_semaphore, #tpu.memory_space<semaphore_mem>> -> memref<!tpu.dma_semaphore, #tpu.memory_space<semaphore_mem>>
    tpu.enqueue_indirect_dma source(%dma_start3A_52 : memref<10000x32xf32, #tpu.memory_space<hbm>>) target(%dma_start3A_46 : memref<125x32xf32, #tpu.memory_space<vmem>>) offsets(%dma_start3A_49 : memref<125xi32, #tpu.memory_space<vmem>>) semaphore(%dma_start3A_54 : memref<!tpu.dma_semaphore, #tpu.memory_space<semaphore_mem>>)
    %dma_start3A_55 = arith.constant 3 : i32
    %dma_start3A_56 = arith.constant 3 : i32
    %dma_start3A_57 = arith.constant 3 : i32
    %dma_start3A_58 = arith.constant 0 : i32
    %dma_start3A_59 = arith.constant 0 : i32
    %dma_start3A_60 = tpu.memref_slice %arg9[%dma_start3A_56, %dma_start3A_58, %dma_start3A_59] : memref<8x125x32xf32, #tpu.memory_space<vmem>> -> memref<1x125x32xf32, #tpu.memory_space<vmem>>
    %dma_start3A_61 = tpu.memref_squeeze %dma_start3A_60 : memref<1x125x32xf32, #tpu.memory_space<vmem>> -> memref<125x32xf32, #tpu.memory_space<vmem>>
    %dma_start3A_62 = arith.constant 0 : i32
    %dma_start3A_63 = tpu.memref_slice %arg7[%dma_start3A_55, %dma_start3A_62] : memref<80x125xi32, #tpu.memory_space<vmem>> -> memref<1x125xi32, #tpu.memory_space<vmem>>
    %dma_start3A_64 = tpu.memref_squeeze %dma_start3A_63 : memref<1x125xi32, #tpu.memory_space<vmem>> -> memref<125xi32, #tpu.memory_space<vmem>>
    %dma_start3A_65 = arith.constant 0 : i32
    %dma_start3A_66 = arith.constant 0 : i32
    %dma_start3A_67 = tpu.memref_slice %arg2[%dma_start3A_65, %dma_start3A_66] : memref<10000x32xf32, #tpu.memory_space<hbm>> -> memref<10000x32xf32, #tpu.memory_space<hbm>>
    %dma_start3A_68 = tpu.memref_slice %arg10[%dma_start3A_57] : memref<8x!tpu.dma_semaphore, #tpu.memory_space<semaphore_mem>> -> memref<1x!tpu.dma_semaphore, #tpu.memory_space<semaphore_mem>>
    %dma_start3A_69 = tpu.memref_squeeze %dma_start3A_68 : memref<1x!tpu.dma_semaphore, #tpu.memory_space<semaphore_mem>> -> memref<!tpu.dma_semaphore, #tpu.memory_space<semaphore_mem>>
    tpu.enqueue_indirect_dma source(%dma_start3A_67 : memref<10000x32xf32, #tpu.memory_space<hbm>>) target(%dma_start3A_61 : memref<125x32xf32, #tpu.memory_space<vmem>>) offsets(%dma_start3A_64 : memref<125xi32, #tpu.memory_space<vmem>>) semaphore(%dma_start3A_69 : memref<!tpu.dma_semaphore, #tpu.memory_space<semaphore_mem>>)
    %dma_start3A_70 = arith.constant 4 : i32
    %dma_start3A_71 = arith.constant 4 : i32
    %dma_start3A_72 = arith.constant 4 : i32
    %dma_start3A_73 = arith.constant 0 : i32
    %dma_start3A_74 = arith.constant 0 : i32
    %dma_start3A_75 = tpu.memref_slice %arg9[%dma_start3A_71, %dma_start3A_73, %dma_start3A_74] : memref<8x125x32xf32, #tpu.memory_space<vmem>> -> memref<1x125x32xf32, #tpu.memory_space<vmem>>
    %dma_start3A_76 = tpu.memref_squeeze %dma_start3A_75 : memref<1x125x32xf32, #tpu.memory_space<vmem>> -> memref<125x32xf32, #tpu.memory_space<vmem>>
    %dma_start3A_77 = arith.constant 0 : i32
    %dma_start3A_78 = tpu.memref_slice %arg7[%dma_start3A_70, %dma_start3A_77] : memref<80x125xi32, #tpu.memory_space<vmem>> -> memref<1x125xi32, #tpu.memory_space<vmem>>
    %dma_start3A_79 = tpu.memref_squeeze %dma_start3A_78 : memref<1x125xi32, #tpu.memory_space<vmem>> -> memref<125xi32, #tpu.memory_space<vmem>>
    %dma_start3A_80 = arith.constant 0 : i32
    %dma_start3A_81 = arith.constant 0 : i32
    %dma_start3A_82 = tpu.memref_slice %arg2[%dma_start3A_80, %dma_start3A_81] : memref<10000x32xf32, #tpu.memory_space<hbm>> -> memref<10000x32xf32, #tpu.memory_space<hbm>>
    %dma_start3A_83 = tpu.memref_slice %arg10[%dma_start3A_72] : memref<8x!tpu.dma_semaphore, #tpu.memory_space<semaphore_mem>> -> memref<1x!tpu.dma_semaphore, #tpu.memory_space<semaphore_mem>>
    %dma_start3A_84 = tpu.memref_squeeze %dma_start3A_83 : memref<1x!tpu.dma_semaphore, #tpu.memory_space<semaphore_mem>> -> memref<!tpu.dma_semaphore, #tpu.memory_space<semaphore_mem>>
    tpu.enqueue_indirect_dma source(%dma_start3A_82 : memref<10000x32xf32, #tpu.memory_space<hbm>>) target(%dma_start3A_76 : memref<125x32xf32, #tpu.memory_space<vmem>>) offsets(%dma_start3A_79 : memref<125xi32, #tpu.memory_space<vmem>>) semaphore(%dma_start3A_84 : memref<!tpu.dma_semaphore, #tpu.memory_space<semaphore_mem>>)
    %dma_start3A_85 = arith.constant 5 : i32
    %dma_start3A_86 = arith.constant 5 : i32
    %dma_start3A_87 = arith.constant 5 : i32
    %dma_start3A_88 = arith.constant 0 : i32
    %dma_start3A_89 = arith.constant 0 : i32
    %dma_start3A_90 = tpu.memref_slice %arg9[%dma_start3A_86, %dma_start3A_88, %dma_start3A_89] : memref<8x125x32xf32, #tpu.memory_space<vmem>> -> memref<1x125x32xf32, #tpu.memory_space<vmem>>
    %dma_start3A_91 = tpu.memref_squeeze %dma_start3A_90 : memref<1x125x32xf32, #tpu.memory_space<vmem>> -> memref<125x32xf32, #tpu.memory_space<vmem>>
    %dma_start3A_92 = arith.constant 0 : i32
    %dma_start3A_93 = tpu.memref_slice %arg7[%dma_start3A_85, %dma_start3A_92] : memref<80x125xi32, #tpu.memory_space<vmem>> -> memref<1x125xi32, #tpu.memory_space<vmem>>
    %dma_start3A_94 = tpu.memref_squeeze %dma_start3A_93 : memref<1x125xi32, #tpu.memory_space<vmem>> -> memref<125xi32, #tpu.memory_space<vmem>>
    %dma_start3A_95 = arith.constant 0 : i32
    %dma_start3A_96 = arith.constant 0 : i32
    %dma_start3A_97 = tpu.memref_slice %arg2[%dma_start3A_95, %dma_start3A_96] : memref<10000x32xf32, #tpu.memory_space<hbm>> -> memref<10000x32xf32, #tpu.memory_space<hbm>>
    %dma_start3A_98 = tpu.memref_slice %arg10[%dma_start3A_87] : memref<8x!tpu.dma_semaphore, #tpu.memory_space<semaphore_mem>> -> memref<1x!tpu.dma_semaphore, #tpu.memory_space<semaphore_mem>>
    %dma_start3A_99 = tpu.memref_squeeze %dma_start3A_98 : memref<1x!tpu.dma_semaphore, #tpu.memory_space<semaphore_mem>> -> memref<!tpu.dma_semaphore, #tpu.memory_space<semaphore_mem>>
    tpu.enqueue_indirect_dma source(%dma_start3A_97 : memref<10000x32xf32, #tpu.memory_space<hbm>>) target(%dma_start3A_91 : memref<125x32xf32, #tpu.memory_space<vmem>>) offsets(%dma_start3A_94 : memref<125xi32, #tpu.memory_space<vmem>>) semaphore(%dma_start3A_99 : memref<!tpu.dma_semaphore, #tpu.memory_space<semaphore_mem>>)
    %dma_start3A_100 = arith.constant 6 : i32
    %dma_start3A_101 = arith.constant 6 : i32
    %dma_start3A_102 = arith.constant 6 : i32
    %dma_start3A_103 = arith.constant 0 : i32
    %dma_start3A_104 = arith.constant 0 : i32
    %dma_start3A_105 = tpu.memref_slice %arg9[%dma_start3A_101, %dma_start3A_103, %dma_start3A_104] : memref<8x125x32xf32, #tpu.memory_space<vmem>> -> memref<1x125x32xf32, #tpu.memory_space<vmem>>
    %dma_start3A_106 = tpu.memref_squeeze %dma_start3A_105 : memref<1x125x32xf32, #tpu.memory_space<vmem>> -> memref<125x32xf32, #tpu.memory_space<vmem>>
    %dma_start3A_107 = arith.constant 0 : i32
    %dma_start3A_108 = tpu.memref_slice %arg7[%dma_start3A_100, %dma_start3A_107] : memref<80x125xi32, #tpu.memory_space<vmem>> -> memref<1x125xi32, #tpu.memory_space<vmem>>
    %dma_start3A_109 = tpu.memref_squeeze %dma_start3A_108 : memref<1x125xi32, #tpu.memory_space<vmem>> -> memref<125xi32, #tpu.memory_space<vmem>>
    %dma_start3A_110 = arith.constant 0 : i32
    %dma_start3A_111 = arith.constant 0 : i32
    %dma_start3A_112 = tpu.memref_slice %arg2[%dma_start3A_110, %dma_start3A_111] : memref<10000x32xf32, #tpu.memory_space<hbm>> -> memref<10000x32xf32, #tpu.memory_space<hbm>>
    %dma_start3A_113 = tpu.memref_slice %arg10[%dma_start3A_102] : memref<8x!tpu.dma_semaphore, #tpu.memory_space<semaphore_mem>> -> memref<1x!tpu.dma_semaphore, #tpu.memory_space<semaphore_mem>>
    %dma_start3A_114 = tpu.memref_squeeze %dma_start3A_113 : memref<1x!tpu.dma_semaphore, #tpu.memory_space<semaphore_mem>> -> memref<!tpu.dma_semaphore, #tpu.memory_space<semaphore_mem>>
    tpu.enqueue_indirect_dma source(%dma_start3A_112 : memref<10000x32xf32, #tpu.memory_space<hbm>>) target(%dma_start3A_106 : memref<125x32xf32, #tpu.memory_space<vmem>>) offsets(%dma_start3A_109 : memref<125xi32, #tpu.memory_space<vmem>>) semaphore(%dma_start3A_114 : memref<!tpu.dma_semaphore, #tpu.memory_space<semaphore_mem>>)
    %dma_start3A_115 = arith.constant 7 : i32
    %dma_start3A_116 = arith.constant 7 : i32
    %dma_start3A_117 = arith.constant 7 : i32
    %dma_start3A_118 = arith.constant 0 : i32
    %dma_start3A_119 = arith.constant 0 : i32
    %dma_start3A_120 = tpu.memref_slice %arg9[%dma_start3A_116, %dma_start3A_118, %dma_start3A_119] : memref<8x125x32xf32, #tpu.memory_space<vmem>> -> memref<1x125x32xf32, #tpu.memory_space<vmem>>
    %dma_start3A_121 = tpu.memref_squeeze %dma_start3A_120 : memref<1x125x32xf32, #tpu.memory_space<vmem>> -> memref<125x32xf32, #tpu.memory_space<vmem>>
    %dma_start3A_122 = arith.constant 0 : i32
    %dma_start3A_123 = tpu.memref_slice %arg7[%dma_start3A_115, %dma_start3A_122] : memref<80x125xi32, #tpu.memory_space<vmem>> -> memref<1x125xi32, #tpu.memory_space<vmem>>
    %dma_start3A_124 = tpu.memref_squeeze %dma_start3A_123 : memref<1x125xi32, #tpu.memory_space<vmem>> -> memref<125xi32, #tpu.memory_space<vmem>>
    %dma_start3A_125 = arith.constant 0 : i32
    %dma_start3A_126 = arith.constant 0 : i32
    %dma_start3A_127 = tpu.memref_slice %arg2[%dma_start3A_125, %dma_start3A_126] : memref<10000x32xf32, #tpu.memory_space<hbm>> -> memref<10000x32xf32, #tpu.memory_space<hbm>>
    %dma_start3A_128 = tpu.memref_slice %arg10[%dma_start3A_117] : memref<8x!tpu.dma_semaphore, #tpu.memory_space<semaphore_mem>> -> memref<1x!tpu.dma_semaphore, #tpu.memory_space<semaphore_mem>>
    %dma_start3A_129 = tpu.memref_squeeze %dma_start3A_128 : memref<1x!tpu.dma_semaphore, #tpu.memory_space<semaphore_mem>> -> memref<!tpu.dma_semaphore, #tpu.memory_space<semaphore_mem>>
    tpu.enqueue_indirect_dma source(%dma_start3A_127 : memref<10000x32xf32, #tpu.memory_space<hbm>>) target(%dma_start3A_121 : memref<125x32xf32, #tpu.memory_space<vmem>>) offsets(%dma_start3A_124 : memref<125xi32, #tpu.memory_space<vmem>>) semaphore(%dma_start3A_129 : memref<!tpu.dma_semaphore, #tpu.memory_space<semaphore_mem>>)
    %scan3A = arith.constant 0 : i32
    %scan3A_130 = arith.constant 0 : i32
    %scan3A_131 = arith.constant 10 : i32
    %scan3A_132 = arith.addi %scan3A_130, %scan3A_131 : i32
    %scan3A_133 = arith.constant 1 : i32
    scf.for %scan3A_146 = %scan3A_130 to %scan3A_132 step %scan3A_133  : i32 {
      %mul3A_147 = arith.constant 8 : i32
      %mul3A_148 = arith.muli %scan3A_146, %mul3A_147 : i32
      %add3A_149 = arith.constant 0 : i32
      %add3A_150 = arith.addi %mul3A_148, %add3A_149 : i32
      %dma_wait3A = arith.constant 0 : i32
      %dma_wait3A_151 = arith.constant 0 : i32
      %dma_wait3A_152 = arith.constant 0 : i32
      %dma_wait3A_153 = arith.constant 0 : i32
      %dma_wait3A_154 = tpu.memref_slice %arg9[%dma_wait3A, %dma_wait3A_152, %dma_wait3A_153] : memref<8x125x32xf32, #tpu.memory_space<vmem>> -> memref<1x125x32xf32, #tpu.memory_space<vmem>>
      %dma_wait3A_155 = tpu.memref_squeeze %dma_wait3A_154 : memref<1x125x32xf32, #tpu.memory_space<vmem>> -> memref<125x32xf32, #tpu.memory_space<vmem>>
      %dma_wait3A_156 = arith.constant 0 : i32
      %dma_wait3A_157 = tpu.memref_slice %arg7[%add3A_150, %dma_wait3A_156] : memref<80x125xi32, #tpu.memory_space<vmem>> -> memref<1x125xi32, #tpu.memory_space<vmem>>
      %dma_wait3A_158 = tpu.memref_squeeze %dma_wait3A_157 : memref<1x125xi32, #tpu.memory_space<vmem>> -> memref<125xi32, #tpu.memory_space<vmem>>
      %dma_wait3A_159 = arith.constant 0 : i32
      %dma_wait3A_160 = arith.constant 0 : i32
      %dma_wait3A_161 = tpu.memref_slice %arg2[%dma_wait3A_159, %dma_wait3A_160] : memref<10000x32xf32, #tpu.memory_space<hbm>> -> memref<10000x32xf32, #tpu.memory_space<hbm>>
      %dma_wait3A_162 = tpu.memref_slice %arg10[%dma_wait3A_151] : memref<8x!tpu.dma_semaphore, #tpu.memory_space<semaphore_mem>> -> memref<1x!tpu.dma_semaphore, #tpu.memory_space<semaphore_mem>>
      %dma_wait3A_163 = tpu.memref_squeeze %dma_wait3A_162 : memref<1x!tpu.dma_semaphore, #tpu.memory_space<semaphore_mem>> -> memref<!tpu.dma_semaphore, #tpu.memory_space<semaphore_mem>>
      tpu.wait_indirect_dma semaphore(%dma_wait3A_163 : memref<!tpu.dma_semaphore, #tpu.memory_space<semaphore_mem>>) src(%dma_wait3A_161 : memref<10000x32xf32, #tpu.memory_space<hbm>>) dst(%dma_wait3A_155 : memref<125x32xf32, #tpu.memory_space<vmem>>)
      %run_scoped3A = arith.constant 0 : i32
      "tpu.region"() ({
        %run_scoped3A_339 = tpu.sem_alloc : memref<!tpu.dma_semaphore, #tpu.memory_space<semaphore_mem>>
        %dma_start3A_340 = arith.constant 0 : i32
        %dma_start3A_341 = arith.constant 0 : i32
        %dma_start3A_342 = tpu.memref_slice %arg9[%run_scoped3A, %dma_start3A_340, %dma_start3A_341] : memref<8x125x32xf32, #tpu.memory_space<vmem>> -> memref<1x125x32xf32, #tpu.memory_space<vmem>>
        %dma_start3A_343 = tpu.memref_squeeze %dma_start3A_342 : memref<1x125x32xf32, #tpu.memory_space<vmem>> -> memref<125x32xf32, #tpu.memory_space<vmem>>
        %dma_start3A_344 = arith.constant 0 : i32
        %dma_start3A_345 = tpu.memref_slice %arg8[%add3A_150, %dma_start3A_344] : memref<80x125xi32, #tpu.memory_space<vmem>> -> memref<1x125xi32, #tpu.memory_space<vmem>>
        %dma_start3A_346 = tpu.memref_squeeze %dma_start3A_345 : memref<1x125xi32, #tpu.memory_space<vmem>> -> memref<125xi32, #tpu.memory_space<vmem>>
        %dma_start3A_347 = arith.constant 0 : i32
        %dma_start3A_348 = arith.constant 0 : i32
        %dma_start3A_349 = tpu.memref_slice %arg11[%dma_start3A_347, %dma_start3A_348] : memref<10000x32xf32, #tpu.memory_space<vmem_shared>> -> memref<10000x32xf32, #tpu.memory_space<vmem_shared>>
        tpu.enqueue_indirect_dma source(%dma_start3A_343 : memref<125x32xf32, #tpu.memory_space<vmem>>) target(%dma_start3A_349 : memref<10000x32xf32, #tpu.memory_space<vmem_shared>>) offsets(%dma_start3A_346 : memref<125xi32, #tpu.memory_space<vmem>>) semaphore(%run_scoped3A_339 : memref<!tpu.dma_semaphore, #tpu.memory_space<semaphore_mem>>) {add = true}
        %dma_wait3A_350 = arith.constant 0 : i32
        %dma_wait3A_351 = arith.constant 0 : i32
        %dma_wait3A_352 = tpu.memref_slice %arg9[%run_scoped3A, %dma_wait3A_350, %dma_wait3A_351] : memref<8x125x32xf32, #tpu.memory_space<vmem>> -> memref<1x125x32xf32, #tpu.memory_space<vmem>>
        %dma_wait3A_353 = tpu.memref_squeeze %dma_wait3A_352 : memref<1x125x32xf32, #tpu.memory_space<vmem>> -> memref<125x32xf32, #tpu.memory_space<vmem>>
        %dma_wait3A_354 = arith.constant 0 : i32
        %dma_wait3A_355 = tpu.memref_slice %arg8[%add3A_150, %dma_wait3A_354] : memref<80x125xi32, #tpu.memory_space<vmem>> -> memref<1x125xi32, #tpu.memory_space<vmem>>
        %dma_wait3A_356 = tpu.memref_squeeze %dma_wait3A_355 : memref<1x125xi32, #tpu.memory_space<vmem>> -> memref<125xi32, #tpu.memory_space<vmem>>
        %dma_wait3A_357 = arith.constant 0 : i32
        %dma_wait3A_358 = arith.constant 0 : i32
        %dma_wait3A_359 = tpu.memref_slice %arg11[%dma_wait3A_357, %dma_wait3A_358] : memref<10000x32xf32, #tpu.memory_space<vmem_shared>> -> memref<10000x32xf32, #tpu.memory_space<vmem_shared>>
        tpu.wait_indirect_dma semaphore(%run_scoped3A_339 : memref<!tpu.dma_semaphore, #tpu.memory_space<semaphore_mem>>) src(%dma_wait3A_353 : memref<125x32xf32, #tpu.memory_space<vmem>>) dst(%dma_wait3A_359 : memref<10000x32xf32, #tpu.memory_space<vmem_shared>>)
        tpu.yield
      }) : () -> ()
      %add3A_164 = arith.constant 8 : i32
      %add3A_165 = arith.addi %add3A_150, %add3A_164 : i32
      %lt3A_166 = arith.constant 80 : i32
      %lt3A_167 = arith.cmpi slt, %add3A_165, %lt3A_166 : i32
      %convert_element_type3A_168 = arith.extui %lt3A_167 : i1 to i32
      %cond3A_169 = arith.constant 0 : i32
      %cond3A_170 = arith.cmpi ne, %convert_element_type3A_168, %cond3A_169 : i32
      scf.if %cond3A_170 {
        %dma_start3A_339 = arith.constant 0 : i32
        %dma_start3A_340 = arith.constant 0 : i32
        %dma_start3A_341 = arith.constant 0 : i32
        %dma_start3A_342 = arith.constant 0 : i32
        %dma_start3A_343 = tpu.memref_slice %arg9[%dma_start3A_339, %dma_start3A_341, %dma_start3A_342] : memref<8x125x32xf32, #tpu.memory_space<vmem>> -> memref<1x125x32xf32, #tpu.memory_space<vmem>>
        %dma_start3A_344 = tpu.memref_squeeze %dma_start3A_343 : memref<1x125x32xf32, #tpu.memory_space<vmem>> -> memref<125x32xf32, #tpu.memory_space<vmem>>
        %dma_start3A_345 = arith.constant 0 : i32
        %dma_start3A_346 = tpu.memref_slice %arg7[%add3A_165, %dma_start3A_345] : memref<80x125xi32, #tpu.memory_space<vmem>> -> memref<1x125xi32, #tpu.memory_space<vmem>>
        %dma_start3A_347 = tpu.memref_squeeze %dma_start3A_346 : memref<1x125xi32, #tpu.memory_space<vmem>> -> memref<125xi32, #tpu.memory_space<vmem>>
        %dma_start3A_348 = arith.constant 0 : i32
        %dma_start3A_349 = arith.constant 0 : i32
        %dma_start3A_350 = tpu.memref_slice %arg2[%dma_start3A_348, %dma_start3A_349] : memref<10000x32xf32, #tpu.memory_space<hbm>> -> memref<10000x32xf32, #tpu.memory_space<hbm>>
        %dma_start3A_351 = tpu.memref_slice %arg10[%dma_start3A_340] : memref<8x!tpu.dma_semaphore, #tpu.memory_space<semaphore_mem>> -> memref<1x!tpu.dma_semaphore, #tpu.memory_space<semaphore_mem>>
        %dma_start3A_352 = tpu.memref_squeeze %dma_start3A_351 : memref<1x!tpu.dma_semaphore, #tpu.memory_space<semaphore_mem>> -> memref<!tpu.dma_semaphore, #tpu.memory_space<semaphore_mem>>
        tpu.enqueue_indirect_dma source(%dma_start3A_350 : memref<10000x32xf32, #tpu.memory_space<hbm>>) target(%dma_start3A_344 : memref<125x32xf32, #tpu.memory_space<vmem>>) offsets(%dma_start3A_347 : memref<125xi32, #tpu.memory_space<vmem>>) semaphore(%dma_start3A_352 : memref<!tpu.dma_semaphore, #tpu.memory_space<semaphore_mem>>)
      } else {
      }
      %add3A_171 = arith.constant 1 : i32
      %add3A_172 = arith.addi %mul3A_148, %add3A_171 : i32
      %dma_wait3A_173 = arith.constant 1 : i32
      %dma_wait3A_174 = arith.constant 1 : i32
      %dma_wait3A_175 = arith.constant 0 : i32
      %dma_wait3A_176 = arith.constant 0 : i32
      %dma_wait3A_177 = tpu.memref_slice %arg9[%dma_wait3A_173, %dma_wait3A_175, %dma_wait3A_176] : memref<8x125x32xf32, #tpu.memory_space<vmem>> -> memref<1x125x32xf32, #tpu.memory_space<vmem>>
      %dma_wait3A_178 = tpu.memref_squeeze %dma_wait3A_177 : memref<1x125x32xf32, #tpu.memory_space<vmem>> -> memref<125x32xf32, #tpu.memory_space<vmem>>
      %dma_wait3A_179 = arith.constant 0 : i32
      %dma_wait3A_180 = tpu.memref_slice %arg7[%add3A_172, %dma_wait3A_179] : memref<80x125xi32, #tpu.memory_space<vmem>> -> memref<1x125xi32, #tpu.memory_space<vmem>>
      %dma_wait3A_181 = tpu.memref_squeeze %dma_wait3A_180 : memref<1x125xi32, #tpu.memory_space<vmem>> -> memref<125xi32, #tpu.memory_space<vmem>>
      %dma_wait3A_182 = arith.constant 0 : i32
      %dma_wait3A_183 = arith.constant 0 : i32
      %dma_wait3A_184 = tpu.memref_slice %arg2[%dma_wait3A_182, %dma_wait3A_183] : memref<10000x32xf32, #tpu.memory_space<hbm>> -> memref<10000x32xf32, #tpu.memory_space<hbm>>
      %dma_wait3A_185 = tpu.memref_slice %arg10[%dma_wait3A_174] : memref<8x!tpu.dma_semaphore, #tpu.memory_space<semaphore_mem>> -> memref<1x!tpu.dma_semaphore, #tpu.memory_space<semaphore_mem>>
      %dma_wait3A_186 = tpu.memref_squeeze %dma_wait3A_185 : memref<1x!tpu.dma_semaphore, #tpu.memory_space<semaphore_mem>> -> memref<!tpu.dma_semaphore, #tpu.memory_space<semaphore_mem>>
      tpu.wait_indirect_dma semaphore(%dma_wait3A_186 : memref<!tpu.dma_semaphore, #tpu.memory_space<semaphore_mem>>) src(%dma_wait3A_184 : memref<10000x32xf32, #tpu.memory_space<hbm>>) dst(%dma_wait3A_178 : memref<125x32xf32, #tpu.memory_space<vmem>>)
      %run_scoped3A_187 = arith.constant 1 : i32
      "tpu.region"() ({
        %run_scoped3A_339 = tpu.sem_alloc : memref<!tpu.dma_semaphore, #tpu.memory_space<semaphore_mem>>
        %dma_start3A_340 = arith.constant 0 : i32
        %dma_start3A_341 = arith.constant 0 : i32
        %dma_start3A_342 = tpu.memref_slice %arg9[%run_scoped3A_187, %dma_start3A_340, %dma_start3A_341] : memref<8x125x32xf32, #tpu.memory_space<vmem>> -> memref<1x125x32xf32, #tpu.memory_space<vmem>>
        %dma_start3A_343 = tpu.memref_squeeze %dma_start3A_342 : memref<1x125x32xf32, #tpu.memory_space<vmem>> -> memref<125x32xf32, #tpu.memory_space<vmem>>
        %dma_start3A_344 = arith.constant 0 : i32
        %dma_start3A_345 = tpu.memref_slice %arg8[%add3A_172, %dma_start3A_344] : memref<80x125xi32, #tpu.memory_space<vmem>> -> memref<1x125xi32, #tpu.memory_space<vmem>>
        %dma_start3A_346 = tpu.memref_squeeze %dma_start3A_345 : memref<1x125xi32, #tpu.memory_space<vmem>> -> memref<125xi32, #tpu.memory_space<vmem>>
        %dma_start3A_347 = arith.constant 0 : i32
        %dma_start3A_348 = arith.constant 0 : i32
        %dma_start3A_349 = tpu.memref_slice %arg11[%dma_start3A_347, %dma_start3A_348] : memref<10000x32xf32, #tpu.memory_space<vmem_shared>> -> memref<10000x32xf32, #tpu.memory_space<vmem_shared>>
        tpu.enqueue_indirect_dma source(%dma_start3A_343 : memref<125x32xf32, #tpu.memory_space<vmem>>) target(%dma_start3A_349 : memref<10000x32xf32, #tpu.memory_space<vmem_shared>>) offsets(%dma_start3A_346 : memref<125xi32, #tpu.memory_space<vmem>>) semaphore(%run_scoped3A_339 : memref<!tpu.dma_semaphore, #tpu.memory_space<semaphore_mem>>) {add = true}
        %dma_wait3A_350 = arith.constant 0 : i32
        %dma_wait3A_351 = arith.constant 0 : i32
        %dma_wait3A_352 = tpu.memref_slice %arg9[%run_scoped3A_187, %dma_wait3A_350, %dma_wait3A_351] : memref<8x125x32xf32, #tpu.memory_space<vmem>> -> memref<1x125x32xf32, #tpu.memory_space<vmem>>
        %dma_wait3A_353 = tpu.memref_squeeze %dma_wait3A_352 : memref<1x125x32xf32, #tpu.memory_space<vmem>> -> memref<125x32xf32, #tpu.memory_space<vmem>>
        %dma_wait3A_354 = arith.constant 0 : i32
        %dma_wait3A_355 = tpu.memref_slice %arg8[%add3A_172, %dma_wait3A_354] : memref<80x125xi32, #tpu.memory_space<vmem>> -> memref<1x125xi32, #tpu.memory_space<vmem>>
        %dma_wait3A_356 = tpu.memref_squeeze %dma_wait3A_355 : memref<1x125xi32, #tpu.memory_space<vmem>> -> memref<125xi32, #tpu.memory_space<vmem>>
        %dma_wait3A_357 = arith.constant 0 : i32
        %dma_wait3A_358 = arith.constant 0 : i32
        %dma_wait3A_359 = tpu.memref_slice %arg11[%dma_wait3A_357, %dma_wait3A_358] : memref<10000x32xf32, #tpu.memory_space<vmem_shared>> -> memref<10000x32xf32, #tpu.memory_space<vmem_shared>>
        tpu.wait_indirect_dma semaphore(%run_scoped3A_339 : memref<!tpu.dma_semaphore, #tpu.memory_space<semaphore_mem>>) src(%dma_wait3A_353 : memref<125x32xf32, #tpu.memory_space<vmem>>) dst(%dma_wait3A_359 : memref<10000x32xf32, #tpu.memory_space<vmem_shared>>)
        tpu.yield
      }) : () -> ()
      %add3A_188 = arith.constant 8 : i32
      %add3A_189 = arith.addi %add3A_172, %add3A_188 : i32
      %lt3A_190 = arith.constant 80 : i32
      %lt3A_191 = arith.cmpi slt, %add3A_189, %lt3A_190 : i32
      %convert_element_type3A_192 = arith.extui %lt3A_191 : i1 to i32
      %cond3A_193 = arith.constant 0 : i32
      %cond3A_194 = arith.cmpi ne, %convert_element_type3A_192, %cond3A_193 : i32
      scf.if %cond3A_194 {
        %dma_start3A_339 = arith.constant 1 : i32
        %dma_start3A_340 = arith.constant 1 : i32
        %dma_start3A_341 = arith.constant 0 : i32
        %dma_start3A_342 = arith.constant 0 : i32
        %dma_start3A_343 = tpu.memref_slice %arg9[%dma_start3A_339, %dma_start3A_341, %dma_start3A_342] : memref<8x125x32xf32, #tpu.memory_space<vmem>> -> memref<1x125x32xf32, #tpu.memory_space<vmem>>
        %dma_start3A_344 = tpu.memref_squeeze %dma_start3A_343 : memref<1x125x32xf32, #tpu.memory_space<vmem>> -> memref<125x32xf32, #tpu.memory_space<vmem>>
        %dma_start3A_345 = arith.constant 0 : i32
        %dma_start3A_346 = tpu.memref_slice %arg7[%add3A_189, %dma_start3A_345] : memref<80x125xi32, #tpu.memory_space<vmem>> -> memref<1x125xi32, #tpu.memory_space<vmem>>
        %dma_start3A_347 = tpu.memref_squeeze %dma_start3A_346 : memref<1x125xi32, #tpu.memory_space<vmem>> -> memref<125xi32, #tpu.memory_space<vmem>>
        %dma_start3A_348 = arith.constant 0 : i32
        %dma_start3A_349 = arith.constant 0 : i32
        %dma_start3A_350 = tpu.memref_slice %arg2[%dma_start3A_348, %dma_start3A_349] : memref<10000x32xf32, #tpu.memory_space<hbm>> -> memref<10000x32xf32, #tpu.memory_space<hbm>>
        %dma_start3A_351 = tpu.memref_slice %arg10[%dma_start3A_340] : memref<8x!tpu.dma_semaphore, #tpu.memory_space<semaphore_mem>> -> memref<1x!tpu.dma_semaphore, #tpu.memory_space<semaphore_mem>>
        %dma_start3A_352 = tpu.memref_squeeze %dma_start3A_351 : memref<1x!tpu.dma_semaphore, #tpu.memory_space<semaphore_mem>> -> memref<!tpu.dma_semaphore, #tpu.memory_space<semaphore_mem>>
        tpu.enqueue_indirect_dma source(%dma_start3A_350 : memref<10000x32xf32, #tpu.memory_space<hbm>>) target(%dma_start3A_344 : memref<125x32xf32, #tpu.memory_space<vmem>>) offsets(%dma_start3A_347 : memref<125xi32, #tpu.memory_space<vmem>>) semaphore(%dma_start3A_352 : memref<!tpu.dma_semaphore, #tpu.memory_space<semaphore_mem>>)
      } else {
      }
      %add3A_195 = arith.constant 2 : i32
      %add3A_196 = arith.addi %mul3A_148, %add3A_195 : i32
      %dma_wait3A_197 = arith.constant 2 : i32
      %dma_wait3A_198 = arith.constant 2 : i32
      %dma_wait3A_199 = arith.constant 0 : i32
      %dma_wait3A_200 = arith.constant 0 : i32
      %dma_wait3A_201 = tpu.memref_slice %arg9[%dma_wait3A_197, %dma_wait3A_199, %dma_wait3A_200] : memref<8x125x32xf32, #tpu.memory_space<vmem>> -> memref<1x125x32xf32, #tpu.memory_space<vmem>>
      %dma_wait3A_202 = tpu.memref_squeeze %dma_wait3A_201 : memref<1x125x32xf32, #tpu.memory_space<vmem>> -> memref<125x32xf32, #tpu.memory_space<vmem>>
      %dma_wait3A_203 = arith.constant 0 : i32
      %dma_wait3A_204 = tpu.memref_slice %arg7[%add3A_196, %dma_wait3A_203] : memref<80x125xi32, #tpu.memory_space<vmem>> -> memref<1x125xi32, #tpu.memory_space<vmem>>
      %dma_wait3A_205 = tpu.memref_squeeze %dma_wait3A_204 : memref<1x125xi32, #tpu.memory_space<vmem>> -> memref<125xi32, #tpu.memory_space<vmem>>
      %dma_wait3A_206 = arith.constant 0 : i32
      %dma_wait3A_207 = arith.constant 0 : i32
      %dma_wait3A_208 = tpu.memref_slice %arg2[%dma_wait3A_206, %dma_wait3A_207] : memref<10000x32xf32, #tpu.memory_space<hbm>> -> memref<10000x32xf32, #tpu.memory_space<hbm>>
      %dma_wait3A_209 = tpu.memref_slice %arg10[%dma_wait3A_198] : memref<8x!tpu.dma_semaphore, #tpu.memory_space<semaphore_mem>> -> memref<1x!tpu.dma_semaphore, #tpu.memory_space<semaphore_mem>>
      %dma_wait3A_210 = tpu.memref_squeeze %dma_wait3A_209 : memref<1x!tpu.dma_semaphore, #tpu.memory_space<semaphore_mem>> -> memref<!tpu.dma_semaphore, #tpu.memory_space<semaphore_mem>>
      tpu.wait_indirect_dma semaphore(%dma_wait3A_210 : memref<!tpu.dma_semaphore, #tpu.memory_space<semaphore_mem>>) src(%dma_wait3A_208 : memref<10000x32xf32, #tpu.memory_space<hbm>>) dst(%dma_wait3A_202 : memref<125x32xf32, #tpu.memory_space<vmem>>)
      %run_scoped3A_211 = arith.constant 2 : i32
      "tpu.region"() ({
        %run_scoped3A_339 = tpu.sem_alloc : memref<!tpu.dma_semaphore, #tpu.memory_space<semaphore_mem>>
        %dma_start3A_340 = arith.constant 0 : i32
        %dma_start3A_341 = arith.constant 0 : i32
        %dma_start3A_342 = tpu.memref_slice %arg9[%run_scoped3A_211, %dma_start3A_340, %dma_start3A_341] : memref<8x125x32xf32, #tpu.memory_space<vmem>> -> memref<1x125x32xf32, #tpu.memory_space<vmem>>
        %dma_start3A_343 = tpu.memref_squeeze %dma_start3A_342 : memref<1x125x32xf32, #tpu.memory_space<vmem>> -> memref<125x32xf32, #tpu.memory_space<vmem>>
        %dma_start3A_344 = arith.constant 0 : i32
        %dma_start3A_345 = tpu.memref_slice %arg8[%add3A_196, %dma_start3A_344] : memref<80x125xi32, #tpu.memory_space<vmem>> -> memref<1x125xi32, #tpu.memory_space<vmem>>
        %dma_start3A_346 = tpu.memref_squeeze %dma_start3A_345 : memref<1x125xi32, #tpu.memory_space<vmem>> -> memref<125xi32, #tpu.memory_space<vmem>>
        %dma_start3A_347 = arith.constant 0 : i32
        %dma_start3A_348 = arith.constant 0 : i32
        %dma_start3A_349 = tpu.memref_slice %arg11[%dma_start3A_347, %dma_start3A_348] : memref<10000x32xf32, #tpu.memory_space<vmem_shared>> -> memref<10000x32xf32, #tpu.memory_space<vmem_shared>>
        tpu.enqueue_indirect_dma source(%dma_start3A_343 : memref<125x32xf32, #tpu.memory_space<vmem>>) target(%dma_start3A_349 : memref<10000x32xf32, #tpu.memory_space<vmem_shared>>) offsets(%dma_start3A_346 : memref<125xi32, #tpu.memory_space<vmem>>) semaphore(%run_scoped3A_339 : memref<!tpu.dma_semaphore, #tpu.memory_space<semaphore_mem>>) {add = true}
        %dma_wait3A_350 = arith.constant 0 : i32
        %dma_wait3A_351 = arith.constant 0 : i32
        %dma_wait3A_352 = tpu.memref_slice %arg9[%run_scoped3A_211, %dma_wait3A_350, %dma_wait3A_351] : memref<8x125x32xf32, #tpu.memory_space<vmem>> -> memref<1x125x32xf32, #tpu.memory_space<vmem>>
        %dma_wait3A_353 = tpu.memref_squeeze %dma_wait3A_352 : memref<1x125x32xf32, #tpu.memory_space<vmem>> -> memref<125x32xf32, #tpu.memory_space<vmem>>
        %dma_wait3A_354 = arith.constant 0 : i32
        %dma_wait3A_355 = tpu.memref_slice %arg8[%add3A_196, %dma_wait3A_354] : memref<80x125xi32, #tpu.memory_space<vmem>> -> memref<1x125xi32, #tpu.memory_space<vmem>>
        %dma_wait3A_356 = tpu.memref_squeeze %dma_wait3A_355 : memref<1x125xi32, #tpu.memory_space<vmem>> -> memref<125xi32, #tpu.memory_space<vmem>>
        %dma_wait3A_357 = arith.constant 0 : i32
        %dma_wait3A_358 = arith.constant 0 : i32
        %dma_wait3A_359 = tpu.memref_slice %arg11[%dma_wait3A_357, %dma_wait3A_358] : memref<10000x32xf32, #tpu.memory_space<vmem_shared>> -> memref<10000x32xf32, #tpu.memory_space<vmem_shared>>
        tpu.wait_indirect_dma semaphore(%run_scoped3A_339 : memref<!tpu.dma_semaphore, #tpu.memory_space<semaphore_mem>>) src(%dma_wait3A_353 : memref<125x32xf32, #tpu.memory_space<vmem>>) dst(%dma_wait3A_359 : memref<10000x32xf32, #tpu.memory_space<vmem_shared>>)
        tpu.yield
      }) : () -> ()
      %add3A_212 = arith.constant 8 : i32
      %add3A_213 = arith.addi %add3A_196, %add3A_212 : i32
      %lt3A_214 = arith.constant 80 : i32
      %lt3A_215 = arith.cmpi slt, %add3A_213, %lt3A_214 : i32
      %convert_element_type3A_216 = arith.extui %lt3A_215 : i1 to i32
      %cond3A_217 = arith.constant 0 : i32
      %cond3A_218 = arith.cmpi ne, %convert_element_type3A_216, %cond3A_217 : i32
      scf.if %cond3A_218 {
        %dma_start3A_339 = arith.constant 2 : i32
        %dma_start3A_340 = arith.constant 2 : i32
        %dma_start3A_341 = arith.constant 0 : i32
        %dma_start3A_342 = arith.constant 0 : i32
        %dma_start3A_343 = tpu.memref_slice %arg9[%dma_start3A_339, %dma_start3A_341, %dma_start3A_342] : memref<8x125x32xf32, #tpu.memory_space<vmem>> -> memref<1x125x32xf32, #tpu.memory_space<vmem>>
        %dma_start3A_344 = tpu.memref_squeeze %dma_start3A_343 : memref<1x125x32xf32, #tpu.memory_space<vmem>> -> memref<125x32xf32, #tpu.memory_space<vmem>>
        %dma_start3A_345 = arith.constant 0 : i32
        %dma_start3A_346 = tpu.memref_slice %arg7[%add3A_213, %dma_start3A_345] : memref<80x125xi32, #tpu.memory_space<vmem>> -> memref<1x125xi32, #tpu.memory_space<vmem>>
        %dma_start3A_347 = tpu.memref_squeeze %dma_start3A_346 : memref<1x125xi32, #tpu.memory_space<vmem>> -> memref<125xi32, #tpu.memory_space<vmem>>
        %dma_start3A_348 = arith.constant 0 : i32
        %dma_start3A_349 = arith.constant 0 : i32
        %dma_start3A_350 = tpu.memref_slice %arg2[%dma_start3A_348, %dma_start3A_349] : memref<10000x32xf32, #tpu.memory_space<hbm>> -> memref<10000x32xf32, #tpu.memory_space<hbm>>
        %dma_start3A_351 = tpu.memref_slice %arg10[%dma_start3A_340] : memref<8x!tpu.dma_semaphore, #tpu.memory_space<semaphore_mem>> -> memref<1x!tpu.dma_semaphore, #tpu.memory_space<semaphore_mem>>
        %dma_start3A_352 = tpu.memref_squeeze %dma_start3A_351 : memref<1x!tpu.dma_semaphore, #tpu.memory_space<semaphore_mem>> -> memref<!tpu.dma_semaphore, #tpu.memory_space<semaphore_mem>>
        tpu.enqueue_indirect_dma source(%dma_start3A_350 : memref<10000x32xf32, #tpu.memory_space<hbm>>) target(%dma_start3A_344 : memref<125x32xf32, #tpu.memory_space<vmem>>) offsets(%dma_start3A_347 : memref<125xi32, #tpu.memory_space<vmem>>) semaphore(%dma_start3A_352 : memref<!tpu.dma_semaphore, #tpu.memory_space<semaphore_mem>>)
      } else {
      }
      %add3A_219 = arith.constant 3 : i32
      %add3A_220 = arith.addi %mul3A_148, %add3A_219 : i32
      %dma_wait3A_221 = arith.constant 3 : i32
      %dma_wait3A_222 = arith.constant 3 : i32
      %dma_wait3A_223 = arith.constant 0 : i32
      %dma_wait3A_224 = arith.constant 0 : i32
      %dma_wait3A_225 = tpu.memref_slice %arg9[%dma_wait3A_221, %dma_wait3A_223, %dma_wait3A_224] : memref<8x125x32xf32, #tpu.memory_space<vmem>> -> memref<1x125x32xf32, #tpu.memory_space<vmem>>
      %dma_wait3A_226 = tpu.memref_squeeze %dma_wait3A_225 : memref<1x125x32xf32, #tpu.memory_space<vmem>> -> memref<125x32xf32, #tpu.memory_space<vmem>>
      %dma_wait3A_227 = arith.constant 0 : i32
      %dma_wait3A_228 = tpu.memref_slice %arg7[%add3A_220, %dma_wait3A_227] : memref<80x125xi32, #tpu.memory_space<vmem>> -> memref<1x125xi32, #tpu.memory_space<vmem>>
      %dma_wait3A_229 = tpu.memref_squeeze %dma_wait3A_228 : memref<1x125xi32, #tpu.memory_space<vmem>> -> memref<125xi32, #tpu.memory_space<vmem>>
      %dma_wait3A_230 = arith.constant 0 : i32
      %dma_wait3A_231 = arith.constant 0 : i32
      %dma_wait3A_232 = tpu.memref_slice %arg2[%dma_wait3A_230, %dma_wait3A_231] : memref<10000x32xf32, #tpu.memory_space<hbm>> -> memref<10000x32xf32, #tpu.memory_space<hbm>>
      %dma_wait3A_233 = tpu.memref_slice %arg10[%dma_wait3A_222] : memref<8x!tpu.dma_semaphore, #tpu.memory_space<semaphore_mem>> -> memref<1x!tpu.dma_semaphore, #tpu.memory_space<semaphore_mem>>
      %dma_wait3A_234 = tpu.memref_squeeze %dma_wait3A_233 : memref<1x!tpu.dma_semaphore, #tpu.memory_space<semaphore_mem>> -> memref<!tpu.dma_semaphore, #tpu.memory_space<semaphore_mem>>
      tpu.wait_indirect_dma semaphore(%dma_wait3A_234 : memref<!tpu.dma_semaphore, #tpu.memory_space<semaphore_mem>>) src(%dma_wait3A_232 : memref<10000x32xf32, #tpu.memory_space<hbm>>) dst(%dma_wait3A_226 : memref<125x32xf32, #tpu.memory_space<vmem>>)
      %run_scoped3A_235 = arith.constant 3 : i32
      "tpu.region"() ({
        %run_scoped3A_339 = tpu.sem_alloc : memref<!tpu.dma_semaphore, #tpu.memory_space<semaphore_mem>>
        %dma_start3A_340 = arith.constant 0 : i32
        %dma_start3A_341 = arith.constant 0 : i32
        %dma_start3A_342 = tpu.memref_slice %arg9[%run_scoped3A_235, %dma_start3A_340, %dma_start3A_341] : memref<8x125x32xf32, #tpu.memory_space<vmem>> -> memref<1x125x32xf32, #tpu.memory_space<vmem>>
        %dma_start3A_343 = tpu.memref_squeeze %dma_start3A_342 : memref<1x125x32xf32, #tpu.memory_space<vmem>> -> memref<125x32xf32, #tpu.memory_space<vmem>>
        %dma_start3A_344 = arith.constant 0 : i32
        %dma_start3A_345 = tpu.memref_slice %arg8[%add3A_220, %dma_start3A_344] : memref<80x125xi32, #tpu.memory_space<vmem>> -> memref<1x125xi32, #tpu.memory_space<vmem>>
        %dma_start3A_346 = tpu.memref_squeeze %dma_start3A_345 : memref<1x125xi32, #tpu.memory_space<vmem>> -> memref<125xi32, #tpu.memory_space<vmem>>
        %dma_start3A_347 = arith.constant 0 : i32
        %dma_start3A_348 = arith.constant 0 : i32
        %dma_start3A_349 = tpu.memref_slice %arg11[%dma_start3A_347, %dma_start3A_348] : memref<10000x32xf32, #tpu.memory_space<vmem_shared>> -> memref<10000x32xf32, #tpu.memory_space<vmem_shared>>
        tpu.enqueue_indirect_dma source(%dma_start3A_343 : memref<125x32xf32, #tpu.memory_space<vmem>>) target(%dma_start3A_349 : memref<10000x32xf32, #tpu.memory_space<vmem_shared>>) offsets(%dma_start3A_346 : memref<125xi32, #tpu.memory_space<vmem>>) semaphore(%run_scoped3A_339 : memref<!tpu.dma_semaphore, #tpu.memory_space<semaphore_mem>>) {add = true}
        %dma_wait3A_350 = arith.constant 0 : i32
        %dma_wait3A_351 = arith.constant 0 : i32
        %dma_wait3A_352 = tpu.memref_slice %arg9[%run_scoped3A_235, %dma_wait3A_350, %dma_wait3A_351] : memref<8x125x32xf32, #tpu.memory_space<vmem>> -> memref<1x125x32xf32, #tpu.memory_space<vmem>>
        %dma_wait3A_353 = tpu.memref_squeeze %dma_wait3A_352 : memref<1x125x32xf32, #tpu.memory_space<vmem>> -> memref<125x32xf32, #tpu.memory_space<vmem>>
        %dma_wait3A_354 = arith.constant 0 : i32
        %dma_wait3A_355 = tpu.memref_slice %arg8[%add3A_220, %dma_wait3A_354] : memref<80x125xi32, #tpu.memory_space<vmem>> -> memref<1x125xi32, #tpu.memory_space<vmem>>
        %dma_wait3A_356 = tpu.memref_squeeze %dma_wait3A_355 : memref<1x125xi32, #tpu.memory_space<vmem>> -> memref<125xi32, #tpu.memory_space<vmem>>
        %dma_wait3A_357 = arith.constant 0 : i32
        %dma_wait3A_358 = arith.constant 0 : i32
        %dma_wait3A_359 = tpu.memref_slice %arg11[%dma_wait3A_357, %dma_wait3A_358] : memref<10000x32xf32, #tpu.memory_space<vmem_shared>> -> memref<10000x32xf32, #tpu.memory_space<vmem_shared>>
        tpu.wait_indirect_dma semaphore(%run_scoped3A_339 : memref<!tpu.dma_semaphore, #tpu.memory_space<semaphore_mem>>) src(%dma_wait3A_353 : memref<125x32xf32, #tpu.memory_space<vmem>>) dst(%dma_wait3A_359 : memref<10000x32xf32, #tpu.memory_space<vmem_shared>>)
        tpu.yield
      }) : () -> ()
      %add3A_236 = arith.constant 8 : i32
      %add3A_237 = arith.addi %add3A_220, %add3A_236 : i32
      %lt3A_238 = arith.constant 80 : i32
      %lt3A_239 = arith.cmpi slt, %add3A_237, %lt3A_238 : i32
      %convert_element_type3A_240 = arith.extui %lt3A_239 : i1 to i32
      %cond3A_241 = arith.constant 0 : i32
      %cond3A_242 = arith.cmpi ne, %convert_element_type3A_240, %cond3A_241 : i32
      scf.if %cond3A_242 {
        %dma_start3A_339 = arith.constant 3 : i32
        %dma_start3A_340 = arith.constant 3 : i32
        %dma_start3A_341 = arith.constant 0 : i32
        %dma_start3A_342 = arith.constant 0 : i32
        %dma_start3A_343 = tpu.memref_slice %arg9[%dma_start3A_339, %dma_start3A_341, %dma_start3A_342] : memref<8x125x32xf32, #tpu.memory_space<vmem>> -> memref<1x125x32xf32, #tpu.memory_space<vmem>>
        %dma_start3A_344 = tpu.memref_squeeze %dma_start3A_343 : memref<1x125x32xf32, #tpu.memory_space<vmem>> -> memref<125x32xf32, #tpu.memory_space<vmem>>
        %dma_start3A_345 = arith.constant 0 : i32
        %dma_start3A_346 = tpu.memref_slice %arg7[%add3A_237, %dma_start3A_345] : memref<80x125xi32, #tpu.memory_space<vmem>> -> memref<1x125xi32, #tpu.memory_space<vmem>>
        %dma_start3A_347 = tpu.memref_squeeze %dma_start3A_346 : memref<1x125xi32, #tpu.memory_space<vmem>> -> memref<125xi32, #tpu.memory_space<vmem>>
        %dma_start3A_348 = arith.constant 0 : i32
        %dma_start3A_349 = arith.constant 0 : i32
        %dma_start3A_350 = tpu.memref_slice %arg2[%dma_start3A_348, %dma_start3A_349] : memref<10000x32xf32, #tpu.memory_space<hbm>> -> memref<10000x32xf32, #tpu.memory_space<hbm>>
        %dma_start3A_351 = tpu.memref_slice %arg10[%dma_start3A_340] : memref<8x!tpu.dma_semaphore, #tpu.memory_space<semaphore_mem>> -> memref<1x!tpu.dma_semaphore, #tpu.memory_space<semaphore_mem>>
        %dma_start3A_352 = tpu.memref_squeeze %dma_start3A_351 : memref<1x!tpu.dma_semaphore, #tpu.memory_space<semaphore_mem>> -> memref<!tpu.dma_semaphore, #tpu.memory_space<semaphore_mem>>
        tpu.enqueue_indirect_dma source(%dma_start3A_350 : memref<10000x32xf32, #tpu.memory_space<hbm>>) target(%dma_start3A_344 : memref<125x32xf32, #tpu.memory_space<vmem>>) offsets(%dma_start3A_347 : memref<125xi32, #tpu.memory_space<vmem>>) semaphore(%dma_start3A_352 : memref<!tpu.dma_semaphore, #tpu.memory_space<semaphore_mem>>)
      } else {
      }
      %add3A_243 = arith.constant 4 : i32
      %add3A_244 = arith.addi %mul3A_148, %add3A_243 : i32
      %dma_wait3A_245 = arith.constant 4 : i32
      %dma_wait3A_246 = arith.constant 4 : i32
      %dma_wait3A_247 = arith.constant 0 : i32
      %dma_wait3A_248 = arith.constant 0 : i32
      %dma_wait3A_249 = tpu.memref_slice %arg9[%dma_wait3A_245, %dma_wait3A_247, %dma_wait3A_248] : memref<8x125x32xf32, #tpu.memory_space<vmem>> -> memref<1x125x32xf32, #tpu.memory_space<vmem>>
      %dma_wait3A_250 = tpu.memref_squeeze %dma_wait3A_249 : memref<1x125x32xf32, #tpu.memory_space<vmem>> -> memref<125x32xf32, #tpu.memory_space<vmem>>
      %dma_wait3A_251 = arith.constant 0 : i32
      %dma_wait3A_252 = tpu.memref_slice %arg7[%add3A_244, %dma_wait3A_251] : memref<80x125xi32, #tpu.memory_space<vmem>> -> memref<1x125xi32, #tpu.memory_space<vmem>>
      %dma_wait3A_253 = tpu.memref_squeeze %dma_wait3A_252 : memref<1x125xi32, #tpu.memory_space<vmem>> -> memref<125xi32, #tpu.memory_space<vmem>>
      %dma_wait3A_254 = arith.constant 0 : i32
      %dma_wait3A_255 = arith.constant 0 : i32
      %dma_wait3A_256 = tpu.memref_slice %arg2[%dma_wait3A_254, %dma_wait3A_255] : memref<10000x32xf32, #tpu.memory_space<hbm>> -> memref<10000x32xf32, #tpu.memory_space<hbm>>
      %dma_wait3A_257 = tpu.memref_slice %arg10[%dma_wait3A_246] : memref<8x!tpu.dma_semaphore, #tpu.memory_space<semaphore_mem>> -> memref<1x!tpu.dma_semaphore, #tpu.memory_space<semaphore_mem>>
      %dma_wait3A_258 = tpu.memref_squeeze %dma_wait3A_257 : memref<1x!tpu.dma_semaphore, #tpu.memory_space<semaphore_mem>> -> memref<!tpu.dma_semaphore, #tpu.memory_space<semaphore_mem>>
      tpu.wait_indirect_dma semaphore(%dma_wait3A_258 : memref<!tpu.dma_semaphore, #tpu.memory_space<semaphore_mem>>) src(%dma_wait3A_256 : memref<10000x32xf32, #tpu.memory_space<hbm>>) dst(%dma_wait3A_250 : memref<125x32xf32, #tpu.memory_space<vmem>>)
      %run_scoped3A_259 = arith.constant 4 : i32
      "tpu.region"() ({
        %run_scoped3A_339 = tpu.sem_alloc : memref<!tpu.dma_semaphore, #tpu.memory_space<semaphore_mem>>
        %dma_start3A_340 = arith.constant 0 : i32
        %dma_start3A_341 = arith.constant 0 : i32
        %dma_start3A_342 = tpu.memref_slice %arg9[%run_scoped3A_259, %dma_start3A_340, %dma_start3A_341] : memref<8x125x32xf32, #tpu.memory_space<vmem>> -> memref<1x125x32xf32, #tpu.memory_space<vmem>>
        %dma_start3A_343 = tpu.memref_squeeze %dma_start3A_342 : memref<1x125x32xf32, #tpu.memory_space<vmem>> -> memref<125x32xf32, #tpu.memory_space<vmem>>
        %dma_start3A_344 = arith.constant 0 : i32
        %dma_start3A_345 = tpu.memref_slice %arg8[%add3A_244, %dma_start3A_344] : memref<80x125xi32, #tpu.memory_space<vmem>> -> memref<1x125xi32, #tpu.memory_space<vmem>>
        %dma_start3A_346 = tpu.memref_squeeze %dma_start3A_345 : memref<1x125xi32, #tpu.memory_space<vmem>> -> memref<125xi32, #tpu.memory_space<vmem>>
        %dma_start3A_347 = arith.constant 0 : i32
        %dma_start3A_348 = arith.constant 0 : i32
        %dma_start3A_349 = tpu.memref_slice %arg11[%dma_start3A_347, %dma_start3A_348] : memref<10000x32xf32, #tpu.memory_space<vmem_shared>> -> memref<10000x32xf32, #tpu.memory_space<vmem_shared>>
        tpu.enqueue_indirect_dma source(%dma_start3A_343 : memref<125x32xf32, #tpu.memory_space<vmem>>) target(%dma_start3A_349 : memref<10000x32xf32, #tpu.memory_space<vmem_shared>>) offsets(%dma_start3A_346 : memref<125xi32, #tpu.memory_space<vmem>>) semaphore(%run_scoped3A_339 : memref<!tpu.dma_semaphore, #tpu.memory_space<semaphore_mem>>) {add = true}
        %dma_wait3A_350 = arith.constant 0 : i32
        %dma_wait3A_351 = arith.constant 0 : i32
        %dma_wait3A_352 = tpu.memref_slice %arg9[%run_scoped3A_259, %dma_wait3A_350, %dma_wait3A_351] : memref<8x125x32xf32, #tpu.memory_space<vmem>> -> memref<1x125x32xf32, #tpu.memory_space<vmem>>
        %dma_wait3A_353 = tpu.memref_squeeze %dma_wait3A_352 : memref<1x125x32xf32, #tpu.memory_space<vmem>> -> memref<125x32xf32, #tpu.memory_space<vmem>>
        %dma_wait3A_354 = arith.constant 0 : i32
        %dma_wait3A_355 = tpu.memref_slice %arg8[%add3A_244, %dma_wait3A_354] : memref<80x125xi32, #tpu.memory_space<vmem>> -> memref<1x125xi32, #tpu.memory_space<vmem>>
        %dma_wait3A_356 = tpu.memref_squeeze %dma_wait3A_355 : memref<1x125xi32, #tpu.memory_space<vmem>> -> memref<125xi32, #tpu.memory_space<vmem>>
        %dma_wait3A_357 = arith.constant 0 : i32
        %dma_wait3A_358 = arith.constant 0 : i32
        %dma_wait3A_359 = tpu.memref_slice %arg11[%dma_wait3A_357, %dma_wait3A_358] : memref<10000x32xf32, #tpu.memory_space<vmem_shared>> -> memref<10000x32xf32, #tpu.memory_space<vmem_shared>>
        tpu.wait_indirect_dma semaphore(%run_scoped3A_339 : memref<!tpu.dma_semaphore, #tpu.memory_space<semaphore_mem>>) src(%dma_wait3A_353 : memref<125x32xf32, #tpu.memory_space<vmem>>) dst(%dma_wait3A_359 : memref<10000x32xf32, #tpu.memory_space<vmem_shared>>)
        tpu.yield
      }) : () -> ()
      %add3A_260 = arith.constant 8 : i32
      %add3A_261 = arith.addi %add3A_244, %add3A_260 : i32
      %lt3A_262 = arith.constant 80 : i32
      %lt3A_263 = arith.cmpi slt, %add3A_261, %lt3A_262 : i32
      %convert_element_type3A_264 = arith.extui %lt3A_263 : i1 to i32
      %cond3A_265 = arith.constant 0 : i32
      %cond3A_266 = arith.cmpi ne, %convert_element_type3A_264, %cond3A_265 : i32
      scf.if %cond3A_266 {
        %dma_start3A_339 = arith.constant 4 : i32
        %dma_start3A_340 = arith.constant 4 : i32
        %dma_start3A_341 = arith.constant 0 : i32
        %dma_start3A_342 = arith.constant 0 : i32
        %dma_start3A_343 = tpu.memref_slice %arg9[%dma_start3A_339, %dma_start3A_341, %dma_start3A_342] : memref<8x125x32xf32, #tpu.memory_space<vmem>> -> memref<1x125x32xf32, #tpu.memory_space<vmem>>
        %dma_start3A_344 = tpu.memref_squeeze %dma_start3A_343 : memref<1x125x32xf32, #tpu.memory_space<vmem>> -> memref<125x32xf32, #tpu.memory_space<vmem>>
        %dma_start3A_345 = arith.constant 0 : i32
        %dma_start3A_346 = tpu.memref_slice %arg7[%add3A_261, %dma_start3A_345] : memref<80x125xi32, #tpu.memory_space<vmem>> -> memref<1x125xi32, #tpu.memory_space<vmem>>
        %dma_start3A_347 = tpu.memref_squeeze %dma_start3A_346 : memref<1x125xi32, #tpu.memory_space<vmem>> -> memref<125xi32, #tpu.memory_space<vmem>>
        %dma_start3A_348 = arith.constant 0 : i32
        %dma_start3A_349 = arith.constant 0 : i32
        %dma_start3A_350 = tpu.memref_slice %arg2[%dma_start3A_348, %dma_start3A_349] : memref<10000x32xf32, #tpu.memory_space<hbm>> -> memref<10000x32xf32, #tpu.memory_space<hbm>>
        %dma_start3A_351 = tpu.memref_slice %arg10[%dma_start3A_340] : memref<8x!tpu.dma_semaphore, #tpu.memory_space<semaphore_mem>> -> memref<1x!tpu.dma_semaphore, #tpu.memory_space<semaphore_mem>>
        %dma_start3A_352 = tpu.memref_squeeze %dma_start3A_351 : memref<1x!tpu.dma_semaphore, #tpu.memory_space<semaphore_mem>> -> memref<!tpu.dma_semaphore, #tpu.memory_space<semaphore_mem>>
        tpu.enqueue_indirect_dma source(%dma_start3A_350 : memref<10000x32xf32, #tpu.memory_space<hbm>>) target(%dma_start3A_344 : memref<125x32xf32, #tpu.memory_space<vmem>>) offsets(%dma_start3A_347 : memref<125xi32, #tpu.memory_space<vmem>>) semaphore(%dma_start3A_352 : memref<!tpu.dma_semaphore, #tpu.memory_space<semaphore_mem>>)
      } else {
      }
      %add3A_267 = arith.constant 5 : i32
      %add3A_268 = arith.addi %mul3A_148, %add3A_267 : i32
      %dma_wait3A_269 = arith.constant 5 : i32
      %dma_wait3A_270 = arith.constant 5 : i32
      %dma_wait3A_271 = arith.constant 0 : i32
      %dma_wait3A_272 = arith.constant 0 : i32
      %dma_wait3A_273 = tpu.memref_slice %arg9[%dma_wait3A_269, %dma_wait3A_271, %dma_wait3A_272] : memref<8x125x32xf32, #tpu.memory_space<vmem>> -> memref<1x125x32xf32, #tpu.memory_space<vmem>>
      %dma_wait3A_274 = tpu.memref_squeeze %dma_wait3A_273 : memref<1x125x32xf32, #tpu.memory_space<vmem>> -> memref<125x32xf32, #tpu.memory_space<vmem>>
      %dma_wait3A_275 = arith.constant 0 : i32
      %dma_wait3A_276 = tpu.memref_slice %arg7[%add3A_268, %dma_wait3A_275] : memref<80x125xi32, #tpu.memory_space<vmem>> -> memref<1x125xi32, #tpu.memory_space<vmem>>
      %dma_wait3A_277 = tpu.memref_squeeze %dma_wait3A_276 : memref<1x125xi32, #tpu.memory_space<vmem>> -> memref<125xi32, #tpu.memory_space<vmem>>
      %dma_wait3A_278 = arith.constant 0 : i32
      %dma_wait3A_279 = arith.constant 0 : i32
      %dma_wait3A_280 = tpu.memref_slice %arg2[%dma_wait3A_278, %dma_wait3A_279] : memref<10000x32xf32, #tpu.memory_space<hbm>> -> memref<10000x32xf32, #tpu.memory_space<hbm>>
      %dma_wait3A_281 = tpu.memref_slice %arg10[%dma_wait3A_270] : memref<8x!tpu.dma_semaphore, #tpu.memory_space<semaphore_mem>> -> memref<1x!tpu.dma_semaphore, #tpu.memory_space<semaphore_mem>>
      %dma_wait3A_282 = tpu.memref_squeeze %dma_wait3A_281 : memref<1x!tpu.dma_semaphore, #tpu.memory_space<semaphore_mem>> -> memref<!tpu.dma_semaphore, #tpu.memory_space<semaphore_mem>>
      tpu.wait_indirect_dma semaphore(%dma_wait3A_282 : memref<!tpu.dma_semaphore, #tpu.memory_space<semaphore_mem>>) src(%dma_wait3A_280 : memref<10000x32xf32, #tpu.memory_space<hbm>>) dst(%dma_wait3A_274 : memref<125x32xf32, #tpu.memory_space<vmem>>)
      %run_scoped3A_283 = arith.constant 5 : i32
      "tpu.region"() ({
        %run_scoped3A_339 = tpu.sem_alloc : memref<!tpu.dma_semaphore, #tpu.memory_space<semaphore_mem>>
        %dma_start3A_340 = arith.constant 0 : i32
        %dma_start3A_341 = arith.constant 0 : i32
        %dma_start3A_342 = tpu.memref_slice %arg9[%run_scoped3A_283, %dma_start3A_340, %dma_start3A_341] : memref<8x125x32xf32, #tpu.memory_space<vmem>> -> memref<1x125x32xf32, #tpu.memory_space<vmem>>
        %dma_start3A_343 = tpu.memref_squeeze %dma_start3A_342 : memref<1x125x32xf32, #tpu.memory_space<vmem>> -> memref<125x32xf32, #tpu.memory_space<vmem>>
        %dma_start3A_344 = arith.constant 0 : i32
        %dma_start3A_345 = tpu.memref_slice %arg8[%add3A_268, %dma_start3A_344] : memref<80x125xi32, #tpu.memory_space<vmem>> -> memref<1x125xi32, #tpu.memory_space<vmem>>
        %dma_start3A_346 = tpu.memref_squeeze %dma_start3A_345 : memref<1x125xi32, #tpu.memory_space<vmem>> -> memref<125xi32, #tpu.memory_space<vmem>>
        %dma_start3A_347 = arith.constant 0 : i32
        %dma_start3A_348 = arith.constant 0 : i32
        %dma_start3A_349 = tpu.memref_slice %arg11[%dma_start3A_347, %dma_start3A_348] : memref<10000x32xf32, #tpu.memory_space<vmem_shared>> -> memref<10000x32xf32, #tpu.memory_space<vmem_shared>>
        tpu.enqueue_indirect_dma source(%dma_start3A_343 : memref<125x32xf32, #tpu.memory_space<vmem>>) target(%dma_start3A_349 : memref<10000x32xf32, #tpu.memory_space<vmem_shared>>) offsets(%dma_start3A_346 : memref<125xi32, #tpu.memory_space<vmem>>) semaphore(%run_scoped3A_339 : memref<!tpu.dma_semaphore, #tpu.memory_space<semaphore_mem>>) {add = true}
        %dma_wait3A_350 = arith.constant 0 : i32
        %dma_wait3A_351 = arith.constant 0 : i32
        %dma_wait3A_352 = tpu.memref_slice %arg9[%run_scoped3A_283, %dma_wait3A_350, %dma_wait3A_351] : memref<8x125x32xf32, #tpu.memory_space<vmem>> -> memref<1x125x32xf32, #tpu.memory_space<vmem>>
        %dma_wait3A_353 = tpu.memref_squeeze %dma_wait3A_352 : memref<1x125x32xf32, #tpu.memory_space<vmem>> -> memref<125x32xf32, #tpu.memory_space<vmem>>
        %dma_wait3A_354 = arith.constant 0 : i32
        %dma_wait3A_355 = tpu.memref_slice %arg8[%add3A_268, %dma_wait3A_354] : memref<80x125xi32, #tpu.memory_space<vmem>> -> memref<1x125xi32, #tpu.memory_space<vmem>>
        %dma_wait3A_356 = tpu.memref_squeeze %dma_wait3A_355 : memref<1x125xi32, #tpu.memory_space<vmem>> -> memref<125xi32, #tpu.memory_space<vmem>>
        %dma_wait3A_357 = arith.constant 0 : i32
        %dma_wait3A_358 = arith.constant 0 : i32
        %dma_wait3A_359 = tpu.memref_slice %arg11[%dma_wait3A_357, %dma_wait3A_358] : memref<10000x32xf32, #tpu.memory_space<vmem_shared>> -> memref<10000x32xf32, #tpu.memory_space<vmem_shared>>
        tpu.wait_indirect_dma semaphore(%run_scoped3A_339 : memref<!tpu.dma_semaphore, #tpu.memory_space<semaphore_mem>>) src(%dma_wait3A_353 : memref<125x32xf32, #tpu.memory_space<vmem>>) dst(%dma_wait3A_359 : memref<10000x32xf32, #tpu.memory_space<vmem_shared>>)
        tpu.yield
      }) : () -> ()
      %add3A_284 = arith.constant 8 : i32
      %add3A_285 = arith.addi %add3A_268, %add3A_284 : i32
      %lt3A_286 = arith.constant 80 : i32
      %lt3A_287 = arith.cmpi slt, %add3A_285, %lt3A_286 : i32
      %convert_element_type3A_288 = arith.extui %lt3A_287 : i1 to i32
      %cond3A_289 = arith.constant 0 : i32
      %cond3A_290 = arith.cmpi ne, %convert_element_type3A_288, %cond3A_289 : i32
      scf.if %cond3A_290 {
        %dma_start3A_339 = arith.constant 5 : i32
        %dma_start3A_340 = arith.constant 5 : i32
        %dma_start3A_341 = arith.constant 0 : i32
        %dma_start3A_342 = arith.constant 0 : i32
        %dma_start3A_343 = tpu.memref_slice %arg9[%dma_start3A_339, %dma_start3A_341, %dma_start3A_342] : memref<8x125x32xf32, #tpu.memory_space<vmem>> -> memref<1x125x32xf32, #tpu.memory_space<vmem>>
        %dma_start3A_344 = tpu.memref_squeeze %dma_start3A_343 : memref<1x125x32xf32, #tpu.memory_space<vmem>> -> memref<125x32xf32, #tpu.memory_space<vmem>>
        %dma_start3A_345 = arith.constant 0 : i32
        %dma_start3A_346 = tpu.memref_slice %arg7[%add3A_285, %dma_start3A_345] : memref<80x125xi32, #tpu.memory_space<vmem>> -> memref<1x125xi32, #tpu.memory_space<vmem>>
        %dma_start3A_347 = tpu.memref_squeeze %dma_start3A_346 : memref<1x125xi32, #tpu.memory_space<vmem>> -> memref<125xi32, #tpu.memory_space<vmem>>
        %dma_start3A_348 = arith.constant 0 : i32
        %dma_start3A_349 = arith.constant 0 : i32
        %dma_start3A_350 = tpu.memref_slice %arg2[%dma_start3A_348, %dma_start3A_349] : memref<10000x32xf32, #tpu.memory_space<hbm>> -> memref<10000x32xf32, #tpu.memory_space<hbm>>
        %dma_start3A_351 = tpu.memref_slice %arg10[%dma_start3A_340] : memref<8x!tpu.dma_semaphore, #tpu.memory_space<semaphore_mem>> -> memref<1x!tpu.dma_semaphore, #tpu.memory_space<semaphore_mem>>
        %dma_start3A_352 = tpu.memref_squeeze %dma_start3A_351 : memref<1x!tpu.dma_semaphore, #tpu.memory_space<semaphore_mem>> -> memref<!tpu.dma_semaphore, #tpu.memory_space<semaphore_mem>>
        tpu.enqueue_indirect_dma source(%dma_start3A_350 : memref<10000x32xf32, #tpu.memory_space<hbm>>) target(%dma_start3A_344 : memref<125x32xf32, #tpu.memory_space<vmem>>) offsets(%dma_start3A_347 : memref<125xi32, #tpu.memory_space<vmem>>) semaphore(%dma_start3A_352 : memref<!tpu.dma_semaphore, #tpu.memory_space<semaphore_mem>>)
      } else {
      }
      %add3A_291 = arith.constant 6 : i32
      %add3A_292 = arith.addi %mul3A_148, %add3A_291 : i32
      %dma_wait3A_293 = arith.constant 6 : i32
      %dma_wait3A_294 = arith.constant 6 : i32
      %dma_wait3A_295 = arith.constant 0 : i32
      %dma_wait3A_296 = arith.constant 0 : i32
      %dma_wait3A_297 = tpu.memref_slice %arg9[%dma_wait3A_293, %dma_wait3A_295, %dma_wait3A_296] : memref<8x125x32xf32, #tpu.memory_space<vmem>> -> memref<1x125x32xf32, #tpu.memory_space<vmem>>
      %dma_wait3A_298 = tpu.memref_squeeze %dma_wait3A_297 : memref<1x125x32xf32, #tpu.memory_space<vmem>> -> memref<125x32xf32, #tpu.memory_space<vmem>>
      %dma_wait3A_299 = arith.constant 0 : i32
      %dma_wait3A_300 = tpu.memref_slice %arg7[%add3A_292, %dma_wait3A_299] : memref<80x125xi32, #tpu.memory_space<vmem>> -> memref<1x125xi32, #tpu.memory_space<vmem>>
      %dma_wait3A_301 = tpu.memref_squeeze %dma_wait3A_300 : memref<1x125xi32, #tpu.memory_space<vmem>> -> memref<125xi32, #tpu.memory_space<vmem>>
      %dma_wait3A_302 = arith.constant 0 : i32
      %dma_wait3A_303 = arith.constant 0 : i32
      %dma_wait3A_304 = tpu.memref_slice %arg2[%dma_wait3A_302, %dma_wait3A_303] : memref<10000x32xf32, #tpu.memory_space<hbm>> -> memref<10000x32xf32, #tpu.memory_space<hbm>>
      %dma_wait3A_305 = tpu.memref_slice %arg10[%dma_wait3A_294] : memref<8x!tpu.dma_semaphore, #tpu.memory_space<semaphore_mem>> -> memref<1x!tpu.dma_semaphore, #tpu.memory_space<semaphore_mem>>
      %dma_wait3A_306 = tpu.memref_squeeze %dma_wait3A_305 : memref<1x!tpu.dma_semaphore, #tpu.memory_space<semaphore_mem>> -> memref<!tpu.dma_semaphore, #tpu.memory_space<semaphore_mem>>
      tpu.wait_indirect_dma semaphore(%dma_wait3A_306 : memref<!tpu.dma_semaphore, #tpu.memory_space<semaphore_mem>>) src(%dma_wait3A_304 : memref<10000x32xf32, #tpu.memory_space<hbm>>) dst(%dma_wait3A_298 : memref<125x32xf32, #tpu.memory_space<vmem>>)
      %run_scoped3A_307 = arith.constant 6 : i32
      "tpu.region"() ({
        %run_scoped3A_339 = tpu.sem_alloc : memref<!tpu.dma_semaphore, #tpu.memory_space<semaphore_mem>>
        %dma_start3A_340 = arith.constant 0 : i32
        %dma_start3A_341 = arith.constant 0 : i32
        %dma_start3A_342 = tpu.memref_slice %arg9[%run_scoped3A_307, %dma_start3A_340, %dma_start3A_341] : memref<8x125x32xf32, #tpu.memory_space<vmem>> -> memref<1x125x32xf32, #tpu.memory_space<vmem>>
        %dma_start3A_343 = tpu.memref_squeeze %dma_start3A_342 : memref<1x125x32xf32, #tpu.memory_space<vmem>> -> memref<125x32xf32, #tpu.memory_space<vmem>>
        %dma_start3A_344 = arith.constant 0 : i32
        %dma_start3A_345 = tpu.memref_slice %arg8[%add3A_292, %dma_start3A_344] : memref<80x125xi32, #tpu.memory_space<vmem>> -> memref<1x125xi32, #tpu.memory_space<vmem>>
        %dma_start3A_346 = tpu.memref_squeeze %dma_start3A_345 : memref<1x125xi32, #tpu.memory_space<vmem>> -> memref<125xi32, #tpu.memory_space<vmem>>
        %dma_start3A_347 = arith.constant 0 : i32
        %dma_start3A_348 = arith.constant 0 : i32
        %dma_start3A_349 = tpu.memref_slice %arg11[%dma_start3A_347, %dma_start3A_348] : memref<10000x32xf32, #tpu.memory_space<vmem_shared>> -> memref<10000x32xf32, #tpu.memory_space<vmem_shared>>
        tpu.enqueue_indirect_dma source(%dma_start3A_343 : memref<125x32xf32, #tpu.memory_space<vmem>>) target(%dma_start3A_349 : memref<10000x32xf32, #tpu.memory_space<vmem_shared>>) offsets(%dma_start3A_346 : memref<125xi32, #tpu.memory_space<vmem>>) semaphore(%run_scoped3A_339 : memref<!tpu.dma_semaphore, #tpu.memory_space<semaphore_mem>>) {add = true}
        %dma_wait3A_350 = arith.constant 0 : i32
        %dma_wait3A_351 = arith.constant 0 : i32
        %dma_wait3A_352 = tpu.memref_slice %arg9[%run_scoped3A_307, %dma_wait3A_350, %dma_wait3A_351] : memref<8x125x32xf32, #tpu.memory_space<vmem>> -> memref<1x125x32xf32, #tpu.memory_space<vmem>>
        %dma_wait3A_353 = tpu.memref_squeeze %dma_wait3A_352 : memref<1x125x32xf32, #tpu.memory_space<vmem>> -> memref<125x32xf32, #tpu.memory_space<vmem>>
        %dma_wait3A_354 = arith.constant 0 : i32
        %dma_wait3A_355 = tpu.memref_slice %arg8[%add3A_292, %dma_wait3A_354] : memref<80x125xi32, #tpu.memory_space<vmem>> -> memref<1x125xi32, #tpu.memory_space<vmem>>
        %dma_wait3A_356 = tpu.memref_squeeze %dma_wait3A_355 : memref<1x125xi32, #tpu.memory_space<vmem>> -> memref<125xi32, #tpu.memory_space<vmem>>
        %dma_wait3A_357 = arith.constant 0 : i32
        %dma_wait3A_358 = arith.constant 0 : i32
        %dma_wait3A_359 = tpu.memref_slice %arg11[%dma_wait3A_357, %dma_wait3A_358] : memref<10000x32xf32, #tpu.memory_space<vmem_shared>> -> memref<10000x32xf32, #tpu.memory_space<vmem_shared>>
        tpu.wait_indirect_dma semaphore(%run_scoped3A_339 : memref<!tpu.dma_semaphore, #tpu.memory_space<semaphore_mem>>) src(%dma_wait3A_353 : memref<125x32xf32, #tpu.memory_space<vmem>>) dst(%dma_wait3A_359 : memref<10000x32xf32, #tpu.memory_space<vmem_shared>>)
        tpu.yield
      }) : () -> ()
      %add3A_308 = arith.constant 8 : i32
      %add3A_309 = arith.addi %add3A_292, %add3A_308 : i32
      %lt3A_310 = arith.constant 80 : i32
      %lt3A_311 = arith.cmpi slt, %add3A_309, %lt3A_310 : i32
      %convert_element_type3A_312 = arith.extui %lt3A_311 : i1 to i32
      %cond3A_313 = arith.constant 0 : i32
      %cond3A_314 = arith.cmpi ne, %convert_element_type3A_312, %cond3A_313 : i32
      scf.if %cond3A_314 {
        %dma_start3A_339 = arith.constant 6 : i32
        %dma_start3A_340 = arith.constant 6 : i32
        %dma_start3A_341 = arith.constant 0 : i32
        %dma_start3A_342 = arith.constant 0 : i32
        %dma_start3A_343 = tpu.memref_slice %arg9[%dma_start3A_339, %dma_start3A_341, %dma_start3A_342] : memref<8x125x32xf32, #tpu.memory_space<vmem>> -> memref<1x125x32xf32, #tpu.memory_space<vmem>>
        %dma_start3A_344 = tpu.memref_squeeze %dma_start3A_343 : memref<1x125x32xf32, #tpu.memory_space<vmem>> -> memref<125x32xf32, #tpu.memory_space<vmem>>
        %dma_start3A_345 = arith.constant 0 : i32
        %dma_start3A_346 = tpu.memref_slice %arg7[%add3A_309, %dma_start3A_345] : memref<80x125xi32, #tpu.memory_space<vmem>> -> memref<1x125xi32, #tpu.memory_space<vmem>>
        %dma_start3A_347 = tpu.memref_squeeze %dma_start3A_346 : memref<1x125xi32, #tpu.memory_space<vmem>> -> memref<125xi32, #tpu.memory_space<vmem>>
        %dma_start3A_348 = arith.constant 0 : i32
        %dma_start3A_349 = arith.constant 0 : i32
        %dma_start3A_350 = tpu.memref_slice %arg2[%dma_start3A_348, %dma_start3A_349] : memref<10000x32xf32, #tpu.memory_space<hbm>> -> memref<10000x32xf32, #tpu.memory_space<hbm>>
        %dma_start3A_351 = tpu.memref_slice %arg10[%dma_start3A_340] : memref<8x!tpu.dma_semaphore, #tpu.memory_space<semaphore_mem>> -> memref<1x!tpu.dma_semaphore, #tpu.memory_space<semaphore_mem>>
        %dma_start3A_352 = tpu.memref_squeeze %dma_start3A_351 : memref<1x!tpu.dma_semaphore, #tpu.memory_space<semaphore_mem>> -> memref<!tpu.dma_semaphore, #tpu.memory_space<semaphore_mem>>
        tpu.enqueue_indirect_dma source(%dma_start3A_350 : memref<10000x32xf32, #tpu.memory_space<hbm>>) target(%dma_start3A_344 : memref<125x32xf32, #tpu.memory_space<vmem>>) offsets(%dma_start3A_347 : memref<125xi32, #tpu.memory_space<vmem>>) semaphore(%dma_start3A_352 : memref<!tpu.dma_semaphore, #tpu.memory_space<semaphore_mem>>)
      } else {
      }
      %add3A_315 = arith.constant 7 : i32
      %add3A_316 = arith.addi %mul3A_148, %add3A_315 : i32
      %dma_wait3A_317 = arith.constant 7 : i32
      %dma_wait3A_318 = arith.constant 7 : i32
      %dma_wait3A_319 = arith.constant 0 : i32
      %dma_wait3A_320 = arith.constant 0 : i32
      %dma_wait3A_321 = tpu.memref_slice %arg9[%dma_wait3A_317, %dma_wait3A_319, %dma_wait3A_320] : memref<8x125x32xf32, #tpu.memory_space<vmem>> -> memref<1x125x32xf32, #tpu.memory_space<vmem>>
      %dma_wait3A_322 = tpu.memref_squeeze %dma_wait3A_321 : memref<1x125x32xf32, #tpu.memory_space<vmem>> -> memref<125x32xf32, #tpu.memory_space<vmem>>
      %dma_wait3A_323 = arith.constant 0 : i32
      %dma_wait3A_324 = tpu.memref_slice %arg7[%add3A_316, %dma_wait3A_323] : memref<80x125xi32, #tpu.memory_space<vmem>> -> memref<1x125xi32, #tpu.memory_space<vmem>>
      %dma_wait3A_325 = tpu.memref_squeeze %dma_wait3A_324 : memref<1x125xi32, #tpu.memory_space<vmem>> -> memref<125xi32, #tpu.memory_space<vmem>>
      %dma_wait3A_326 = arith.constant 0 : i32
      %dma_wait3A_327 = arith.constant 0 : i32
      %dma_wait3A_328 = tpu.memref_slice %arg2[%dma_wait3A_326, %dma_wait3A_327] : memref<10000x32xf32, #tpu.memory_space<hbm>> -> memref<10000x32xf32, #tpu.memory_space<hbm>>
      %dma_wait3A_329 = tpu.memref_slice %arg10[%dma_wait3A_318] : memref<8x!tpu.dma_semaphore, #tpu.memory_space<semaphore_mem>> -> memref<1x!tpu.dma_semaphore, #tpu.memory_space<semaphore_mem>>
      %dma_wait3A_330 = tpu.memref_squeeze %dma_wait3A_329 : memref<1x!tpu.dma_semaphore, #tpu.memory_space<semaphore_mem>> -> memref<!tpu.dma_semaphore, #tpu.memory_space<semaphore_mem>>
      tpu.wait_indirect_dma semaphore(%dma_wait3A_330 : memref<!tpu.dma_semaphore, #tpu.memory_space<semaphore_mem>>) src(%dma_wait3A_328 : memref<10000x32xf32, #tpu.memory_space<hbm>>) dst(%dma_wait3A_322 : memref<125x32xf32, #tpu.memory_space<vmem>>)
      %run_scoped3A_331 = arith.constant 7 : i32
      "tpu.region"() ({
        %run_scoped3A_339 = tpu.sem_alloc : memref<!tpu.dma_semaphore, #tpu.memory_space<semaphore_mem>>
        %dma_start3A_340 = arith.constant 0 : i32
        %dma_start3A_341 = arith.constant 0 : i32
        %dma_start3A_342 = tpu.memref_slice %arg9[%run_scoped3A_331, %dma_start3A_340, %dma_start3A_341] : memref<8x125x32xf32, #tpu.memory_space<vmem>> -> memref<1x125x32xf32, #tpu.memory_space<vmem>>
        %dma_start3A_343 = tpu.memref_squeeze %dma_start3A_342 : memref<1x125x32xf32, #tpu.memory_space<vmem>> -> memref<125x32xf32, #tpu.memory_space<vmem>>
        %dma_start3A_344 = arith.constant 0 : i32
        %dma_start3A_345 = tpu.memref_slice %arg8[%add3A_316, %dma_start3A_344] : memref<80x125xi32, #tpu.memory_space<vmem>> -> memref<1x125xi32, #tpu.memory_space<vmem>>
        %dma_start3A_346 = tpu.memref_squeeze %dma_start3A_345 : memref<1x125xi32, #tpu.memory_space<vmem>> -> memref<125xi32, #tpu.memory_space<vmem>>
        %dma_start3A_347 = arith.constant 0 : i32
        %dma_start3A_348 = arith.constant 0 : i32
        %dma_start3A_349 = tpu.memref_slice %arg11[%dma_start3A_347, %dma_start3A_348] : memref<10000x32xf32, #tpu.memory_space<vmem_shared>> -> memref<10000x32xf32, #tpu.memory_space<vmem_shared>>
        tpu.enqueue_indirect_dma source(%dma_start3A_343 : memref<125x32xf32, #tpu.memory_space<vmem>>) target(%dma_start3A_349 : memref<10000x32xf32, #tpu.memory_space<vmem_shared>>) offsets(%dma_start3A_346 : memref<125xi32, #tpu.memory_space<vmem>>) semaphore(%run_scoped3A_339 : memref<!tpu.dma_semaphore, #tpu.memory_space<semaphore_mem>>) {add = true}
        %dma_wait3A_350 = arith.constant 0 : i32
        %dma_wait3A_351 = arith.constant 0 : i32
        %dma_wait3A_352 = tpu.memref_slice %arg9[%run_scoped3A_331, %dma_wait3A_350, %dma_wait3A_351] : memref<8x125x32xf32, #tpu.memory_space<vmem>> -> memref<1x125x32xf32, #tpu.memory_space<vmem>>
        %dma_wait3A_353 = tpu.memref_squeeze %dma_wait3A_352 : memref<1x125x32xf32, #tpu.memory_space<vmem>> -> memref<125x32xf32, #tpu.memory_space<vmem>>
        %dma_wait3A_354 = arith.constant 0 : i32
        %dma_wait3A_355 = tpu.memref_slice %arg8[%add3A_316, %dma_wait3A_354] : memref<80x125xi32, #tpu.memory_space<vmem>> -> memref<1x125xi32, #tpu.memory_space<vmem>>
        %dma_wait3A_356 = tpu.memref_squeeze %dma_wait3A_355 : memref<1x125xi32, #tpu.memory_space<vmem>> -> memref<125xi32, #tpu.memory_space<vmem>>
        %dma_wait3A_357 = arith.constant 0 : i32
        %dma_wait3A_358 = arith.constant 0 : i32
        %dma_wait3A_359 = tpu.memref_slice %arg11[%dma_wait3A_357, %dma_wait3A_358] : memref<10000x32xf32, #tpu.memory_space<vmem_shared>> -> memref<10000x32xf32, #tpu.memory_space<vmem_shared>>
        tpu.wait_indirect_dma semaphore(%run_scoped3A_339 : memref<!tpu.dma_semaphore, #tpu.memory_space<semaphore_mem>>) src(%dma_wait3A_353 : memref<125x32xf32, #tpu.memory_space<vmem>>) dst(%dma_wait3A_359 : memref<10000x32xf32, #tpu.memory_space<vmem_shared>>)
        tpu.yield
      }) : () -> ()
      %add3A_332 = arith.constant 8 : i32
      %add3A_333 = arith.addi %add3A_316, %add3A_332 : i32
      %lt3A_334 = arith.constant 80 : i32
      %lt3A_335 = arith.cmpi slt, %add3A_333, %lt3A_334 : i32
      %convert_element_type3A_336 = arith.extui %lt3A_335 : i1 to i32
      %cond3A_337 = arith.constant 0 : i32
      %cond3A_338 = arith.cmpi ne, %convert_element_type3A_336, %cond3A_337 : i32
      scf.if %cond3A_338 {
        %dma_start3A_339 = arith.constant 7 : i32
        %dma_start3A_340 = arith.constant 7 : i32
        %dma_start3A_341 = arith.constant 0 : i32
        %dma_start3A_342 = arith.constant 0 : i32
        %dma_start3A_343 = tpu.memref_slice %arg9[%dma_start3A_339, %dma_start3A_341, %dma_start3A_342] : memref<8x125x32xf32, #tpu.memory_space<vmem>> -> memref<1x125x32xf32, #tpu.memory_space<vmem>>
        %dma_start3A_344 = tpu.memref_squeeze %dma_start3A_343 : memref<1x125x32xf32, #tpu.memory_space<vmem>> -> memref<125x32xf32, #tpu.memory_space<vmem>>
        %dma_start3A_345 = arith.constant 0 : i32
        %dma_start3A_346 = tpu.memref_slice %arg7[%add3A_333, %dma_start3A_345] : memref<80x125xi32, #tpu.memory_space<vmem>> -> memref<1x125xi32, #tpu.memory_space<vmem>>
        %dma_start3A_347 = tpu.memref_squeeze %dma_start3A_346 : memref<1x125xi32, #tpu.memory_space<vmem>> -> memref<125xi32, #tpu.memory_space<vmem>>
        %dma_start3A_348 = arith.constant 0 : i32
        %dma_start3A_349 = arith.constant 0 : i32
        %dma_start3A_350 = tpu.memref_slice %arg2[%dma_start3A_348, %dma_start3A_349] : memref<10000x32xf32, #tpu.memory_space<hbm>> -> memref<10000x32xf32, #tpu.memory_space<hbm>>
        %dma_start3A_351 = tpu.memref_slice %arg10[%dma_start3A_340] : memref<8x!tpu.dma_semaphore, #tpu.memory_space<semaphore_mem>> -> memref<1x!tpu.dma_semaphore, #tpu.memory_space<semaphore_mem>>
        %dma_start3A_352 = tpu.memref_squeeze %dma_start3A_351 : memref<1x!tpu.dma_semaphore, #tpu.memory_space<semaphore_mem>> -> memref<!tpu.dma_semaphore, #tpu.memory_space<semaphore_mem>>
        tpu.enqueue_indirect_dma source(%dma_start3A_350 : memref<10000x32xf32, #tpu.memory_space<hbm>>) target(%dma_start3A_344 : memref<125x32xf32, #tpu.memory_space<vmem>>) offsets(%dma_start3A_347 : memref<125xi32, #tpu.memory_space<vmem>>) semaphore(%dma_start3A_352 : memref<!tpu.dma_semaphore, #tpu.memory_space<semaphore_mem>>)
      } else {
      }
    }
    %scan3A_134 = arith.constant 10 : i32
    %barrier3A_135 = arith.constant 0 : index
    tpu.barrier barrier_id(%barrier3A_135)
    %lt3A_136 = arith.constant 15 : i32
    %lt3A_137 = arith.cmpi slt, %arg1, %lt3A_136 : i32
    %convert_element_type3A_138 = arith.extui %lt3A_137 : i1 to i32
    %cond3A_139 = arith.constant 0 : i32
    %cond3A_140 = arith.cmpi ne, %convert_element_type3A_138, %cond3A_139 : i32
    scf.if %cond3A_140 {
      %mul3A_146 = arith.constant 632 : i32
      %mul3A_147 = arith.muli %arg1, %mul3A_146 : i32
      %mul3A_148 = arith.constant 10000 : i32
      %mul3A_149 = arith.muli %arg0, %mul3A_148 : i32
      %mul3A_150 = arith.constant 632 : i32
      %mul3A_151 = arith.muli %arg1, %mul3A_150 : i32
      %add3A_152 = arith.addi %mul3A_149, %mul3A_151 : i32
      "tpu.region"() ({
        %run_scoped3A = tpu.sem_alloc : memref<!tpu.dma_semaphore, #tpu.memory_space<semaphore_mem>>
        %dma_start3A_153 = arith.constant 0 : i32
        %dma_start3A_154 = tpu.memref_slice %arg6[%add3A_152, %dma_start3A_153] : memref<20000x32xf32, #tpu.memory_space<hbm>> -> memref<632x32xf32, #tpu.memory_space<hbm>>
        %dma_start3A_155 = arith.constant 0 : i32
        %dma_start3A_156 = tpu.memref_slice %arg11[%mul3A_147, %dma_start3A_155] : memref<10000x32xf32, #tpu.memory_space<vmem_shared>> -> memref<632x32xf32, #tpu.memory_space<vmem_shared>>
        tpu.enqueue_dma source(%dma_start3A_156 : memref<632x32xf32, #tpu.memory_space<vmem_shared>>) target(%dma_start3A_154 : memref<632x32xf32, #tpu.memory_space<hbm>>) target_semaphore(%run_scoped3A : memref<!tpu.dma_semaphore, #tpu.memory_space<semaphore_mem>>)
        %dma_wait3A = arith.constant 0 : i32
        %dma_wait3A_157 = tpu.memref_slice %arg6[%add3A_152, %dma_wait3A] : memref<20000x32xf32, #tpu.memory_space<hbm>> -> memref<632x32xf32, #tpu.memory_space<hbm>>
        %dma_wait3A_158 = arith.constant 0 : i32
        %dma_wait3A_159 = tpu.memref_slice %arg11[%mul3A_147, %dma_wait3A_158] : memref<10000x32xf32, #tpu.memory_space<vmem_shared>> -> memref<632x32xf32, #tpu.memory_space<vmem_shared>>
        tpu.wait_dma2 semaphore(%run_scoped3A : memref<!tpu.dma_semaphore, #tpu.memory_space<semaphore_mem>>) src(%dma_wait3A_159 : memref<632x32xf32, #tpu.memory_space<vmem_shared>>) dst(%dma_wait3A_157 : memref<632x32xf32, #tpu.memory_space<hbm>>)
        tpu.yield
      }) : () -> ()
    } else {
    }
    %eq3A_141 = arith.constant 15 : i32
    %eq3A_142 = arith.cmpi eq, %arg1, %eq3A_141 : i32
    %convert_element_type3A_143 = arith.extui %eq3A_142 : i1 to i32
    %cond3A_144 = arith.constant 0 : i32
    %cond3A_145 = arith.cmpi ne, %convert_element_type3A_143, %cond3A_144 : i32
    scf.if %cond3A_145 {
      %mul3A_146 = arith.constant 10000 : i32
      %mul3A_147 = arith.muli %arg0, %mul3A_146 : i32
      %add3A_148 = arith.constant 9480 : i32
      %add3A_149 = arith.addi %mul3A_147, %add3A_148 : i32
      "tpu.region"() ({
        %run_scoped3A = tpu.sem_alloc : memref<!tpu.dma_semaphore, #tpu.memory_space<semaphore_mem>>
        %dma_start3A_150 = arith.constant 0 : i32
        %dma_start3A_151 = tpu.memref_slice %arg6[%add3A_149, %dma_start3A_150] : memref<20000x32xf32, #tpu.memory_space<hbm>> -> memref<520x32xf32, #tpu.memory_space<hbm>>
        %dma_start3A_152 = arith.constant 9480 : i32
        %dma_start3A_153 = arith.constant 0 : i32
        %dma_start3A_154 = tpu.memref_slice %arg11[%dma_start3A_152, %dma_start3A_153] : memref<10000x32xf32, #tpu.memory_space<vmem_shared>> -> memref<520x32xf32, #tpu.memory_space<vmem_shared>>
        tpu.enqueue_dma source(%dma_start3A_154 : memref<520x32xf32, #tpu.memory_space<vmem_shared>>) target(%dma_start3A_151 : memref<520x32xf32, #tpu.memory_space<hbm>>) target_semaphore(%run_scoped3A : memref<!tpu.dma_semaphore, #tpu.memory_space<semaphore_mem>>)
        %dma_wait3A = arith.constant 0 : i32
        %dma_wait3A_155 = tpu.memref_slice %arg6[%add3A_149, %dma_wait3A] : memref<20000x32xf32, #tpu.memory_space<hbm>> -> memref<520x32xf32, #tpu.memory_space<hbm>>
        %dma_wait3A_156 = arith.constant 9480 : i32
        %dma_wait3A_157 = arith.constant 0 : i32
        %dma_wait3A_158 = tpu.memref_slice %arg11[%dma_wait3A_156, %dma_wait3A_157] : memref<10000x32xf32, #tpu.memory_space<vmem_shared>> -> memref<520x32xf32, #tpu.memory_space<vmem_shared>>
        tpu.wait_dma2 semaphore(%run_scoped3A : memref<!tpu.dma_semaphore, #tpu.memory_space<semaphore_mem>>) src(%dma_wait3A_158 : memref<520x32xf32, #tpu.memory_space<vmem_shared>>) dst(%dma_wait3A_155 : memref<520x32xf32, #tpu.memory_space<hbm>>)
        tpu.yield
      }) : () -> ()
    } else {
    }
    return
  }
}

#map = affine_map<(d0, d1) -> (0, 0)>
module attributes {stable_mosaic.version = 14 : i64} {
  func.func @body(%arg0: i32, %arg1: i32, %arg2: memref<10000x64xf32, #tpu.memory_space<hbm>>, %arg3: memref<2560x125xi32, #tpu.memory_space<hbm>>, %arg4: memref<2560x125xi32, #tpu.memory_space<hbm>>, %arg5: memref<10000x64xf32, #tpu.memory_space<hbm>>, %arg6: memref<20000x64xf32, #tpu.memory_space<hbm>>, %arg7: memref<80x125xi32, #tpu.memory_space<vmem>>, %arg8: memref<80x125xi32, #tpu.memory_space<vmem>>, %arg9: memref<8x125x64xf32, #tpu.memory_space<vmem>>, %arg10: memref<8x!tpu.dma_semaphore, #tpu.memory_space<semaphore_mem>>, %arg11: memref<10000x64xf32, #tpu.memory_space<vmem_shared>>) attributes {dimension_semantics = [#tpu.dimension_semantics<core_parallel>, #tpu.dimension_semantics<subcore_parallel>], iteration_bounds = array<i64: 2, 16>, scalar_prefetch = 0 : i64, scratch_operands = 5 : i64, tpu.core_type = #tpu.core_type<sc_vector_subcore>, window_params = [{transform_indices = #map}, {transform_indices = #map}, {transform_indices = #map}, {transform_indices = #map}, {transform_indices = #map}]} {
    %mul3A = arith.constant 2 : i32
    %mul3A_0 = arith.muli %arg1, %mul3A : i32
    %add3A = arith.addi %mul3A_0, %arg0 : i32
    %lt3A = arith.constant 15 : i32
    %lt3A_1 = arith.cmpi slt, %arg1, %lt3A : i32
    %convert_element_type3A = arith.extui %lt3A_1 : i1 to i32
    %cond3A = arith.constant 0 : i32
    %cond3A_2 = arith.cmpi ne, %convert_element_type3A, %cond3A : i32
    scf.if %cond3A_2 {
      %mul3A_146 = arith.constant 632 : i32
      %mul3A_147 = arith.muli %arg1, %mul3A_146 : i32
      %mul3A_148 = arith.constant 632 : i32
      %mul3A_149 = arith.muli %arg1, %mul3A_148 : i32
      "tpu.region"() ({
        %run_scoped3A = tpu.sem_alloc : memref<!tpu.dma_semaphore, #tpu.memory_space<semaphore_mem>>
        %dma_start3A_150 = arith.constant 0 : i32
        %dma_start3A_151 = tpu.memref_slice %arg11[%mul3A_149, %dma_start3A_150] : memref<10000x64xf32, #tpu.memory_space<vmem_shared>> -> memref<632x64xf32, #tpu.memory_space<vmem_shared>>
        %dma_start3A_152 = arith.constant 0 : i32
        %dma_start3A_153 = tpu.memref_slice %arg5[%mul3A_147, %dma_start3A_152] : memref<10000x64xf32, #tpu.memory_space<hbm>> -> memref<632x64xf32, #tpu.memory_space<hbm>>
        tpu.enqueue_dma source(%dma_start3A_153 : memref<632x64xf32, #tpu.memory_space<hbm>>) target(%dma_start3A_151 : memref<632x64xf32, #tpu.memory_space<vmem_shared>>) target_semaphore(%run_scoped3A : memref<!tpu.dma_semaphore, #tpu.memory_space<semaphore_mem>>)
        %dma_wait3A = arith.constant 0 : i32
        %dma_wait3A_154 = tpu.memref_slice %arg11[%mul3A_149, %dma_wait3A] : memref<10000x64xf32, #tpu.memory_space<vmem_shared>> -> memref<632x64xf32, #tpu.memory_space<vmem_shared>>
        %dma_wait3A_155 = arith.constant 0 : i32
        %dma_wait3A_156 = tpu.memref_slice %arg5[%mul3A_147, %dma_wait3A_155] : memref<10000x64xf32, #tpu.memory_space<hbm>> -> memref<632x64xf32, #tpu.memory_space<hbm>>
        tpu.wait_dma2 semaphore(%run_scoped3A : memref<!tpu.dma_semaphore, #tpu.memory_space<semaphore_mem>>) src(%dma_wait3A_156 : memref<632x64xf32, #tpu.memory_space<hbm>>) dst(%dma_wait3A_154 : memref<632x64xf32, #tpu.memory_space<vmem_shared>>)
        tpu.yield
      }) : () -> ()
    } else {
    }
    %eq3A = arith.constant 15 : i32
    %eq3A_3 = arith.cmpi eq, %arg1, %eq3A : i32
    %convert_element_type3A_4 = arith.extui %eq3A_3 : i1 to i32
    %cond3A_5 = arith.constant 0 : i32
    %cond3A_6 = arith.cmpi ne, %convert_element_type3A_4, %cond3A_5 : i32
    scf.if %cond3A_6 {
      "tpu.region"() ({
        %run_scoped3A = tpu.sem_alloc : memref<!tpu.dma_semaphore, #tpu.memory_space<semaphore_mem>>
        %dma_start3A_146 = arith.constant 9480 : i32
        %dma_start3A_147 = arith.constant 0 : i32
        %dma_start3A_148 = tpu.memref_slice %arg11[%dma_start3A_146, %dma_start3A_147] : memref<10000x64xf32, #tpu.memory_space<vmem_shared>> -> memref<520x64xf32, #tpu.memory_space<vmem_shared>>
        %dma_start3A_149 = arith.constant 9480 : i32
        %dma_start3A_150 = arith.constant 0 : i32
        %dma_start3A_151 = tpu.memref_slice %arg5[%dma_start3A_149, %dma_start3A_150] : memref<10000x64xf32, #tpu.memory_space<hbm>> -> memref<520x64xf32, #tpu.memory_space<hbm>>
        tpu.enqueue_dma source(%dma_start3A_151 : memref<520x64xf32, #tpu.memory_space<hbm>>) target(%dma_start3A_148 : memref<520x64xf32, #tpu.memory_space<vmem_shared>>) target_semaphore(%run_scoped3A : memref<!tpu.dma_semaphore, #tpu.memory_space<semaphore_mem>>)
        %dma_wait3A = arith.constant 9480 : i32
        %dma_wait3A_152 = arith.constant 0 : i32
        %dma_wait3A_153 = tpu.memref_slice %arg11[%dma_wait3A, %dma_wait3A_152] : memref<10000x64xf32, #tpu.memory_space<vmem_shared>> -> memref<520x64xf32, #tpu.memory_space<vmem_shared>>
        %dma_wait3A_154 = arith.constant 9480 : i32
        %dma_wait3A_155 = arith.constant 0 : i32
        %dma_wait3A_156 = tpu.memref_slice %arg5[%dma_wait3A_154, %dma_wait3A_155] : memref<10000x64xf32, #tpu.memory_space<hbm>> -> memref<520x64xf32, #tpu.memory_space<hbm>>
        tpu.wait_dma2 semaphore(%run_scoped3A : memref<!tpu.dma_semaphore, #tpu.memory_space<semaphore_mem>>) src(%dma_wait3A_156 : memref<520x64xf32, #tpu.memory_space<hbm>>) dst(%dma_wait3A_153 : memref<520x64xf32, #tpu.memory_space<vmem_shared>>)
        tpu.yield
      }) : () -> ()
    } else {
    }
    %mul3A_7 = arith.constant 80 : i32
    %mul3A_8 = arith.muli %add3A, %mul3A_7 : i32
    "tpu.region"() ({
      %run_scoped3A = tpu.sem_alloc : memref<!tpu.dma_semaphore, #tpu.memory_space<semaphore_mem>>
      %dma_start3A_146 = arith.constant 0 : i32
      %dma_start3A_147 = tpu.memref_slice %arg3[%mul3A_8, %dma_start3A_146] : memref<2560x125xi32, #tpu.memory_space<hbm>> -> memref<80x125xi32, #tpu.memory_space<hbm>>
      %dma_start3A_148 = arith.constant 0 : i32
      %dma_start3A_149 = tpu.memref_slice %arg3[%mul3A_8, %dma_start3A_148] : memref<2560x125xi32, #tpu.memory_space<hbm>> -> memref<80x125xi32, #tpu.memory_space<hbm>>
      tpu.enqueue_dma source(%dma_start3A_149 : memref<80x125xi32, #tpu.memory_space<hbm>>) target(%arg7 : memref<80x125xi32, #tpu.memory_space<vmem>>) target_semaphore(%run_scoped3A : memref<!tpu.dma_semaphore, #tpu.memory_space<semaphore_mem>>)
      %dma_wait3A = arith.constant 0 : i32
      %dma_wait3A_150 = tpu.memref_slice %arg3[%mul3A_8, %dma_wait3A] : memref<2560x125xi32, #tpu.memory_space<hbm>> -> memref<80x125xi32, #tpu.memory_space<hbm>>
      %dma_wait3A_151 = arith.constant 0 : i32
      %dma_wait3A_152 = tpu.memref_slice %arg3[%mul3A_8, %dma_wait3A_151] : memref<2560x125xi32, #tpu.memory_space<hbm>> -> memref<80x125xi32, #tpu.memory_space<hbm>>
      tpu.wait_dma2 semaphore(%run_scoped3A : memref<!tpu.dma_semaphore, #tpu.memory_space<semaphore_mem>>) src(%dma_wait3A_152 : memref<80x125xi32, #tpu.memory_space<hbm>>) dst(%arg7 : memref<80x125xi32, #tpu.memory_space<vmem>>)
      tpu.yield
    }) : () -> ()
    %mul3A_9 = arith.constant 80 : i32
    %mul3A_10 = arith.muli %add3A, %mul3A_9 : i32
    "tpu.region"() ({
      %run_scoped3A = tpu.sem_alloc : memref<!tpu.dma_semaphore, #tpu.memory_space<semaphore_mem>>
      %dma_start3A_146 = arith.constant 0 : i32
      %dma_start3A_147 = tpu.memref_slice %arg4[%mul3A_10, %dma_start3A_146] : memref<2560x125xi32, #tpu.memory_space<hbm>> -> memref<80x125xi32, #tpu.memory_space<hbm>>
      %dma_start3A_148 = arith.constant 0 : i32
      %dma_start3A_149 = tpu.memref_slice %arg4[%mul3A_10, %dma_start3A_148] : memref<2560x125xi32, #tpu.memory_space<hbm>> -> memref<80x125xi32, #tpu.memory_space<hbm>>
      tpu.enqueue_dma source(%dma_start3A_149 : memref<80x125xi32, #tpu.memory_space<hbm>>) target(%arg8 : memref<80x125xi32, #tpu.memory_space<vmem>>) target_semaphore(%run_scoped3A : memref<!tpu.dma_semaphore, #tpu.memory_space<semaphore_mem>>)
      %dma_wait3A = arith.constant 0 : i32
      %dma_wait3A_150 = tpu.memref_slice %arg4[%mul3A_10, %dma_wait3A] : memref<2560x125xi32, #tpu.memory_space<hbm>> -> memref<80x125xi32, #tpu.memory_space<hbm>>
      %dma_wait3A_151 = arith.constant 0 : i32
      %dma_wait3A_152 = tpu.memref_slice %arg4[%mul3A_10, %dma_wait3A_151] : memref<2560x125xi32, #tpu.memory_space<hbm>> -> memref<80x125xi32, #tpu.memory_space<hbm>>
      tpu.wait_dma2 semaphore(%run_scoped3A : memref<!tpu.dma_semaphore, #tpu.memory_space<semaphore_mem>>) src(%dma_wait3A_152 : memref<80x125xi32, #tpu.memory_space<hbm>>) dst(%arg8 : memref<80x125xi32, #tpu.memory_space<vmem>>)
      tpu.yield
    }) : () -> ()
    %barrier3A = arith.constant 0 : index
    tpu.barrier barrier_id(%barrier3A)
    %dma_start3A = arith.constant 0 : i32
    %dma_start3A_11 = arith.constant 0 : i32
    %dma_start3A_12 = arith.constant 0 : i32
    %dma_start3A_13 = arith.constant 0 : i32
    %dma_start3A_14 = arith.constant 0 : i32
    %dma_start3A_15 = tpu.memref_slice %arg9[%dma_start3A_11, %dma_start3A_13, %dma_start3A_14] : memref<8x125x64xf32, #tpu.memory_space<vmem>> -> memref<1x125x64xf32, #tpu.memory_space<vmem>>
    %dma_start3A_16 = tpu.memref_squeeze %dma_start3A_15 : memref<1x125x64xf32, #tpu.memory_space<vmem>> -> memref<125x64xf32, #tpu.memory_space<vmem>>
    %dma_start3A_17 = arith.constant 0 : i32
    %dma_start3A_18 = tpu.memref_slice %arg7[%dma_start3A, %dma_start3A_17] : memref<80x125xi32, #tpu.memory_space<vmem>> -> memref<1x125xi32, #tpu.memory_space<vmem>>
    %dma_start3A_19 = tpu.memref_squeeze %dma_start3A_18 : memref<1x125xi32, #tpu.memory_space<vmem>> -> memref<125xi32, #tpu.memory_space<vmem>>
    %dma_start3A_20 = arith.constant 0 : i32
    %dma_start3A_21 = arith.constant 0 : i32
    %dma_start3A_22 = tpu.memref_slice %arg2[%dma_start3A_20, %dma_start3A_21] : memref<10000x64xf32, #tpu.memory_space<hbm>> -> memref<10000x64xf32, #tpu.memory_space<hbm>>
    %dma_start3A_23 = tpu.memref_slice %arg10[%dma_start3A_12] : memref<8x!tpu.dma_semaphore, #tpu.memory_space<semaphore_mem>> -> memref<1x!tpu.dma_semaphore, #tpu.memory_space<semaphore_mem>>
    %dma_start3A_24 = tpu.memref_squeeze %dma_start3A_23 : memref<1x!tpu.dma_semaphore, #tpu.memory_space<semaphore_mem>> -> memref<!tpu.dma_semaphore, #tpu.memory_space<semaphore_mem>>
    tpu.enqueue_indirect_dma source(%dma_start3A_22 : memref<10000x64xf32, #tpu.memory_space<hbm>>) target(%dma_start3A_16 : memref<125x64xf32, #tpu.memory_space<vmem>>) offsets(%dma_start3A_19 : memref<125xi32, #tpu.memory_space<vmem>>) semaphore(%dma_start3A_24 : memref<!tpu.dma_semaphore, #tpu.memory_space<semaphore_mem>>)
    %dma_start3A_25 = arith.constant 1 : i32
    %dma_start3A_26 = arith.constant 1 : i32
    %dma_start3A_27 = arith.constant 1 : i32
    %dma_start3A_28 = arith.constant 0 : i32
    %dma_start3A_29 = arith.constant 0 : i32
    %dma_start3A_30 = tpu.memref_slice %arg9[%dma_start3A_26, %dma_start3A_28, %dma_start3A_29] : memref<8x125x64xf32, #tpu.memory_space<vmem>> -> memref<1x125x64xf32, #tpu.memory_space<vmem>>
    %dma_start3A_31 = tpu.memref_squeeze %dma_start3A_30 : memref<1x125x64xf32, #tpu.memory_space<vmem>> -> memref<125x64xf32, #tpu.memory_space<vmem>>
    %dma_start3A_32 = arith.constant 0 : i32
    %dma_start3A_33 = tpu.memref_slice %arg7[%dma_start3A_25, %dma_start3A_32] : memref<80x125xi32, #tpu.memory_space<vmem>> -> memref<1x125xi32, #tpu.memory_space<vmem>>
    %dma_start3A_34 = tpu.memref_squeeze %dma_start3A_33 : memref<1x125xi32, #tpu.memory_space<vmem>> -> memref<125xi32, #tpu.memory_space<vmem>>
    %dma_start3A_35 = arith.constant 0 : i32
    %dma_start3A_36 = arith.constant 0 : i32
    %dma_start3A_37 = tpu.memref_slice %arg2[%dma_start3A_35, %dma_start3A_36] : memref<10000x64xf32, #tpu.memory_space<hbm>> -> memref<10000x64xf32, #tpu.memory_space<hbm>>
    %dma_start3A_38 = tpu.memref_slice %arg10[%dma_start3A_27] : memref<8x!tpu.dma_semaphore, #tpu.memory_space<semaphore_mem>> -> memref<1x!tpu.dma_semaphore, #tpu.memory_space<semaphore_mem>>
    %dma_start3A_39 = tpu.memref_squeeze %dma_start3A_38 : memref<1x!tpu.dma_semaphore, #tpu.memory_space<semaphore_mem>> -> memref<!tpu.dma_semaphore, #tpu.memory_space<semaphore_mem>>
    tpu.enqueue_indirect_dma source(%dma_start3A_37 : memref<10000x64xf32, #tpu.memory_space<hbm>>) target(%dma_start3A_31 : memref<125x64xf32, #tpu.memory_space<vmem>>) offsets(%dma_start3A_34 : memref<125xi32, #tpu.memory_space<vmem>>) semaphore(%dma_start3A_39 : memref<!tpu.dma_semaphore, #tpu.memory_space<semaphore_mem>>)
    %dma_start3A_40 = arith.constant 2 : i32
    %dma_start3A_41 = arith.constant 2 : i32
    %dma_start3A_42 = arith.constant 2 : i32
    %dma_start3A_43 = arith.constant 0 : i32
    %dma_start3A_44 = arith.constant 0 : i32
    %dma_start3A_45 = tpu.memref_slice %arg9[%dma_start3A_41, %dma_start3A_43, %dma_start3A_44] : memref<8x125x64xf32, #tpu.memory_space<vmem>> -> memref<1x125x64xf32, #tpu.memory_space<vmem>>
    %dma_start3A_46 = tpu.memref_squeeze %dma_start3A_45 : memref<1x125x64xf32, #tpu.memory_space<vmem>> -> memref<125x64xf32, #tpu.memory_space<vmem>>
    %dma_start3A_47 = arith.constant 0 : i32
    %dma_start3A_48 = tpu.memref_slice %arg7[%dma_start3A_40, %dma_start3A_47] : memref<80x125xi32, #tpu.memory_space<vmem>> -> memref<1x125xi32, #tpu.memory_space<vmem>>
    %dma_start3A_49 = tpu.memref_squeeze %dma_start3A_48 : memref<1x125xi32, #tpu.memory_space<vmem>> -> memref<125xi32, #tpu.memory_space<vmem>>
    %dma_start3A_50 = arith.constant 0 : i32
    %dma_start3A_51 = arith.constant 0 : i32
    %dma_start3A_52 = tpu.memref_slice %arg2[%dma_start3A_50, %dma_start3A_51] : memref<10000x64xf32, #tpu.memory_space<hbm>> -> memref<10000x64xf32, #tpu.memory_space<hbm>>
    %dma_start3A_53 = tpu.memref_slice %arg10[%dma_start3A_42] : memref<8x!tpu.dma_semaphore, #tpu.memory_space<semaphore_mem>> -> memref<1x!tpu.dma_semaphore, #tpu.memory_space<semaphore_mem>>
    %dma_start3A_54 = tpu.memref_squeeze %dma_start3A_53 : memref<1x!tpu.dma_semaphore, #tpu.memory_space<semaphore_mem>> -> memref<!tpu.dma_semaphore, #tpu.memory_space<semaphore_mem>>
    tpu.enqueue_indirect_dma source(%dma_start3A_52 : memref<10000x64xf32, #tpu.memory_space<hbm>>) target(%dma_start3A_46 : memref<125x64xf32, #tpu.memory_space<vmem>>) offsets(%dma_start3A_49 : memref<125xi32, #tpu.memory_space<vmem>>) semaphore(%dma_start3A_54 : memref<!tpu.dma_semaphore, #tpu.memory_space<semaphore_mem>>)
    %dma_start3A_55 = arith.constant 3 : i32
    %dma_start3A_56 = arith.constant 3 : i32
    %dma_start3A_57 = arith.constant 3 : i32
    %dma_start3A_58 = arith.constant 0 : i32
    %dma_start3A_59 = arith.constant 0 : i32
    %dma_start3A_60 = tpu.memref_slice %arg9[%dma_start3A_56, %dma_start3A_58, %dma_start3A_59] : memref<8x125x64xf32, #tpu.memory_space<vmem>> -> memref<1x125x64xf32, #tpu.memory_space<vmem>>
    %dma_start3A_61 = tpu.memref_squeeze %dma_start3A_60 : memref<1x125x64xf32, #tpu.memory_space<vmem>> -> memref<125x64xf32, #tpu.memory_space<vmem>>
    %dma_start3A_62 = arith.constant 0 : i32
    %dma_start3A_63 = tpu.memref_slice %arg7[%dma_start3A_55, %dma_start3A_62] : memref<80x125xi32, #tpu.memory_space<vmem>> -> memref<1x125xi32, #tpu.memory_space<vmem>>
    %dma_start3A_64 = tpu.memref_squeeze %dma_start3A_63 : memref<1x125xi32, #tpu.memory_space<vmem>> -> memref<125xi32, #tpu.memory_space<vmem>>
    %dma_start3A_65 = arith.constant 0 : i32
    %dma_start3A_66 = arith.constant 0 : i32
    %dma_start3A_67 = tpu.memref_slice %arg2[%dma_start3A_65, %dma_start3A_66] : memref<10000x64xf32, #tpu.memory_space<hbm>> -> memref<10000x64xf32, #tpu.memory_space<hbm>>
    %dma_start3A_68 = tpu.memref_slice %arg10[%dma_start3A_57] : memref<8x!tpu.dma_semaphore, #tpu.memory_space<semaphore_mem>> -> memref<1x!tpu.dma_semaphore, #tpu.memory_space<semaphore_mem>>
    %dma_start3A_69 = tpu.memref_squeeze %dma_start3A_68 : memref<1x!tpu.dma_semaphore, #tpu.memory_space<semaphore_mem>> -> memref<!tpu.dma_semaphore, #tpu.memory_space<semaphore_mem>>
    tpu.enqueue_indirect_dma source(%dma_start3A_67 : memref<10000x64xf32, #tpu.memory_space<hbm>>) target(%dma_start3A_61 : memref<125x64xf32, #tpu.memory_space<vmem>>) offsets(%dma_start3A_64 : memref<125xi32, #tpu.memory_space<vmem>>) semaphore(%dma_start3A_69 : memref<!tpu.dma_semaphore, #tpu.memory_space<semaphore_mem>>)
    %dma_start3A_70 = arith.constant 4 : i32
    %dma_start3A_71 = arith.constant 4 : i32
    %dma_start3A_72 = arith.constant 4 : i32
    %dma_start3A_73 = arith.constant 0 : i32
    %dma_start3A_74 = arith.constant 0 : i32
    %dma_start3A_75 = tpu.memref_slice %arg9[%dma_start3A_71, %dma_start3A_73, %dma_start3A_74] : memref<8x125x64xf32, #tpu.memory_space<vmem>> -> memref<1x125x64xf32, #tpu.memory_space<vmem>>
    %dma_start3A_76 = tpu.memref_squeeze %dma_start3A_75 : memref<1x125x64xf32, #tpu.memory_space<vmem>> -> memref<125x64xf32, #tpu.memory_space<vmem>>
    %dma_start3A_77 = arith.constant 0 : i32
    %dma_start3A_78 = tpu.memref_slice %arg7[%dma_start3A_70, %dma_start3A_77] : memref<80x125xi32, #tpu.memory_space<vmem>> -> memref<1x125xi32, #tpu.memory_space<vmem>>
    %dma_start3A_79 = tpu.memref_squeeze %dma_start3A_78 : memref<1x125xi32, #tpu.memory_space<vmem>> -> memref<125xi32, #tpu.memory_space<vmem>>
    %dma_start3A_80 = arith.constant 0 : i32
    %dma_start3A_81 = arith.constant 0 : i32
    %dma_start3A_82 = tpu.memref_slice %arg2[%dma_start3A_80, %dma_start3A_81] : memref<10000x64xf32, #tpu.memory_space<hbm>> -> memref<10000x64xf32, #tpu.memory_space<hbm>>
    %dma_start3A_83 = tpu.memref_slice %arg10[%dma_start3A_72] : memref<8x!tpu.dma_semaphore, #tpu.memory_space<semaphore_mem>> -> memref<1x!tpu.dma_semaphore, #tpu.memory_space<semaphore_mem>>
    %dma_start3A_84 = tpu.memref_squeeze %dma_start3A_83 : memref<1x!tpu.dma_semaphore, #tpu.memory_space<semaphore_mem>> -> memref<!tpu.dma_semaphore, #tpu.memory_space<semaphore_mem>>
    tpu.enqueue_indirect_dma source(%dma_start3A_82 : memref<10000x64xf32, #tpu.memory_space<hbm>>) target(%dma_start3A_76 : memref<125x64xf32, #tpu.memory_space<vmem>>) offsets(%dma_start3A_79 : memref<125xi32, #tpu.memory_space<vmem>>) semaphore(%dma_start3A_84 : memref<!tpu.dma_semaphore, #tpu.memory_space<semaphore_mem>>)
    %dma_start3A_85 = arith.constant 5 : i32
    %dma_start3A_86 = arith.constant 5 : i32
    %dma_start3A_87 = arith.constant 5 : i32
    %dma_start3A_88 = arith.constant 0 : i32
    %dma_start3A_89 = arith.constant 0 : i32
    %dma_start3A_90 = tpu.memref_slice %arg9[%dma_start3A_86, %dma_start3A_88, %dma_start3A_89] : memref<8x125x64xf32, #tpu.memory_space<vmem>> -> memref<1x125x64xf32, #tpu.memory_space<vmem>>
    %dma_start3A_91 = tpu.memref_squeeze %dma_start3A_90 : memref<1x125x64xf32, #tpu.memory_space<vmem>> -> memref<125x64xf32, #tpu.memory_space<vmem>>
    %dma_start3A_92 = arith.constant 0 : i32
    %dma_start3A_93 = tpu.memref_slice %arg7[%dma_start3A_85, %dma_start3A_92] : memref<80x125xi32, #tpu.memory_space<vmem>> -> memref<1x125xi32, #tpu.memory_space<vmem>>
    %dma_start3A_94 = tpu.memref_squeeze %dma_start3A_93 : memref<1x125xi32, #tpu.memory_space<vmem>> -> memref<125xi32, #tpu.memory_space<vmem>>
    %dma_start3A_95 = arith.constant 0 : i32
    %dma_start3A_96 = arith.constant 0 : i32
    %dma_start3A_97 = tpu.memref_slice %arg2[%dma_start3A_95, %dma_start3A_96] : memref<10000x64xf32, #tpu.memory_space<hbm>> -> memref<10000x64xf32, #tpu.memory_space<hbm>>
    %dma_start3A_98 = tpu.memref_slice %arg10[%dma_start3A_87] : memref<8x!tpu.dma_semaphore, #tpu.memory_space<semaphore_mem>> -> memref<1x!tpu.dma_semaphore, #tpu.memory_space<semaphore_mem>>
    %dma_start3A_99 = tpu.memref_squeeze %dma_start3A_98 : memref<1x!tpu.dma_semaphore, #tpu.memory_space<semaphore_mem>> -> memref<!tpu.dma_semaphore, #tpu.memory_space<semaphore_mem>>
    tpu.enqueue_indirect_dma source(%dma_start3A_97 : memref<10000x64xf32, #tpu.memory_space<hbm>>) target(%dma_start3A_91 : memref<125x64xf32, #tpu.memory_space<vmem>>) offsets(%dma_start3A_94 : memref<125xi32, #tpu.memory_space<vmem>>) semaphore(%dma_start3A_99 : memref<!tpu.dma_semaphore, #tpu.memory_space<semaphore_mem>>)
    %dma_start3A_100 = arith.constant 6 : i32
    %dma_start3A_101 = arith.constant 6 : i32
    %dma_start3A_102 = arith.constant 6 : i32
    %dma_start3A_103 = arith.constant 0 : i32
    %dma_start3A_104 = arith.constant 0 : i32
    %dma_start3A_105 = tpu.memref_slice %arg9[%dma_start3A_101, %dma_start3A_103, %dma_start3A_104] : memref<8x125x64xf32, #tpu.memory_space<vmem>> -> memref<1x125x64xf32, #tpu.memory_space<vmem>>
    %dma_start3A_106 = tpu.memref_squeeze %dma_start3A_105 : memref<1x125x64xf32, #tpu.memory_space<vmem>> -> memref<125x64xf32, #tpu.memory_space<vmem>>
    %dma_start3A_107 = arith.constant 0 : i32
    %dma_start3A_108 = tpu.memref_slice %arg7[%dma_start3A_100, %dma_start3A_107] : memref<80x125xi32, #tpu.memory_space<vmem>> -> memref<1x125xi32, #tpu.memory_space<vmem>>
    %dma_start3A_109 = tpu.memref_squeeze %dma_start3A_108 : memref<1x125xi32, #tpu.memory_space<vmem>> -> memref<125xi32, #tpu.memory_space<vmem>>
    %dma_start3A_110 = arith.constant 0 : i32
    %dma_start3A_111 = arith.constant 0 : i32
    %dma_start3A_112 = tpu.memref_slice %arg2[%dma_start3A_110, %dma_start3A_111] : memref<10000x64xf32, #tpu.memory_space<hbm>> -> memref<10000x64xf32, #tpu.memory_space<hbm>>
    %dma_start3A_113 = tpu.memref_slice %arg10[%dma_start3A_102] : memref<8x!tpu.dma_semaphore, #tpu.memory_space<semaphore_mem>> -> memref<1x!tpu.dma_semaphore, #tpu.memory_space<semaphore_mem>>
    %dma_start3A_114 = tpu.memref_squeeze %dma_start3A_113 : memref<1x!tpu.dma_semaphore, #tpu.memory_space<semaphore_mem>> -> memref<!tpu.dma_semaphore, #tpu.memory_space<semaphore_mem>>
    tpu.enqueue_indirect_dma source(%dma_start3A_112 : memref<10000x64xf32, #tpu.memory_space<hbm>>) target(%dma_start3A_106 : memref<125x64xf32, #tpu.memory_space<vmem>>) offsets(%dma_start3A_109 : memref<125xi32, #tpu.memory_space<vmem>>) semaphore(%dma_start3A_114 : memref<!tpu.dma_semaphore, #tpu.memory_space<semaphore_mem>>)
    %dma_start3A_115 = arith.constant 7 : i32
    %dma_start3A_116 = arith.constant 7 : i32
    %dma_start3A_117 = arith.constant 7 : i32
    %dma_start3A_118 = arith.constant 0 : i32
    %dma_start3A_119 = arith.constant 0 : i32
    %dma_start3A_120 = tpu.memref_slice %arg9[%dma_start3A_116, %dma_start3A_118, %dma_start3A_119] : memref<8x125x64xf32, #tpu.memory_space<vmem>> -> memref<1x125x64xf32, #tpu.memory_space<vmem>>
    %dma_start3A_121 = tpu.memref_squeeze %dma_start3A_120 : memref<1x125x64xf32, #tpu.memory_space<vmem>> -> memref<125x64xf32, #tpu.memory_space<vmem>>
    %dma_start3A_122 = arith.constant 0 : i32
    %dma_start3A_123 = tpu.memref_slice %arg7[%dma_start3A_115, %dma_start3A_122] : memref<80x125xi32, #tpu.memory_space<vmem>> -> memref<1x125xi32, #tpu.memory_space<vmem>>
    %dma_start3A_124 = tpu.memref_squeeze %dma_start3A_123 : memref<1x125xi32, #tpu.memory_space<vmem>> -> memref<125xi32, #tpu.memory_space<vmem>>
    %dma_start3A_125 = arith.constant 0 : i32
    %dma_start3A_126 = arith.constant 0 : i32
    %dma_start3A_127 = tpu.memref_slice %arg2[%dma_start3A_125, %dma_start3A_126] : memref<10000x64xf32, #tpu.memory_space<hbm>> -> memref<10000x64xf32, #tpu.memory_space<hbm>>
    %dma_start3A_128 = tpu.memref_slice %arg10[%dma_start3A_117] : memref<8x!tpu.dma_semaphore, #tpu.memory_space<semaphore_mem>> -> memref<1x!tpu.dma_semaphore, #tpu.memory_space<semaphore_mem>>
    %dma_start3A_129 = tpu.memref_squeeze %dma_start3A_128 : memref<1x!tpu.dma_semaphore, #tpu.memory_space<semaphore_mem>> -> memref<!tpu.dma_semaphore, #tpu.memory_space<semaphore_mem>>
    tpu.enqueue_indirect_dma source(%dma_start3A_127 : memref<10000x64xf32, #tpu.memory_space<hbm>>) target(%dma_start3A_121 : memref<125x64xf32, #tpu.memory_space<vmem>>) offsets(%dma_start3A_124 : memref<125xi32, #tpu.memory_space<vmem>>) semaphore(%dma_start3A_129 : memref<!tpu.dma_semaphore, #tpu.memory_space<semaphore_mem>>)
    %scan3A = arith.constant 0 : i32
    %scan3A_130 = arith.constant 0 : i32
    %scan3A_131 = arith.constant 10 : i32
    %scan3A_132 = arith.addi %scan3A_130, %scan3A_131 : i32
    %scan3A_133 = arith.constant 1 : i32
    scf.for %scan3A_146 = %scan3A_130 to %scan3A_132 step %scan3A_133  : i32 {
      %mul3A_147 = arith.constant 8 : i32
      %mul3A_148 = arith.muli %scan3A_146, %mul3A_147 : i32
      %add3A_149 = arith.constant 0 : i32
      %add3A_150 = arith.addi %mul3A_148, %add3A_149 : i32
      %dma_wait3A = arith.constant 0 : i32
      %dma_wait3A_151 = arith.constant 0 : i32
      %dma_wait3A_152 = arith.constant 0 : i32
      %dma_wait3A_153 = arith.constant 0 : i32
      %dma_wait3A_154 = tpu.memref_slice %arg9[%dma_wait3A, %dma_wait3A_152, %dma_wait3A_153] : memref<8x125x64xf32, #tpu.memory_space<vmem>> -> memref<1x125x64xf32, #tpu.memory_space<vmem>>
      %dma_wait3A_155 = tpu.memref_squeeze %dma_wait3A_154 : memref<1x125x64xf32, #tpu.memory_space<vmem>> -> memref<125x64xf32, #tpu.memory_space<vmem>>
      %dma_wait3A_156 = arith.constant 0 : i32
      %dma_wait3A_157 = tpu.memref_slice %arg7[%add3A_150, %dma_wait3A_156] : memref<80x125xi32, #tpu.memory_space<vmem>> -> memref<1x125xi32, #tpu.memory_space<vmem>>
      %dma_wait3A_158 = tpu.memref_squeeze %dma_wait3A_157 : memref<1x125xi32, #tpu.memory_space<vmem>> -> memref<125xi32, #tpu.memory_space<vmem>>
      %dma_wait3A_159 = arith.constant 0 : i32
      %dma_wait3A_160 = arith.constant 0 : i32
      %dma_wait3A_161 = tpu.memref_slice %arg2[%dma_wait3A_159, %dma_wait3A_160] : memref<10000x64xf32, #tpu.memory_space<hbm>> -> memref<10000x64xf32, #tpu.memory_space<hbm>>
      %dma_wait3A_162 = tpu.memref_slice %arg10[%dma_wait3A_151] : memref<8x!tpu.dma_semaphore, #tpu.memory_space<semaphore_mem>> -> memref<1x!tpu.dma_semaphore, #tpu.memory_space<semaphore_mem>>
      %dma_wait3A_163 = tpu.memref_squeeze %dma_wait3A_162 : memref<1x!tpu.dma_semaphore, #tpu.memory_space<semaphore_mem>> -> memref<!tpu.dma_semaphore, #tpu.memory_space<semaphore_mem>>
      tpu.wait_indirect_dma semaphore(%dma_wait3A_163 : memref<!tpu.dma_semaphore, #tpu.memory_space<semaphore_mem>>) src(%dma_wait3A_161 : memref<10000x64xf32, #tpu.memory_space<hbm>>) dst(%dma_wait3A_155 : memref<125x64xf32, #tpu.memory_space<vmem>>)
      %run_scoped3A = arith.constant 0 : i32
      "tpu.region"() ({
        %run_scoped3A_339 = tpu.sem_alloc : memref<!tpu.dma_semaphore, #tpu.memory_space<semaphore_mem>>
        %dma_start3A_340 = arith.constant 0 : i32
        %dma_start3A_341 = arith.constant 0 : i32
        %dma_start3A_342 = tpu.memref_slice %arg9[%run_scoped3A, %dma_start3A_340, %dma_start3A_341] : memref<8x125x64xf32, #tpu.memory_space<vmem>> -> memref<1x125x64xf32, #tpu.memory_space<vmem>>
        %dma_start3A_343 = tpu.memref_squeeze %dma_start3A_342 : memref<1x125x64xf32, #tpu.memory_space<vmem>> -> memref<125x64xf32, #tpu.memory_space<vmem>>
        %dma_start3A_344 = arith.constant 0 : i32
        %dma_start3A_345 = tpu.memref_slice %arg8[%add3A_150, %dma_start3A_344] : memref<80x125xi32, #tpu.memory_space<vmem>> -> memref<1x125xi32, #tpu.memory_space<vmem>>
        %dma_start3A_346 = tpu.memref_squeeze %dma_start3A_345 : memref<1x125xi32, #tpu.memory_space<vmem>> -> memref<125xi32, #tpu.memory_space<vmem>>
        %dma_start3A_347 = arith.constant 0 : i32
        %dma_start3A_348 = arith.constant 0 : i32
        %dma_start3A_349 = tpu.memref_slice %arg11[%dma_start3A_347, %dma_start3A_348] : memref<10000x64xf32, #tpu.memory_space<vmem_shared>> -> memref<10000x64xf32, #tpu.memory_space<vmem_shared>>
        tpu.enqueue_indirect_dma source(%dma_start3A_343 : memref<125x64xf32, #tpu.memory_space<vmem>>) target(%dma_start3A_349 : memref<10000x64xf32, #tpu.memory_space<vmem_shared>>) offsets(%dma_start3A_346 : memref<125xi32, #tpu.memory_space<vmem>>) semaphore(%run_scoped3A_339 : memref<!tpu.dma_semaphore, #tpu.memory_space<semaphore_mem>>) {add = true}
        %dma_wait3A_350 = arith.constant 0 : i32
        %dma_wait3A_351 = arith.constant 0 : i32
        %dma_wait3A_352 = tpu.memref_slice %arg9[%run_scoped3A, %dma_wait3A_350, %dma_wait3A_351] : memref<8x125x64xf32, #tpu.memory_space<vmem>> -> memref<1x125x64xf32, #tpu.memory_space<vmem>>
        %dma_wait3A_353 = tpu.memref_squeeze %dma_wait3A_352 : memref<1x125x64xf32, #tpu.memory_space<vmem>> -> memref<125x64xf32, #tpu.memory_space<vmem>>
        %dma_wait3A_354 = arith.constant 0 : i32
        %dma_wait3A_355 = tpu.memref_slice %arg8[%add3A_150, %dma_wait3A_354] : memref<80x125xi32, #tpu.memory_space<vmem>> -> memref<1x125xi32, #tpu.memory_space<vmem>>
        %dma_wait3A_356 = tpu.memref_squeeze %dma_wait3A_355 : memref<1x125xi32, #tpu.memory_space<vmem>> -> memref<125xi32, #tpu.memory_space<vmem>>
        %dma_wait3A_357 = arith.constant 0 : i32
        %dma_wait3A_358 = arith.constant 0 : i32
        %dma_wait3A_359 = tpu.memref_slice %arg11[%dma_wait3A_357, %dma_wait3A_358] : memref<10000x64xf32, #tpu.memory_space<vmem_shared>> -> memref<10000x64xf32, #tpu.memory_space<vmem_shared>>
        tpu.wait_indirect_dma semaphore(%run_scoped3A_339 : memref<!tpu.dma_semaphore, #tpu.memory_space<semaphore_mem>>) src(%dma_wait3A_353 : memref<125x64xf32, #tpu.memory_space<vmem>>) dst(%dma_wait3A_359 : memref<10000x64xf32, #tpu.memory_space<vmem_shared>>)
        tpu.yield
      }) : () -> ()
      %add3A_164 = arith.constant 8 : i32
      %add3A_165 = arith.addi %add3A_150, %add3A_164 : i32
      %lt3A_166 = arith.constant 80 : i32
      %lt3A_167 = arith.cmpi slt, %add3A_165, %lt3A_166 : i32
      %convert_element_type3A_168 = arith.extui %lt3A_167 : i1 to i32
      %cond3A_169 = arith.constant 0 : i32
      %cond3A_170 = arith.cmpi ne, %convert_element_type3A_168, %cond3A_169 : i32
      scf.if %cond3A_170 {
        %dma_start3A_339 = arith.constant 0 : i32
        %dma_start3A_340 = arith.constant 0 : i32
        %dma_start3A_341 = arith.constant 0 : i32
        %dma_start3A_342 = arith.constant 0 : i32
        %dma_start3A_343 = tpu.memref_slice %arg9[%dma_start3A_339, %dma_start3A_341, %dma_start3A_342] : memref<8x125x64xf32, #tpu.memory_space<vmem>> -> memref<1x125x64xf32, #tpu.memory_space<vmem>>
        %dma_start3A_344 = tpu.memref_squeeze %dma_start3A_343 : memref<1x125x64xf32, #tpu.memory_space<vmem>> -> memref<125x64xf32, #tpu.memory_space<vmem>>
        %dma_start3A_345 = arith.constant 0 : i32
        %dma_start3A_346 = tpu.memref_slice %arg7[%add3A_165, %dma_start3A_345] : memref<80x125xi32, #tpu.memory_space<vmem>> -> memref<1x125xi32, #tpu.memory_space<vmem>>
        %dma_start3A_347 = tpu.memref_squeeze %dma_start3A_346 : memref<1x125xi32, #tpu.memory_space<vmem>> -> memref<125xi32, #tpu.memory_space<vmem>>
        %dma_start3A_348 = arith.constant 0 : i32
        %dma_start3A_349 = arith.constant 0 : i32
        %dma_start3A_350 = tpu.memref_slice %arg2[%dma_start3A_348, %dma_start3A_349] : memref<10000x64xf32, #tpu.memory_space<hbm>> -> memref<10000x64xf32, #tpu.memory_space<hbm>>
        %dma_start3A_351 = tpu.memref_slice %arg10[%dma_start3A_340] : memref<8x!tpu.dma_semaphore, #tpu.memory_space<semaphore_mem>> -> memref<1x!tpu.dma_semaphore, #tpu.memory_space<semaphore_mem>>
        %dma_start3A_352 = tpu.memref_squeeze %dma_start3A_351 : memref<1x!tpu.dma_semaphore, #tpu.memory_space<semaphore_mem>> -> memref<!tpu.dma_semaphore, #tpu.memory_space<semaphore_mem>>
        tpu.enqueue_indirect_dma source(%dma_start3A_350 : memref<10000x64xf32, #tpu.memory_space<hbm>>) target(%dma_start3A_344 : memref<125x64xf32, #tpu.memory_space<vmem>>) offsets(%dma_start3A_347 : memref<125xi32, #tpu.memory_space<vmem>>) semaphore(%dma_start3A_352 : memref<!tpu.dma_semaphore, #tpu.memory_space<semaphore_mem>>)
      } else {
      }
      %add3A_171 = arith.constant 1 : i32
      %add3A_172 = arith.addi %mul3A_148, %add3A_171 : i32
      %dma_wait3A_173 = arith.constant 1 : i32
      %dma_wait3A_174 = arith.constant 1 : i32
      %dma_wait3A_175 = arith.constant 0 : i32
      %dma_wait3A_176 = arith.constant 0 : i32
      %dma_wait3A_177 = tpu.memref_slice %arg9[%dma_wait3A_173, %dma_wait3A_175, %dma_wait3A_176] : memref<8x125x64xf32, #tpu.memory_space<vmem>> -> memref<1x125x64xf32, #tpu.memory_space<vmem>>
      %dma_wait3A_178 = tpu.memref_squeeze %dma_wait3A_177 : memref<1x125x64xf32, #tpu.memory_space<vmem>> -> memref<125x64xf32, #tpu.memory_space<vmem>>
      %dma_wait3A_179 = arith.constant 0 : i32
      %dma_wait3A_180 = tpu.memref_slice %arg7[%add3A_172, %dma_wait3A_179] : memref<80x125xi32, #tpu.memory_space<vmem>> -> memref<1x125xi32, #tpu.memory_space<vmem>>
      %dma_wait3A_181 = tpu.memref_squeeze %dma_wait3A_180 : memref<1x125xi32, #tpu.memory_space<vmem>> -> memref<125xi32, #tpu.memory_space<vmem>>
      %dma_wait3A_182 = arith.constant 0 : i32
      %dma_wait3A_183 = arith.constant 0 : i32
      %dma_wait3A_184 = tpu.memref_slice %arg2[%dma_wait3A_182, %dma_wait3A_183] : memref<10000x64xf32, #tpu.memory_space<hbm>> -> memref<10000x64xf32, #tpu.memory_space<hbm>>
      %dma_wait3A_185 = tpu.memref_slice %arg10[%dma_wait3A_174] : memref<8x!tpu.dma_semaphore, #tpu.memory_space<semaphore_mem>> -> memref<1x!tpu.dma_semaphore, #tpu.memory_space<semaphore_mem>>
      %dma_wait3A_186 = tpu.memref_squeeze %dma_wait3A_185 : memref<1x!tpu.dma_semaphore, #tpu.memory_space<semaphore_mem>> -> memref<!tpu.dma_semaphore, #tpu.memory_space<semaphore_mem>>
      tpu.wait_indirect_dma semaphore(%dma_wait3A_186 : memref<!tpu.dma_semaphore, #tpu.memory_space<semaphore_mem>>) src(%dma_wait3A_184 : memref<10000x64xf32, #tpu.memory_space<hbm>>) dst(%dma_wait3A_178 : memref<125x64xf32, #tpu.memory_space<vmem>>)
      %run_scoped3A_187 = arith.constant 1 : i32
      "tpu.region"() ({
        %run_scoped3A_339 = tpu.sem_alloc : memref<!tpu.dma_semaphore, #tpu.memory_space<semaphore_mem>>
        %dma_start3A_340 = arith.constant 0 : i32
        %dma_start3A_341 = arith.constant 0 : i32
        %dma_start3A_342 = tpu.memref_slice %arg9[%run_scoped3A_187, %dma_start3A_340, %dma_start3A_341] : memref<8x125x64xf32, #tpu.memory_space<vmem>> -> memref<1x125x64xf32, #tpu.memory_space<vmem>>
        %dma_start3A_343 = tpu.memref_squeeze %dma_start3A_342 : memref<1x125x64xf32, #tpu.memory_space<vmem>> -> memref<125x64xf32, #tpu.memory_space<vmem>>
        %dma_start3A_344 = arith.constant 0 : i32
        %dma_start3A_345 = tpu.memref_slice %arg8[%add3A_172, %dma_start3A_344] : memref<80x125xi32, #tpu.memory_space<vmem>> -> memref<1x125xi32, #tpu.memory_space<vmem>>
        %dma_start3A_346 = tpu.memref_squeeze %dma_start3A_345 : memref<1x125xi32, #tpu.memory_space<vmem>> -> memref<125xi32, #tpu.memory_space<vmem>>
        %dma_start3A_347 = arith.constant 0 : i32
        %dma_start3A_348 = arith.constant 0 : i32
        %dma_start3A_349 = tpu.memref_slice %arg11[%dma_start3A_347, %dma_start3A_348] : memref<10000x64xf32, #tpu.memory_space<vmem_shared>> -> memref<10000x64xf32, #tpu.memory_space<vmem_shared>>
        tpu.enqueue_indirect_dma source(%dma_start3A_343 : memref<125x64xf32, #tpu.memory_space<vmem>>) target(%dma_start3A_349 : memref<10000x64xf32, #tpu.memory_space<vmem_shared>>) offsets(%dma_start3A_346 : memref<125xi32, #tpu.memory_space<vmem>>) semaphore(%run_scoped3A_339 : memref<!tpu.dma_semaphore, #tpu.memory_space<semaphore_mem>>) {add = true}
        %dma_wait3A_350 = arith.constant 0 : i32
        %dma_wait3A_351 = arith.constant 0 : i32
        %dma_wait3A_352 = tpu.memref_slice %arg9[%run_scoped3A_187, %dma_wait3A_350, %dma_wait3A_351] : memref<8x125x64xf32, #tpu.memory_space<vmem>> -> memref<1x125x64xf32, #tpu.memory_space<vmem>>
        %dma_wait3A_353 = tpu.memref_squeeze %dma_wait3A_352 : memref<1x125x64xf32, #tpu.memory_space<vmem>> -> memref<125x64xf32, #tpu.memory_space<vmem>>
        %dma_wait3A_354 = arith.constant 0 : i32
        %dma_wait3A_355 = tpu.memref_slice %arg8[%add3A_172, %dma_wait3A_354] : memref<80x125xi32, #tpu.memory_space<vmem>> -> memref<1x125xi32, #tpu.memory_space<vmem>>
        %dma_wait3A_356 = tpu.memref_squeeze %dma_wait3A_355 : memref<1x125xi32, #tpu.memory_space<vmem>> -> memref<125xi32, #tpu.memory_space<vmem>>
        %dma_wait3A_357 = arith.constant 0 : i32
        %dma_wait3A_358 = arith.constant 0 : i32
        %dma_wait3A_359 = tpu.memref_slice %arg11[%dma_wait3A_357, %dma_wait3A_358] : memref<10000x64xf32, #tpu.memory_space<vmem_shared>> -> memref<10000x64xf32, #tpu.memory_space<vmem_shared>>
        tpu.wait_indirect_dma semaphore(%run_scoped3A_339 : memref<!tpu.dma_semaphore, #tpu.memory_space<semaphore_mem>>) src(%dma_wait3A_353 : memref<125x64xf32, #tpu.memory_space<vmem>>) dst(%dma_wait3A_359 : memref<10000x64xf32, #tpu.memory_space<vmem_shared>>)
        tpu.yield
      }) : () -> ()
      %add3A_188 = arith.constant 8 : i32
      %add3A_189 = arith.addi %add3A_172, %add3A_188 : i32
      %lt3A_190 = arith.constant 80 : i32
      %lt3A_191 = arith.cmpi slt, %add3A_189, %lt3A_190 : i32
      %convert_element_type3A_192 = arith.extui %lt3A_191 : i1 to i32
      %cond3A_193 = arith.constant 0 : i32
      %cond3A_194 = arith.cmpi ne, %convert_element_type3A_192, %cond3A_193 : i32
      scf.if %cond3A_194 {
        %dma_start3A_339 = arith.constant 1 : i32
        %dma_start3A_340 = arith.constant 1 : i32
        %dma_start3A_341 = arith.constant 0 : i32
        %dma_start3A_342 = arith.constant 0 : i32
        %dma_start3A_343 = tpu.memref_slice %arg9[%dma_start3A_339, %dma_start3A_341, %dma_start3A_342] : memref<8x125x64xf32, #tpu.memory_space<vmem>> -> memref<1x125x64xf32, #tpu.memory_space<vmem>>
        %dma_start3A_344 = tpu.memref_squeeze %dma_start3A_343 : memref<1x125x64xf32, #tpu.memory_space<vmem>> -> memref<125x64xf32, #tpu.memory_space<vmem>>
        %dma_start3A_345 = arith.constant 0 : i32
        %dma_start3A_346 = tpu.memref_slice %arg7[%add3A_189, %dma_start3A_345] : memref<80x125xi32, #tpu.memory_space<vmem>> -> memref<1x125xi32, #tpu.memory_space<vmem>>
        %dma_start3A_347 = tpu.memref_squeeze %dma_start3A_346 : memref<1x125xi32, #tpu.memory_space<vmem>> -> memref<125xi32, #tpu.memory_space<vmem>>
        %dma_start3A_348 = arith.constant 0 : i32
        %dma_start3A_349 = arith.constant 0 : i32
        %dma_start3A_350 = tpu.memref_slice %arg2[%dma_start3A_348, %dma_start3A_349] : memref<10000x64xf32, #tpu.memory_space<hbm>> -> memref<10000x64xf32, #tpu.memory_space<hbm>>
        %dma_start3A_351 = tpu.memref_slice %arg10[%dma_start3A_340] : memref<8x!tpu.dma_semaphore, #tpu.memory_space<semaphore_mem>> -> memref<1x!tpu.dma_semaphore, #tpu.memory_space<semaphore_mem>>
        %dma_start3A_352 = tpu.memref_squeeze %dma_start3A_351 : memref<1x!tpu.dma_semaphore, #tpu.memory_space<semaphore_mem>> -> memref<!tpu.dma_semaphore, #tpu.memory_space<semaphore_mem>>
        tpu.enqueue_indirect_dma source(%dma_start3A_350 : memref<10000x64xf32, #tpu.memory_space<hbm>>) target(%dma_start3A_344 : memref<125x64xf32, #tpu.memory_space<vmem>>) offsets(%dma_start3A_347 : memref<125xi32, #tpu.memory_space<vmem>>) semaphore(%dma_start3A_352 : memref<!tpu.dma_semaphore, #tpu.memory_space<semaphore_mem>>)
      } else {
      }
      %add3A_195 = arith.constant 2 : i32
      %add3A_196 = arith.addi %mul3A_148, %add3A_195 : i32
      %dma_wait3A_197 = arith.constant 2 : i32
      %dma_wait3A_198 = arith.constant 2 : i32
      %dma_wait3A_199 = arith.constant 0 : i32
      %dma_wait3A_200 = arith.constant 0 : i32
      %dma_wait3A_201 = tpu.memref_slice %arg9[%dma_wait3A_197, %dma_wait3A_199, %dma_wait3A_200] : memref<8x125x64xf32, #tpu.memory_space<vmem>> -> memref<1x125x64xf32, #tpu.memory_space<vmem>>
      %dma_wait3A_202 = tpu.memref_squeeze %dma_wait3A_201 : memref<1x125x64xf32, #tpu.memory_space<vmem>> -> memref<125x64xf32, #tpu.memory_space<vmem>>
      %dma_wait3A_203 = arith.constant 0 : i32
      %dma_wait3A_204 = tpu.memref_slice %arg7[%add3A_196, %dma_wait3A_203] : memref<80x125xi32, #tpu.memory_space<vmem>> -> memref<1x125xi32, #tpu.memory_space<vmem>>
      %dma_wait3A_205 = tpu.memref_squeeze %dma_wait3A_204 : memref<1x125xi32, #tpu.memory_space<vmem>> -> memref<125xi32, #tpu.memory_space<vmem>>
      %dma_wait3A_206 = arith.constant 0 : i32
      %dma_wait3A_207 = arith.constant 0 : i32
      %dma_wait3A_208 = tpu.memref_slice %arg2[%dma_wait3A_206, %dma_wait3A_207] : memref<10000x64xf32, #tpu.memory_space<hbm>> -> memref<10000x64xf32, #tpu.memory_space<hbm>>
      %dma_wait3A_209 = tpu.memref_slice %arg10[%dma_wait3A_198] : memref<8x!tpu.dma_semaphore, #tpu.memory_space<semaphore_mem>> -> memref<1x!tpu.dma_semaphore, #tpu.memory_space<semaphore_mem>>
      %dma_wait3A_210 = tpu.memref_squeeze %dma_wait3A_209 : memref<1x!tpu.dma_semaphore, #tpu.memory_space<semaphore_mem>> -> memref<!tpu.dma_semaphore, #tpu.memory_space<semaphore_mem>>
      tpu.wait_indirect_dma semaphore(%dma_wait3A_210 : memref<!tpu.dma_semaphore, #tpu.memory_space<semaphore_mem>>) src(%dma_wait3A_208 : memref<10000x64xf32, #tpu.memory_space<hbm>>) dst(%dma_wait3A_202 : memref<125x64xf32, #tpu.memory_space<vmem>>)
      %run_scoped3A_211 = arith.constant 2 : i32
      "tpu.region"() ({
        %run_scoped3A_339 = tpu.sem_alloc : memref<!tpu.dma_semaphore, #tpu.memory_space<semaphore_mem>>
        %dma_start3A_340 = arith.constant 0 : i32
        %dma_start3A_341 = arith.constant 0 : i32
        %dma_start3A_342 = tpu.memref_slice %arg9[%run_scoped3A_211, %dma_start3A_340, %dma_start3A_341] : memref<8x125x64xf32, #tpu.memory_space<vmem>> -> memref<1x125x64xf32, #tpu.memory_space<vmem>>
        %dma_start3A_343 = tpu.memref_squeeze %dma_start3A_342 : memref<1x125x64xf32, #tpu.memory_space<vmem>> -> memref<125x64xf32, #tpu.memory_space<vmem>>
        %dma_start3A_344 = arith.constant 0 : i32
        %dma_start3A_345 = tpu.memref_slice %arg8[%add3A_196, %dma_start3A_344] : memref<80x125xi32, #tpu.memory_space<vmem>> -> memref<1x125xi32, #tpu.memory_space<vmem>>
        %dma_start3A_346 = tpu.memref_squeeze %dma_start3A_345 : memref<1x125xi32, #tpu.memory_space<vmem>> -> memref<125xi32, #tpu.memory_space<vmem>>
        %dma_start3A_347 = arith.constant 0 : i32
        %dma_start3A_348 = arith.constant 0 : i32
        %dma_start3A_349 = tpu.memref_slice %arg11[%dma_start3A_347, %dma_start3A_348] : memref<10000x64xf32, #tpu.memory_space<vmem_shared>> -> memref<10000x64xf32, #tpu.memory_space<vmem_shared>>
        tpu.enqueue_indirect_dma source(%dma_start3A_343 : memref<125x64xf32, #tpu.memory_space<vmem>>) target(%dma_start3A_349 : memref<10000x64xf32, #tpu.memory_space<vmem_shared>>) offsets(%dma_start3A_346 : memref<125xi32, #tpu.memory_space<vmem>>) semaphore(%run_scoped3A_339 : memref<!tpu.dma_semaphore, #tpu.memory_space<semaphore_mem>>) {add = true}
        %dma_wait3A_350 = arith.constant 0 : i32
        %dma_wait3A_351 = arith.constant 0 : i32
        %dma_wait3A_352 = tpu.memref_slice %arg9[%run_scoped3A_211, %dma_wait3A_350, %dma_wait3A_351] : memref<8x125x64xf32, #tpu.memory_space<vmem>> -> memref<1x125x64xf32, #tpu.memory_space<vmem>>
        %dma_wait3A_353 = tpu.memref_squeeze %dma_wait3A_352 : memref<1x125x64xf32, #tpu.memory_space<vmem>> -> memref<125x64xf32, #tpu.memory_space<vmem>>
        %dma_wait3A_354 = arith.constant 0 : i32
        %dma_wait3A_355 = tpu.memref_slice %arg8[%add3A_196, %dma_wait3A_354] : memref<80x125xi32, #tpu.memory_space<vmem>> -> memref<1x125xi32, #tpu.memory_space<vmem>>
        %dma_wait3A_356 = tpu.memref_squeeze %dma_wait3A_355 : memref<1x125xi32, #tpu.memory_space<vmem>> -> memref<125xi32, #tpu.memory_space<vmem>>
        %dma_wait3A_357 = arith.constant 0 : i32
        %dma_wait3A_358 = arith.constant 0 : i32
        %dma_wait3A_359 = tpu.memref_slice %arg11[%dma_wait3A_357, %dma_wait3A_358] : memref<10000x64xf32, #tpu.memory_space<vmem_shared>> -> memref<10000x64xf32, #tpu.memory_space<vmem_shared>>
        tpu.wait_indirect_dma semaphore(%run_scoped3A_339 : memref<!tpu.dma_semaphore, #tpu.memory_space<semaphore_mem>>) src(%dma_wait3A_353 : memref<125x64xf32, #tpu.memory_space<vmem>>) dst(%dma_wait3A_359 : memref<10000x64xf32, #tpu.memory_space<vmem_shared>>)
        tpu.yield
      }) : () -> ()
      %add3A_212 = arith.constant 8 : i32
      %add3A_213 = arith.addi %add3A_196, %add3A_212 : i32
      %lt3A_214 = arith.constant 80 : i32
      %lt3A_215 = arith.cmpi slt, %add3A_213, %lt3A_214 : i32
      %convert_element_type3A_216 = arith.extui %lt3A_215 : i1 to i32
      %cond3A_217 = arith.constant 0 : i32
      %cond3A_218 = arith.cmpi ne, %convert_element_type3A_216, %cond3A_217 : i32
      scf.if %cond3A_218 {
        %dma_start3A_339 = arith.constant 2 : i32
        %dma_start3A_340 = arith.constant 2 : i32
        %dma_start3A_341 = arith.constant 0 : i32
        %dma_start3A_342 = arith.constant 0 : i32
        %dma_start3A_343 = tpu.memref_slice %arg9[%dma_start3A_339, %dma_start3A_341, %dma_start3A_342] : memref<8x125x64xf32, #tpu.memory_space<vmem>> -> memref<1x125x64xf32, #tpu.memory_space<vmem>>
        %dma_start3A_344 = tpu.memref_squeeze %dma_start3A_343 : memref<1x125x64xf32, #tpu.memory_space<vmem>> -> memref<125x64xf32, #tpu.memory_space<vmem>>
        %dma_start3A_345 = arith.constant 0 : i32
        %dma_start3A_346 = tpu.memref_slice %arg7[%add3A_213, %dma_start3A_345] : memref<80x125xi32, #tpu.memory_space<vmem>> -> memref<1x125xi32, #tpu.memory_space<vmem>>
        %dma_start3A_347 = tpu.memref_squeeze %dma_start3A_346 : memref<1x125xi32, #tpu.memory_space<vmem>> -> memref<125xi32, #tpu.memory_space<vmem>>
        %dma_start3A_348 = arith.constant 0 : i32
        %dma_start3A_349 = arith.constant 0 : i32
        %dma_start3A_350 = tpu.memref_slice %arg2[%dma_start3A_348, %dma_start3A_349] : memref<10000x64xf32, #tpu.memory_space<hbm>> -> memref<10000x64xf32, #tpu.memory_space<hbm>>
        %dma_start3A_351 = tpu.memref_slice %arg10[%dma_start3A_340] : memref<8x!tpu.dma_semaphore, #tpu.memory_space<semaphore_mem>> -> memref<1x!tpu.dma_semaphore, #tpu.memory_space<semaphore_mem>>
        %dma_start3A_352 = tpu.memref_squeeze %dma_start3A_351 : memref<1x!tpu.dma_semaphore, #tpu.memory_space<semaphore_mem>> -> memref<!tpu.dma_semaphore, #tpu.memory_space<semaphore_mem>>
        tpu.enqueue_indirect_dma source(%dma_start3A_350 : memref<10000x64xf32, #tpu.memory_space<hbm>>) target(%dma_start3A_344 : memref<125x64xf32, #tpu.memory_space<vmem>>) offsets(%dma_start3A_347 : memref<125xi32, #tpu.memory_space<vmem>>) semaphore(%dma_start3A_352 : memref<!tpu.dma_semaphore, #tpu.memory_space<semaphore_mem>>)
      } else {
      }
      %add3A_219 = arith.constant 3 : i32
      %add3A_220 = arith.addi %mul3A_148, %add3A_219 : i32
      %dma_wait3A_221 = arith.constant 3 : i32
      %dma_wait3A_222 = arith.constant 3 : i32
      %dma_wait3A_223 = arith.constant 0 : i32
      %dma_wait3A_224 = arith.constant 0 : i32
      %dma_wait3A_225 = tpu.memref_slice %arg9[%dma_wait3A_221, %dma_wait3A_223, %dma_wait3A_224] : memref<8x125x64xf32, #tpu.memory_space<vmem>> -> memref<1x125x64xf32, #tpu.memory_space<vmem>>
      %dma_wait3A_226 = tpu.memref_squeeze %dma_wait3A_225 : memref<1x125x64xf32, #tpu.memory_space<vmem>> -> memref<125x64xf32, #tpu.memory_space<vmem>>
      %dma_wait3A_227 = arith.constant 0 : i32
      %dma_wait3A_228 = tpu.memref_slice %arg7[%add3A_220, %dma_wait3A_227] : memref<80x125xi32, #tpu.memory_space<vmem>> -> memref<1x125xi32, #tpu.memory_space<vmem>>
      %dma_wait3A_229 = tpu.memref_squeeze %dma_wait3A_228 : memref<1x125xi32, #tpu.memory_space<vmem>> -> memref<125xi32, #tpu.memory_space<vmem>>
      %dma_wait3A_230 = arith.constant 0 : i32
      %dma_wait3A_231 = arith.constant 0 : i32
      %dma_wait3A_232 = tpu.memref_slice %arg2[%dma_wait3A_230, %dma_wait3A_231] : memref<10000x64xf32, #tpu.memory_space<hbm>> -> memref<10000x64xf32, #tpu.memory_space<hbm>>
      %dma_wait3A_233 = tpu.memref_slice %arg10[%dma_wait3A_222] : memref<8x!tpu.dma_semaphore, #tpu.memory_space<semaphore_mem>> -> memref<1x!tpu.dma_semaphore, #tpu.memory_space<semaphore_mem>>
      %dma_wait3A_234 = tpu.memref_squeeze %dma_wait3A_233 : memref<1x!tpu.dma_semaphore, #tpu.memory_space<semaphore_mem>> -> memref<!tpu.dma_semaphore, #tpu.memory_space<semaphore_mem>>
      tpu.wait_indirect_dma semaphore(%dma_wait3A_234 : memref<!tpu.dma_semaphore, #tpu.memory_space<semaphore_mem>>) src(%dma_wait3A_232 : memref<10000x64xf32, #tpu.memory_space<hbm>>) dst(%dma_wait3A_226 : memref<125x64xf32, #tpu.memory_space<vmem>>)
      %run_scoped3A_235 = arith.constant 3 : i32
      "tpu.region"() ({
        %run_scoped3A_339 = tpu.sem_alloc : memref<!tpu.dma_semaphore, #tpu.memory_space<semaphore_mem>>
        %dma_start3A_340 = arith.constant 0 : i32
        %dma_start3A_341 = arith.constant 0 : i32
        %dma_start3A_342 = tpu.memref_slice %arg9[%run_scoped3A_235, %dma_start3A_340, %dma_start3A_341] : memref<8x125x64xf32, #tpu.memory_space<vmem>> -> memref<1x125x64xf32, #tpu.memory_space<vmem>>
        %dma_start3A_343 = tpu.memref_squeeze %dma_start3A_342 : memref<1x125x64xf32, #tpu.memory_space<vmem>> -> memref<125x64xf32, #tpu.memory_space<vmem>>
        %dma_start3A_344 = arith.constant 0 : i32
        %dma_start3A_345 = tpu.memref_slice %arg8[%add3A_220, %dma_start3A_344] : memref<80x125xi32, #tpu.memory_space<vmem>> -> memref<1x125xi32, #tpu.memory_space<vmem>>
        %dma_start3A_346 = tpu.memref_squeeze %dma_start3A_345 : memref<1x125xi32, #tpu.memory_space<vmem>> -> memref<125xi32, #tpu.memory_space<vmem>>
        %dma_start3A_347 = arith.constant 0 : i32
        %dma_start3A_348 = arith.constant 0 : i32
        %dma_start3A_349 = tpu.memref_slice %arg11[%dma_start3A_347, %dma_start3A_348] : memref<10000x64xf32, #tpu.memory_space<vmem_shared>> -> memref<10000x64xf32, #tpu.memory_space<vmem_shared>>
        tpu.enqueue_indirect_dma source(%dma_start3A_343 : memref<125x64xf32, #tpu.memory_space<vmem>>) target(%dma_start3A_349 : memref<10000x64xf32, #tpu.memory_space<vmem_shared>>) offsets(%dma_start3A_346 : memref<125xi32, #tpu.memory_space<vmem>>) semaphore(%run_scoped3A_339 : memref<!tpu.dma_semaphore, #tpu.memory_space<semaphore_mem>>) {add = true}
        %dma_wait3A_350 = arith.constant 0 : i32
        %dma_wait3A_351 = arith.constant 0 : i32
        %dma_wait3A_352 = tpu.memref_slice %arg9[%run_scoped3A_235, %dma_wait3A_350, %dma_wait3A_351] : memref<8x125x64xf32, #tpu.memory_space<vmem>> -> memref<1x125x64xf32, #tpu.memory_space<vmem>>
        %dma_wait3A_353 = tpu.memref_squeeze %dma_wait3A_352 : memref<1x125x64xf32, #tpu.memory_space<vmem>> -> memref<125x64xf32, #tpu.memory_space<vmem>>
        %dma_wait3A_354 = arith.constant 0 : i32
        %dma_wait3A_355 = tpu.memref_slice %arg8[%add3A_220, %dma_wait3A_354] : memref<80x125xi32, #tpu.memory_space<vmem>> -> memref<1x125xi32, #tpu.memory_space<vmem>>
        %dma_wait3A_356 = tpu.memref_squeeze %dma_wait3A_355 : memref<1x125xi32, #tpu.memory_space<vmem>> -> memref<125xi32, #tpu.memory_space<vmem>>
        %dma_wait3A_357 = arith.constant 0 : i32
        %dma_wait3A_358 = arith.constant 0 : i32
        %dma_wait3A_359 = tpu.memref_slice %arg11[%dma_wait3A_357, %dma_wait3A_358] : memref<10000x64xf32, #tpu.memory_space<vmem_shared>> -> memref<10000x64xf32, #tpu.memory_space<vmem_shared>>
        tpu.wait_indirect_dma semaphore(%run_scoped3A_339 : memref<!tpu.dma_semaphore, #tpu.memory_space<semaphore_mem>>) src(%dma_wait3A_353 : memref<125x64xf32, #tpu.memory_space<vmem>>) dst(%dma_wait3A_359 : memref<10000x64xf32, #tpu.memory_space<vmem_shared>>)
        tpu.yield
      }) : () -> ()
      %add3A_236 = arith.constant 8 : i32
      %add3A_237 = arith.addi %add3A_220, %add3A_236 : i32
      %lt3A_238 = arith.constant 80 : i32
      %lt3A_239 = arith.cmpi slt, %add3A_237, %lt3A_238 : i32
      %convert_element_type3A_240 = arith.extui %lt3A_239 : i1 to i32
      %cond3A_241 = arith.constant 0 : i32
      %cond3A_242 = arith.cmpi ne, %convert_element_type3A_240, %cond3A_241 : i32
      scf.if %cond3A_242 {
        %dma_start3A_339 = arith.constant 3 : i32
        %dma_start3A_340 = arith.constant 3 : i32
        %dma_start3A_341 = arith.constant 0 : i32
        %dma_start3A_342 = arith.constant 0 : i32
        %dma_start3A_343 = tpu.memref_slice %arg9[%dma_start3A_339, %dma_start3A_341, %dma_start3A_342] : memref<8x125x64xf32, #tpu.memory_space<vmem>> -> memref<1x125x64xf32, #tpu.memory_space<vmem>>
        %dma_start3A_344 = tpu.memref_squeeze %dma_start3A_343 : memref<1x125x64xf32, #tpu.memory_space<vmem>> -> memref<125x64xf32, #tpu.memory_space<vmem>>
        %dma_start3A_345 = arith.constant 0 : i32
        %dma_start3A_346 = tpu.memref_slice %arg7[%add3A_237, %dma_start3A_345] : memref<80x125xi32, #tpu.memory_space<vmem>> -> memref<1x125xi32, #tpu.memory_space<vmem>>
        %dma_start3A_347 = tpu.memref_squeeze %dma_start3A_346 : memref<1x125xi32, #tpu.memory_space<vmem>> -> memref<125xi32, #tpu.memory_space<vmem>>
        %dma_start3A_348 = arith.constant 0 : i32
        %dma_start3A_349 = arith.constant 0 : i32
        %dma_start3A_350 = tpu.memref_slice %arg2[%dma_start3A_348, %dma_start3A_349] : memref<10000x64xf32, #tpu.memory_space<hbm>> -> memref<10000x64xf32, #tpu.memory_space<hbm>>
        %dma_start3A_351 = tpu.memref_slice %arg10[%dma_start3A_340] : memref<8x!tpu.dma_semaphore, #tpu.memory_space<semaphore_mem>> -> memref<1x!tpu.dma_semaphore, #tpu.memory_space<semaphore_mem>>
        %dma_start3A_352 = tpu.memref_squeeze %dma_start3A_351 : memref<1x!tpu.dma_semaphore, #tpu.memory_space<semaphore_mem>> -> memref<!tpu.dma_semaphore, #tpu.memory_space<semaphore_mem>>
        tpu.enqueue_indirect_dma source(%dma_start3A_350 : memref<10000x64xf32, #tpu.memory_space<hbm>>) target(%dma_start3A_344 : memref<125x64xf32, #tpu.memory_space<vmem>>) offsets(%dma_start3A_347 : memref<125xi32, #tpu.memory_space<vmem>>) semaphore(%dma_start3A_352 : memref<!tpu.dma_semaphore, #tpu.memory_space<semaphore_mem>>)
      } else {
      }
      %add3A_243 = arith.constant 4 : i32
      %add3A_244 = arith.addi %mul3A_148, %add3A_243 : i32
      %dma_wait3A_245 = arith.constant 4 : i32
      %dma_wait3A_246 = arith.constant 4 : i32
      %dma_wait3A_247 = arith.constant 0 : i32
      %dma_wait3A_248 = arith.constant 0 : i32
      %dma_wait3A_249 = tpu.memref_slice %arg9[%dma_wait3A_245, %dma_wait3A_247, %dma_wait3A_248] : memref<8x125x64xf32, #tpu.memory_space<vmem>> -> memref<1x125x64xf32, #tpu.memory_space<vmem>>
      %dma_wait3A_250 = tpu.memref_squeeze %dma_wait3A_249 : memref<1x125x64xf32, #tpu.memory_space<vmem>> -> memref<125x64xf32, #tpu.memory_space<vmem>>
      %dma_wait3A_251 = arith.constant 0 : i32
      %dma_wait3A_252 = tpu.memref_slice %arg7[%add3A_244, %dma_wait3A_251] : memref<80x125xi32, #tpu.memory_space<vmem>> -> memref<1x125xi32, #tpu.memory_space<vmem>>
      %dma_wait3A_253 = tpu.memref_squeeze %dma_wait3A_252 : memref<1x125xi32, #tpu.memory_space<vmem>> -> memref<125xi32, #tpu.memory_space<vmem>>
      %dma_wait3A_254 = arith.constant 0 : i32
      %dma_wait3A_255 = arith.constant 0 : i32
      %dma_wait3A_256 = tpu.memref_slice %arg2[%dma_wait3A_254, %dma_wait3A_255] : memref<10000x64xf32, #tpu.memory_space<hbm>> -> memref<10000x64xf32, #tpu.memory_space<hbm>>
      %dma_wait3A_257 = tpu.memref_slice %arg10[%dma_wait3A_246] : memref<8x!tpu.dma_semaphore, #tpu.memory_space<semaphore_mem>> -> memref<1x!tpu.dma_semaphore, #tpu.memory_space<semaphore_mem>>
      %dma_wait3A_258 = tpu.memref_squeeze %dma_wait3A_257 : memref<1x!tpu.dma_semaphore, #tpu.memory_space<semaphore_mem>> -> memref<!tpu.dma_semaphore, #tpu.memory_space<semaphore_mem>>
      tpu.wait_indirect_dma semaphore(%dma_wait3A_258 : memref<!tpu.dma_semaphore, #tpu.memory_space<semaphore_mem>>) src(%dma_wait3A_256 : memref<10000x64xf32, #tpu.memory_space<hbm>>) dst(%dma_wait3A_250 : memref<125x64xf32, #tpu.memory_space<vmem>>)
      %run_scoped3A_259 = arith.constant 4 : i32
      "tpu.region"() ({
        %run_scoped3A_339 = tpu.sem_alloc : memref<!tpu.dma_semaphore, #tpu.memory_space<semaphore_mem>>
        %dma_start3A_340 = arith.constant 0 : i32
        %dma_start3A_341 = arith.constant 0 : i32
        %dma_start3A_342 = tpu.memref_slice %arg9[%run_scoped3A_259, %dma_start3A_340, %dma_start3A_341] : memref<8x125x64xf32, #tpu.memory_space<vmem>> -> memref<1x125x64xf32, #tpu.memory_space<vmem>>
        %dma_start3A_343 = tpu.memref_squeeze %dma_start3A_342 : memref<1x125x64xf32, #tpu.memory_space<vmem>> -> memref<125x64xf32, #tpu.memory_space<vmem>>
        %dma_start3A_344 = arith.constant 0 : i32
        %dma_start3A_345 = tpu.memref_slice %arg8[%add3A_244, %dma_start3A_344] : memref<80x125xi32, #tpu.memory_space<vmem>> -> memref<1x125xi32, #tpu.memory_space<vmem>>
        %dma_start3A_346 = tpu.memref_squeeze %dma_start3A_345 : memref<1x125xi32, #tpu.memory_space<vmem>> -> memref<125xi32, #tpu.memory_space<vmem>>
        %dma_start3A_347 = arith.constant 0 : i32
        %dma_start3A_348 = arith.constant 0 : i32
        %dma_start3A_349 = tpu.memref_slice %arg11[%dma_start3A_347, %dma_start3A_348] : memref<10000x64xf32, #tpu.memory_space<vmem_shared>> -> memref<10000x64xf32, #tpu.memory_space<vmem_shared>>
        tpu.enqueue_indirect_dma source(%dma_start3A_343 : memref<125x64xf32, #tpu.memory_space<vmem>>) target(%dma_start3A_349 : memref<10000x64xf32, #tpu.memory_space<vmem_shared>>) offsets(%dma_start3A_346 : memref<125xi32, #tpu.memory_space<vmem>>) semaphore(%run_scoped3A_339 : memref<!tpu.dma_semaphore, #tpu.memory_space<semaphore_mem>>) {add = true}
        %dma_wait3A_350 = arith.constant 0 : i32
        %dma_wait3A_351 = arith.constant 0 : i32
        %dma_wait3A_352 = tpu.memref_slice %arg9[%run_scoped3A_259, %dma_wait3A_350, %dma_wait3A_351] : memref<8x125x64xf32, #tpu.memory_space<vmem>> -> memref<1x125x64xf32, #tpu.memory_space<vmem>>
        %dma_wait3A_353 = tpu.memref_squeeze %dma_wait3A_352 : memref<1x125x64xf32, #tpu.memory_space<vmem>> -> memref<125x64xf32, #tpu.memory_space<vmem>>
        %dma_wait3A_354 = arith.constant 0 : i32
        %dma_wait3A_355 = tpu.memref_slice %arg8[%add3A_244, %dma_wait3A_354] : memref<80x125xi32, #tpu.memory_space<vmem>> -> memref<1x125xi32, #tpu.memory_space<vmem>>
        %dma_wait3A_356 = tpu.memref_squeeze %dma_wait3A_355 : memref<1x125xi32, #tpu.memory_space<vmem>> -> memref<125xi32, #tpu.memory_space<vmem>>
        %dma_wait3A_357 = arith.constant 0 : i32
        %dma_wait3A_358 = arith.constant 0 : i32
        %dma_wait3A_359 = tpu.memref_slice %arg11[%dma_wait3A_357, %dma_wait3A_358] : memref<10000x64xf32, #tpu.memory_space<vmem_shared>> -> memref<10000x64xf32, #tpu.memory_space<vmem_shared>>
        tpu.wait_indirect_dma semaphore(%run_scoped3A_339 : memref<!tpu.dma_semaphore, #tpu.memory_space<semaphore_mem>>) src(%dma_wait3A_353 : memref<125x64xf32, #tpu.memory_space<vmem>>) dst(%dma_wait3A_359 : memref<10000x64xf32, #tpu.memory_space<vmem_shared>>)
        tpu.yield
      }) : () -> ()
      %add3A_260 = arith.constant 8 : i32
      %add3A_261 = arith.addi %add3A_244, %add3A_260 : i32
      %lt3A_262 = arith.constant 80 : i32
      %lt3A_263 = arith.cmpi slt, %add3A_261, %lt3A_262 : i32
      %convert_element_type3A_264 = arith.extui %lt3A_263 : i1 to i32
      %cond3A_265 = arith.constant 0 : i32
      %cond3A_266 = arith.cmpi ne, %convert_element_type3A_264, %cond3A_265 : i32
      scf.if %cond3A_266 {
        %dma_start3A_339 = arith.constant 4 : i32
        %dma_start3A_340 = arith.constant 4 : i32
        %dma_start3A_341 = arith.constant 0 : i32
        %dma_start3A_342 = arith.constant 0 : i32
        %dma_start3A_343 = tpu.memref_slice %arg9[%dma_start3A_339, %dma_start3A_341, %dma_start3A_342] : memref<8x125x64xf32, #tpu.memory_space<vmem>> -> memref<1x125x64xf32, #tpu.memory_space<vmem>>
        %dma_start3A_344 = tpu.memref_squeeze %dma_start3A_343 : memref<1x125x64xf32, #tpu.memory_space<vmem>> -> memref<125x64xf32, #tpu.memory_space<vmem>>
        %dma_start3A_345 = arith.constant 0 : i32
        %dma_start3A_346 = tpu.memref_slice %arg7[%add3A_261, %dma_start3A_345] : memref<80x125xi32, #tpu.memory_space<vmem>> -> memref<1x125xi32, #tpu.memory_space<vmem>>
        %dma_start3A_347 = tpu.memref_squeeze %dma_start3A_346 : memref<1x125xi32, #tpu.memory_space<vmem>> -> memref<125xi32, #tpu.memory_space<vmem>>
        %dma_start3A_348 = arith.constant 0 : i32
        %dma_start3A_349 = arith.constant 0 : i32
        %dma_start3A_350 = tpu.memref_slice %arg2[%dma_start3A_348, %dma_start3A_349] : memref<10000x64xf32, #tpu.memory_space<hbm>> -> memref<10000x64xf32, #tpu.memory_space<hbm>>
        %dma_start3A_351 = tpu.memref_slice %arg10[%dma_start3A_340] : memref<8x!tpu.dma_semaphore, #tpu.memory_space<semaphore_mem>> -> memref<1x!tpu.dma_semaphore, #tpu.memory_space<semaphore_mem>>
        %dma_start3A_352 = tpu.memref_squeeze %dma_start3A_351 : memref<1x!tpu.dma_semaphore, #tpu.memory_space<semaphore_mem>> -> memref<!tpu.dma_semaphore, #tpu.memory_space<semaphore_mem>>
        tpu.enqueue_indirect_dma source(%dma_start3A_350 : memref<10000x64xf32, #tpu.memory_space<hbm>>) target(%dma_start3A_344 : memref<125x64xf32, #tpu.memory_space<vmem>>) offsets(%dma_start3A_347 : memref<125xi32, #tpu.memory_space<vmem>>) semaphore(%dma_start3A_352 : memref<!tpu.dma_semaphore, #tpu.memory_space<semaphore_mem>>)
      } else {
      }
      %add3A_267 = arith.constant 5 : i32
      %add3A_268 = arith.addi %mul3A_148, %add3A_267 : i32
      %dma_wait3A_269 = arith.constant 5 : i32
      %dma_wait3A_270 = arith.constant 5 : i32
      %dma_wait3A_271 = arith.constant 0 : i32
      %dma_wait3A_272 = arith.constant 0 : i32
      %dma_wait3A_273 = tpu.memref_slice %arg9[%dma_wait3A_269, %dma_wait3A_271, %dma_wait3A_272] : memref<8x125x64xf32, #tpu.memory_space<vmem>> -> memref<1x125x64xf32, #tpu.memory_space<vmem>>
      %dma_wait3A_274 = tpu.memref_squeeze %dma_wait3A_273 : memref<1x125x64xf32, #tpu.memory_space<vmem>> -> memref<125x64xf32, #tpu.memory_space<vmem>>
      %dma_wait3A_275 = arith.constant 0 : i32
      %dma_wait3A_276 = tpu.memref_slice %arg7[%add3A_268, %dma_wait3A_275] : memref<80x125xi32, #tpu.memory_space<vmem>> -> memref<1x125xi32, #tpu.memory_space<vmem>>
      %dma_wait3A_277 = tpu.memref_squeeze %dma_wait3A_276 : memref<1x125xi32, #tpu.memory_space<vmem>> -> memref<125xi32, #tpu.memory_space<vmem>>
      %dma_wait3A_278 = arith.constant 0 : i32
      %dma_wait3A_279 = arith.constant 0 : i32
      %dma_wait3A_280 = tpu.memref_slice %arg2[%dma_wait3A_278, %dma_wait3A_279] : memref<10000x64xf32, #tpu.memory_space<hbm>> -> memref<10000x64xf32, #tpu.memory_space<hbm>>
      %dma_wait3A_281 = tpu.memref_slice %arg10[%dma_wait3A_270] : memref<8x!tpu.dma_semaphore, #tpu.memory_space<semaphore_mem>> -> memref<1x!tpu.dma_semaphore, #tpu.memory_space<semaphore_mem>>
      %dma_wait3A_282 = tpu.memref_squeeze %dma_wait3A_281 : memref<1x!tpu.dma_semaphore, #tpu.memory_space<semaphore_mem>> -> memref<!tpu.dma_semaphore, #tpu.memory_space<semaphore_mem>>
      tpu.wait_indirect_dma semaphore(%dma_wait3A_282 : memref<!tpu.dma_semaphore, #tpu.memory_space<semaphore_mem>>) src(%dma_wait3A_280 : memref<10000x64xf32, #tpu.memory_space<hbm>>) dst(%dma_wait3A_274 : memref<125x64xf32, #tpu.memory_space<vmem>>)
      %run_scoped3A_283 = arith.constant 5 : i32
      "tpu.region"() ({
        %run_scoped3A_339 = tpu.sem_alloc : memref<!tpu.dma_semaphore, #tpu.memory_space<semaphore_mem>>
        %dma_start3A_340 = arith.constant 0 : i32
        %dma_start3A_341 = arith.constant 0 : i32
        %dma_start3A_342 = tpu.memref_slice %arg9[%run_scoped3A_283, %dma_start3A_340, %dma_start3A_341] : memref<8x125x64xf32, #tpu.memory_space<vmem>> -> memref<1x125x64xf32, #tpu.memory_space<vmem>>
        %dma_start3A_343 = tpu.memref_squeeze %dma_start3A_342 : memref<1x125x64xf32, #tpu.memory_space<vmem>> -> memref<125x64xf32, #tpu.memory_space<vmem>>
        %dma_start3A_344 = arith.constant 0 : i32
        %dma_start3A_345 = tpu.memref_slice %arg8[%add3A_268, %dma_start3A_344] : memref<80x125xi32, #tpu.memory_space<vmem>> -> memref<1x125xi32, #tpu.memory_space<vmem>>
        %dma_start3A_346 = tpu.memref_squeeze %dma_start3A_345 : memref<1x125xi32, #tpu.memory_space<vmem>> -> memref<125xi32, #tpu.memory_space<vmem>>
        %dma_start3A_347 = arith.constant 0 : i32
        %dma_start3A_348 = arith.constant 0 : i32
        %dma_start3A_349 = tpu.memref_slice %arg11[%dma_start3A_347, %dma_start3A_348] : memref<10000x64xf32, #tpu.memory_space<vmem_shared>> -> memref<10000x64xf32, #tpu.memory_space<vmem_shared>>
        tpu.enqueue_indirect_dma source(%dma_start3A_343 : memref<125x64xf32, #tpu.memory_space<vmem>>) target(%dma_start3A_349 : memref<10000x64xf32, #tpu.memory_space<vmem_shared>>) offsets(%dma_start3A_346 : memref<125xi32, #tpu.memory_space<vmem>>) semaphore(%run_scoped3A_339 : memref<!tpu.dma_semaphore, #tpu.memory_space<semaphore_mem>>) {add = true}
        %dma_wait3A_350 = arith.constant 0 : i32
        %dma_wait3A_351 = arith.constant 0 : i32
        %dma_wait3A_352 = tpu.memref_slice %arg9[%run_scoped3A_283, %dma_wait3A_350, %dma_wait3A_351] : memref<8x125x64xf32, #tpu.memory_space<vmem>> -> memref<1x125x64xf32, #tpu.memory_space<vmem>>
        %dma_wait3A_353 = tpu.memref_squeeze %dma_wait3A_352 : memref<1x125x64xf32, #tpu.memory_space<vmem>> -> memref<125x64xf32, #tpu.memory_space<vmem>>
        %dma_wait3A_354 = arith.constant 0 : i32
        %dma_wait3A_355 = tpu.memref_slice %arg8[%add3A_268, %dma_wait3A_354] : memref<80x125xi32, #tpu.memory_space<vmem>> -> memref<1x125xi32, #tpu.memory_space<vmem>>
        %dma_wait3A_356 = tpu.memref_squeeze %dma_wait3A_355 : memref<1x125xi32, #tpu.memory_space<vmem>> -> memref<125xi32, #tpu.memory_space<vmem>>
        %dma_wait3A_357 = arith.constant 0 : i32
        %dma_wait3A_358 = arith.constant 0 : i32
        %dma_wait3A_359 = tpu.memref_slice %arg11[%dma_wait3A_357, %dma_wait3A_358] : memref<10000x64xf32, #tpu.memory_space<vmem_shared>> -> memref<10000x64xf32, #tpu.memory_space<vmem_shared>>
        tpu.wait_indirect_dma semaphore(%run_scoped3A_339 : memref<!tpu.dma_semaphore, #tpu.memory_space<semaphore_mem>>) src(%dma_wait3A_353 : memref<125x64xf32, #tpu.memory_space<vmem>>) dst(%dma_wait3A_359 : memref<10000x64xf32, #tpu.memory_space<vmem_shared>>)
        tpu.yield
      }) : () -> ()
      %add3A_284 = arith.constant 8 : i32
      %add3A_285 = arith.addi %add3A_268, %add3A_284 : i32
      %lt3A_286 = arith.constant 80 : i32
      %lt3A_287 = arith.cmpi slt, %add3A_285, %lt3A_286 : i32
      %convert_element_type3A_288 = arith.extui %lt3A_287 : i1 to i32
      %cond3A_289 = arith.constant 0 : i32
      %cond3A_290 = arith.cmpi ne, %convert_element_type3A_288, %cond3A_289 : i32
      scf.if %cond3A_290 {
        %dma_start3A_339 = arith.constant 5 : i32
        %dma_start3A_340 = arith.constant 5 : i32
        %dma_start3A_341 = arith.constant 0 : i32
        %dma_start3A_342 = arith.constant 0 : i32
        %dma_start3A_343 = tpu.memref_slice %arg9[%dma_start3A_339, %dma_start3A_341, %dma_start3A_342] : memref<8x125x64xf32, #tpu.memory_space<vmem>> -> memref<1x125x64xf32, #tpu.memory_space<vmem>>
        %dma_start3A_344 = tpu.memref_squeeze %dma_start3A_343 : memref<1x125x64xf32, #tpu.memory_space<vmem>> -> memref<125x64xf32, #tpu.memory_space<vmem>>
        %dma_start3A_345 = arith.constant 0 : i32
        %dma_start3A_346 = tpu.memref_slice %arg7[%add3A_285, %dma_start3A_345] : memref<80x125xi32, #tpu.memory_space<vmem>> -> memref<1x125xi32, #tpu.memory_space<vmem>>
        %dma_start3A_347 = tpu.memref_squeeze %dma_start3A_346 : memref<1x125xi32, #tpu.memory_space<vmem>> -> memref<125xi32, #tpu.memory_space<vmem>>
        %dma_start3A_348 = arith.constant 0 : i32
        %dma_start3A_349 = arith.constant 0 : i32
        %dma_start3A_350 = tpu.memref_slice %arg2[%dma_start3A_348, %dma_start3A_349] : memref<10000x64xf32, #tpu.memory_space<hbm>> -> memref<10000x64xf32, #tpu.memory_space<hbm>>
        %dma_start3A_351 = tpu.memref_slice %arg10[%dma_start3A_340] : memref<8x!tpu.dma_semaphore, #tpu.memory_space<semaphore_mem>> -> memref<1x!tpu.dma_semaphore, #tpu.memory_space<semaphore_mem>>
        %dma_start3A_352 = tpu.memref_squeeze %dma_start3A_351 : memref<1x!tpu.dma_semaphore, #tpu.memory_space<semaphore_mem>> -> memref<!tpu.dma_semaphore, #tpu.memory_space<semaphore_mem>>
        tpu.enqueue_indirect_dma source(%dma_start3A_350 : memref<10000x64xf32, #tpu.memory_space<hbm>>) target(%dma_start3A_344 : memref<125x64xf32, #tpu.memory_space<vmem>>) offsets(%dma_start3A_347 : memref<125xi32, #tpu.memory_space<vmem>>) semaphore(%dma_start3A_352 : memref<!tpu.dma_semaphore, #tpu.memory_space<semaphore_mem>>)
      } else {
      }
      %add3A_291 = arith.constant 6 : i32
      %add3A_292 = arith.addi %mul3A_148, %add3A_291 : i32
      %dma_wait3A_293 = arith.constant 6 : i32
      %dma_wait3A_294 = arith.constant 6 : i32
      %dma_wait3A_295 = arith.constant 0 : i32
      %dma_wait3A_296 = arith.constant 0 : i32
      %dma_wait3A_297 = tpu.memref_slice %arg9[%dma_wait3A_293, %dma_wait3A_295, %dma_wait3A_296] : memref<8x125x64xf32, #tpu.memory_space<vmem>> -> memref<1x125x64xf32, #tpu.memory_space<vmem>>
      %dma_wait3A_298 = tpu.memref_squeeze %dma_wait3A_297 : memref<1x125x64xf32, #tpu.memory_space<vmem>> -> memref<125x64xf32, #tpu.memory_space<vmem>>
      %dma_wait3A_299 = arith.constant 0 : i32
      %dma_wait3A_300 = tpu.memref_slice %arg7[%add3A_292, %dma_wait3A_299] : memref<80x125xi32, #tpu.memory_space<vmem>> -> memref<1x125xi32, #tpu.memory_space<vmem>>
      %dma_wait3A_301 = tpu.memref_squeeze %dma_wait3A_300 : memref<1x125xi32, #tpu.memory_space<vmem>> -> memref<125xi32, #tpu.memory_space<vmem>>
      %dma_wait3A_302 = arith.constant 0 : i32
      %dma_wait3A_303 = arith.constant 0 : i32
      %dma_wait3A_304 = tpu.memref_slice %arg2[%dma_wait3A_302, %dma_wait3A_303] : memref<10000x64xf32, #tpu.memory_space<hbm>> -> memref<10000x64xf32, #tpu.memory_space<hbm>>
      %dma_wait3A_305 = tpu.memref_slice %arg10[%dma_wait3A_294] : memref<8x!tpu.dma_semaphore, #tpu.memory_space<semaphore_mem>> -> memref<1x!tpu.dma_semaphore, #tpu.memory_space<semaphore_mem>>
      %dma_wait3A_306 = tpu.memref_squeeze %dma_wait3A_305 : memref<1x!tpu.dma_semaphore, #tpu.memory_space<semaphore_mem>> -> memref<!tpu.dma_semaphore, #tpu.memory_space<semaphore_mem>>
      tpu.wait_indirect_dma semaphore(%dma_wait3A_306 : memref<!tpu.dma_semaphore, #tpu.memory_space<semaphore_mem>>) src(%dma_wait3A_304 : memref<10000x64xf32, #tpu.memory_space<hbm>>) dst(%dma_wait3A_298 : memref<125x64xf32, #tpu.memory_space<vmem>>)
      %run_scoped3A_307 = arith.constant 6 : i32
      "tpu.region"() ({
        %run_scoped3A_339 = tpu.sem_alloc : memref<!tpu.dma_semaphore, #tpu.memory_space<semaphore_mem>>
        %dma_start3A_340 = arith.constant 0 : i32
        %dma_start3A_341 = arith.constant 0 : i32
        %dma_start3A_342 = tpu.memref_slice %arg9[%run_scoped3A_307, %dma_start3A_340, %dma_start3A_341] : memref<8x125x64xf32, #tpu.memory_space<vmem>> -> memref<1x125x64xf32, #tpu.memory_space<vmem>>
        %dma_start3A_343 = tpu.memref_squeeze %dma_start3A_342 : memref<1x125x64xf32, #tpu.memory_space<vmem>> -> memref<125x64xf32, #tpu.memory_space<vmem>>
        %dma_start3A_344 = arith.constant 0 : i32
        %dma_start3A_345 = tpu.memref_slice %arg8[%add3A_292, %dma_start3A_344] : memref<80x125xi32, #tpu.memory_space<vmem>> -> memref<1x125xi32, #tpu.memory_space<vmem>>
        %dma_start3A_346 = tpu.memref_squeeze %dma_start3A_345 : memref<1x125xi32, #tpu.memory_space<vmem>> -> memref<125xi32, #tpu.memory_space<vmem>>
        %dma_start3A_347 = arith.constant 0 : i32
        %dma_start3A_348 = arith.constant 0 : i32
        %dma_start3A_349 = tpu.memref_slice %arg11[%dma_start3A_347, %dma_start3A_348] : memref<10000x64xf32, #tpu.memory_space<vmem_shared>> -> memref<10000x64xf32, #tpu.memory_space<vmem_shared>>
        tpu.enqueue_indirect_dma source(%dma_start3A_343 : memref<125x64xf32, #tpu.memory_space<vmem>>) target(%dma_start3A_349 : memref<10000x64xf32, #tpu.memory_space<vmem_shared>>) offsets(%dma_start3A_346 : memref<125xi32, #tpu.memory_space<vmem>>) semaphore(%run_scoped3A_339 : memref<!tpu.dma_semaphore, #tpu.memory_space<semaphore_mem>>) {add = true}
        %dma_wait3A_350 = arith.constant 0 : i32
        %dma_wait3A_351 = arith.constant 0 : i32
        %dma_wait3A_352 = tpu.memref_slice %arg9[%run_scoped3A_307, %dma_wait3A_350, %dma_wait3A_351] : memref<8x125x64xf32, #tpu.memory_space<vmem>> -> memref<1x125x64xf32, #tpu.memory_space<vmem>>
        %dma_wait3A_353 = tpu.memref_squeeze %dma_wait3A_352 : memref<1x125x64xf32, #tpu.memory_space<vmem>> -> memref<125x64xf32, #tpu.memory_space<vmem>>
        %dma_wait3A_354 = arith.constant 0 : i32
        %dma_wait3A_355 = tpu.memref_slice %arg8[%add3A_292, %dma_wait3A_354] : memref<80x125xi32, #tpu.memory_space<vmem>> -> memref<1x125xi32, #tpu.memory_space<vmem>>
        %dma_wait3A_356 = tpu.memref_squeeze %dma_wait3A_355 : memref<1x125xi32, #tpu.memory_space<vmem>> -> memref<125xi32, #tpu.memory_space<vmem>>
        %dma_wait3A_357 = arith.constant 0 : i32
        %dma_wait3A_358 = arith.constant 0 : i32
        %dma_wait3A_359 = tpu.memref_slice %arg11[%dma_wait3A_357, %dma_wait3A_358] : memref<10000x64xf32, #tpu.memory_space<vmem_shared>> -> memref<10000x64xf32, #tpu.memory_space<vmem_shared>>
        tpu.wait_indirect_dma semaphore(%run_scoped3A_339 : memref<!tpu.dma_semaphore, #tpu.memory_space<semaphore_mem>>) src(%dma_wait3A_353 : memref<125x64xf32, #tpu.memory_space<vmem>>) dst(%dma_wait3A_359 : memref<10000x64xf32, #tpu.memory_space<vmem_shared>>)
        tpu.yield
      }) : () -> ()
      %add3A_308 = arith.constant 8 : i32
      %add3A_309 = arith.addi %add3A_292, %add3A_308 : i32
      %lt3A_310 = arith.constant 80 : i32
      %lt3A_311 = arith.cmpi slt, %add3A_309, %lt3A_310 : i32
      %convert_element_type3A_312 = arith.extui %lt3A_311 : i1 to i32
      %cond3A_313 = arith.constant 0 : i32
      %cond3A_314 = arith.cmpi ne, %convert_element_type3A_312, %cond3A_313 : i32
      scf.if %cond3A_314 {
        %dma_start3A_339 = arith.constant 6 : i32
        %dma_start3A_340 = arith.constant 6 : i32
        %dma_start3A_341 = arith.constant 0 : i32
        %dma_start3A_342 = arith.constant 0 : i32
        %dma_start3A_343 = tpu.memref_slice %arg9[%dma_start3A_339, %dma_start3A_341, %dma_start3A_342] : memref<8x125x64xf32, #tpu.memory_space<vmem>> -> memref<1x125x64xf32, #tpu.memory_space<vmem>>
        %dma_start3A_344 = tpu.memref_squeeze %dma_start3A_343 : memref<1x125x64xf32, #tpu.memory_space<vmem>> -> memref<125x64xf32, #tpu.memory_space<vmem>>
        %dma_start3A_345 = arith.constant 0 : i32
        %dma_start3A_346 = tpu.memref_slice %arg7[%add3A_309, %dma_start3A_345] : memref<80x125xi32, #tpu.memory_space<vmem>> -> memref<1x125xi32, #tpu.memory_space<vmem>>
        %dma_start3A_347 = tpu.memref_squeeze %dma_start3A_346 : memref<1x125xi32, #tpu.memory_space<vmem>> -> memref<125xi32, #tpu.memory_space<vmem>>
        %dma_start3A_348 = arith.constant 0 : i32
        %dma_start3A_349 = arith.constant 0 : i32
        %dma_start3A_350 = tpu.memref_slice %arg2[%dma_start3A_348, %dma_start3A_349] : memref<10000x64xf32, #tpu.memory_space<hbm>> -> memref<10000x64xf32, #tpu.memory_space<hbm>>
        %dma_start3A_351 = tpu.memref_slice %arg10[%dma_start3A_340] : memref<8x!tpu.dma_semaphore, #tpu.memory_space<semaphore_mem>> -> memref<1x!tpu.dma_semaphore, #tpu.memory_space<semaphore_mem>>
        %dma_start3A_352 = tpu.memref_squeeze %dma_start3A_351 : memref<1x!tpu.dma_semaphore, #tpu.memory_space<semaphore_mem>> -> memref<!tpu.dma_semaphore, #tpu.memory_space<semaphore_mem>>
        tpu.enqueue_indirect_dma source(%dma_start3A_350 : memref<10000x64xf32, #tpu.memory_space<hbm>>) target(%dma_start3A_344 : memref<125x64xf32, #tpu.memory_space<vmem>>) offsets(%dma_start3A_347 : memref<125xi32, #tpu.memory_space<vmem>>) semaphore(%dma_start3A_352 : memref<!tpu.dma_semaphore, #tpu.memory_space<semaphore_mem>>)
      } else {
      }
      %add3A_315 = arith.constant 7 : i32
      %add3A_316 = arith.addi %mul3A_148, %add3A_315 : i32
      %dma_wait3A_317 = arith.constant 7 : i32
      %dma_wait3A_318 = arith.constant 7 : i32
      %dma_wait3A_319 = arith.constant 0 : i32
      %dma_wait3A_320 = arith.constant 0 : i32
      %dma_wait3A_321 = tpu.memref_slice %arg9[%dma_wait3A_317, %dma_wait3A_319, %dma_wait3A_320] : memref<8x125x64xf32, #tpu.memory_space<vmem>> -> memref<1x125x64xf32, #tpu.memory_space<vmem>>
      %dma_wait3A_322 = tpu.memref_squeeze %dma_wait3A_321 : memref<1x125x64xf32, #tpu.memory_space<vmem>> -> memref<125x64xf32, #tpu.memory_space<vmem>>
      %dma_wait3A_323 = arith.constant 0 : i32
      %dma_wait3A_324 = tpu.memref_slice %arg7[%add3A_316, %dma_wait3A_323] : memref<80x125xi32, #tpu.memory_space<vmem>> -> memref<1x125xi32, #tpu.memory_space<vmem>>
      %dma_wait3A_325 = tpu.memref_squeeze %dma_wait3A_324 : memref<1x125xi32, #tpu.memory_space<vmem>> -> memref<125xi32, #tpu.memory_space<vmem>>
      %dma_wait3A_326 = arith.constant 0 : i32
      %dma_wait3A_327 = arith.constant 0 : i32
      %dma_wait3A_328 = tpu.memref_slice %arg2[%dma_wait3A_326, %dma_wait3A_327] : memref<10000x64xf32, #tpu.memory_space<hbm>> -> memref<10000x64xf32, #tpu.memory_space<hbm>>
      %dma_wait3A_329 = tpu.memref_slice %arg10[%dma_wait3A_318] : memref<8x!tpu.dma_semaphore, #tpu.memory_space<semaphore_mem>> -> memref<1x!tpu.dma_semaphore, #tpu.memory_space<semaphore_mem>>
      %dma_wait3A_330 = tpu.memref_squeeze %dma_wait3A_329 : memref<1x!tpu.dma_semaphore, #tpu.memory_space<semaphore_mem>> -> memref<!tpu.dma_semaphore, #tpu.memory_space<semaphore_mem>>
      tpu.wait_indirect_dma semaphore(%dma_wait3A_330 : memref<!tpu.dma_semaphore, #tpu.memory_space<semaphore_mem>>) src(%dma_wait3A_328 : memref<10000x64xf32, #tpu.memory_space<hbm>>) dst(%dma_wait3A_322 : memref<125x64xf32, #tpu.memory_space<vmem>>)
      %run_scoped3A_331 = arith.constant 7 : i32
      "tpu.region"() ({
        %run_scoped3A_339 = tpu.sem_alloc : memref<!tpu.dma_semaphore, #tpu.memory_space<semaphore_mem>>
        %dma_start3A_340 = arith.constant 0 : i32
        %dma_start3A_341 = arith.constant 0 : i32
        %dma_start3A_342 = tpu.memref_slice %arg9[%run_scoped3A_331, %dma_start3A_340, %dma_start3A_341] : memref<8x125x64xf32, #tpu.memory_space<vmem>> -> memref<1x125x64xf32, #tpu.memory_space<vmem>>
        %dma_start3A_343 = tpu.memref_squeeze %dma_start3A_342 : memref<1x125x64xf32, #tpu.memory_space<vmem>> -> memref<125x64xf32, #tpu.memory_space<vmem>>
        %dma_start3A_344 = arith.constant 0 : i32
        %dma_start3A_345 = tpu.memref_slice %arg8[%add3A_316, %dma_start3A_344] : memref<80x125xi32, #tpu.memory_space<vmem>> -> memref<1x125xi32, #tpu.memory_space<vmem>>
        %dma_start3A_346 = tpu.memref_squeeze %dma_start3A_345 : memref<1x125xi32, #tpu.memory_space<vmem>> -> memref<125xi32, #tpu.memory_space<vmem>>
        %dma_start3A_347 = arith.constant 0 : i32
        %dma_start3A_348 = arith.constant 0 : i32
        %dma_start3A_349 = tpu.memref_slice %arg11[%dma_start3A_347, %dma_start3A_348] : memref<10000x64xf32, #tpu.memory_space<vmem_shared>> -> memref<10000x64xf32, #tpu.memory_space<vmem_shared>>
        tpu.enqueue_indirect_dma source(%dma_start3A_343 : memref<125x64xf32, #tpu.memory_space<vmem>>) target(%dma_start3A_349 : memref<10000x64xf32, #tpu.memory_space<vmem_shared>>) offsets(%dma_start3A_346 : memref<125xi32, #tpu.memory_space<vmem>>) semaphore(%run_scoped3A_339 : memref<!tpu.dma_semaphore, #tpu.memory_space<semaphore_mem>>) {add = true}
        %dma_wait3A_350 = arith.constant 0 : i32
        %dma_wait3A_351 = arith.constant 0 : i32
        %dma_wait3A_352 = tpu.memref_slice %arg9[%run_scoped3A_331, %dma_wait3A_350, %dma_wait3A_351] : memref<8x125x64xf32, #tpu.memory_space<vmem>> -> memref<1x125x64xf32, #tpu.memory_space<vmem>>
        %dma_wait3A_353 = tpu.memref_squeeze %dma_wait3A_352 : memref<1x125x64xf32, #tpu.memory_space<vmem>> -> memref<125x64xf32, #tpu.memory_space<vmem>>
        %dma_wait3A_354 = arith.constant 0 : i32
        %dma_wait3A_355 = tpu.memref_slice %arg8[%add3A_316, %dma_wait3A_354] : memref<80x125xi32, #tpu.memory_space<vmem>> -> memref<1x125xi32, #tpu.memory_space<vmem>>
        %dma_wait3A_356 = tpu.memref_squeeze %dma_wait3A_355 : memref<1x125xi32, #tpu.memory_space<vmem>> -> memref<125xi32, #tpu.memory_space<vmem>>
        %dma_wait3A_357 = arith.constant 0 : i32
        %dma_wait3A_358 = arith.constant 0 : i32
        %dma_wait3A_359 = tpu.memref_slice %arg11[%dma_wait3A_357, %dma_wait3A_358] : memref<10000x64xf32, #tpu.memory_space<vmem_shared>> -> memref<10000x64xf32, #tpu.memory_space<vmem_shared>>
        tpu.wait_indirect_dma semaphore(%run_scoped3A_339 : memref<!tpu.dma_semaphore, #tpu.memory_space<semaphore_mem>>) src(%dma_wait3A_353 : memref<125x64xf32, #tpu.memory_space<vmem>>) dst(%dma_wait3A_359 : memref<10000x64xf32, #tpu.memory_space<vmem_shared>>)
        tpu.yield
      }) : () -> ()
      %add3A_332 = arith.constant 8 : i32
      %add3A_333 = arith.addi %add3A_316, %add3A_332 : i32
      %lt3A_334 = arith.constant 80 : i32
      %lt3A_335 = arith.cmpi slt, %add3A_333, %lt3A_334 : i32
      %convert_element_type3A_336 = arith.extui %lt3A_335 : i1 to i32
      %cond3A_337 = arith.constant 0 : i32
      %cond3A_338 = arith.cmpi ne, %convert_element_type3A_336, %cond3A_337 : i32
      scf.if %cond3A_338 {
        %dma_start3A_339 = arith.constant 7 : i32
        %dma_start3A_340 = arith.constant 7 : i32
        %dma_start3A_341 = arith.constant 0 : i32
        %dma_start3A_342 = arith.constant 0 : i32
        %dma_start3A_343 = tpu.memref_slice %arg9[%dma_start3A_339, %dma_start3A_341, %dma_start3A_342] : memref<8x125x64xf32, #tpu.memory_space<vmem>> -> memref<1x125x64xf32, #tpu.memory_space<vmem>>
        %dma_start3A_344 = tpu.memref_squeeze %dma_start3A_343 : memref<1x125x64xf32, #tpu.memory_space<vmem>> -> memref<125x64xf32, #tpu.memory_space<vmem>>
        %dma_start3A_345 = arith.constant 0 : i32
        %dma_start3A_346 = tpu.memref_slice %arg7[%add3A_333, %dma_start3A_345] : memref<80x125xi32, #tpu.memory_space<vmem>> -> memref<1x125xi32, #tpu.memory_space<vmem>>
        %dma_start3A_347 = tpu.memref_squeeze %dma_start3A_346 : memref<1x125xi32, #tpu.memory_space<vmem>> -> memref<125xi32, #tpu.memory_space<vmem>>
        %dma_start3A_348 = arith.constant 0 : i32
        %dma_start3A_349 = arith.constant 0 : i32
        %dma_start3A_350 = tpu.memref_slice %arg2[%dma_start3A_348, %dma_start3A_349] : memref<10000x64xf32, #tpu.memory_space<hbm>> -> memref<10000x64xf32, #tpu.memory_space<hbm>>
        %dma_start3A_351 = tpu.memref_slice %arg10[%dma_start3A_340] : memref<8x!tpu.dma_semaphore, #tpu.memory_space<semaphore_mem>> -> memref<1x!tpu.dma_semaphore, #tpu.memory_space<semaphore_mem>>
        %dma_start3A_352 = tpu.memref_squeeze %dma_start3A_351 : memref<1x!tpu.dma_semaphore, #tpu.memory_space<semaphore_mem>> -> memref<!tpu.dma_semaphore, #tpu.memory_space<semaphore_mem>>
        tpu.enqueue_indirect_dma source(%dma_start3A_350 : memref<10000x64xf32, #tpu.memory_space<hbm>>) target(%dma_start3A_344 : memref<125x64xf32, #tpu.memory_space<vmem>>) offsets(%dma_start3A_347 : memref<125xi32, #tpu.memory_space<vmem>>) semaphore(%dma_start3A_352 : memref<!tpu.dma_semaphore, #tpu.memory_space<semaphore_mem>>)
      } else {
      }
    }
    %scan3A_134 = arith.constant 10 : i32
    %barrier3A_135 = arith.constant 0 : index
    tpu.barrier barrier_id(%barrier3A_135)
    %lt3A_136 = arith.constant 15 : i32
    %lt3A_137 = arith.cmpi slt, %arg1, %lt3A_136 : i32
    %convert_element_type3A_138 = arith.extui %lt3A_137 : i1 to i32
    %cond3A_139 = arith.constant 0 : i32
    %cond3A_140 = arith.cmpi ne, %convert_element_type3A_138, %cond3A_139 : i32
    scf.if %cond3A_140 {
      %mul3A_146 = arith.constant 632 : i32
      %mul3A_147 = arith.muli %arg1, %mul3A_146 : i32
      %mul3A_148 = arith.constant 10000 : i32
      %mul3A_149 = arith.muli %arg0, %mul3A_148 : i32
      %mul3A_150 = arith.constant 632 : i32
      %mul3A_151 = arith.muli %arg1, %mul3A_150 : i32
      %add3A_152 = arith.addi %mul3A_149, %mul3A_151 : i32
      "tpu.region"() ({
        %run_scoped3A = tpu.sem_alloc : memref<!tpu.dma_semaphore, #tpu.memory_space<semaphore_mem>>
        %dma_start3A_153 = arith.constant 0 : i32
        %dma_start3A_154 = tpu.memref_slice %arg6[%add3A_152, %dma_start3A_153] : memref<20000x64xf32, #tpu.memory_space<hbm>> -> memref<632x64xf32, #tpu.memory_space<hbm>>
        %dma_start3A_155 = arith.constant 0 : i32
        %dma_start3A_156 = tpu.memref_slice %arg11[%mul3A_147, %dma_start3A_155] : memref<10000x64xf32, #tpu.memory_space<vmem_shared>> -> memref<632x64xf32, #tpu.memory_space<vmem_shared>>
        tpu.enqueue_dma source(%dma_start3A_156 : memref<632x64xf32, #tpu.memory_space<vmem_shared>>) target(%dma_start3A_154 : memref<632x64xf32, #tpu.memory_space<hbm>>) target_semaphore(%run_scoped3A : memref<!tpu.dma_semaphore, #tpu.memory_space<semaphore_mem>>)
        %dma_wait3A = arith.constant 0 : i32
        %dma_wait3A_157 = tpu.memref_slice %arg6[%add3A_152, %dma_wait3A] : memref<20000x64xf32, #tpu.memory_space<hbm>> -> memref<632x64xf32, #tpu.memory_space<hbm>>
        %dma_wait3A_158 = arith.constant 0 : i32
        %dma_wait3A_159 = tpu.memref_slice %arg11[%mul3A_147, %dma_wait3A_158] : memref<10000x64xf32, #tpu.memory_space<vmem_shared>> -> memref<632x64xf32, #tpu.memory_space<vmem_shared>>
        tpu.wait_dma2 semaphore(%run_scoped3A : memref<!tpu.dma_semaphore, #tpu.memory_space<semaphore_mem>>) src(%dma_wait3A_159 : memref<632x64xf32, #tpu.memory_space<vmem_shared>>) dst(%dma_wait3A_157 : memref<632x64xf32, #tpu.memory_space<hbm>>)
        tpu.yield
      }) : () -> ()
    } else {
    }
    %eq3A_141 = arith.constant 15 : i32
    %eq3A_142 = arith.cmpi eq, %arg1, %eq3A_141 : i32
    %convert_element_type3A_143 = arith.extui %eq3A_142 : i1 to i32
    %cond3A_144 = arith.constant 0 : i32
    %cond3A_145 = arith.cmpi ne, %convert_element_type3A_143, %cond3A_144 : i32
    scf.if %cond3A_145 {
      %mul3A_146 = arith.constant 10000 : i32
      %mul3A_147 = arith.muli %arg0, %mul3A_146 : i32
      %add3A_148 = arith.constant 9480 : i32
      %add3A_149 = arith.addi %mul3A_147, %add3A_148 : i32
      "tpu.region"() ({
        %run_scoped3A = tpu.sem_alloc : memref<!tpu.dma_semaphore, #tpu.memory_space<semaphore_mem>>
        %dma_start3A_150 = arith.constant 0 : i32
        %dma_start3A_151 = tpu.memref_slice %arg6[%add3A_149, %dma_start3A_150] : memref<20000x64xf32, #tpu.memory_space<hbm>> -> memref<520x64xf32, #tpu.memory_space<hbm>>
        %dma_start3A_152 = arith.constant 9480 : i32
        %dma_start3A_153 = arith.constant 0 : i32
        %dma_start3A_154 = tpu.memref_slice %arg11[%dma_start3A_152, %dma_start3A_153] : memref<10000x64xf32, #tpu.memory_space<vmem_shared>> -> memref<520x64xf32, #tpu.memory_space<vmem_shared>>
        tpu.enqueue_dma source(%dma_start3A_154 : memref<520x64xf32, #tpu.memory_space<vmem_shared>>) target(%dma_start3A_151 : memref<520x64xf32, #tpu.memory_space<hbm>>) target_semaphore(%run_scoped3A : memref<!tpu.dma_semaphore, #tpu.memory_space<semaphore_mem>>)
        %dma_wait3A = arith.constant 0 : i32
        %dma_wait3A_155 = tpu.memref_slice %arg6[%add3A_149, %dma_wait3A] : memref<20000x64xf32, #tpu.memory_space<hbm>> -> memref<520x64xf32, #tpu.memory_space<hbm>>
        %dma_wait3A_156 = arith.constant 9480 : i32
        %dma_wait3A_157 = arith.constant 0 : i32
        %dma_wait3A_158 = tpu.memref_slice %arg11[%dma_wait3A_156, %dma_wait3A_157] : memref<10000x64xf32, #tpu.memory_space<vmem_shared>> -> memref<520x64xf32, #tpu.memory_space<vmem_shared>>
        tpu.wait_dma2 semaphore(%run_scoped3A : memref<!tpu.dma_semaphore, #tpu.memory_space<semaphore_mem>>) src(%dma_wait3A_158 : memref<520x64xf32, #tpu.memory_space<vmem_shared>>) dst(%dma_wait3A_155 : memref<520x64xf32, #tpu.memory_space<hbm>>)
        tpu.yield
      }) : () -> ()
    } else {
    }
    return
  }
}

module attributes {stable_mosaic.version = 14 : i64} {
  func.func @_tc_a1(%arg0: memref<10000x128xf32, #tpu.memory_space<vmem>>, %arg1: memref<128x64xf32, #tpu.memory_space<vmem>>, %arg2: memref<128x64xf32, #tpu.memory_space<vmem>>, %arg3: memref<64xf32, #tpu.memory_space<vmem>>, %arg4: memref<10000x64xf32, #tpu.memory_space<vmem>>, %arg5: memref<10000x64xf32, #tpu.memory_space<vmem>>) attributes {dimension_semantics = [], scalar_prefetch = 0 : i64, scratch_operands = 0 : i64, tpu.core_type = #tpu.core_type<tc>} {
    %get3A = arith.constant 0 : index
    %get3A_0 = arith.constant 0 : index
    %get3A_1 = vector.load %arg0[%get3A, %get3A_0] : memref<10000x128xf32, #tpu.memory_space<vmem>>, vector<10000x128xf32>
    %get3A_2 = arith.constant 0 : index
    %get3A_3 = arith.constant 0 : index
    %get3A_4 = vector.load %arg1[%get3A_2, %get3A_3] : memref<128x64xf32, #tpu.memory_space<vmem>>, vector<128x64xf32>
    %dot_general3A = arith.constant dense<0.000000e+00> : vector<10000x64xf32>
    %dot_general3A_5 = tpu.matmul %get3A_1, %get3A_4, %dot_general3A {dimension_numbers = #tpu.dot_dimension_numbers<[1], [0], [0], [1], [0, 0, 1, 1], [], []>, transpose_lhs_hint = false} : vector<10000x128xf32>, vector<128x64xf32>, vector<10000x64xf32> -> vector<10000x64xf32>
    %swap3A = arith.constant 0 : index
    %swap3A_6 = arith.constant 0 : index
    %swap3A_7 = vector.load %arg4[%swap3A, %swap3A_6] : memref<10000x64xf32, #tpu.memory_space<vmem>>, vector<10000x64xf32>
    tpu.vector_store %arg4[%swap3A, %swap3A_6], %dot_general3A_5 {strides = array<i32>} : memref<10000x64xf32, #tpu.memory_space<vmem>>, vector<10000x64xf32>,
    %get3A_8 = arith.constant 0 : index
    %get3A_9 = arith.constant 0 : index
    %get3A_10 = vector.load %arg0[%get3A_8, %get3A_9] : memref<10000x128xf32, #tpu.memory_space<vmem>>, vector<10000x128xf32>
    %get3A_11 = arith.constant 0 : index
    %get3A_12 = arith.constant 0 : index
    %get3A_13 = vector.load %arg2[%get3A_11, %get3A_12] : memref<128x64xf32, #tpu.memory_space<vmem>>, vector<128x64xf32>
    %dot_general3A_14 = arith.constant dense<0.000000e+00> : vector<10000x64xf32>
    %dot_general3A_15 = tpu.matmul %get3A_10, %get3A_13, %dot_general3A_14 {dimension_numbers = #tpu.dot_dimension_numbers<[1], [0], [0], [1], [0, 0, 1, 1], [], []>, transpose_lhs_hint = false} : vector<10000x128xf32>, vector<128x64xf32>, vector<10000x64xf32> -> vector<10000x64xf32>
    %get3A_16 = arith.constant 0 : index
    %get3A_17 = vector.load %arg3[%get3A_16] : memref<64xf32, #tpu.memory_space<vmem>>, vector<64xf32>
    %broadcast_in_dim3A = vector.shape_cast %get3A_17 : vector<64xf32> to vector<1x64xf32>
    %add3A = vector.broadcast %broadcast_in_dim3A : vector<1x64xf32> to vector<10000x64xf32>
    %add3A_18 = arith.addf %dot_general3A_15, %add3A : vector<10000x64xf32>
    %swap3A_19 = arith.constant 0 : index
    %swap3A_20 = arith.constant 0 : index
    %swap3A_21 = vector.load %arg5[%swap3A_19, %swap3A_20] : memref<10000x64xf32, #tpu.memory_space<vmem>>, vector<10000x64xf32>
    tpu.vector_store %arg5[%swap3A_19, %swap3A_20], %add3A_18 {strides = array<i32>} : memref<10000x64xf32, #tpu.memory_space<vmem>>, vector<10000x64xf32>,
    return
  }
}

module attributes {stable_mosaic.version = 14 : i64} {
  func.func @_tc_a2(%arg0: memref<10000x64xf32, #tpu.memory_space<vmem>>, %arg1: memref<10000x2xf32, #tpu.memory_space<vmem>>, %arg2: memref<10000x1xf32, #tpu.memory_space<vmem>>, %arg3: memref<10000x64xf32, #tpu.memory_space<vmem>>) attributes {dimension_semantics = [], scalar_prefetch = 0 : i64, scratch_operands = 0 : i64, tpu.core_type = #tpu.core_type<tc>} {
    %get3A = arith.constant 0 : index
    %get3A_0 = arith.constant 0 : index
    %get3A_1 = vector.load %arg1[%get3A, %get3A_0] : memref<10000x2xf32, #tpu.memory_space<vmem>>, vector<10000x1xf32>
    %get3A_2 = arith.constant 0 : index
    %get3A_3 = arith.constant 1 : index
    %get3A_4 = vector.load %arg1[%get3A_2, %get3A_3] : memref<10000x2xf32, #tpu.memory_space<vmem>>, vector<10000x1xf32>
    %add3A = arith.addf %get3A_1, %get3A_4 : vector<10000x1xf32>
    %add3A_5 = arith.constant 1.000000e+00 : f32
    %add3A_6 = vector.broadcast %add3A_5 : f32 to vector<10000x1xf32>
    %add3A_7 = arith.addf %add3A, %add3A_6 : vector<10000x1xf32>
    %rsqrt3A = math.rsqrt %add3A_7 : vector<10000x1xf32>
    %swap3A = arith.constant 0 : index
    %swap3A_8 = arith.constant 0 : index
    %swap3A_9 = vector.load %arg2[%swap3A, %swap3A_8] : memref<10000x1xf32, #tpu.memory_space<vmem>>, vector<10000x1xf32>
    tpu.vector_store %arg2[%swap3A, %swap3A_8], %rsqrt3A {strides = array<i32>} : memref<10000x1xf32, #tpu.memory_space<vmem>>, vector<10000x1xf32>,
    %get3A_10 = arith.constant 0 : index
    %get3A_11 = arith.constant 0 : index
    %get3A_12 = vector.load %arg0[%get3A_10, %get3A_11] : memref<10000x64xf32, #tpu.memory_space<vmem>>, vector<10000x64xf32>
    %mul3A = vector.broadcast %rsqrt3A : vector<10000x1xf32> to vector<10000x64xf32>
    %mul3A_13 = arith.mulf %get3A_12, %mul3A : vector<10000x64xf32>
    %swap3A_14 = arith.constant 0 : index
    %swap3A_15 = arith.constant 0 : index
    %swap3A_16 = vector.load %arg3[%swap3A_14, %swap3A_15] : memref<10000x64xf32, #tpu.memory_space<vmem>>, vector<10000x64xf32>
    tpu.vector_store %arg3[%swap3A_14, %swap3A_15], %mul3A_13 {strides = array<i32>} : memref<10000x64xf32, #tpu.memory_space<vmem>>, vector<10000x64xf32>,
    return
  }
}

module attributes {stable_mosaic.version = 14 : i64} {
  func.func @_tc_b(%arg0: memref<20000x64xf32, #tpu.memory_space<vmem>>, %arg1: memref<10000x64xf32, #tpu.memory_space<vmem>>, %arg2: memref<10000x64xf32, #tpu.memory_space<vmem>>, %arg3: memref<10000x1xf32, #tpu.memory_space<vmem>>, %arg4: memref<64xf32, #tpu.memory_space<vmem>>, %arg5: memref<64xf32, #tpu.memory_space<vmem>>, %arg6: memref<64xf32, #tpu.memory_space<vmem>>, %arg7: memref<64x64xf32, #tpu.memory_space<vmem>>, %arg8: memref<64x32xf32, #tpu.memory_space<vmem>>, %arg9: memref<32xf32, #tpu.memory_space<vmem>>, %arg10: memref<10000x64xf32, #tpu.memory_space<vmem>>, %arg11: memref<10000x32xf32, #tpu.memory_space<vmem>>) attributes {dimension_semantics = [], scalar_prefetch = 0 : i64, scratch_operands = 0 : i64, tpu.core_type = #tpu.core_type<tc>} {
    %get3A = arith.constant 0 : index
    %get3A_0 = arith.constant 0 : index
    %get3A_1 = vector.load %arg3[%get3A, %get3A_0] : memref<10000x1xf32, #tpu.memory_space<vmem>>, vector<10000x1xf32>
    %get3A_2 = arith.constant 0 : index
    %get3A_3 = arith.constant 0 : index
    %get3A_4 = vector.load %arg0[%get3A_2, %get3A_3] : memref<20000x64xf32, #tpu.memory_space<vmem>>, vector<10000x64xf32>
    %get3A_5 = arith.constant 10000 : index
    %get3A_6 = arith.constant 0 : index
    %get3A_7 = vector.load %arg0[%get3A_5, %get3A_6] : memref<20000x64xf32, #tpu.memory_space<vmem>>, vector<10000x64xf32>
    %add3A = arith.addf %get3A_4, %get3A_7 : vector<10000x64xf32>
    %get3A_8 = arith.constant 0 : index
    %get3A_9 = arith.constant 0 : index
    %get3A_10 = vector.load %arg1[%get3A_8, %get3A_9] : memref<10000x64xf32, #tpu.memory_space<vmem>>, vector<10000x64xf32>
    %add3A_11 = arith.addf %add3A, %get3A_10 : vector<10000x64xf32>
    %mul3A = vector.broadcast %get3A_1 : vector<10000x1xf32> to vector<10000x64xf32>
    %mul3A_12 = arith.mulf %mul3A, %add3A_11 : vector<10000x64xf32>
    %get3A_13 = arith.constant 0 : index
    %get3A_14 = vector.load %arg4[%get3A_13] : memref<64xf32, #tpu.memory_space<vmem>>, vector<64xf32>
    %broadcast_in_dim3A = vector.shape_cast %get3A_14 : vector<64xf32> to vector<1x64xf32>
    %add3A_15 = vector.broadcast %broadcast_in_dim3A : vector<1x64xf32> to vector<10000x64xf32>
    %add3A_16 = arith.addf %mul3A_12, %add3A_15 : vector<10000x64xf32>
    %max3A = arith.constant 0.000000e+00 : f32
    %max3A_17 = vector.broadcast %max3A : f32 to vector<10000x64xf32>
    %max3A_18 = arith.maximumf %add3A_16, %max3A_17 : vector<10000x64xf32>
    %get3A_19 = arith.constant 0 : index
    %get3A_20 = vector.load %arg5[%get3A_19] : memref<64xf32, #tpu.memory_space<vmem>>, vector<64xf32>
    %get3A_21 = arith.constant 0 : index
    %get3A_22 = vector.load %arg6[%get3A_21] : memref<64xf32, #tpu.memory_space<vmem>>, vector<64xf32>
    %reduce_sum3A = arith.constant dense<0.000000e+00> : vector<64xf32>
    %reduce_sum3A_23 = vector.multi_reduction <add>, %max3A_18, %reduce_sum3A [0] : vector<10000x64xf32> to vector<64xf32>
    %broadcast_in_dim3A_24 = vector.shape_cast %reduce_sum3A_23 : vector<64xf32> to vector<1x64xf32>
    %div3A = arith.constant 1.000000e+04 : f32
    %div3A_25 = vector.broadcast %div3A : f32 to vector<1x64xf32>
    %div3A_26 = arith.divf %broadcast_in_dim3A_24, %div3A_25 : vector<1x64xf32>
    %sub3A = vector.broadcast %div3A_26 : vector<1x64xf32> to vector<10000x64xf32>
    %sub3A_27 = arith.subf %max3A_18, %sub3A : vector<10000x64xf32>
    %integer_pow3A = arith.mulf %sub3A_27, %sub3A_27 : vector<10000x64xf32>
    %reduce_sum3A_28 = arith.constant dense<0.000000e+00> : vector<64xf32>
    %reduce_sum3A_29 = vector.multi_reduction <add>, %integer_pow3A, %reduce_sum3A_28 [0] : vector<10000x64xf32> to vector<64xf32>
    %broadcast_in_dim3A_30 = vector.shape_cast %reduce_sum3A_29 : vector<64xf32> to vector<1x64xf32>
    %div3A_31 = arith.constant 1.000000e+04 : f32
    %div3A_32 = vector.broadcast %div3A_31 : f32 to vector<1x64xf32>
    %div3A_33 = arith.divf %broadcast_in_dim3A_30, %div3A_32 : vector<1x64xf32>
    %sub3A_34 = vector.broadcast %div3A_26 : vector<1x64xf32> to vector<10000x64xf32>
    %sub3A_35 = arith.subf %max3A_18, %sub3A_34 : vector<10000x64xf32>
    %add3A_36 = arith.constant 9.99999974E-6 : f32
    %add3A_37 = vector.broadcast %add3A_36 : f32 to vector<1x64xf32>
    %add3A_38 = arith.addf %div3A_33, %add3A_37 : vector<1x64xf32>
    %rsqrt3A = math.rsqrt %add3A_38 : vector<1x64xf32>
    %mul3A_39 = vector.broadcast %rsqrt3A : vector<1x64xf32> to vector<10000x64xf32>
    %mul3A_40 = arith.mulf %sub3A_35, %mul3A_39 : vector<10000x64xf32>
    %broadcast_in_dim3A_41 = vector.shape_cast %get3A_20 : vector<64xf32> to vector<1x64xf32>
    %mul3A_42 = vector.broadcast %broadcast_in_dim3A_41 : vector<1x64xf32> to vector<10000x64xf32>
    %mul3A_43 = arith.mulf %mul3A_40, %mul3A_42 : vector<10000x64xf32>
    %broadcast_in_dim3A_44 = vector.shape_cast %get3A_22 : vector<64xf32> to vector<1x64xf32>
    %add3A_45 = vector.broadcast %broadcast_in_dim3A_44 : vector<1x64xf32> to vector<10000x64xf32>
    %add3A_46 = arith.addf %mul3A_43, %add3A_45 : vector<10000x64xf32>
    %get3A_47 = arith.constant 0 : index
    %get3A_48 = arith.constant 0 : index
    %get3A_49 = vector.load %arg2[%get3A_47, %get3A_48] : memref<10000x64xf32, #tpu.memory_space<vmem>>, vector<10000x64xf32>
    %add3A_50 = arith.addf %add3A_46, %get3A_49 : vector<10000x64xf32>
    %get3A_51 = arith.constant 0 : index
    %get3A_52 = arith.constant 0 : index
    %get3A_53 = vector.load %arg7[%get3A_51, %get3A_52] : memref<64x64xf32, #tpu.memory_space<vmem>>, vector<64x64xf32>
    %dot_general3A = arith.constant dense<0.000000e+00> : vector<10000x64xf32>
    %dot_general3A_54 = tpu.matmul %add3A_50, %get3A_53, %dot_general3A {dimension_numbers = #tpu.dot_dimension_numbers<[1], [0], [0], [1], [0, 0, 1, 1], [], []>, transpose_lhs_hint = false} : vector<10000x64xf32>, vector<64x64xf32>, vector<10000x64xf32> -> vector<10000x64xf32>
    %mul3A_55 = vector.broadcast %get3A_1 : vector<10000x1xf32> to vector<10000x64xf32>
    %mul3A_56 = arith.mulf %dot_general3A_54, %mul3A_55 : vector<10000x64xf32>
    %swap3A = arith.constant 0 : index
    %swap3A_57 = arith.constant 0 : index
    %swap3A_58 = vector.load %arg10[%swap3A, %swap3A_57] : memref<10000x64xf32, #tpu.memory_space<vmem>>, vector<10000x64xf32>
    tpu.vector_store %arg10[%swap3A, %swap3A_57], %mul3A_56 {strides = array<i32>} : memref<10000x64xf32, #tpu.memory_space<vmem>>, vector<10000x64xf32>,
    %get3A_59 = arith.constant 0 : index
    %get3A_60 = arith.constant 0 : index
    %get3A_61 = vector.load %arg8[%get3A_59, %get3A_60] : memref<64x32xf32, #tpu.memory_space<vmem>>, vector<64x32xf32>
    %dot_general3A_62 = arith.constant dense<0.000000e+00> : vector<10000x32xf32>
    %dot_general3A_63 = tpu.matmul %add3A_50, %get3A_61, %dot_general3A_62 {dimension_numbers = #tpu.dot_dimension_numbers<[1], [0], [0], [1], [0, 0, 1, 1], [], []>, transpose_lhs_hint = false} : vector<10000x64xf32>, vector<64x32xf32>, vector<10000x32xf32> -> vector<10000x32xf32>
    %get3A_64 = arith.constant 0 : index
    %get3A_65 = vector.load %arg9[%get3A_64] : memref<32xf32, #tpu.memory_space<vmem>>, vector<32xf32>
    %broadcast_in_dim3A_66 = vector.shape_cast %get3A_65 : vector<32xf32> to vector<1x32xf32>
    %add3A_67 = vector.broadcast %broadcast_in_dim3A_66 : vector<1x32xf32> to vector<10000x32xf32>
    %add3A_68 = arith.addf %dot_general3A_63, %add3A_67 : vector<10000x32xf32>
    %swap3A_69 = arith.constant 0 : index
    %swap3A_70 = arith.constant 0 : index
    %swap3A_71 = vector.load %arg11[%swap3A_69, %swap3A_70] : memref<10000x32xf32, #tpu.memory_space<vmem>>, vector<10000x32xf32>
    tpu.vector_store %arg11[%swap3A_69, %swap3A_70], %add3A_68 {strides = array<i32>} : memref<10000x32xf32, #tpu.memory_space<vmem>>, vector<10000x32xf32>,
    return
  }
}

module attributes {stable_mosaic.version = 14 : i64} {
  func.func @_tc_c(%arg0: memref<20000x64xf32, #tpu.memory_space<vmem>>, %arg1: memref<10000x64xf32, #tpu.memory_space<vmem>>, %arg2: memref<10000x1xf32, #tpu.memory_space<vmem>>, %arg3: memref<64xf32, #tpu.memory_space<vmem>>, %arg4: memref<64xf32, #tpu.memory_space<vmem>>, %arg5: memref<64xf32, #tpu.memory_space<vmem>>, %arg6: memref<64x32xf32, #tpu.memory_space<vmem>>, %arg7: memref<10000x32xf32, #tpu.memory_space<vmem>>) attributes {dimension_semantics = [], scalar_prefetch = 0 : i64, scratch_operands = 0 : i64, tpu.core_type = #tpu.core_type<tc>} {
    %get3A = arith.constant 0 : index
    %get3A_0 = arith.constant 0 : index
    %get3A_1 = vector.load %arg2[%get3A, %get3A_0] : memref<10000x1xf32, #tpu.memory_space<vmem>>, vector<10000x1xf32>
    %get3A_2 = arith.constant 0 : index
    %get3A_3 = arith.constant 0 : index
    %get3A_4 = vector.load %arg0[%get3A_2, %get3A_3] : memref<20000x64xf32, #tpu.memory_space<vmem>>, vector<10000x64xf32>
    %get3A_5 = arith.constant 10000 : index
    %get3A_6 = arith.constant 0 : index
    %get3A_7 = vector.load %arg0[%get3A_5, %get3A_6] : memref<20000x64xf32, #tpu.memory_space<vmem>>, vector<10000x64xf32>
    %add3A = arith.addf %get3A_4, %get3A_7 : vector<10000x64xf32>
    %get3A_8 = arith.constant 0 : index
    %get3A_9 = arith.constant 0 : index
    %get3A_10 = vector.load %arg1[%get3A_8, %get3A_9] : memref<10000x64xf32, #tpu.memory_space<vmem>>, vector<10000x64xf32>
    %add3A_11 = arith.addf %add3A, %get3A_10 : vector<10000x64xf32>
    %mul3A = vector.broadcast %get3A_1 : vector<10000x1xf32> to vector<10000x64xf32>
    %mul3A_12 = arith.mulf %mul3A, %add3A_11 : vector<10000x64xf32>
    %get3A_13 = arith.constant 0 : index
    %get3A_14 = vector.load %arg3[%get3A_13] : memref<64xf32, #tpu.memory_space<vmem>>, vector<64xf32>
    %broadcast_in_dim3A = vector.shape_cast %get3A_14 : vector<64xf32> to vector<1x64xf32>
    %add3A_15 = vector.broadcast %broadcast_in_dim3A : vector<1x64xf32> to vector<10000x64xf32>
    %add3A_16 = arith.addf %mul3A_12, %add3A_15 : vector<10000x64xf32>
    %max3A = arith.constant 0.000000e+00 : f32
    %max3A_17 = vector.broadcast %max3A : f32 to vector<10000x64xf32>
    %max3A_18 = arith.maximumf %add3A_16, %max3A_17 : vector<10000x64xf32>
    %get3A_19 = arith.constant 0 : index
    %get3A_20 = vector.load %arg4[%get3A_19] : memref<64xf32, #tpu.memory_space<vmem>>, vector<64xf32>
    %get3A_21 = arith.constant 0 : index
    %get3A_22 = vector.load %arg5[%get3A_21] : memref<64xf32, #tpu.memory_space<vmem>>, vector<64xf32>
    %reduce_sum3A = arith.constant dense<0.000000e+00> : vector<64xf32>
    %reduce_sum3A_23 = vector.multi_reduction <add>, %max3A_18, %reduce_sum3A [0] : vector<10000x64xf32> to vector<64xf32>
    %broadcast_in_dim3A_24 = vector.shape_cast %reduce_sum3A_23 : vector<64xf32> to vector<1x64xf32>
    %div3A = arith.constant 1.000000e+04 : f32
    %div3A_25 = vector.broadcast %div3A : f32 to vector<1x64xf32>
    %div3A_26 = arith.divf %broadcast_in_dim3A_24, %div3A_25 : vector<1x64xf32>
    %sub3A = vector.broadcast %div3A_26 : vector<1x64xf32> to vector<10000x64xf32>
    %sub3A_27 = arith.subf %max3A_18, %sub3A : vector<10000x64xf32>
    %integer_pow3A = arith.mulf %sub3A_27, %sub3A_27 : vector<10000x64xf32>
    %reduce_sum3A_28 = arith.constant dense<0.000000e+00> : vector<64xf32>
    %reduce_sum3A_29 = vector.multi_reduction <add>, %integer_pow3A, %reduce_sum3A_28 [0] : vector<10000x64xf32> to vector<64xf32>
    %broadcast_in_dim3A_30 = vector.shape_cast %reduce_sum3A_29 : vector<64xf32> to vector<1x64xf32>
    %div3A_31 = arith.constant 1.000000e+04 : f32
    %div3A_32 = vector.broadcast %div3A_31 : f32 to vector<1x64xf32>
    %div3A_33 = arith.divf %broadcast_in_dim3A_30, %div3A_32 : vector<1x64xf32>
    %sub3A_34 = vector.broadcast %div3A_26 : vector<1x64xf32> to vector<10000x64xf32>
    %sub3A_35 = arith.subf %max3A_18, %sub3A_34 : vector<10000x64xf32>
    %add3A_36 = arith.constant 9.99999974E-6 : f32
    %add3A_37 = vector.broadcast %add3A_36 : f32 to vector<1x64xf32>
    %add3A_38 = arith.addf %div3A_33, %add3A_37 : vector<1x64xf32>
    %rsqrt3A = math.rsqrt %add3A_38 : vector<1x64xf32>
    %mul3A_39 = vector.broadcast %rsqrt3A : vector<1x64xf32> to vector<10000x64xf32>
    %mul3A_40 = arith.mulf %sub3A_35, %mul3A_39 : vector<10000x64xf32>
    %broadcast_in_dim3A_41 = vector.shape_cast %get3A_20 : vector<64xf32> to vector<1x64xf32>
    %mul3A_42 = vector.broadcast %broadcast_in_dim3A_41 : vector<1x64xf32> to vector<10000x64xf32>
    %mul3A_43 = arith.mulf %mul3A_40, %mul3A_42 : vector<10000x64xf32>
    %broadcast_in_dim3A_44 = vector.shape_cast %get3A_22 : vector<64xf32> to vector<1x64xf32>
    %add3A_45 = vector.broadcast %broadcast_in_dim3A_44 : vector<1x64xf32> to vector<10000x64xf32>
    %add3A_46 = arith.addf %mul3A_43, %add3A_45 : vector<10000x64xf32>
    %get3A_47 = arith.constant 0 : index
    %get3A_48 = arith.constant 0 : index
    %get3A_49 = vector.load %arg6[%get3A_47, %get3A_48] : memref<64x32xf32, #tpu.memory_space<vmem>>, vector<64x32xf32>
    %dot_general3A = arith.constant dense<0.000000e+00> : vector<10000x32xf32>
    %dot_general3A_50 = tpu.matmul %add3A_46, %get3A_49, %dot_general3A {dimension_numbers = #tpu.dot_dimension_numbers<[1], [0], [0], [1], [0, 0, 1, 1], [], []>, transpose_lhs_hint = false} : vector<10000x64xf32>, vector<64x32xf32>, vector<10000x32xf32> -> vector<10000x32xf32>
    %mul3A_51 = vector.broadcast %get3A_1 : vector<10000x1xf32> to vector<10000x32xf32>
    %mul3A_52 = arith.mulf %dot_general3A_50, %mul3A_51 : vector<10000x32xf32>
    %swap3A = arith.constant 0 : index
    %swap3A_53 = arith.constant 0 : index
    %swap3A_54 = vector.load %arg7[%swap3A, %swap3A_53] : memref<10000x32xf32, #tpu.memory_space<vmem>>, vector<10000x32xf32>
    tpu.vector_store %arg7[%swap3A, %swap3A_53], %mul3A_52 {strides = array<i32>} : memref<10000x32xf32, #tpu.memory_space<vmem>>, vector<10000x32xf32>,
    return
  }
}

module attributes {stable_mosaic.version = 14 : i64} {
  func.func @_tc_decode(%arg0: i32, %arg1: i32, %arg2: memref<20000x32xf32, #tpu.memory_space<vmem>>, %arg3: memref<10000x32xf32, #tpu.memory_space<vmem>>, %arg4: memref<10000x1xf32, #tpu.memory_space<vmem>>, %arg5: memref<32xf32, #tpu.memory_space<vmem>>, %arg6: memref<10000x32xf32, #tpu.memory_space<vmem>>, %arg7: memref<1024x1024xf32, #tpu.memory_space<vmem>>, %arg8: memref<10000x32xf32, #tpu.memory_space<vmem>>, %arg9: memref<10240x32xf32, #tpu.memory_space<vmem>>) attributes {dimension_semantics = [#tpu.dimension_semantics<arbitrary>, #tpu.dimension_semantics<arbitrary>], iteration_bounds = array<i64: 10, 10>, scalar_prefetch = 0 : i64, scratch_operands = 1 : i64, tpu.core_type = #tpu.core_type<tc>, window_params = [{pipeline_mode = #tpu.pipeline_mode<synchronous>, transform_indices = @transform_0, window_bounds = array<i64: 20000, 32>}, {pipeline_mode = #tpu.pipeline_mode<synchronous>, transform_indices = @transform_1, window_bounds = array<i64: 10000, 32>}, {pipeline_mode = #tpu.pipeline_mode<synchronous>, transform_indices = @transform_2, window_bounds = array<i64: 10000, 1>}, {pipeline_mode = #tpu.pipeline_mode<synchronous>, transform_indices = @transform_3, window_bounds = array<i64: 32>}, {pipeline_mode = #tpu.pipeline_mode<synchronous>, transform_indices = @transform_4, window_bounds = array<i64: 10000, 32>}, {transform_indices = @transform_5, window_bounds = array<i64: 1024, 1024>}, {pipeline_mode = #tpu.pipeline_mode<synchronous>, transform_indices = @transform_6, window_bounds = array<i64: 10000, 32>}]} {
    %eq3A = arith.constant 0 : i32
    %eq3A_0 = arith.cmpi eq, %arg0, %eq3A : i32
    %eq3A_1 = arith.constant 0 : i32
    %eq3A_2 = arith.cmpi eq, %arg1, %eq3A_1 : i32
    %and3A = arith.andi %eq3A_0, %eq3A_2 : i1
    %convert_element_type3A = arith.extui %and3A : i1 to i32
    %cond3A = arith.constant 0 : i32
    %cond3A_3 = arith.cmpi ne, %convert_element_type3A, %cond3A : i32
    scf.if %cond3A_3 {
      %get3A_20 = arith.constant 0 : index
      %get3A_21 = arith.constant 0 : index
      %get3A_22 = vector.load %arg4[%get3A_20, %get3A_21] : memref<10000x1xf32, #tpu.memory_space<vmem>>, vector<10000x1xf32>
      %get3A_23 = arith.constant 0 : index
      %get3A_24 = arith.constant 0 : index
      %get3A_25 = vector.load %arg2[%get3A_23, %get3A_24] : memref<20000x32xf32, #tpu.memory_space<vmem>>, vector<10000x32xf32>
      %get3A_26 = arith.constant 10000 : index
      %get3A_27 = arith.constant 0 : index
      %get3A_28 = vector.load %arg2[%get3A_26, %get3A_27] : memref<20000x32xf32, #tpu.memory_space<vmem>>, vector<10000x32xf32>
      %add3A = arith.addf %get3A_25, %get3A_28 : vector<10000x32xf32>
      %get3A_29 = arith.constant 0 : index
      %get3A_30 = arith.constant 0 : index
      %get3A_31 = vector.load %arg3[%get3A_29, %get3A_30] : memref<10000x32xf32, #tpu.memory_space<vmem>>, vector<10000x32xf32>
      %add3A_32 = arith.addf %add3A, %get3A_31 : vector<10000x32xf32>
      %mul3A_33 = vector.broadcast %get3A_22 : vector<10000x1xf32> to vector<10000x32xf32>
      %mul3A_34 = arith.mulf %mul3A_33, %add3A_32 : vector<10000x32xf32>
      %get3A_35 = arith.constant 0 : index
      %get3A_36 = vector.load %arg5[%get3A_35] : memref<32xf32, #tpu.memory_space<vmem>>, vector<32xf32>
      %broadcast_in_dim3A = vector.shape_cast %get3A_36 : vector<32xf32> to vector<1x32xf32>
      %add3A_37 = vector.broadcast %broadcast_in_dim3A : vector<1x32xf32> to vector<10000x32xf32>
      %add3A_38 = arith.addf %mul3A_34, %add3A_37 : vector<10000x32xf32>
      %get3A_39 = arith.constant 0 : index
      %get3A_40 = arith.constant 0 : index
      %get3A_41 = vector.load %arg6[%get3A_39, %get3A_40] : memref<10000x32xf32, #tpu.memory_space<vmem>>, vector<10000x32xf32>
      %add3A_42 = arith.addf %add3A_38, %get3A_41 : vector<10000x32xf32>
      %swap3A_43 = arith.constant 0 : index
      %swap3A_44 = arith.constant 0 : index
      %swap3A_45 = vector.load %arg9[%swap3A_43, %swap3A_44] : memref<10240x32xf32, #tpu.memory_space<vmem>>, vector<10000x32xf32>
      tpu.vector_store %arg9[%swap3A_43, %swap3A_44], %add3A_42 {strides = array<i32>} : memref<10240x32xf32, #tpu.memory_space<vmem>>, vector<10000x32xf32>,
      %broadcast_in_dim3A_46 = arith.constant 0.000000e+00 : f32
      %broadcast_in_dim3A_47 = vector.broadcast %broadcast_in_dim3A_46 : f32 to vector<240x32xf32>
      %swap3A_48 = arith.constant 10000 : index
      %swap3A_49 = arith.constant 0 : index
      %swap3A_50 = vector.load %arg9[%swap3A_48, %swap3A_49] : memref<10240x32xf32, #tpu.memory_space<vmem>>, vector<240x32xf32>
      tpu.vector_store %arg9[%swap3A_48, %swap3A_49], %broadcast_in_dim3A_47 {strides = array<i32>} : memref<10240x32xf32, #tpu.memory_space<vmem>>, vector<240x32xf32>,
      %swap3A_51 = arith.constant 0 : index
      %swap3A_52 = arith.constant 0 : index
      %swap3A_53 = vector.load %arg8[%swap3A_51, %swap3A_52] : memref<10000x32xf32, #tpu.memory_space<vmem>>, vector<10000x32xf32>
      tpu.vector_store %arg8[%swap3A_51, %swap3A_52], %add3A_42 {strides = array<i32>} : memref<10000x32xf32, #tpu.memory_space<vmem>>, vector<10000x32xf32>,
    } else {
    }
    %mul3A = arith.constant 1024 : i32
    %mul3A_4 = arith.muli %arg0, %mul3A : i32
    %get3A = arith.index_cast %mul3A_4 : i32 to index
    %get3A_5 = arith.constant 0 : index
    %get3A_6 = vector.load %arg9[%get3A, %get3A_5] : memref<10240x32xf32, #tpu.memory_space<vmem>>, vector<1024x32xf32>
    %mul3A_7 = arith.constant 1024 : i32
    %mul3A_8 = arith.muli %arg1, %mul3A_7 : i32
    %get3A_9 = arith.index_cast %mul3A_8 : i32 to index
    %get3A_10 = arith.constant 0 : index
    %get3A_11 = vector.load %arg9[%get3A_9, %get3A_10] : memref<10240x32xf32, #tpu.memory_space<vmem>>, vector<1024x32xf32>
    %dot_general3A = arith.constant dense<0.000000e+00> : vector<1024x1024xf32>
    %dot_general3A_12 = tpu.matmul %get3A_6, %get3A_11, %dot_general3A {dimension_numbers = #tpu.dot_dimension_numbers<[1], [1], [0], [0], [0, 0, 1, 0], [], []>, transpose_lhs_hint = false} : vector<1024x32xf32>, vector<1024x32xf32>, vector<1024x1024xf32> -> vector<1024x1024xf32>
    %logistic3A = arith.negf %dot_general3A_12 : vector<1024x1024xf32>
    %logistic3A_13 = math.exp %logistic3A : vector<1024x1024xf32>
    %logistic3A_14 = arith.constant 1.000000e+00 : f32
    %logistic3A_15 = vector.broadcast %logistic3A_14 : f32 to vector<1024x1024xf32>
    %logistic3A_16 = arith.addf %logistic3A_15, %logistic3A_13 : vector<1024x1024xf32>
    %logistic3A_17 = arith.divf %logistic3A_15, %logistic3A_16 : vector<1024x1024xf32>
    %swap3A = arith.constant 0 : index
    %swap3A_18 = arith.constant 0 : index
    %swap3A_19 = vector.load %arg7[%swap3A, %swap3A_18] : memref<1024x1024xf32, #tpu.memory_space<vmem>>, vector<1024x1024xf32>
    tpu.vector_store %arg7[%swap3A, %swap3A_18], %logistic3A_17 {strides = array<i32>} : memref<1024x1024xf32, #tpu.memory_space<vmem>>, vector<1024x1024xf32>,
    return
  }
  func.func @transform_0(%arg0: i32, %arg1: i32) -> (i32, i32) {
    %c0_i32 = arith.constant 0 : i32
    %c0_i32_0 = arith.constant 0 : i32
    %c0_i32_1 = arith.constant 0 : i32
    return %c0_i32, %c0_i32_0 : i32, i32
  }
  func.func @transform_1(%arg0: i32, %arg1: i32) -> (i32, i32) {
    %c0_i32 = arith.constant 0 : i32
    %c0_i32_0 = arith.constant 0 : i32
    %c0_i32_1 = arith.constant 0 : i32
    return %c0_i32, %c0_i32_0 : i32, i32
  }
  func.func @transform_2(%arg0: i32, %arg1: i32) -> (i32, i32) {
    %c0_i32 = arith.constant 0 : i32
    %c0_i32_0 = arith.constant 0 : i32
    %c0_i32_1 = arith.constant 0 : i32
    return %c0_i32, %c0_i32_0 : i32, i32
  }
  func.func @transform_3(%arg0: i32, %arg1: i32) -> i32 {
    %c0_i32 = arith.constant 0 : i32
    %c0_i32_0 = arith.constant 0 : i32
    return %c0_i32 : i32
  }
  func.func @transform_4(%arg0: i32, %arg1: i32) -> (i32, i32) {
    %c0_i32 = arith.constant 0 : i32
    %c0_i32_0 = arith.constant 0 : i32
    %c0_i32_1 = arith.constant 0 : i32
    return %c0_i32, %c0_i32_0 : i32, i32
  }
  func.func @transform_5(%arg0: i32, %arg1: i32) -> (i32, i32) {
    %c0_i32 = arith.constant 0 : i32
    return %arg0, %arg1 : i32, i32
  }
  func.func @transform_6(%arg0: i32, %arg1: i32) -> (i32, i32) {
    %c0_i32 = arith.constant 0 : i32
    %c0_i32_0 = arith.constant 0 : i32
    %c0_i32_1 = arith.constant 0 : i32
    return %c0_i32, %c0_i32_0 : i32, i32
  }
}

</mosaic_0001>

<sc_bundles>
// kernel: kernel.11.cloned.1.call-start
scs
__scs_entry_jumppad:
0x0: {  	(pc) =	sbr.rel $0x88, $3  }
0x1: {  	(tag) =	ssettag $0x0;
	lr =	simm.s32 $0x1  }
0x2: {  	[smem:$0x3F91] =	sst lr;
	_ =	strace $0xD0000000  }
0x3: {  	_ = 	snop  }
0x4: {  	_ = 	snop  }
0x5: {  	_ = 	snop  }
0x6: {  	_ = 	snop  }
0x7: {  	_ = 	snop  }
__scs_overlays_trampoline_lowered:
0x8: {  	[smem:$0x3FA0] =	sst s0  }
0x9: {  	[smem:$0x3FA1] =	sst s1  }
0xa: {  	[smem:$0x3FA2] =	sst s2  }
0xb: {  	[smem:$0x3FA3] =	sst s3  }
0xc: {  	[smem:$0x3FA4] =	sst s4  }
0xd: {  	[smem:$0x3FA5] =	sst s5  }
0xe: {  	[smem:$0x3FA6] =	sst s6  }
0xf: {  	[smem:$0x3FA7] =	sst s7  }
0x10: {  	[smem:$0x3FA8] =	sst s8  }
0x11: {  	[smem:$0x3FA9] =	sst s9;
	s0 =	simm.s32 @!p0 $0x0  }
0x12: {  	s1 =	sld [smem:$0x3F8F];
	s0 =	simm.s32 @p0 $0x1  }
0x13: {  	[smem:$0x3FAA] =	sst s0;
	s0 =	simm.s32 @!p1 $0x0  }
0x14: {  	s2 =	sld [smem:$0x3F8E];
	s0 =	simm.s32 @p1 $0x1  }
0x15: {  	[smem:$0x3FAB] =	sst s0;
	s0 =	simm.s32 @!p2 $0x0  }
0x16: {  	s3 =	sld [smem:$0x3FDB];
	s0 =	simm.s32 @p2 $0x1  }
0x17: {  	s4 =	simm.s32 $0x1BF5;
	[smem:$0x3FAD] =	sst s0  }
0x18: {  	s0 =	sld [smem:$0x3F90];
	_ =	swait.ge [sflag:s4], $0x0  }
0x19: {  	s7 =	sld [smem:$0x3F91]  }
0x1a: {  	s8 =	sadd.s32 $0xFFFFE003, lr  }
0x1b: {  	s9 =	sadd.s32 $0xFFFFFEF7, lr;
	s5 =	simm.s32 $0xFFFFFFFF;
	p2 =	slt.u32 s8, $0xFFFFF086  }
0x1c: {  	p1 =	slt.u32 s9, $0xF7A;
	s5 =	simm.s32 @!p2 $0x0  }
0x1d: {  	s5 =	simm.s32 @p1 $0x1;
	p0 =	seq.s32 s7, s2  }
0x1e: {  	s7 =	smul.u32 @!p0 $0xF7A, s2;
	p2 =	seq.s32 @!p0 s5, $0x0  }
0x1f: {  	s9 =	smul.u32 $0xF7A, s1;
	s8 =	simm.s32 @!p0 $0x1BF5;
	p2 =	por !p2, p0  }
0x20: {  	[sflag:s8] =	ssyncset.s32 @!p0 $0xFFFFF086;
	s6 =	sadd.s32 @!p0 s3, s7;
	s7 =	simm.s32 @!p0 $0x108  }
0x21: {  	s3 =	sadd.s32 s3, s9;
	s6 =	sadd.s32 @!p0 $0x88, s6;
	s7 =	simm.s32 @p2 $0x1082  }
0x22: {  	[simem:s7], [sflag:s8] =	dma.local @!p0 [hbm:s6], $0xF7A  }
0x23: {  	s9 =	sor.u32 $0xD0000000, s2;
	s6 =	simm.s32 $0x108;
	_ =	swait.ge @!p0 [sflag:s8], $0x0  }
0x24: {  	s3 =	sadd.s32 $0x88, s3;
	s6 =	simm.s32 @!p1 $0x1082;
	[sflag:s4] =	ssyncset.s32 $0xFFFFF086  }
0x25: {  	[simem:s6], [sflag:s4] =	dma.local [hbm:s3], $0xF7A  }
0x26: {  	[smem:$0x3F91] =	sst s1;
	(tag) =	ssettag s2;
	_ =	strace s9  }
0x27: {  	s1 =	sld [smem:$0x3FA1]  }
0x28: {  	s2 =	sld [smem:$0x3FA2]  }
0x29: {  	s4 =	sld [smem:$0x3FA4]  }
0x2a: {  	p0 =	seq.s32 s5, $0x0;
	s5 =	sld [smem:$0x3FA5]  }
0x2b: {  	s6 =	sld [smem:$0x3FA6]  }
0x2c: {  	s7 =	sld [smem:$0x3FA7]  }
0x2d: {  	s3 =	simm.s32 $0x108;
	s8 =	sld [smem:$0x3FA8]  }
0x2e: {  	s3 =	simm.s32 @!p0 $0x1082;
	s9 =	sld [smem:$0x3FA9]  }
0x2f: {  	lr =	sadd.s32 s0, s3;
	s0 =	sld [smem:$0x3FA0]  }
0x30: {  	s3 =	sld [smem:$0x3FA3]  }
0x31: {  	[smem:$0x3FAC] =	sst s10  }
0x32: {  	s10 =	sld [smem:$0x3FAA];
	_ =	sdelay $0x3  }
0x33: {  	p0 =	seq.s32 s10, $0x1;
	s10 =	sld [smem:$0x3FAC];
	_ =	sdelay $0x3  }
0x34: {  	[smem:$0x3FAC] =	sst s10  }
0x35: {  	s10 =	sld [smem:$0x3FAB];
	_ =	sdelay $0x3  }
0x36: {  	p1 =	seq.s32 s10, $0x1;
	s10 =	sld [smem:$0x3FAC];
	_ =	sdelay $0x3  }
0x37: {  	[smem:$0x3FAC] =	sst s10  }
0x38: {  	s10 =	sld [smem:$0x3FAD]  }
0x39: {  	_ = 	snop;
	(pc) =	sbr.ind lr, $3  }
0x3a: {  	_ = 	snop  }
0x3b: {  	_ = 	snop  }
0x3c: {  	p2 =	seq.s32 s10, $0x1;
	s10 =	sld [smem:$0x3FAC]  }
0x3d: {  	_ =	shalt  }
0x3e: {  	_ =	shalt  }
0x3f: {  	_ =	shalt  }
0x40: {  	_ =	shalt  }
0x41: {  	_ =	shalt  }
0x42: {  	_ =	shalt  }
0x43: {  	_ =	shalt  }
0x44: {  	_ =	shalt  }
0x45: {  	_ =	shalt  }
0x46: {  	_ =	shalt  }
0x47: {  	_ =	shalt  }
0x48: {  	_ =	shalt  }
0x49: {  	_ =	shalt  }
0x4a: {  	_ =	shalt  }
0x4b: {  	_ =	shalt  }
0x4c: {  	_ =	shalt  }
0x4d: {  	_ =	shalt  }
0x4e: {  	_ =	shalt  }
0x4f: {  	_ =	shalt  }
0x50: {  	_ =	shalt  }
0x51: {  	_ =	shalt  }
0x52: {  	_ =	shalt  }
0x53: {  	_ =	shalt  }
0x54: {  	_ =	shalt  }
0x55: {  	_ =	shalt  }
0x56: {  	_ =	shalt  }
0x57: {  	_ =	shalt  }
0x58: {  	_ =	shalt  }
0x59: {  	_ =	shalt  }
0x5a: {  	_ =	shalt  }
0x5b: {  	_ =	shalt  }
0x5c: {  	_ =	shalt  }
0x5d: {  	_ =	shalt  }
0x5e: {  	_ =	shalt  }
0x5f: {  	_ =	shalt  }
0x60: {  	_ =	shalt  }
0x61: {  	_ =	shalt  }
0x62: {  	_ =	shalt  }
0x63: {  	_ =	shalt  }
0x64: {  	_ =	shalt  }
0x65: {  	_ =	shalt  }
0x66: {  	_ =	shalt  }
0x67: {  	_ =	shalt  }
0x68: {  	_ =	shalt  }
0x69: {  	_ =	shalt  }
0x6a: {  	_ =	shalt  }
0x6b: {  	_ =	shalt  }
0x6c: {  	_ =	shalt  }
0x6d: {  	_ =	shalt  }
0x6e: {  	_ =	shalt  }
0x6f: {  	_ =	shalt  }
0x70: {  	_ =	shalt  }
0x71: {  	_ =	shalt  }
0x72: {  	_ =	shalt  }
0x73: {  	_ =	shalt  }
0x74: {  	_ =	shalt  }
0x75: {  	_ =	shalt  }
0x76: {  	_ =	shalt  }
0x77: {  	_ =	shalt  }
0x78: {  	_ =	shalt  }
0x79: {  	_ =	shalt  }
0x7a: {  	_ =	shalt  }
0x7b: {  	_ =	shalt  }
0x7c: {  	_ =	shalt  }
0x7d: {  	_ =	shalt  }
0x7e: {  	_ =	shalt  }
0x7f: {  	_ =	shalt  }
0x80: {  	_ =	shalt  }
0x81: {  	_ =	shalt  }
0x82: {  	_ =	shalt  }
0x83: {  	_ =	shalt  }
0x84: {  	_ =	shalt  }
0x85: {  	_ =	shalt  }
0x86: {  	_ =	shalt  }
0x87: {  	_ =	shalt  }
.Lfunc_end0:
.L_simem_size_0:
called_computation_lowered:
.L_overlay_start_0:
0x88: {  	s2 =	sld [smem:$0x3FD9]  }
0x89: {  	s3 =	sld [smem:$0x3FFE];
	_ =	sdelay $0x1  }
0x8a: {  	s1 =	srdreg.scid  }
0x8b: {  	s0 =	sand.u32 $0x1, s1  }
0x8c: {  	s15 =	sshll.u32 s0, $0xA;
	s2 =	sadd.s32 s3, s2  }
0x8d: {  	s2 =	sadd.s32 s2, s15  }
0x8e: {  	[smem:$0x3FB8] =	sst s2  }
0x8f: {  	_ = 	snop  }
0x90: {  	s2 =	sld [smem:$0x3FD0];
	_ =	sdelay $0x2  }
0x91: {  	s16 =	simm.s32 $0xA;
	s4 =	simm.s32 $0x10  }
0x92: {  	[smem:s4], [sflag:s16] =	dma.local [hbm:s2], $0x1  }
0x93: {  	_ =	swait.eq [sflag:s16], $0x1  }
0x94: {  	[sflag:s16] =	ssyncset.done $0x0  }
0x95: {  	s17 =	sld [smem:$0x10];
	[sflag:s16] =	ssyncadd.s32 $0xFFFFFFFF  }
0x96: {  	s18 =	sld [smem:$0x11];
	(tm) =	ssettm $0x1  }
0x97: {  	s19 =	sld [smem:$0x3FFB];
	_ =	sdelay $0x3  }
0x98: {  	_ =	strace s19  }
0x99: {  	s4 =	sld [smem:$0x3FFC];
	_ =	sdelay $0x3  }
0x9a: {  	_ =	strace s4  }
0x9b: {  	s4 =	sld [smem:$0x3FFD];
	_ =	sdelay $0x3  }
0x9c: {  	_ =	strace s4  }
0x9d: {  	_ =	strace $0x8FFFFFFF  }
0x9e: {  	s20 =	sld [smem:$0x3FDB];
	_ =	sdelay $0x1  }
0x9f: {  	s5 =	simm.s32 $_scs_section_size  }
0xa0: {  	s6 =	simm.s32 $_size__tile_overlayer_lowered;
	s7 =	simm.s32 $_tile_overlayer_lowered  }
0xa1: {  	s23 =	simm.s32 $0x1BFF;
	s22 =	sshll.u32 s7, $0x1;
	s4 =	sadd.s32 s5, s20  }
0xa2: {  	s8 =	simm.s32 $0x0;
	s21 =	sshll.u32 s6, $0x1;
	s6 =	sadd.s32 s22, s4  }
0xa3: {  	[timem:s8], [sflag:s23] =	dma.local [hbm:s6], s21  }
0xa4: {  	_ =	swait.ge [sflag:s23], s21  }
0xa5: {  	s5 =	ssub.s32 $0x0, s21;
	[sflag:s23] =	ssyncset.done $0x0  }
0xa6: {  	[sflag:s23] =	ssyncadd.s32 s5;
	_ =	sdelay $0x1  }
0xa7: {  	s24 =	simm.s32 $0x1B8B  }
0xa8: {  	_ =	swait.ge [sflag:s24], $0x1  }
0xa9: {  	[sflag:s24] =	ssyncset.done $0x0  }
0xaa: {  	s25 =	simm.s32 $0x1B8E;
	[sflag:s24] =	ssyncadd.s32 $0xFFFFFFFF  }
0xab: {  	s26 =	simm.s32 $execute0_lowered;
	[smem:$0x3FD2] =	sst s25  }
0xac: {  	s5 =	sshll.u32 s26, $0x1;
	_ =	strace $0x80000046;
	[dreg:$0x1] =	wrdreg $0xFFFFFFFF  }
0xad: {  	s28 =	simm.s32 $_size_execute0_lowered;
	s4 =	sadd.s32 s4, s5;
	[dreg:$0x0] =	wrdreg $0x0  }
0xae: {  	s5 =	sshll.u32 s28, $0x1;
	[dreg:$0x2] =	wrdreg s4  }
0xaf: {  	[dreg:$0x3] =	wrdreg s5  }
0xb0: {  	[dreg:$0x4] =	wrdreg $0xC0  }
0xb1: {  	_ =	task [dreg:s8], $0x5FFFF  }
0xb2: {  	[dreg:$0x1] =	wrdreg $0xFFFFFFFF  }
0xb3: {  	[dreg:$0x0] =	wrdreg $0x60  }
0xb4: {  	[dreg:$0x2] =	wrdreg s17  }
0xb5: {  	[dreg:$0x3] =	wrdreg s18  }
0xb6: {  	[dreg:$0x4] =	wrdreg $0x2B000  }
0xb7: {  	[dreg:$0x5] =	wrdreg $0x9  }
0xb8: {  	_ =	task.clear_ibuf [dreg:s8], $0x6FFFF;
	_ =	strace $0x90000046  }
0xb9: {  	s29 =	simm.s32 $0x9;
	_ =	strace $0x80000048  }
0xba: {  	_ =	swait.ge [sflag:s29], $0x1  }
0xbb: {  	[sflag:s29] =	ssyncadd.s32 $0xFFFFFFFF  }
0xbc: {  	_ =	strace $0x90000048  }
0xbd: {  	_ =	sfence  }
0xbe: {  	s30 =	sld [smem:$0x0];
	_ =	sdelay $0x2  }
0xbf: {  	s31 =	sshll.u32 s1, $0xD;
	s1 =	sshrl.u32 s1, $0x2  }
0xc0: {  	s3 =	sand.u32 $0x4000, s31;
	s1 =	sadd.s32 s1, s30  }
0xc1: {  	s0 =	sor.u32 s3, s0;
	s1 =	sshll.u32 s1, $0x11  }
0xc2: {  	s0 =	sor.u32 s1, s0  }
0xc3: {  	s0 =	sadd.s32 $0x8F2B, s0  }
0xc4: {  	[sflag:s0] =	ssyncadd.remote.s32 $0x1  }
0xc5: {  	_ =	sfence.sel $0xFFFF  }
0xc6: {  	[dreg:$0x0] =	wrdreg $0xFFFFFFFF;
	(pc) =	sbr.abs _section_cstart, $3  }
0xc7: {  	[dreg:$0x1] =	wrdreg $0xFFFFFFFF  }
0xc8: {  	_ =	task.clear_ibuf [dreg:s8], $0x2FFFF;
	_ =	strace $0x9FFFFFFF  }
0xc9: {  	(tm) =	ssettm $0x7FFFFFFF  }
tec
execute0_lowered:
.L_overlay_start_1:
0x0: {  	(tag) =	ssettag $0x1  }
0x1: {  	s5 =	rddreg [dreg:$0x0]  }
0x2: {  	s6 =	rddreg [dreg:$0x1]  }
0x3: {  	s1 =	rddreg [dreg:$0x2]  }
0x4: {  	s0 =	rddreg [dreg:$0x3];
	s3 =	simm.s32 $0x0;
	s4 =	srdreg.scid  }
0x5: {  	s2 =	stileid.u32;
	s12 =	simm.s32 $0x2800;
	s13 =	simm.s32 $0x0  }
0x6: {  	[smem:$0x7FF] =	sst s3;
	s4 =	sand.u32 $0x1, s4;
	s8 =	smul.u32 $0x280, s2  }
0x7: {  	s9 =	sshll.u32 s2, $0x1;
	p0 =	seq.s32 s2, $0xF;
	s7 =	ssub.s32 $0x2, s4  }
0x8: {  	s9 =	sor.u32 s4, s9;
	s11 =	smul.u32 $0x2710, s4;
	_ =	strace $0x80000047  }
0x9: {  	s10 =	sshrl.u32 s7, $0x1;
	s28 =	smul.u32 $0x500, s9;
	s4 =	sadd.s32 s8, s1  }
0xa: {  	s9 =	simm.s32 $0x2880;
	s10 =	ssub.s32 s7, s10;
	s8 =	sadd.s32 s8, s11  }
0xb: {  	s29 =	sshrl.u32 s11, $0x3;
	s11 =	simm.s32 $0x7D;
	s5 =	sadd.s32 s5, s28  }
0xc: {  	s30 =	sshrl.u32 s8, $0x3;
	s31 =	sadd.s32 s6, s29;
	s8 =	smax.u32 s10, $0x1  }
0xd: {  	v0 =	vimm.f32 $0.0e+00;
	v1 =	vimm.f32 $1.000000000e+00;
	s10 =	simm.s32 $0x1;
	s6 =	sadd.s32 s6, s30;
	s7 =	sadd.s32 $0x4B0, s31  }
.LBB2_1:
0xe: {  	[tilespmem:$0x2880] =	vst v0  }
0xf: {  	[tilespmem:$0x2890] =	vst v0  }
0x10: {  	[tilespmem:$0x28A0] =	vst v0  }
0x11: {  	[tilespmem:$0x28B0] =	vst v0  }
0x12: {  	[tilespmem:$0x28C0] =	vst v0  }
0x13: {  	[tilespmem:$0x28D0] =	vst v0  }
0x14: {  	[tilespmem:$0x28E0] =	vst v0  }
0x15: {  	[tilespmem:$0x28F0] =	vst v0  }
0x16: {  	[tilespmem:$0x2900] =	vst v0  }
0x17: {  	[tilespmem:$0x2910] =	vst v0  }
0x18: {  	[tilespmem:$0x2920] =	vst v0  }
0x19: {  	[tilespmem:$0x2930] =	vst v0  }
0x1a: {  	[tilespmem:$0x2940] =	vst v0  }
0x1b: {  	[tilespmem:$0x2950] =	vst v0  }
0x1c: {  	[tilespmem:$0x2960] =	vst v0  }
0x1d: {  	[tilespmem:$0x2970] =	vst v0  }
0x1e: {  	[tilespmem:$0x2980] =	vst v0  }
0x1f: {  	[tilespmem:$0x2990] =	vst v0  }
0x20: {  	[tilespmem:$0x29A0] =	vst v0  }
0x21: {  	[tilespmem:$0x29B0] =	vst v0  }
0x22: {  	[tilespmem:$0x29C0] =	vst v0  }
0x23: {  	[tilespmem:$0x29D0] =	vst v0  }
0x24: {  	[tilespmem:$0x29E0] =	vst v0  }
0x25: {  	[tilespmem:$0x29F0] =	vst v0  }
0x26: {  	[tilespmem:$0x2A00] =	vst v0  }
0x27: {  	[tilespmem:$0x2A10] =	vst v0  }
0x28: {  	[tilespmem:$0x2A20] =	vst v0  }
0x29: {  	[tilespmem:$0x2A30] =	vst v0  }
0x2a: {  	[tilespmem:$0x2A40] =	vst v0  }
0x2b: {  	[tilespmem:$0x2A50] =	vst v0  }
0x2c: {  	[tilespmem:$0x2A60] =	vst v0  }
0x2d: {  	[tilespmem:$0x2A70] =	vst v0  }
0x2e: {  	[tilespmem:$0x2A80] =	vst v0  }
0x2f: {  	[tilespmem:$0x2A90] =	vst v0  }
0x30: {  	[tilespmem:$0x2AA0] =	vst v0  }
0x31: {  	[tilespmem:$0x2AB0] =	vst v0  }
0x32: {  	[tilespmem:$0x2AC0] =	vst v0  }
0x33: {  	[tilespmem:$0x2AD0] =	vst v0  }
0x34: {  	[tilespmem:$0x2AE0] =	vst v0  }
0x35: {  	[tilespmem:$0x2AF0] =	vst v0  }
0x36: {  	[spmem:s4] =	stream.linear.scatter [tilespmem:s9], [sflag:$0x1], $0x280, $0x38;
	[tilespmem:$0x2D80] =	vst v63  }
0x37: {  	_ =	swait.ge [sflag:s10], $0x280  }
0x38: {  	[sflag:s10] =	ssyncset.done $0x0  }
0x39: {  	[sflag:s10] =	ssyncadd.s32 $0xFFFFFD80  }
0x3a: {  	[bflag:$0x0] =	sbarrier.arrive $0xFFFF  }
0x3b: {  	[tilespmem:s3], [sflag:$0x1] =	stream.linear.gather [hbm4b:s5+s3], $0x2800, $0x38;
	[tilespmem:$0x2D80] =	vst v63  }
0x3c: {  	_ =	swait.ge [sflag:s10], $0x2800  }
0x3d: {  	[sflag:s10] =	ssyncset.done $0x0  }
0x3e: {  	[sflag:s10] =	ssyncadd.s32 $0xFFFFD800  }
0x3f: {  	[tilespmem:$0x2800] =	vst v1  }
0x40: {  	[tilespmem:$0x2810] =	vst v1  }
0x41: {  	[tilespmem:$0x2820] =	vst v1  }
0x42: {  	[tilespmem:$0x2830] =	vst v1  }
0x43: {  	[tilespmem:$0x2840] =	vst v1  }
0x44: {  	[tilespmem:$0x2850] =	vst v1  }
0x45: {  	[tilespmem:$0x2860] =	vst v1  }
0x46: {  	s14 =	simm.s32 $0x0;
	[tilespmem:$0x2870] =	vst v1  }
0x47: {  	[spmem:s1] =	stream.indirect.scatter.add.f32 [tilespmem:s12], [sflag:$0x1], $0x1, s14, s11, $0xb8;
	[tilespmem:$0x2D80] =	vst v63  }
0x48: {  	_ =	swait.ge [sflag:s10], $0x7D  }
0x49: {  	s14 =	simm.s32 $0x200;
	[sflag:s10] =	ssyncset.done $0x0  }
.LBB2_2:
0x4a: {  	s15 =	sshra.s32 s14, $0x2;
	[sflag:s10] =	ssyncadd.s32 $0xFFFFFF83;
	p1 =	sne.s32 s14, $0x9E00  }
0x4b: {  	[spmem:s1] =	stream.indirect.scatter.add.f32 [tilespmem:s12], [sflag:$0x1], $0x1, s15, s11, $0xb8;
	[tilespmem:$0x2D80] =	vst v63  }
.Ltmp0:
0x4c: {  	_ = 	snop;
	(pc) =	sbr.rel @p1 .LBB2_2-.Ltmp0, $4  }
0x4d: {  	_ = 	snop  }
0x4e: {  	s14 =	sadd.s32 $0x200, s14  }
0x4f: {  	_ =	swait.ge [sflag:s10], $0x7D  }
0x50: {  	[sflag:s10] =	ssyncset.done $0x0  }
0x51: {  	[sflag:s10] =	ssyncadd.s32 $0xFFFFFF83  }
0x52: {  	[bflag:$0x0] =	sbarrier.arrive $0xFFFF  }
0x53: {  	[tilespmem:s9], [sflag:$0x1] =	stream.linear.gather [spmem:s4], $0x280, $0x38;
	[tilespmem:$0x2D80] =	vst v63  }
0x54: {  	_ =	swait.ge [sflag:s10], $0x280  }
0x55: {  	[sflag:s10] =	ssyncset.done $0x0  }
0x56: {  	s14 =	simm.s32 @p0 $0x0;
	s15 =	simm.s32 @p0 $0x2880;
	[sflag:s10] =	ssyncadd.s32 $0xFFFFFD80  }
0x57: {  	[hbm4b:s7+s14] =	stream.linear.scatter @p0 [tilespmem:s15], [sflag:$0x1], $0x190, $0x38;
	[tilespmem:$0x2D80] =	vst v63  }
0x58: {  	s14 =	simm.s32 @p0 $0x1  }
0x59: {  	s13 =	sadd.s32 $0x1, s13;
	_ =	swait.ge @p0 [sflag:s14], $0x190  }
0x5a: {  	p1 =	sne.s32 s13, s8;
	[sflag:s14] =	ssyncset.done @p0 $0x0  }
0x5b: {  	s15 =	simm.s32 @!p0 $0x2880;
	[sflag:s14] =	ssyncadd.s32 @p0 $0xFFFFFE70;
	s14 =	simm.s32 @!p0 $0x0  }
0x5c: {  	[hbm4b:s6+s14] =	stream.linear.scatter @!p0 [tilespmem:s15], [sflag:$0x1], $0x280, $0x38;
	[tilespmem:$0x2D80] =	vst v63  }
.Ltmp1:
0x5d: {  	_ = 	snop;
	(pc) =	sbr.rel @p1 .LBB2_1-.Ltmp1, $4  }
0x5e: {  	s14 =	simm.s32 @!p0 $0x1  }
0x5f: {  	_ =	swait.ge @!p0 [sflag:s14], $0x280  }
0x60: {  	[sflag:s14] =	ssyncset.done @!p0 $0x0  }
0x61: {  	[sflag:s14] =	ssyncadd.s32 @!p0 $0xFFFFFD80  }
0x62: {  	_ =	sfence.sel $0x180000  }
0x63: {  	[bflag:$0x0] =	sbarrier.arrive $0xFFFF  }
0x64: {  	p0 =	sne.s32 s2, $0x0;
	_ =	strace $0x90000047  }
0x65: {  	s0 =	sadd.s32 @!p0 $0x100000, s0;
	[bflag:$0x2] =	sbarrier.arrive $0xFFFF  }
0x66: {  	[sflag:s0] =	ssyncadd.tile.s32 @!p0 $0x1;
	_ =	shalt  }
.Lfunc_end2:
_tile_overlayer_lowered:
.L_overlay_start_2:
0x67: {  	(tag) =	ssettag $0x2  }
0x68: {  	s0 =	rddreg [dreg:$0x0];
	s2 =	stileid.u32  }
0x69: {  	s1 =	rddreg [dreg:$0x1];
	p0 =	sne.s32 s2, $0x0  }
0x6a: {  	s3 =	rddreg [dreg:$0x2];
	[bflag:$0x3] =	sbarrier.arrive $0xFFFF;
	s2 =	simm.s32 @!p0 $0x1C01  }
0x6b: {  	[timem:s3], [sflag:s2] =	dma.local @!p0 [hbm:s0], s1  }
0x6c: {  	s0 =	simm.s32 @!p0 $0x1  }
0x6d: {  	_ =	swait.ge @!p0 [sflag:s0], s1  }
0x6e: {  	s1 =	ssub.s32 @!p0 $0x0, s1;
	[sflag:s0] =	ssyncset.done @!p0 $0x0  }
0x6f: {  	[sflag:s0] =	ssyncadd.s32 @!p0 s1  }
0x70: {  	[bflag:$0x3] =	sbarrier.arrive $0xFFFF  }
0x71: {  	_ =	shalt  }

// kernel: kernel.14.cloned.1.call-start
scs
__scs_entry_jumppad:
0x0: {  	(pc) =	sbr.rel $0x88, $3  }
0x1: {  	(tag) =	ssettag $0x0;
	lr =	simm.s32 $0x1  }
0x2: {  	[smem:$0x3F91] =	sst lr;
	_ =	strace $0xD0000000  }
0x3: {  	_ = 	snop  }
0x4: {  	_ = 	snop  }
0x5: {  	_ = 	snop  }
0x6: {  	_ = 	snop  }
0x7: {  	_ = 	snop  }
__scs_overlays_trampoline_lowered:
0x8: {  	[smem:$0x3FA0] =	sst s0  }
0x9: {  	[smem:$0x3FA1] =	sst s1  }
0xa: {  	[smem:$0x3FA2] =	sst s2  }
0xb: {  	[smem:$0x3FA3] =	sst s3  }
0xc: {  	[smem:$0x3FA4] =	sst s4  }
0xd: {  	[smem:$0x3FA5] =	sst s5  }
0xe: {  	[smem:$0x3FA6] =	sst s6  }
0xf: {  	[smem:$0x3FA7] =	sst s7  }
0x10: {  	[smem:$0x3FA8] =	sst s8  }
0x11: {  	[smem:$0x3FA9] =	sst s9;
	s0 =	simm.s32 @!p0 $0x0  }
0x12: {  	s1 =	sld [smem:$0x3F8F];
	s0 =	simm.s32 @p0 $0x1  }
0x13: {  	[smem:$0x3FAA] =	sst s0;
	s0 =	simm.s32 @!p1 $0x0  }
0x14: {  	s2 =	sld [smem:$0x3F8E];
	s0 =	simm.s32 @p1 $0x1  }
0x15: {  	[smem:$0x3FAB] =	sst s0;
	s0 =	simm.s32 @!p2 $0x0  }
0x16: {  	s3 =	sld [smem:$0x3FDB];
	s0 =	simm.s32 @p2 $0x1  }
0x17: {  	s4 =	simm.s32 $0x1BF5;
	[smem:$0x3FAD] =	sst s0  }
0x18: {  	s0 =	sld [smem:$0x3F90];
	_ =	swait.ge [sflag:s4], $0x0  }
0x19: {  	s7 =	sld [smem:$0x3F91]  }
0x1a: {  	s8 =	sadd.s32 $0xFFFFE003, lr  }
0x1b: {  	s9 =	sadd.s32 $0xFFFFFEF7, lr;
	s5 =	simm.s32 $0xFFFFFFFF;
	p2 =	slt.u32 s8, $0xFFFFF086  }
0x1c: {  	p1 =	slt.u32 s9, $0xF7A;
	s5 =	simm.s32 @!p2 $0x0  }
0x1d: {  	s5 =	simm.s32 @p1 $0x1;
	p0 =	seq.s32 s7, s2  }
0x1e: {  	s7 =	smul.u32 @!p0 $0xF7A, s2;
	p2 =	seq.s32 @!p0 s5, $0x0  }
0x1f: {  	s9 =	smul.u32 $0xF7A, s1;
	s8 =	simm.s32 @!p0 $0x1BF5;
	p2 =	por !p2, p0  }
0x20: {  	[sflag:s8] =	ssyncset.s32 @!p0 $0xFFFFF086;
	s6 =	sadd.s32 @!p0 s3, s7;
	s7 =	simm.s32 @!p0 $0x108  }
0x21: {  	s3 =	sadd.s32 s3, s9;
	s6 =	sadd.s32 @!p0 $0x88, s6;
	s7 =	simm.s32 @p2 $0x1082  }
0x22: {  	[simem:s7], [sflag:s8] =	dma.local @!p0 [hbm:s6], $0xF7A  }
0x23: {  	s9 =	sor.u32 $0xD0000000, s2;
	s6 =	simm.s32 $0x108;
	_ =	swait.ge @!p0 [sflag:s8], $0x0  }
0x24: {  	s3 =	sadd.s32 $0x88, s3;
	s6 =	simm.s32 @!p1 $0x1082;
	[sflag:s4] =	ssyncset.s32 $0xFFFFF086  }
0x25: {  	[simem:s6], [sflag:s4] =	dma.local [hbm:s3], $0xF7A  }
0x26: {  	[smem:$0x3F91] =	sst s1;
	(tag) =	ssettag s2;
	_ =	strace s9  }
0x27: {  	s1 =	sld [smem:$0x3FA1]  }
0x28: {  	s2 =	sld [smem:$0x3FA2]  }
0x29: {  	s4 =	sld [smem:$0x3FA4]  }
0x2a: {  	p0 =	seq.s32 s5, $0x0;
	s5 =	sld [smem:$0x3FA5]  }
0x2b: {  	s6 =	sld [smem:$0x3FA6]  }
0x2c: {  	s7 =	sld [smem:$0x3FA7]  }
0x2d: {  	s3 =	simm.s32 $0x108;
	s8 =	sld [smem:$0x3FA8]  }
0x2e: {  	s3 =	simm.s32 @!p0 $0x1082;
	s9 =	sld [smem:$0x3FA9]  }
0x2f: {  	lr =	sadd.s32 s0, s3;
	s0 =	sld [smem:$0x3FA0]  }
0x30: {  	s3 =	sld [smem:$0x3FA3]  }
0x31: {  	[smem:$0x3FAC] =	sst s10  }
0x32: {  	s10 =	sld [smem:$0x3FAA];
	_ =	sdelay $0x3  }
0x33: {  	p0 =	seq.s32 s10, $0x1;
	s10 =	sld [smem:$0x3FAC];
	_ =	sdelay $0x3  }
0x34: {  	[smem:$0x3FAC] =	sst s10  }
0x35: {  	s10 =	sld [smem:$0x3FAB];
	_ =	sdelay $0x3  }
0x36: {  	p1 =	seq.s32 s10, $0x1;
	s10 =	sld [smem:$0x3FAC];
	_ =	sdelay $0x3  }
0x37: {  	[smem:$0x3FAC] =	sst s10  }
0x38: {  	s10 =	sld [smem:$0x3FAD]  }
0x39: {  	_ = 	snop;
	(pc) =	sbr.ind lr, $3  }
0x3a: {  	_ = 	snop  }
0x3b: {  	_ = 	snop  }
0x3c: {  	p2 =	seq.s32 s10, $0x1;
	s10 =	sld [smem:$0x3FAC]  }
0x3d: {  	_ =	shalt  }
0x3e: {  	_ =	shalt  }
0x3f: {  	_ =	shalt  }
0x40: {  	_ =	shalt  }
0x41: {  	_ =	shalt  }
0x42: {  	_ =	shalt  }
0x43: {  	_ =	shalt  }
0x44: {  	_ =	shalt  }
0x45: {  	_ =	shalt  }
0x46: {  	_ =	shalt  }
0x47: {  	_ =	shalt  }
0x48: {  	_ =	shalt  }
0x49: {  	_ =	shalt  }
0x4a: {  	_ =	shalt  }
0x4b: {  	_ =	shalt  }
0x4c: {  	_ =	shalt  }
0x4d: {  	_ =	shalt  }
0x4e: {  	_ =	shalt  }
0x4f: {  	_ =	shalt  }
0x50: {  	_ =	shalt  }
0x51: {  	_ =	shalt  }
0x52: {  	_ =	shalt  }
0x53: {  	_ =	shalt  }
0x54: {  	_ =	shalt  }
0x55: {  	_ =	shalt  }
0x56: {  	_ =	shalt  }
0x57: {  	_ =	shalt  }
0x58: {  	_ =	shalt  }
0x59: {  	_ =	shalt  }
0x5a: {  	_ =	shalt  }
0x5b: {  	_ =	shalt  }
0x5c: {  	_ =	shalt  }
0x5d: {  	_ =	shalt  }
0x5e: {  	_ =	shalt  }
0x5f: {  	_ =	shalt  }
0x60: {  	_ =	shalt  }
0x61: {  	_ =	shalt  }
0x62: {  	_ =	shalt  }
0x63: {  	_ =	shalt  }
0x64: {  	_ =	shalt  }
0x65: {  	_ =	shalt  }
0x66: {  	_ =	shalt  }
0x67: {  	_ =	shalt  }
0x68: {  	_ =	shalt  }
0x69: {  	_ =	shalt  }
0x6a: {  	_ =	shalt  }
0x6b: {  	_ =	shalt  }
0x6c: {  	_ =	shalt  }
0x6d: {  	_ =	shalt  }
0x6e: {  	_ =	shalt  }
0x6f: {  	_ =	shalt  }
0x70: {  	_ =	shalt  }
0x71: {  	_ =	shalt  }
0x72: {  	_ =	shalt  }
0x73: {  	_ =	shalt  }
0x74: {  	_ =	shalt  }
0x75: {  	_ =	shalt  }
0x76: {  	_ =	shalt  }
0x77: {  	_ =	shalt  }
0x78: {  	_ =	shalt  }
0x79: {  	_ =	shalt  }
0x7a: {  	_ =	shalt  }
0x7b: {  	_ =	shalt  }
0x7c: {  	_ =	shalt  }
0x7d: {  	_ =	shalt  }
0x7e: {  	_ =	shalt  }
0x7f: {  	_ =	shalt  }
0x80: {  	_ =	shalt  }
0x81: {  	_ =	shalt  }
0x82: {  	_ =	shalt  }
0x83: {  	_ =	shalt  }
0x84: {  	_ =	shalt  }
0x85: {  	_ =	shalt  }
0x86: {  	_ =	shalt  }
0x87: {  	_ =	shalt  }
.Lfunc_end0:
.L_simem_size_0:
called_computation.1_lowered:
.L_overlay_start_0:
0x88: {  	s2 =	sld [smem:$0x3FD9]  }
0x89: {  	s3 =	sld [smem:$0x3FFE];
	_ =	sdelay $0x1  }
0x8a: {  	s1 =	srdreg.scid  }
0x8b: {  	s0 =	sand.u32 $0x1, s1  }
0x8c: {  	s14 =	sshll.u32 s0, $0xA;
	s2 =	sadd.s32 s3, s2  }
0x8d: {  	s2 =	sadd.s32 s2, s14  }
0x8e: {  	[smem:$0x3FB8] =	sst s2  }
0x8f: {  	_ = 	snop  }
0x90: {  	s2 =	sld [smem:$0x3FD0];
	_ =	sdelay $0x2  }
0x91: {  	s15 =	simm.s32 $0xA;
	s4 =	simm.s32 $0x10  }
0x92: {  	[smem:s4], [sflag:s15] =	dma.local [hbm:s2], $0x1  }
0x93: {  	_ =	swait.eq [sflag:s15], $0x1  }
0x94: {  	[sflag:s15] =	ssyncset.done $0x0  }
0x95: {  	[sflag:s15] =	ssyncadd.s32 $0xFFFFFFFF  }
0x96: {  	s16 =	sld [smem:$0x10];
	(tm) =	ssettm $0x1  }
0x97: {  	s17 =	sld [smem:$0x3FFB];
	_ =	sdelay $0x3  }
0x98: {  	_ =	strace s17  }
0x99: {  	s3 =	sld [smem:$0x3FFC];
	_ =	sdelay $0x3  }
0x9a: {  	_ =	strace s3  }
0x9b: {  	s3 =	sld [smem:$0x3FFD];
	_ =	sdelay $0x3  }
0x9c: {  	_ =	strace s3  }
0x9d: {  	_ =	strace $0x8FFFFFFF  }
0x9e: {  	s18 =	sld [smem:$0x3FDB];
	_ =	sdelay $0x1  }
0x9f: {  	s19 =	simm.s32 $_scs_section_size  }
0xa0: {  	s5 =	simm.s32 $_size__tile_overlayer_lowered;
	s6 =	simm.s32 $_tile_overlayer_lowered  }
0xa1: {  	s22 =	simm.s32 $0x1BFF;
	s21 =	sshll.u32 s6, $0x1;
	s3 =	sadd.s32 s19, s18  }
0xa2: {  	s7 =	simm.s32 $0x0;
	s20 =	sshll.u32 s5, $0x1;
	s5 =	sadd.s32 s21, s3  }
0xa3: {  	[timem:s7], [sflag:s22] =	dma.local [hbm:s5], s20  }
0xa4: {  	_ =	swait.ge [sflag:s22], s20  }
0xa5: {  	s4 =	ssub.s32 $0x0, s20;
	[sflag:s22] =	ssyncset.done $0x0  }
0xa6: {  	[sflag:s22] =	ssyncadd.s32 s4;
	_ =	sdelay $0x1  }
0xa7: {  	s23 =	simm.s32 $0x1B8B  }
0xa8: {  	_ =	swait.ge [sflag:s23], $0x1  }
0xa9: {  	[sflag:s23] =	ssyncset.done $0x0  }
0xaa: {  	s25 =	simm.s32 $0x1B8E;
	s24 =	sld [smem:$0x3FFE];
	[sflag:s23] =	ssyncadd.s32 $0xFFFFFFFF  }
0xab: {  	s26 =	simm.s32 $execute0_lowered;
	[smem:$0x3FD2] =	sst s25  }
0xac: {  	s5 =	sshll.u32 s26, $0x1;
	_ =	strace $0x80000049;
	[dreg:$0x1] =	wrdreg $0xFFFFFFFF  }
0xad: {  	s28 =	simm.s32 $_size_execute0_lowered;
	s3 =	sadd.s32 s3, s5;
	[dreg:$0x0] =	wrdreg $0x0  }
0xae: {  	s5 =	sshll.u32 s28, $0x1;
	[dreg:$0x2] =	wrdreg s3  }
0xaf: {  	[dreg:$0x3] =	wrdreg s5  }
0xb0: {  	[dreg:$0x4] =	wrdreg $0xC0  }
0xb1: {  	_ =	task [dreg:s7], $0x5FFFF  }
0xb2: {  	[dreg:$0x1] =	wrdreg $0xFFFFFFFF  }
0xb3: {  	[dreg:$0x0] =	wrdreg $0x60  }
0xb4: {  	[dreg:$0x2] =	wrdreg s16  }
0xb5: {  	[dreg:$0x3] =	wrdreg s24  }
0xb6: {  	[dreg:$0x4] =	wrdreg $0x14A000  }
0xb7: {  	[dreg:$0x5] =	wrdreg $0x9  }
0xb8: {  	_ =	task.clear_ibuf [dreg:s7], $0x6FFFF;
	_ =	strace $0x90000049  }
0xb9: {  	s29 =	simm.s32 $0x9;
	_ =	strace $0x8000004B  }
0xba: {  	_ =	swait.ge [sflag:s29], $0x1  }
0xbb: {  	[sflag:s29] =	ssyncadd.s32 $0xFFFFFFFF  }
0xbc: {  	_ =	strace $0x9000004B  }
0xbd: {  	_ =	sfence  }
0xbe: {  	s30 =	sld [smem:$0x0];
	_ =	sdelay $0x2  }
0xbf: {  	s31 =	sshll.u32 s1, $0xD;
	s1 =	sshrl.u32 s1, $0x2  }
0xc0: {  	s3 =	sand.u32 $0x4000, s31;
	s1 =	sadd.s32 s1, s30  }
0xc1: {  	s0 =	sor.u32 s3, s0;
	s1 =	sshll.u32 s1, $0x11  }
0xc2: {  	s0 =	sor.u32 s1, s0  }
0xc3: {  	s0 =	sadd.s32 $0x8F2B, s0  }
0xc4: {  	[sflag:s0] =	ssyncadd.remote.s32 $0x1  }
0xc5: {  	_ =	sfence.sel $0xFFFF  }
0xc6: {  	[dreg:$0x0] =	wrdreg $0xFFFFFFFF;
	(pc) =	sbr.abs _section_cstart, $3  }
0xc7: {  	[dreg:$0x1] =	wrdreg $0xFFFFFFFF  }
0xc8: {  	_ =	task.clear_ibuf [dreg:s7], $0x2FFFF;
	_ =	strace $0x9FFFFFFF  }
0xc9: {  	(tm) =	ssettm $0x7FFFFFFF  }
tec
execute0_lowered:
.L_overlay_start_1:
0x0: {  	(tag) =	ssettag $0x1  }
0x1: {  	s2 =	rddreg [dreg:$0x0]  }
0x2: {  	s0 =	rddreg [dreg:$0x1]  }
0x3: {  	s3 =	rddreg [dreg:$0x2];
	s1 =	srdreg.scid  }
0x4: {  	s13 =	stileid.u32;
	s4 =	simm.s32 $0x0;
	s15 =	simm.s32 $0x9  }
0x5: {  	s17 =	simm.s32 $0x7D;
	s18 =	simm.s32 $0x5000;
	s22 =	simm.s32 $0x8E80  }
0x6: {  	s28 =	simm.s32 $0xCD00;
	s16 =	simm.s32 $0x12AC0;
	s19 =	simm.s32 $0x1  }
0x7: {  	s20 =	simm.s32 $0x3;
	s21 =	simm.s32 $0x5;
	s6 =	smul.u32 $0x9E00, s13  }
0x8: {  	s23 =	simm.s32 $0x7;
	s24 =	simm.s32 $0x8;
	s26 =	smul.u32 $0x13C0, s13  }
0x9: {  	s1 =	sand.u32 $0x1, s1;
	s5 =	sshll.u32 s13, $0x1;
	s30 =	smul.u32 $0x27800, s13  }
0xa: {  	[smem:$0x7FF] =	sst s4;
	s10 =	sadd.s32 $0x52C00, s0;
	s11 =	smul.u32 $0x13880, s1  }
0xb: {  	s5 =	sor.u32 s1, s5;
	s8 =	ssub.s32 $0x2, s1;
	s1 =	smul.u32 $0x9C400, s1  }
0xc: {  	p0 =	seq.s32 s13, $0xF;
	_ =	strace $0x8000004A;
	s5 =	smul.u32 $0x500, s5  }
0xd: {  	s7 =	sshrl.u32 s6, $0x3;
	s9 =	sshrl.u32 s8, $0x1;
	s6 =	sadd.s32 s6, s3  }
0xe: {  	s7 =	sadd.s32 s7, s0;
	s8 =	ssub.s32 s8, s9;
	s31 =	sadd.s32 s26, s11  }
0xf: {  	s1 =	sshrl.u32 s1, $0x3;
	s14 =	sshrl.u32 @!p0 s6, $0x3;
	s26 =	simm.s32 $0x0  }
0x10: {  	s5 =	sadd.s32 s5, s0;
	s7 =	sadd.s32 $0x3F200, s7;
	s0 =	sadd.s32 $0x51A40, s0  }
0x11: {  	s1 =	sadd.s32 s10, s1;
	s11 =	smax.u32 s8, $0x1;
	[dreg:$0x4] =	wrdreg s7  }
0x12: {  	s7 =	sadd.s32 $0x94200, s3;
	[dreg:$0x5] =	wrdreg s0;
	s29 =	sadd.s32 $0xE000, s5  }
.Ltmp0:
0x13: {  	s5 =	sadd.s32 $0x4000, s5;
	[dreg:$0x6] =	wrdreg s29;
	(pc) =	sbr.rel .LBB2_1-.Ltmp0, $4  }
0x14: {  	s0 =	sshrl.u32 s30, $0x2;
	s1 =	sadd.s32 $0x12840, s1;
	[dreg:$0x7] =	wrdreg s5  }
0x15: {  	s5 =	sadd.s32 s10, s31;
	s0 =	sadd.s32 s0, s3;
	[dreg:$0x9] =	wrdreg s1  }
0x16: {  	s12 =	sshrl.u32 @p0 s7, $0x3;
	s1 =	sshll.u32 @!p0 s13, $0x6;
	[dreg:$0x8] =	wrdreg s5  }
0x17: {  	s13 =	sor.u32 @!p0 $0x1C09, s1;
	s25 =	sshrl.u32 @!p0 s0, $0x3;
	s0 =	simm.s32 $0x10B80  }
.LBB2_4:
0x18: {  	_ =	swait.ge [sflag:s24], $0x1F40  }
0x19: {  	[sflag:s24] =	ssyncset.done $0x0  }
0x1a: {  	[sflag:s24] =	ssyncadd.s32 $0xFFFFE0C0  }
0x1b: {  	[spmem:s3] =	stream.indirect.scatter.add.f32 [tilespmem:s16], [sflag:$0x9], $0x40, s1, s17, $0xb8;
	[tilespmem:$0x1E640] =	vst v63  }
0x1c: {  	_ =	swait.ge [sflag:s15], $0x1F40  }
0x1d: {  	[sflag:s15] =	ssyncset.done $0x0  }
0x1e: {  	[sflag:s15] =	ssyncadd.s32 $0xFFFFE0C0  }
0x1f: {  	[bflag:$0x0] =	sbarrier.arrive $0xFFFF  }
0x20: {  	s1 =	simm.s32 @p0 $0x1FC9;
	s5 =	rddreg [dreg:$0x9]  }
0x21: {  	[hbm:s5], [sflag:s1] =	dma.local @p0 [spmem:s12], $0x1040  }
0x22: {  	s1 =	simm.s32 @p0 $0x9  }
0x23: {  	_ =	swait.ge @p0 [sflag:s1], $0x1040  }
0x24: {  	s26 =	sadd.s32 $0x1, s26;
	[sflag:s1] =	ssyncset.done @p0 $0x0  }
0x25: {  	p1 =	sne.s32 s26, s11;
	[sflag:s1] =	ssyncadd.s32 @p0 $0xFFFFEFC0;
	s1 =	rddreg [dreg:$0x8]  }
0x26: {  	[hbm:s1], [sflag:s13] =	dma.local @!p0 [spmem:s25], $0x13C0  }
.Ltmp1:
0x27: {  	_ = 	snop;
	(pc) =	sbr.rel @!p1 .LBB2_5-.Ltmp1, $4  }
0x28: {  	s1 =	simm.s32 @!p0 $0x9  }
0x29: {  	_ =	swait.ge @!p0 [sflag:s1], $0x13C0  }
0x2a: {  	[sflag:s1] =	ssyncset.done @!p0 $0x0  }
0x2b: {  	[sflag:s1] =	ssyncadd.s32 @!p0 $0xFFFFEC40  }
.LBB2_1:
0x2c: {  	s1 =	simm.s32 @p0 $0x1FC9;
	s5 =	rddreg [dreg:$0x5]  }
0x2d: {  	[spmem:s12], [sflag:s1] =	dma.local @p0 [hbm:s5], $0x1040  }
0x2e: {  	s1 =	simm.s32 @p0 $0x9  }
0x2f: {  	_ =	swait.ge @p0 [sflag:s1], $0x1040  }
0x30: {  	[sflag:s1] =	ssyncset.done @p0 $0x0  }
0x31: {  	[sflag:s1] =	ssyncadd.s32 @p0 $0xFFFFEFC0;
	s1 =	rddreg [dreg:$0x4]  }
0x32: {  	[spmem:s14], [sflag:s13] =	dma.local @!p0 [hbm:s1], $0x13C0  }
0x33: {  	s1 =	simm.s32 @!p0 $0x9  }
0x34: {  	_ =	swait.ge @!p0 [sflag:s1], $0x13C0  }
0x35: {  	[sflag:s1] =	ssyncset.done @!p0 $0x0  }
0x36: {  	s8 =	rddreg [dreg:$0x6];
	[sflag:s1] =	ssyncadd.s32 @!p0 $0xFFFFEC40  }
0x37: {  	[tilespmem:s4], [sflag:$0x9] =	stream.linear.gather [hbm4b:s8+s4], $0x2800, $0x38;
	[tilespmem:$0x1E640] =	vst v63  }
0x38: {  	_ =	swait.ge [sflag:s15], $0x2800  }
0x39: {  	[sflag:s15] =	ssyncset.done $0x0  }
0x3a: {  	s10 =	simm.s32 $0x2800;
	s9 =	rddreg [dreg:$0x7];
	[sflag:s15] =	ssyncadd.s32 $0xFFFFD800  }
0x3b: {  	[tilespmem:s10], [sflag:$0x9] =	stream.linear.gather [hbm4b:s9+s4], $0x2800, $0x38;
	[tilespmem:$0x1E640] =	vst v63  }
0x3c: {  	_ =	swait.ge [sflag:s15], $0x2800  }
0x3d: {  	[sflag:s15] =	ssyncset.done $0x0  }
0x3e: {  	[sflag:s15] =	ssyncadd.s32 $0xFFFFD800  }
0x3f: {  	[bflag:$0x0] =	sbarrier.arrive $0xFFFF  }
0x40: {  	[tilespmem:s18], [sflag:$0x1] =	stream.indirect.gather [hbm4b:s2+s17], $0x40, s4, s17, $0xb8;
	[tilespmem:$0x1E640] =	vst v63  }
0x41: {  	s30 =	simm.s32 $0x80;
	s31 =	simm.s32 $0x6F40  }
0x42: {  	[tilespmem:s31], [sflag:$0x2] =	stream.indirect.gather [hbm4b:s2+s17], $0x40, s30, s17, $0xb8;
	[tilespmem:$0x1E640] =	vst v63  }
0x43: {  	s5 =	simm.s32 $0x100  }
0x44: {  	[tilespmem:s22], [sflag:$0x3] =	stream.indirect.gather [hbm4b:s2+s17], $0x40, s5, s17, $0xb8;
	[tilespmem:$0x1E640] =	vst v63  }
0x45: {  	s6 =	simm.s32 $0x180;
	s7 =	simm.s32 $0xADC0  }
0x46: {  	[tilespmem:s7], [sflag:$0x4] =	stream.indirect.gather [hbm4b:s2+s17], $0x40, s6, s17, $0xb8;
	[tilespmem:$0x1E640] =	vst v63  }
0x47: {  	s8 =	simm.s32 $0x200  }
0x48: {  	[tilespmem:s28], [sflag:$0x5] =	stream.indirect.gather [hbm4b:s2+s17], $0x40, s8, s17, $0xb8;
	[tilespmem:$0x1E640] =	vst v63  }
0x49: {  	s9 =	simm.s32 $0x280;
	s10 =	simm.s32 $0xEC40  }
0x4a: {  	[tilespmem:s10], [sflag:$0x6] =	stream.indirect.gather [hbm4b:s2+s17], $0x40, s9, s17, $0xb8;
	[tilespmem:$0x1E640] =	vst v63  }
0x4b: {  	s30 =	simm.s32 $0x300  }
0x4c: {  	[tilespmem:s0], [sflag:$0x7] =	stream.indirect.gather [hbm4b:s2+s17], $0x40, s30, s17, $0xb8;
	[tilespmem:$0x1E640] =	vst v63  }
0x4d: {  	s29 =	simm.s32 $0x0;
	s31 =	simm.s32 $0x380  }
0x4e: {  	[tilespmem:s16], [sflag:$0x8] =	stream.indirect.gather [hbm4b:s2+s17], $0x40, s31, s17, $0xb8;
	[tilespmem:$0x1E640] =	vst v63  }
.LBB2_2:
0x4f: {  	_ =	swait.ge [sflag:s19], $0x1F40  }
0x50: {  	s30 =	sshra.s32 s29, $0x2;
	[sflag:s19] =	ssyncset.done $0x0  }
0x51: {  	s1 =	sadd.s32 $0x2800, s30;
	[sflag:s19] =	ssyncadd.s32 $0xFFFFE0C0  }
0x52: {  	[spmem:s3] =	stream.indirect.scatter.add.f32 [tilespmem:s18], [sflag:$0x9], $0x40, s1, s17, $0xb8;
	[tilespmem:$0x1E640] =	vst v63  }
0x53: {  	_ =	swait.ge [sflag:s15], $0x1F40  }
0x54: {  	p1 =	seq.s32 s29, $0x9000;
	[sflag:s15] =	ssyncset.done $0x0  }
0x55: {  	s1 =	simm.s32 @p1 $0x2;
	[sflag:s15] =	ssyncadd.s32 $0xFFFFE0C0  }
0x56: {  	_ =	swait.ge @p1 [sflag:s1], $0x1F40  }
0x57: {  	s5 =	sshra.s32 @p1 s29, $0x2;
	s6 =	simm.s32 @p1 $0x7D;
	[sflag:s1] =	ssyncset.done @p1 $0x0  }
0x58: {  	s7 =	simm.s32 @p1 $0x6F40;
	[sflag:s1] =	ssyncadd.s32 @p1 $0xFFFFE0C0;
	s1 =	sadd.s32 @p1 $0x2880, s5  }
0x59: {  	[spmem:s3] =	stream.indirect.scatter.add.f32 @p1 [tilespmem:s7], [sflag:$0x9], $0x40, s1, s6, $0xb8;
	[tilespmem:$0x1E640] =	vst v63  }
0x5a: {  	s7 =	simm.s32 @p1 $0x9  }
0x5b: {  	_ =	swait.ge @p1 [sflag:s7], $0x1F40  }
0x5c: {  	s31 =	sshra.s32 @!p1 s29, $0x2;
	s9 =	simm.s32 @!p1 $0x5000;
	[sflag:s7] =	ssyncset.done @p1 $0x0  }
0x5d: {  	s8 =	sadd.s32 @!p1 $0x400, s31;
	s1 =	simm.s32 @!p1 $0x7D;
	[sflag:s7] =	ssyncadd.s32 @p1 $0xFFFFE0C0  }
0x5e: {  	[tilespmem:s9], [sflag:$0x1] =	stream.indirect.gather @!p1 [hbm4b:s2+s1], $0x40, s8, s1, $0xb8;
	[tilespmem:$0x1E640] =	vst v63  }
0x5f: {  	s8 =	simm.s32 @!p1 $0x2  }
0x60: {  	_ =	swait.ge @!p1 [sflag:s8], $0x1F40  }
0x61: {  	[sflag:s8] =	ssyncset.done @!p1 $0x0  }
0x62: {  	s9 =	simm.s32 @!p1 $0x6F40;
	[sflag:s8] =	ssyncadd.s32 @!p1 $0xFFFFE0C0;
	s8 =	sadd.s32 @!p1 $0x2880, s31  }
0x63: {  	[spmem:s3] =	stream.indirect.scatter.add.f32 @!p1 [tilespmem:s9], [sflag:$0x9], $0x40, s8, s1, $0xb8;
	[tilespmem:$0x1E640] =	vst v63  }
0x64: {  	s8 =	simm.s32 @!p1 $0x9  }
0x65: {  	_ =	swait.ge @!p1 [sflag:s8], $0x1F40  }
0x66: {  	[sflag:s8] =	ssyncset.done @!p1 $0x0  }
0x67: {  	s10 =	sadd.s32 @!p1 $0x480, s31;
	[sflag:s8] =	ssyncadd.s32 @!p1 $0xFFFFE0C0  }
0x68: {  	[tilespmem:s9], [sflag:$0x2] =	stream.indirect.gather @!p1 [hbm4b:s2+s1], $0x40, s10, s1, $0xb8;
	[tilespmem:$0x1E640] =	vst v63  }
0x69: {  	_ =	swait.ge [sflag:s20], $0x1F40  }
0x6a: {  	[sflag:s20] =	ssyncset.done $0x0  }
0x6b: {  	s10 =	sadd.s32 $0x2900, s30;
	[sflag:s20] =	ssyncadd.s32 $0xFFFFE0C0  }
0x6c: {  	[spmem:s3] =	stream.indirect.scatter.add.f32 [tilespmem:s22], [sflag:$0x9], $0x40, s10, s17, $0xb8;
	[tilespmem:$0x1E640] =	vst v63  }
0x6d: {  	_ =	swait.ge [sflag:s15], $0x1F40  }
0x6e: {  	[sflag:s15] =	ssyncset.done $0x0  }
0x6f: {  	s9 =	simm.s32 @p1 $0x4;
	[sflag:s15] =	ssyncadd.s32 $0xFFFFE0C0  }
0x70: {  	_ =	swait.ge @p1 [sflag:s9], $0x1F40  }
0x71: {  	[sflag:s9] =	ssyncset.done @p1 $0x0  }
0x72: {  	s10 =	simm.s32 @p1 $0xADC0;
	[sflag:s9] =	ssyncadd.s32 @p1 $0xFFFFE0C0;
	s9 =	sadd.s32 @p1 $0x2980, s5  }
0x73: {  	[spmem:s3] =	stream.indirect.scatter.add.f32 @p1 [tilespmem:s10], [sflag:$0x9], $0x40, s9, s6, $0xb8;
	[tilespmem:$0x1E640] =	vst v63  }
0x74: {  	_ =	swait.ge @p1 [sflag:s7], $0x1F40  }
0x75: {  	[sflag:s7] =	ssyncset.done @p1 $0x0  }
0x76: {  	s9 =	sadd.s32 @!p1 $0x500, s31;
	s10 =	simm.s32 @!p1 $0x8E80;
	[sflag:s7] =	ssyncadd.s32 @p1 $0xFFFFE0C0  }
0x77: {  	[tilespmem:s10], [sflag:$0x3] =	stream.indirect.gather @!p1 [hbm4b:s2+s1], $0x40, s9, s1, $0xb8;
	[tilespmem:$0x1E640] =	vst v63  }
0x78: {  	s9 =	simm.s32 @!p1 $0x4  }
0x79: {  	_ =	swait.ge @!p1 [sflag:s9], $0x1F40  }
0x7a: {  	[sflag:s9] =	ssyncset.done @!p1 $0x0  }
0x7b: {  	s10 =	simm.s32 @!p1 $0xADC0;
	[sflag:s9] =	ssyncadd.s32 @!p1 $0xFFFFE0C0;
	s9 =	sadd.s32 @!p1 $0x2980, s31  }
0x7c: {  	[spmem:s3] =	stream.indirect.scatter.add.f32 @!p1 [tilespmem:s10], [sflag:$0x9], $0x40, s9, s1, $0xb8;
	[tilespmem:$0x1E640] =	vst v63  }
0x7d: {  	_ =	swait.ge @!p1 [sflag:s8], $0x1F40  }
0x7e: {  	[sflag:s8] =	ssyncset.done @!p1 $0x0  }
0x7f: {  	s9 =	sadd.s32 @!p1 $0x580, s31;
	[sflag:s8] =	ssyncadd.s32 @!p1 $0xFFFFE0C0  }
0x80: {  	[tilespmem:s10], [sflag:$0x4] =	stream.indirect.gather @!p1 [hbm4b:s2+s1], $0x40, s9, s1, $0xb8;
	[tilespmem:$0x1E640] =	vst v63  }
0x81: {  	_ =	swait.ge [sflag:s21], $0x1F40  }
0x82: {  	[sflag:s21] =	ssyncset.done $0x0  }
0x83: {  	s10 =	sadd.s32 $0x2A00, s30;
	[sflag:s21] =	ssyncadd.s32 $0xFFFFE0C0  }
0x84: {  	[spmem:s3] =	stream.indirect.scatter.add.f32 [tilespmem:s28], [sflag:$0x9], $0x40, s10, s17, $0xb8;
	[tilespmem:$0x1E640] =	vst v63  }
0x85: {  	_ =	swait.ge [sflag:s15], $0x1F40  }
0x86: {  	[sflag:s15] =	ssyncset.done $0x0  }
0x87: {  	s9 =	simm.s32 @p1 $0x6;
	[sflag:s15] =	ssyncadd.s32 $0xFFFFE0C0  }
0x88: {  	_ =	swait.ge @p1 [sflag:s9], $0x1F40  }
0x89: {  	[sflag:s9] =	ssyncset.done @p1 $0x0  }
0x8a: {  	s5 =	sadd.s32 @p1 $0x2A80, s5;
	[sflag:s9] =	ssyncadd.s32 @p1 $0xFFFFE0C0;
	s9 =	simm.s32 @p1 $0xEC40  }
0x8b: {  	[spmem:s3] =	stream.indirect.scatter.add.f32 @p1 [tilespmem:s9], [sflag:$0x9], $0x40, s5, s6, $0xb8;
	[tilespmem:$0x1E640] =	vst v63  }
0x8c: {  	_ =	swait.ge @p1 [sflag:s7], $0x1F40  }
0x8d: {  	[sflag:s7] =	ssyncset.done @p1 $0x0  }
0x8e: {  	s5 =	sadd.s32 @!p1 $0x600, s31;
	s6 =	simm.s32 @!p1 $0xCD00;
	[sflag:s7] =	ssyncadd.s32 @p1 $0xFFFFE0C0  }
0x8f: {  	[tilespmem:s6], [sflag:$0x5] =	stream.indirect.gather @!p1 [hbm4b:s2+s1], $0x40, s5, s1, $0xb8;
	[tilespmem:$0x1E640] =	vst v63  }
0x90: {  	s5 =	simm.s32 @!p1 $0x6  }
0x91: {  	_ =	swait.ge @!p1 [sflag:s5], $0x1F40  }
0x92: {  	[sflag:s5] =	ssyncset.done @!p1 $0x0  }
0x93: {  	s6 =	simm.s32 @!p1 $0xEC40;
	[sflag:s5] =	ssyncadd.s32 @!p1 $0xFFFFE0C0;
	s5 =	sadd.s32 @!p1 $0x2A80, s31  }
0x94: {  	[spmem:s3] =	stream.indirect.scatter.add.f32 @!p1 [tilespmem:s6], [sflag:$0x9], $0x40, s5, s1, $0xb8;
	[tilespmem:$0x1E640] =	vst v63  }
0x95: {  	_ =	swait.ge @!p1 [sflag:s8], $0x1F40  }
0x96: {  	[sflag:s8] =	ssyncset.done @!p1 $0x0  }
0x97: {  	s5 =	sadd.s32 @!p1 $0x680, s31;
	[sflag:s8] =	ssyncadd.s32 @!p1 $0xFFFFE0C0  }
0x98: {  	[tilespmem:s6], [sflag:$0x6] =	stream.indirect.gather @!p1 [hbm4b:s2+s1], $0x40, s5, s1, $0xb8;
	[tilespmem:$0x1E640] =	vst v63  }
0x99: {  	_ =	swait.ge [sflag:s23], $0x1F40  }
0x9a: {  	[sflag:s23] =	ssyncset.done $0x0  }
.Ltmp2:
0x9b: {  	s31 =	sadd.s32 $0x2B00, s30;
	[sflag:s23] =	ssyncadd.s32 $0xFFFFE0C0;
	(pc) =	sbr.rel @p1 .LBB2_4-.Ltmp2, $4  }
0x9c: {  	[spmem:s3] =	stream.indirect.scatter.add.f32 [tilespmem:s0], [sflag:$0x9], $0x40, s31, s17, $0xb8;
	[tilespmem:$0x1E640] =	vst v63  }
0x9d: {  	_ =	swait.ge [sflag:s15], $0x1F40  }
0x9e: {  	[sflag:s15] =	ssyncset.done $0x0  }
0x9f: {  	s1 =	sadd.s32 $0x2B80, s30;
	[sflag:s15] =	ssyncadd.s32 $0xFFFFE0C0  }
0xa0: {  	s5 =	sadd.s32 $0x700, s30  }
0xa1: {  	[tilespmem:s0], [sflag:$0x7] =	stream.indirect.gather [hbm4b:s2+s17], $0x40, s5, s17, $0xb8;
	[tilespmem:$0x1E640] =	vst v63  }
0xa2: {  	_ =	swait.ge [sflag:s24], $0x1F40  }
0xa3: {  	[sflag:s24] =	ssyncset.done $0x0  }
0xa4: {  	[sflag:s24] =	ssyncadd.s32 $0xFFFFE0C0  }
0xa5: {  	[spmem:s3] =	stream.indirect.scatter.add.f32 [tilespmem:s16], [sflag:$0x9], $0x40, s1, s17, $0xb8;
	[tilespmem:$0x1E640] =	vst v63  }
.Ltmp3:
0xa6: {  	_ = 	snop;
	(pc) =	sbr.rel .LBB2_2-.Ltmp3, $4  }
0xa7: {  	_ =	swait.ge [sflag:s15], $0x1F40  }
0xa8: {  	[sflag:s15] =	ssyncset.done $0x0  }
0xa9: {  	s31 =	sadd.s32 $0x780, s30;
	s29 =	sadd.s32 $0x1000, s29;
	[sflag:s15] =	ssyncadd.s32 $0xFFFFE0C0  }
0xaa: {  	[tilespmem:s16], [sflag:$0x8] =	stream.indirect.gather [hbm4b:s2+s17], $0x40, s31, s17, $0xb8;
	[tilespmem:$0x1E640] =	vst v63  }
.LBB2_5:
0xab: {  	_ =	sfence.sel $0x180000  }
0xac: {  	[bflag:$0x0] =	sbarrier.arrive $0xFFFF  }
0xad: {  	_ =	strace $0x9000004A  }
0xae: {  	s0 =	stileid.u32;
	[bflag:$0x2] =	sbarrier.arrive $0xFFFF  }
0xaf: {  	p0 =	sne.s32 s0, $0x0;
	s0 =	rddreg [dreg:$0x3]  }
0xb0: {  	s0 =	sadd.s32 @!p0 $0x100000, s0  }
0xb1: {  	[sflag:s0] =	ssyncadd.tile.s32 @!p0 $0x1;
	_ =	shalt  }
.Lfunc_end2:
_tile_overlayer_lowered:
.L_overlay_start_2:
0xb2: {  	(tag) =	ssettag $0x2  }
0xb3: {  	s0 =	rddreg [dreg:$0x0];
	s2 =	stileid.u32  }
0xb4: {  	s1 =	rddreg [dreg:$0x1];
	p0 =	sne.s32 s2, $0x0  }
0xb5: {  	s3 =	rddreg [dreg:$0x2];
	[bflag:$0x3] =	sbarrier.arrive $0xFFFF;
	s2 =	simm.s32 @!p0 $0x1C09  }
0xb6: {  	[timem:s3], [sflag:s2] =	dma.local @!p0 [hbm:s0], s1  }
0xb7: {  	s0 =	simm.s32 @!p0 $0x9  }
0xb8: {  	_ =	swait.ge @!p0 [sflag:s0], s1  }
0xb9: {  	s1 =	ssub.s32 @!p0 $0x0, s1;
	[sflag:s0] =	ssyncset.done @!p0 $0x0  }
0xba: {  	[sflag:s0] =	ssyncadd.s32 @!p0 s1  }
0xbb: {  	[bflag:$0x3] =	sbarrier.arrive $0xFFFF  }
0xbc: {  	_ =	shalt  }

// kernel: kernel.17.cloned.1.call-start
scs
__scs_entry_jumppad:
0x0: {  	(pc) =	sbr.rel $0x88, $3  }
0x1: {  	(tag) =	ssettag $0x0;
	lr =	simm.s32 $0x1  }
0x2: {  	[smem:$0x3F91] =	sst lr;
	_ =	strace $0xD0000000  }
0x3: {  	_ = 	snop  }
0x4: {  	_ = 	snop  }
0x5: {  	_ = 	snop  }
0x6: {  	_ = 	snop  }
0x7: {  	_ = 	snop  }
__scs_overlays_trampoline_lowered:
0x8: {  	[smem:$0x3FA0] =	sst s0  }
0x9: {  	[smem:$0x3FA1] =	sst s1  }
0xa: {  	[smem:$0x3FA2] =	sst s2  }
0xb: {  	[smem:$0x3FA3] =	sst s3  }
0xc: {  	[smem:$0x3FA4] =	sst s4  }
0xd: {  	[smem:$0x3FA5] =	sst s5  }
0xe: {  	[smem:$0x3FA6] =	sst s6  }
0xf: {  	[smem:$0x3FA7] =	sst s7  }
0x10: {  	[smem:$0x3FA8] =	sst s8  }
0x11: {  	[smem:$0x3FA9] =	sst s9;
	s0 =	simm.s32 @!p0 $0x0  }
0x12: {  	s1 =	sld [smem:$0x3F8F];
	s0 =	simm.s32 @p0 $0x1  }
0x13: {  	[smem:$0x3FAA] =	sst s0;
	s0 =	simm.s32 @!p1 $0x0  }
0x14: {  	s2 =	sld [smem:$0x3F8E];
	s0 =	simm.s32 @p1 $0x1  }
0x15: {  	[smem:$0x3FAB] =	sst s0;
	s0 =	simm.s32 @!p2 $0x0  }
0x16: {  	s3 =	sld [smem:$0x3FDB];
	s0 =	simm.s32 @p2 $0x1  }
0x17: {  	s4 =	simm.s32 $0x1BF5;
	[smem:$0x3FAD] =	sst s0  }
0x18: {  	s0 =	sld [smem:$0x3F90];
	_ =	swait.ge [sflag:s4], $0x0  }
0x19: {  	s7 =	sld [smem:$0x3F91]  }
0x1a: {  	s8 =	sadd.s32 $0xFFFFE003, lr  }
0x1b: {  	s9 =	sadd.s32 $0xFFFFFEF7, lr;
	s5 =	simm.s32 $0xFFFFFFFF;
	p2 =	slt.u32 s8, $0xFFFFF086  }
0x1c: {  	p1 =	slt.u32 s9, $0xF7A;
	s5 =	simm.s32 @!p2 $0x0  }
0x1d: {  	s5 =	simm.s32 @p1 $0x1;
	p0 =	seq.s32 s7, s2  }
0x1e: {  	s7 =	smul.u32 @!p0 $0xF7A, s2;
	p2 =	seq.s32 @!p0 s5, $0x0  }
0x1f: {  	s9 =	smul.u32 $0xF7A, s1;
	s8 =	simm.s32 @!p0 $0x1BF5;
	p2 =	por !p2, p0  }
0x20: {  	[sflag:s8] =	ssyncset.s32 @!p0 $0xFFFFF086;
	s6 =	sadd.s32 @!p0 s3, s7;
	s7 =	simm.s32 @!p0 $0x108  }
0x21: {  	s3 =	sadd.s32 s3, s9;
	s6 =	sadd.s32 @!p0 $0x88, s6;
	s7 =	simm.s32 @p2 $0x1082  }
0x22: {  	[simem:s7], [sflag:s8] =	dma.local @!p0 [hbm:s6], $0xF7A  }
0x23: {  	s9 =	sor.u32 $0xD0000000, s2;
	s6 =	simm.s32 $0x108;
	_ =	swait.ge @!p0 [sflag:s8], $0x0  }
0x24: {  	s3 =	sadd.s32 $0x88, s3;
	s6 =	simm.s32 @!p1 $0x1082;
	[sflag:s4] =	ssyncset.s32 $0xFFFFF086  }
0x25: {  	[simem:s6], [sflag:s4] =	dma.local [hbm:s3], $0xF7A  }
0x26: {  	[smem:$0x3F91] =	sst s1;
	(tag) =	ssettag s2;
	_ =	strace s9  }
0x27: {  	s1 =	sld [smem:$0x3FA1]  }
0x28: {  	s2 =	sld [smem:$0x3FA2]  }
0x29: {  	s4 =	sld [smem:$0x3FA4]  }
0x2a: {  	p0 =	seq.s32 s5, $0x0;
	s5 =	sld [smem:$0x3FA5]  }
0x2b: {  	s6 =	sld [smem:$0x3FA6]  }
0x2c: {  	s7 =	sld [smem:$0x3FA7]  }
0x2d: {  	s3 =	simm.s32 $0x108;
	s8 =	sld [smem:$0x3FA8]  }
0x2e: {  	s3 =	simm.s32 @!p0 $0x1082;
	s9 =	sld [smem:$0x3FA9]  }
0x2f: {  	lr =	sadd.s32 s0, s3;
	s0 =	sld [smem:$0x3FA0]  }
0x30: {  	s3 =	sld [smem:$0x3FA3]  }
0x31: {  	[smem:$0x3FAC] =	sst s10  }
0x32: {  	s10 =	sld [smem:$0x3FAA];
	_ =	sdelay $0x3  }
0x33: {  	p0 =	seq.s32 s10, $0x1;
	s10 =	sld [smem:$0x3FAC];
	_ =	sdelay $0x3  }
0x34: {  	[smem:$0x3FAC] =	sst s10  }
0x35: {  	s10 =	sld [smem:$0x3FAB];
	_ =	sdelay $0x3  }
0x36: {  	p1 =	seq.s32 s10, $0x1;
	s10 =	sld [smem:$0x3FAC];
	_ =	sdelay $0x3  }
0x37: {  	[smem:$0x3FAC] =	sst s10  }
0x38: {  	s10 =	sld [smem:$0x3FAD]  }
0x39: {  	_ = 	snop;
	(pc) =	sbr.ind lr, $3  }
0x3a: {  	_ = 	snop  }
0x3b: {  	_ = 	snop  }
0x3c: {  	p2 =	seq.s32 s10, $0x1;
	s10 =	sld [smem:$0x3FAC]  }
0x3d: {  	_ =	shalt  }
0x3e: {  	_ =	shalt  }
0x3f: {  	_ =	shalt  }
0x40: {  	_ =	shalt  }
0x41: {  	_ =	shalt  }
0x42: {  	_ =	shalt  }
0x43: {  	_ =	shalt  }
0x44: {  	_ =	shalt  }
0x45: {  	_ =	shalt  }
0x46: {  	_ =	shalt  }
0x47: {  	_ =	shalt  }
0x48: {  	_ =	shalt  }
0x49: {  	_ =	shalt  }
0x4a: {  	_ =	shalt  }
0x4b: {  	_ =	shalt  }
0x4c: {  	_ =	shalt  }
0x4d: {  	_ =	shalt  }
0x4e: {  	_ =	shalt  }
0x4f: {  	_ =	shalt  }
0x50: {  	_ =	shalt  }
0x51: {  	_ =	shalt  }
0x52: {  	_ =	shalt  }
0x53: {  	_ =	shalt  }
0x54: {  	_ =	shalt  }
0x55: {  	_ =	shalt  }
0x56: {  	_ =	shalt  }
0x57: {  	_ =	shalt  }
0x58: {  	_ =	shalt  }
0x59: {  	_ =	shalt  }
0x5a: {  	_ =	shalt  }
0x5b: {  	_ =	shalt  }
0x5c: {  	_ =	shalt  }
0x5d: {  	_ =	shalt  }
0x5e: {  	_ =	shalt  }
0x5f: {  	_ =	shalt  }
0x60: {  	_ =	shalt  }
0x61: {  	_ =	shalt  }
0x62: {  	_ =	shalt  }
0x63: {  	_ =	shalt  }
0x64: {  	_ =	shalt  }
0x65: {  	_ =	shalt  }
0x66: {  	_ =	shalt  }
0x67: {  	_ =	shalt  }
0x68: {  	_ =	shalt  }
0x69: {  	_ =	shalt  }
0x6a: {  	_ =	shalt  }
0x6b: {  	_ =	shalt  }
0x6c: {  	_ =	shalt  }
0x6d: {  	_ =	shalt  }
0x6e: {  	_ =	shalt  }
0x6f: {  	_ =	shalt  }
0x70: {  	_ =	shalt  }
0x71: {  	_ =	shalt  }
0x72: {  	_ =	shalt  }
0x73: {  	_ =	shalt  }
0x74: {  	_ =	shalt  }
0x75: {  	_ =	shalt  }
0x76: {  	_ =	shalt  }
0x77: {  	_ =	shalt  }
0x78: {  	_ =	shalt  }
0x79: {  	_ =	shalt  }
0x7a: {  	_ =	shalt  }
0x7b: {  	_ =	shalt  }
0x7c: {  	_ =	shalt  }
0x7d: {  	_ =	shalt  }
0x7e: {  	_ =	shalt  }
0x7f: {  	_ =	shalt  }
0x80: {  	_ =	shalt  }
0x81: {  	_ =	shalt  }
0x82: {  	_ =	shalt  }
0x83: {  	_ =	shalt  }
0x84: {  	_ =	shalt  }
0x85: {  	_ =	shalt  }
0x86: {  	_ =	shalt  }
0x87: {  	_ =	shalt  }
.Lfunc_end0:
.L_simem_size_0:
called_computation.2_lowered:
.L_overlay_start_0:
0x88: {  	s2 =	sld [smem:$0x3FD9]  }
0x89: {  	s3 =	sld [smem:$0x3FFE];
	_ =	sdelay $0x1  }
0x8a: {  	s1 =	srdreg.scid  }
0x8b: {  	s0 =	sand.u32 $0x1, s1  }
0x8c: {  	s14 =	sshll.u32 s0, $0xA;
	s2 =	sadd.s32 s3, s2  }
0x8d: {  	s2 =	sadd.s32 s2, s14  }
0x8e: {  	[smem:$0x3FB8] =	sst s2  }
0x8f: {  	_ = 	snop  }
0x90: {  	s2 =	sld [smem:$0x3FD0];
	_ =	sdelay $0x2  }
0x91: {  	s15 =	simm.s32 $0xA;
	s4 =	simm.s32 $0x10  }
0x92: {  	[smem:s4], [sflag:s15] =	dma.local [hbm:s2], $0x1  }
0x93: {  	_ =	swait.eq [sflag:s15], $0x1  }
0x94: {  	[sflag:s15] =	ssyncset.done $0x0  }
0x95: {  	[sflag:s15] =	ssyncadd.s32 $0xFFFFFFFF  }
0x96: {  	s16 =	sld [smem:$0x10];
	(tm) =	ssettm $0x1  }
0x97: {  	s17 =	sld [smem:$0x3FFB];
	_ =	sdelay $0x3  }
0x98: {  	_ =	strace s17  }
0x99: {  	s3 =	sld [smem:$0x3FFC];
	_ =	sdelay $0x3  }
0x9a: {  	_ =	strace s3  }
0x9b: {  	s3 =	sld [smem:$0x3FFD];
	_ =	sdelay $0x3  }
0x9c: {  	_ =	strace s3  }
0x9d: {  	_ =	strace $0x8FFFFFFF  }
0x9e: {  	s18 =	sld [smem:$0x3FDB];
	_ =	sdelay $0x1  }
0x9f: {  	s19 =	simm.s32 $_scs_section_size  }
0xa0: {  	s5 =	simm.s32 $_size__tile_overlayer_lowered;
	s6 =	simm.s32 $_tile_overlayer_lowered  }
0xa1: {  	s22 =	simm.s32 $0x1BFF;
	s21 =	sshll.u32 s6, $0x1;
	s3 =	sadd.s32 s19, s18  }
0xa2: {  	s7 =	simm.s32 $0x0;
	s20 =	sshll.u32 s5, $0x1;
	s5 =	sadd.s32 s21, s3  }
0xa3: {  	[timem:s7], [sflag:s22] =	dma.local [hbm:s5], s20  }
0xa4: {  	_ =	swait.ge [sflag:s22], s20  }
0xa5: {  	s4 =	ssub.s32 $0x0, s20;
	[sflag:s22] =	ssyncset.done $0x0  }
0xa6: {  	[sflag:s22] =	ssyncadd.s32 s4;
	_ =	sdelay $0x1  }
0xa7: {  	s23 =	simm.s32 $0x1B8B  }
0xa8: {  	_ =	swait.ge [sflag:s23], $0x1  }
0xa9: {  	[sflag:s23] =	ssyncset.done $0x0  }
0xaa: {  	s25 =	simm.s32 $0x1B8E;
	s24 =	sld [smem:$0x3FFE];
	[sflag:s23] =	ssyncadd.s32 $0xFFFFFFFF  }
0xab: {  	s26 =	simm.s32 $execute0_lowered;
	[smem:$0x3FD2] =	sst s25  }
0xac: {  	s5 =	sshll.u32 s26, $0x1;
	_ =	strace $0x8000004C;
	[dreg:$0x1] =	wrdreg $0xFFFFFFFF  }
0xad: {  	s28 =	simm.s32 $_size_execute0_lowered;
	s3 =	sadd.s32 s3, s5;
	[dreg:$0x0] =	wrdreg $0x0  }
0xae: {  	s5 =	sshll.u32 s28, $0x1;
	[dreg:$0x2] =	wrdreg s3  }
0xaf: {  	[dreg:$0x3] =	wrdreg s5  }
0xb0: {  	[dreg:$0x4] =	wrdreg $0xC0  }
0xb1: {  	_ =	task [dreg:s7], $0x5FFFF  }
0xb2: {  	[dreg:$0x1] =	wrdreg $0xFFFFFFFF  }
0xb3: {  	[dreg:$0x0] =	wrdreg $0x60  }
0xb4: {  	[dreg:$0x2] =	wrdreg s16  }
0xb5: {  	[dreg:$0x3] =	wrdreg s24  }
0xb6: {  	[dreg:$0x4] =	wrdreg $0x14A000  }
0xb7: {  	[dreg:$0x5] =	wrdreg $0x9  }
0xb8: {  	_ =	task.clear_ibuf [dreg:s7], $0x6FFFF;
	_ =	strace $0x9000004C  }
0xb9: {  	s29 =	simm.s32 $0x9;
	_ =	strace $0x8000004E  }
0xba: {  	_ =	swait.ge [sflag:s29], $0x1  }
0xbb: {  	[sflag:s29] =	ssyncadd.s32 $0xFFFFFFFF  }
0xbc: {  	_ =	strace $0x9000004E  }
0xbd: {  	_ =	sfence  }
0xbe: {  	s30 =	sld [smem:$0x0];
	_ =	sdelay $0x2  }
0xbf: {  	s31 =	sshll.u32 s1, $0xD;
	s1 =	sshrl.u32 s1, $0x2  }
0xc0: {  	s3 =	sand.u32 $0x4000, s31;
	s1 =	sadd.s32 s1, s30  }
0xc1: {  	s0 =	sor.u32 s3, s0;
	s1 =	sshll.u32 s1, $0x11  }
0xc2: {  	s0 =	sor.u32 s1, s0  }
0xc3: {  	s0 =	sadd.s32 $0x8F2B, s0  }
0xc4: {  	[sflag:s0] =	ssyncadd.remote.s32 $0x1  }
0xc5: {  	_ =	sfence.sel $0xFFFF  }
0xc6: {  	[dreg:$0x0] =	wrdreg $0xFFFFFFFF;
	(pc) =	sbr.abs _section_cstart, $3  }
0xc7: {  	[dreg:$0x1] =	wrdreg $0xFFFFFFFF  }
0xc8: {  	_ =	task.clear_ibuf [dreg:s7], $0x2FFFF;
	_ =	strace $0x9FFFFFFF  }
0xc9: {  	(tm) =	ssettm $0x7FFFFFFF  }
tec
execute0_lowered:
.L_overlay_start_1:
0x0: {  	(tag) =	ssettag $0x1  }
0x1: {  	s2 =	rddreg [dreg:$0x0]  }
0x2: {  	s0 =	rddreg [dreg:$0x1]  }
0x3: {  	s3 =	rddreg [dreg:$0x2];
	s1 =	srdreg.scid  }
0x4: {  	s13 =	stileid.u32;
	s4 =	simm.s32 $0x0;
	s15 =	simm.s32 $0x9  }
0x5: {  	s17 =	simm.s32 $0x7D;
	s18 =	simm.s32 $0x5000;
	s22 =	simm.s32 $0x8E80  }
0x6: {  	s28 =	simm.s32 $0xCD00;
	s16 =	simm.s32 $0x12AC0;
	s19 =	simm.s32 $0x1  }
0x7: {  	s20 =	simm.s32 $0x3;
	s21 =	simm.s32 $0x5;
	s6 =	smul.u32 $0x9E00, s13  }
0x8: {  	s23 =	simm.s32 $0x7;
	s24 =	simm.s32 $0x8;
	s26 =	smul.u32 $0x13C0, s13  }
0x9: {  	s1 =	sand.u32 $0x1, s1;
	s5 =	sshll.u32 s13, $0x1;
	s30 =	smul.u32 $0x27800, s13  }
0xa: {  	[smem:$0x7FF] =	sst s4;
	s10 =	sadd.s32 $0x52C00, s0;
	s11 =	smul.u32 $0x13880, s1  }
0xb: {  	s5 =	sor.u32 s1, s5;
	s8 =	ssub.s32 $0x2, s1;
	s1 =	smul.u32 $0x9C400, s1  }
0xc: {  	p0 =	seq.s32 s13, $0xF;
	_ =	strace $0x8000004D;
	s5 =	smul.u32 $0x500, s5  }
0xd: {  	s7 =	sshrl.u32 s6, $0x3;
	s9 =	sshrl.u32 s8, $0x1;
	s6 =	sadd.s32 s6, s3  }
0xe: {  	s7 =	sadd.s32 s7, s0;
	s8 =	ssub.s32 s8, s9;
	s31 =	sadd.s32 s26, s11  }
0xf: {  	s1 =	sshrl.u32 s1, $0x3;
	s14 =	sshrl.u32 @!p0 s6, $0x3;
	s26 =	simm.s32 $0x0  }
0x10: {  	s5 =	sadd.s32 s5, s0;
	s7 =	sadd.s32 $0x3F200, s7;
	s0 =	sadd.s32 $0x51A40, s0  }
0x11: {  	s1 =	sadd.s32 s10, s1;
	s11 =	smax.u32 s8, $0x1;
	[dreg:$0x4] =	wrdreg s7  }
0x12: {  	s7 =	sadd.s32 $0x94200, s3;
	[dreg:$0x5] =	wrdreg s0;
	s29 =	sadd.s32 $0xE000, s5  }
.Ltmp0:
0x13: {  	s5 =	sadd.s32 $0x4000, s5;
	[dreg:$0x6] =	wrdreg s29;
	(pc) =	sbr.rel .LBB2_1-.Ltmp0, $4  }
0x14: {  	s0 =	sshrl.u32 s30, $0x2;
	s1 =	sadd.s32 $0x12840, s1;
	[dreg:$0x7] =	wrdreg s5  }
0x15: {  	s5 =	sadd.s32 s10, s31;
	s0 =	sadd.s32 s0, s3;
	[dreg:$0x9] =	wrdreg s1  }
0x16: {  	s12 =	sshrl.u32 @p0 s7, $0x3;
	s1 =	sshll.u32 @!p0 s13, $0x6;
	[dreg:$0x8] =	wrdreg s5  }
0x17: {  	s13 =	sor.u32 @!p0 $0x1C09, s1;
	s25 =	sshrl.u32 @!p0 s0, $0x3;
	s0 =	simm.s32 $0x10B80  }
.LBB2_4:
0x18: {  	_ =	swait.ge [sflag:s24], $0x1F40  }
0x19: {  	[sflag:s24] =	ssyncset.done $0x0  }
0x1a: {  	[sflag:s24] =	ssyncadd.s32 $0xFFFFE0C0  }
0x1b: {  	[spmem:s3] =	stream.indirect.scatter.add.f32 [tilespmem:s16], [sflag:$0x9], $0x40, s1, s17, $0xb8;
	[tilespmem:$0x1E640] =	vst v63  }
0x1c: {  	_ =	swait.ge [sflag:s15], $0x1F40  }
0x1d: {  	[sflag:s15] =	ssyncset.done $0x0  }
0x1e: {  	[sflag:s15] =	ssyncadd.s32 $0xFFFFE0C0  }
0x1f: {  	[bflag:$0x0] =	sbarrier.arrive $0xFFFF  }
0x20: {  	s1 =	simm.s32 @p0 $0x1FC9;
	s5 =	rddreg [dreg:$0x9]  }
0x21: {  	[hbm:s5], [sflag:s1] =	dma.local @p0 [spmem:s12], $0x1040  }
0x22: {  	s1 =	simm.s32 @p0 $0x9  }
0x23: {  	_ =	swait.ge @p0 [sflag:s1], $0x1040  }
0x24: {  	s26 =	sadd.s32 $0x1, s26;
	[sflag:s1] =	ssyncset.done @p0 $0x0  }
0x25: {  	p1 =	sne.s32 s26, s11;
	[sflag:s1] =	ssyncadd.s32 @p0 $0xFFFFEFC0;
	s1 =	rddreg [dreg:$0x8]  }
0x26: {  	[hbm:s1], [sflag:s13] =	dma.local @!p0 [spmem:s25], $0x13C0  }
.Ltmp1:
0x27: {  	_ = 	snop;
	(pc) =	sbr.rel @!p1 .LBB2_5-.Ltmp1, $4  }
0x28: {  	s1 =	simm.s32 @!p0 $0x9  }
0x29: {  	_ =	swait.ge @!p0 [sflag:s1], $0x13C0  }
0x2a: {  	[sflag:s1] =	ssyncset.done @!p0 $0x0  }
0x2b: {  	[sflag:s1] =	ssyncadd.s32 @!p0 $0xFFFFEC40  }
.LBB2_1:
0x2c: {  	s1 =	simm.s32 @p0 $0x1FC9;
	s5 =	rddreg [dreg:$0x5]  }
0x2d: {  	[spmem:s12], [sflag:s1] =	dma.local @p0 [hbm:s5], $0x1040  }
0x2e: {  	s1 =	simm.s32 @p0 $0x9  }
0x2f: {  	_ =	swait.ge @p0 [sflag:s1], $0x1040  }
0x30: {  	[sflag:s1] =	ssyncset.done @p0 $0x0  }
0x31: {  	[sflag:s1] =	ssyncadd.s32 @p0 $0xFFFFEFC0;
	s1 =	rddreg [dreg:$0x4]  }
0x32: {  	[spmem:s14], [sflag:s13] =	dma.local @!p0 [hbm:s1], $0x13C0  }
0x33: {  	s1 =	simm.s32 @!p0 $0x9  }
0x34: {  	_ =	swait.ge @!p0 [sflag:s1], $0x13C0  }
0x35: {  	[sflag:s1] =	ssyncset.done @!p0 $0x0  }
0x36: {  	s8 =	rddreg [dreg:$0x6];
	[sflag:s1] =	ssyncadd.s32 @!p0 $0xFFFFEC40  }
0x37: {  	[tilespmem:s4], [sflag:$0x9] =	stream.linear.gather [hbm4b:s8+s4], $0x2800, $0x38;
	[tilespmem:$0x1E640] =	vst v63  }
0x38: {  	_ =	swait.ge [sflag:s15], $0x2800  }
0x39: {  	[sflag:s15] =	ssyncset.done $0x0  }
0x3a: {  	s10 =	simm.s32 $0x2800;
	s9 =	rddreg [dreg:$0x7];
	[sflag:s15] =	ssyncadd.s32 $0xFFFFD800  }
0x3b: {  	[tilespmem:s10], [sflag:$0x9] =	stream.linear.gather [hbm4b:s9+s4], $0x2800, $0x38;
	[tilespmem:$0x1E640] =	vst v63  }
0x3c: {  	_ =	swait.ge [sflag:s15], $0x2800  }
0x3d: {  	[sflag:s15] =	ssyncset.done $0x0  }
0x3e: {  	[sflag:s15] =	ssyncadd.s32 $0xFFFFD800  }
0x3f: {  	[bflag:$0x0] =	sbarrier.arrive $0xFFFF  }
0x40: {  	[tilespmem:s18], [sflag:$0x1] =	stream.indirect.gather [hbm4b:s2+s17], $0x40, s4, s17, $0xb8;
	[tilespmem:$0x1E640] =	vst v63  }
0x41: {  	s30 =	simm.s32 $0x80;
	s31 =	simm.s32 $0x6F40  }
0x42: {  	[tilespmem:s31], [sflag:$0x2] =	stream.indirect.gather [hbm4b:s2+s17], $0x40, s30, s17, $0xb8;
	[tilespmem:$0x1E640] =	vst v63  }
0x43: {  	s5 =	simm.s32 $0x100  }
0x44: {  	[tilespmem:s22], [sflag:$0x3] =	stream.indirect.gather [hbm4b:s2+s17], $0x40, s5, s17, $0xb8;
	[tilespmem:$0x1E640] =	vst v63  }
0x45: {  	s6 =	simm.s32 $0x180;
	s7 =	simm.s32 $0xADC0  }
0x46: {  	[tilespmem:s7], [sflag:$0x4] =	stream.indirect.gather [hbm4b:s2+s17], $0x40, s6, s17, $0xb8;
	[tilespmem:$0x1E640] =	vst v63  }
0x47: {  	s8 =	simm.s32 $0x200  }
0x48: {  	[tilespmem:s28], [sflag:$0x5] =	stream.indirect.gather [hbm4b:s2+s17], $0x40, s8, s17, $0xb8;
	[tilespmem:$0x1E640] =	vst v63  }
0x49: {  	s9 =	simm.s32 $0x280;
	s10 =	simm.s32 $0xEC40  }
0x4a: {  	[tilespmem:s10], [sflag:$0x6] =	stream.indirect.gather [hbm4b:s2+s17], $0x40, s9, s17, $0xb8;
	[tilespmem:$0x1E640] =	vst v63  }
0x4b: {  	s30 =	simm.s32 $0x300  }
0x4c: {  	[tilespmem:s0], [sflag:$0x7] =	stream.indirect.gather [hbm4b:s2+s17], $0x40, s30, s17, $0xb8;
	[tilespmem:$0x1E640] =	vst v63  }
0x4d: {  	s29 =	simm.s32 $0x0;
	s31 =	simm.s32 $0x380  }
0x4e: {  	[tilespmem:s16], [sflag:$0x8] =	stream.indirect.gather [hbm4b:s2+s17], $0x40, s31, s17, $0xb8;
	[tilespmem:$0x1E640] =	vst v63  }
.LBB2_2:
0x4f: {  	_ =	swait.ge [sflag:s19], $0x1F40  }
0x50: {  	s30 =	sshra.s32 s29, $0x2;
	[sflag:s19] =	ssyncset.done $0x0  }
0x51: {  	s1 =	sadd.s32 $0x2800, s30;
	[sflag:s19] =	ssyncadd.s32 $0xFFFFE0C0  }
0x52: {  	[spmem:s3] =	stream.indirect.scatter.add.f32 [tilespmem:s18], [sflag:$0x9], $0x40, s1, s17, $0xb8;
	[tilespmem:$0x1E640] =	vst v63  }
0x53: {  	_ =	swait.ge [sflag:s15], $0x1F40  }
0x54: {  	p1 =	seq.s32 s29, $0x9000;
	[sflag:s15] =	ssyncset.done $0x0  }
0x55: {  	s1 =	simm.s32 @p1 $0x2;
	[sflag:s15] =	ssyncadd.s32 $0xFFFFE0C0  }
0x56: {  	_ =	swait.ge @p1 [sflag:s1], $0x1F40  }
0x57: {  	s5 =	sshra.s32 @p1 s29, $0x2;
	s6 =	simm.s32 @p1 $0x7D;
	[sflag:s1] =	ssyncset.done @p1 $0x0  }
0x58: {  	s7 =	simm.s32 @p1 $0x6F40;
	[sflag:s1] =	ssyncadd.s32 @p1 $0xFFFFE0C0;
	s1 =	sadd.s32 @p1 $0x2880, s5  }
0x59: {  	[spmem:s3] =	stream.indirect.scatter.add.f32 @p1 [tilespmem:s7], [sflag:$0x9], $0x40, s1, s6, $0xb8;
	[tilespmem:$0x1E640] =	vst v63  }
0x5a: {  	s7 =	simm.s32 @p1 $0x9  }
0x5b: {  	_ =	swait.ge @p1 [sflag:s7], $0x1F40  }
0x5c: {  	s31 =	sshra.s32 @!p1 s29, $0x2;
	s9 =	simm.s32 @!p1 $0x5000;
	[sflag:s7] =	ssyncset.done @p1 $0x0  }
0x5d: {  	s8 =	sadd.s32 @!p1 $0x400, s31;
	s1 =	simm.s32 @!p1 $0x7D;
	[sflag:s7] =	ssyncadd.s32 @p1 $0xFFFFE0C0  }
0x5e: {  	[tilespmem:s9], [sflag:$0x1] =	stream.indirect.gather @!p1 [hbm4b:s2+s1], $0x40, s8, s1, $0xb8;
	[tilespmem:$0x1E640] =	vst v63  }
0x5f: {  	s8 =	simm.s32 @!p1 $0x2  }
0x60: {  	_ =	swait.ge @!p1 [sflag:s8], $0x1F40  }
0x61: {  	[sflag:s8] =	ssyncset.done @!p1 $0x0  }
0x62: {  	s9 =	simm.s32 @!p1 $0x6F40;
	[sflag:s8] =	ssyncadd.s32 @!p1 $0xFFFFE0C0;
	s8 =	sadd.s32 @!p1 $0x2880, s31  }
0x63: {  	[spmem:s3] =	stream.indirect.scatter.add.f32 @!p1 [tilespmem:s9], [sflag:$0x9], $0x40, s8, s1, $0xb8;
	[tilespmem:$0x1E640] =	vst v63  }
0x64: {  	s8 =	simm.s32 @!p1 $0x9  }
0x65: {  	_ =	swait.ge @!p1 [sflag:s8], $0x1F40  }
0x66: {  	[sflag:s8] =	ssyncset.done @!p1 $0x0  }
0x67: {  	s10 =	sadd.s32 @!p1 $0x480, s31;
	[sflag:s8] =	ssyncadd.s32 @!p1 $0xFFFFE0C0  }
0x68: {  	[tilespmem:s9], [sflag:$0x2] =	stream.indirect.gather @!p1 [hbm4b:s2+s1], $0x40, s10, s1, $0xb8;
	[tilespmem:$0x1E640] =	vst v63  }
0x69: {  	_ =	swait.ge [sflag:s20], $0x1F40  }
0x6a: {  	[sflag:s20] =	ssyncset.done $0x0  }
0x6b: {  	s10 =	sadd.s32 $0x2900, s30;
	[sflag:s20] =	ssyncadd.s32 $0xFFFFE0C0  }
0x6c: {  	[spmem:s3] =	stream.indirect.scatter.add.f32 [tilespmem:s22], [sflag:$0x9], $0x40, s10, s17, $0xb8;
	[tilespmem:$0x1E640] =	vst v63  }
0x6d: {  	_ =	swait.ge [sflag:s15], $0x1F40  }
0x6e: {  	[sflag:s15] =	ssyncset.done $0x0  }
0x6f: {  	s9 =	simm.s32 @p1 $0x4;
	[sflag:s15] =	ssyncadd.s32 $0xFFFFE0C0  }
0x70: {  	_ =	swait.ge @p1 [sflag:s9], $0x1F40  }
0x71: {  	[sflag:s9] =	ssyncset.done @p1 $0x0  }
0x72: {  	s10 =	simm.s32 @p1 $0xADC0;
	[sflag:s9] =	ssyncadd.s32 @p1 $0xFFFFE0C0;
	s9 =	sadd.s32 @p1 $0x2980, s5  }
0x73: {  	[spmem:s3] =	stream.indirect.scatter.add.f32 @p1 [tilespmem:s10], [sflag:$0x9], $0x40, s9, s6, $0xb8;
	[tilespmem:$0x1E640] =	vst v63  }
0x74: {  	_ =	swait.ge @p1 [sflag:s7], $0x1F40  }
0x75: {  	[sflag:s7] =	ssyncset.done @p1 $0x0  }
0x76: {  	s9 =	sadd.s32 @!p1 $0x500, s31;
	s10 =	simm.s32 @!p1 $0x8E80;
	[sflag:s7] =	ssyncadd.s32 @p1 $0xFFFFE0C0  }
0x77: {  	[tilespmem:s10], [sflag:$0x3] =	stream.indirect.gather @!p1 [hbm4b:s2+s1], $0x40, s9, s1, $0xb8;
	[tilespmem:$0x1E640] =	vst v63  }
0x78: {  	s9 =	simm.s32 @!p1 $0x4  }
0x79: {  	_ =	swait.ge @!p1 [sflag:s9], $0x1F40  }
0x7a: {  	[sflag:s9] =	ssyncset.done @!p1 $0x0  }
0x7b: {  	s10 =	simm.s32 @!p1 $0xADC0;
	[sflag:s9] =	ssyncadd.s32 @!p1 $0xFFFFE0C0;
	s9 =	sadd.s32 @!p1 $0x2980, s31  }
0x7c: {  	[spmem:s3] =	stream.indirect.scatter.add.f32 @!p1 [tilespmem:s10], [sflag:$0x9], $0x40, s9, s1, $0xb8;
	[tilespmem:$0x1E640] =	vst v63  }
0x7d: {  	_ =	swait.ge @!p1 [sflag:s8], $0x1F40  }
0x7e: {  	[sflag:s8] =	ssyncset.done @!p1 $0x0  }
0x7f: {  	s9 =	sadd.s32 @!p1 $0x580, s31;
	[sflag:s8] =	ssyncadd.s32 @!p1 $0xFFFFE0C0  }
0x80: {  	[tilespmem:s10], [sflag:$0x4] =	stream.indirect.gather @!p1 [hbm4b:s2+s1], $0x40, s9, s1, $0xb8;
	[tilespmem:$0x1E640] =	vst v63  }
0x81: {  	_ =	swait.ge [sflag:s21], $0x1F40  }
0x82: {  	[sflag:s21] =	ssyncset.done $0x0  }
0x83: {  	s10 =	sadd.s32 $0x2A00, s30;
	[sflag:s21] =	ssyncadd.s32 $0xFFFFE0C0  }
0x84: {  	[spmem:s3] =	stream.indirect.scatter.add.f32 [tilespmem:s28], [sflag:$0x9], $0x40, s10, s17, $0xb8;
	[tilespmem:$0x1E640] =	vst v63  }
0x85: {  	_ =	swait.ge [sflag:s15], $0x1F40  }
0x86: {  	[sflag:s15] =	ssyncset.done $0x0  }
0x87: {  	s9 =	simm.s32 @p1 $0x6;
	[sflag:s15] =	ssyncadd.s32 $0xFFFFE0C0  }
0x88: {  	_ =	swait.ge @p1 [sflag:s9], $0x1F40  }
0x89: {  	[sflag:s9] =	ssyncset.done @p1 $0x0  }
0x8a: {  	s5 =	sadd.s32 @p1 $0x2A80, s5;
	[sflag:s9] =	ssyncadd.s32 @p1 $0xFFFFE0C0;
	s9 =	simm.s32 @p1 $0xEC40  }
0x8b: {  	[spmem:s3] =	stream.indirect.scatter.add.f32 @p1 [tilespmem:s9], [sflag:$0x9], $0x40, s5, s6, $0xb8;
	[tilespmem:$0x1E640] =	vst v63  }
0x8c: {  	_ =	swait.ge @p1 [sflag:s7], $0x1F40  }
0x8d: {  	[sflag:s7] =	ssyncset.done @p1 $0x0  }
0x8e: {  	s5 =	sadd.s32 @!p1 $0x600, s31;
	s6 =	simm.s32 @!p1 $0xCD00;
	[sflag:s7] =	ssyncadd.s32 @p1 $0xFFFFE0C0  }
0x8f: {  	[tilespmem:s6], [sflag:$0x5] =	stream.indirect.gather @!p1 [hbm4b:s2+s1], $0x40, s5, s1, $0xb8;
	[tilespmem:$0x1E640] =	vst v63  }
0x90: {  	s5 =	simm.s32 @!p1 $0x6  }
0x91: {  	_ =	swait.ge @!p1 [sflag:s5], $0x1F40  }
0x92: {  	[sflag:s5] =	ssyncset.done @!p1 $0x0  }
0x93: {  	s6 =	simm.s32 @!p1 $0xEC40;
	[sflag:s5] =	ssyncadd.s32 @!p1 $0xFFFFE0C0;
	s5 =	sadd.s32 @!p1 $0x2A80, s31  }
0x94: {  	[spmem:s3] =	stream.indirect.scatter.add.f32 @!p1 [tilespmem:s6], [sflag:$0x9], $0x40, s5, s1, $0xb8;
	[tilespmem:$0x1E640] =	vst v63  }
0x95: {  	_ =	swait.ge @!p1 [sflag:s8], $0x1F40  }
0x96: {  	[sflag:s8] =	ssyncset.done @!p1 $0x0  }
0x97: {  	s5 =	sadd.s32 @!p1 $0x680, s31;
	[sflag:s8] =	ssyncadd.s32 @!p1 $0xFFFFE0C0  }
0x98: {  	[tilespmem:s6], [sflag:$0x6] =	stream.indirect.gather @!p1 [hbm4b:s2+s1], $0x40, s5, s1, $0xb8;
	[tilespmem:$0x1E640] =	vst v63  }
0x99: {  	_ =	swait.ge [sflag:s23], $0x1F40  }
0x9a: {  	[sflag:s23] =	ssyncset.done $0x0  }
.Ltmp2:
0x9b: {  	s31 =	sadd.s32 $0x2B00, s30;
	[sflag:s23] =	ssyncadd.s32 $0xFFFFE0C0;
	(pc) =	sbr.rel @p1 .LBB2_4-.Ltmp2, $4  }
0x9c: {  	[spmem:s3] =	stream.indirect.scatter.add.f32 [tilespmem:s0], [sflag:$0x9], $0x40, s31, s17, $0xb8;
	[tilespmem:$0x1E640] =	vst v63  }
0x9d: {  	_ =	swait.ge [sflag:s15], $0x1F40  }
0x9e: {  	[sflag:s15] =	ssyncset.done $0x0  }
0x9f: {  	s1 =	sadd.s32 $0x2B80, s30;
	[sflag:s15] =	ssyncadd.s32 $0xFFFFE0C0  }
0xa0: {  	s5 =	sadd.s32 $0x700, s30  }
0xa1: {  	[tilespmem:s0], [sflag:$0x7] =	stream.indirect.gather [hbm4b:s2+s17], $0x40, s5, s17, $0xb8;
	[tilespmem:$0x1E640] =	vst v63  }
0xa2: {  	_ =	swait.ge [sflag:s24], $0x1F40  }
0xa3: {  	[sflag:s24] =	ssyncset.done $0x0  }
0xa4: {  	[sflag:s24] =	ssyncadd.s32 $0xFFFFE0C0  }
0xa5: {  	[spmem:s3] =	stream.indirect.scatter.add.f32 [tilespmem:s16], [sflag:$0x9], $0x40, s1, s17, $0xb8;
	[tilespmem:$0x1E640] =	vst v63  }
.Ltmp3:
0xa6: {  	_ = 	snop;
	(pc) =	sbr.rel .LBB2_2-.Ltmp3, $4  }
0xa7: {  	_ =	swait.ge [sflag:s15], $0x1F40  }
0xa8: {  	[sflag:s15] =	ssyncset.done $0x0  }
0xa9: {  	s31 =	sadd.s32 $0x780, s30;
	s29 =	sadd.s32 $0x1000, s29;
	[sflag:s15] =	ssyncadd.s32 $0xFFFFE0C0  }
0xaa: {  	[tilespmem:s16], [sflag:$0x8] =	stream.indirect.gather [hbm4b:s2+s17], $0x40, s31, s17, $0xb8;
	[tilespmem:$0x1E640] =	vst v63  }
.LBB2_5:
0xab: {  	_ =	sfence.sel $0x180000  }
0xac: {  	[bflag:$0x0] =	sbarrier.arrive $0xFFFF  }
0xad: {  	_ =	strace $0x9000004D  }
0xae: {  	s0 =	stileid.u32;
	[bflag:$0x2] =	sbarrier.arrive $0xFFFF  }
0xaf: {  	p0 =	sne.s32 s0, $0x0;
	s0 =	rddreg [dreg:$0x3]  }
0xb0: {  	s0 =	sadd.s32 @!p0 $0x100000, s0  }
0xb1: {  	[sflag:s0] =	ssyncadd.tile.s32 @!p0 $0x1;
	_ =	shalt  }
.Lfunc_end2:
_tile_overlayer_lowered:
.L_overlay_start_2:
0xb2: {  	(tag) =	ssettag $0x2  }
0xb3: {  	s0 =	rddreg [dreg:$0x0];
	s2 =	stileid.u32  }
0xb4: {  	s1 =	rddreg [dreg:$0x1];
	p0 =	sne.s32 s2, $0x0  }
0xb5: {  	s3 =	rddreg [dreg:$0x2];
	[bflag:$0x3] =	sbarrier.arrive $0xFFFF;
	s2 =	simm.s32 @!p0 $0x1C09  }
0xb6: {  	[timem:s3], [sflag:s2] =	dma.local @!p0 [hbm:s0], s1  }
0xb7: {  	s0 =	simm.s32 @!p0 $0x9  }
0xb8: {  	_ =	swait.ge @!p0 [sflag:s0], s1  }
0xb9: {  	s1 =	ssub.s32 @!p0 $0x0, s1;
	[sflag:s0] =	ssyncset.done @!p0 $0x0  }
0xba: {  	[sflag:s0] =	ssyncadd.s32 @!p0 s1  }
0xbb: {  	[bflag:$0x3] =	sbarrier.arrive $0xFFFF  }
0xbc: {  	_ =	shalt  }

// kernel: kernel.20.cloned.1.call-start
scs
__scs_entry_jumppad:
0x0: {  	(pc) =	sbr.rel $0x88, $3  }
0x1: {  	(tag) =	ssettag $0x0;
	lr =	simm.s32 $0x1  }
0x2: {  	[smem:$0x3F91] =	sst lr;
	_ =	strace $0xD0000000  }
0x3: {  	_ = 	snop  }
0x4: {  	_ = 	snop  }
0x5: {  	_ = 	snop  }
0x6: {  	_ = 	snop  }
0x7: {  	_ = 	snop  }
__scs_overlays_trampoline_lowered:
0x8: {  	[smem:$0x3FA0] =	sst s0  }
0x9: {  	[smem:$0x3FA1] =	sst s1  }
0xa: {  	[smem:$0x3FA2] =	sst s2  }
0xb: {  	[smem:$0x3FA3] =	sst s3  }
0xc: {  	[smem:$0x3FA4] =	sst s4  }
0xd: {  	[smem:$0x3FA5] =	sst s5  }
0xe: {  	[smem:$0x3FA6] =	sst s6  }
0xf: {  	[smem:$0x3FA7] =	sst s7  }
0x10: {  	[smem:$0x3FA8] =	sst s8  }
0x11: {  	[smem:$0x3FA9] =	sst s9;
	s0 =	simm.s32 @!p0 $0x0  }
0x12: {  	s1 =	sld [smem:$0x3F8F];
	s0 =	simm.s32 @p0 $0x1  }
0x13: {  	[smem:$0x3FAA] =	sst s0;
	s0 =	simm.s32 @!p1 $0x0  }
0x14: {  	s2 =	sld [smem:$0x3F8E];
	s0 =	simm.s32 @p1 $0x1  }
0x15: {  	[smem:$0x3FAB] =	sst s0;
	s0 =	simm.s32 @!p2 $0x0  }
0x16: {  	s3 =	sld [smem:$0x3FDB];
	s0 =	simm.s32 @p2 $0x1  }
0x17: {  	s4 =	simm.s32 $0x1BF5;
	[smem:$0x3FAD] =	sst s0  }
0x18: {  	s0 =	sld [smem:$0x3F90];
	_ =	swait.ge [sflag:s4], $0x0  }
0x19: {  	s7 =	sld [smem:$0x3F91]  }
0x1a: {  	s8 =	sadd.s32 $0xFFFFE003, lr  }
0x1b: {  	s9 =	sadd.s32 $0xFFFFFEF7, lr;
	s5 =	simm.s32 $0xFFFFFFFF;
	p2 =	slt.u32 s8, $0xFFFFF086  }
0x1c: {  	p1 =	slt.u32 s9, $0xF7A;
	s5 =	simm.s32 @!p2 $0x0  }
0x1d: {  	s5 =	simm.s32 @p1 $0x1;
	p0 =	seq.s32 s7, s2  }
0x1e: {  	s7 =	smul.u32 @!p0 $0xF7A, s2;
	p2 =	seq.s32 @!p0 s5, $0x0  }
0x1f: {  	s9 =	smul.u32 $0xF7A, s1;
	s8 =	simm.s32 @!p0 $0x1BF5;
	p2 =	por !p2, p0  }
0x20: {  	[sflag:s8] =	ssyncset.s32 @!p0 $0xFFFFF086;
	s6 =	sadd.s32 @!p0 s3, s7;
	s7 =	simm.s32 @!p0 $0x108  }
0x21: {  	s3 =	sadd.s32 s3, s9;
	s6 =	sadd.s32 @!p0 $0x88, s6;
	s7 =	simm.s32 @p2 $0x1082  }
0x22: {  	[simem:s7], [sflag:s8] =	dma.local @!p0 [hbm:s6], $0xF7A  }
0x23: {  	s9 =	sor.u32 $0xD0000000, s2;
	s6 =	simm.s32 $0x108;
	_ =	swait.ge @!p0 [sflag:s8], $0x0  }
0x24: {  	s3 =	sadd.s32 $0x88, s3;
	s6 =	simm.s32 @!p1 $0x1082;
	[sflag:s4] =	ssyncset.s32 $0xFFFFF086  }
0x25: {  	[simem:s6], [sflag:s4] =	dma.local [hbm:s3], $0xF7A  }
0x26: {  	[smem:$0x3F91] =	sst s1;
	(tag) =	ssettag s2;
	_ =	strace s9  }
0x27: {  	s1 =	sld [smem:$0x3FA1]  }
0x28: {  	s2 =	sld [smem:$0x3FA2]  }
0x29: {  	s4 =	sld [smem:$0x3FA4]  }
0x2a: {  	p0 =	seq.s32 s5, $0x0;
	s5 =	sld [smem:$0x3FA5]  }
0x2b: {  	s6 =	sld [smem:$0x3FA6]  }
0x2c: {  	s7 =	sld [smem:$0x3FA7]  }
0x2d: {  	s3 =	simm.s32 $0x108;
	s8 =	sld [smem:$0x3FA8]  }
0x2e: {  	s3 =	simm.s32 @!p0 $0x1082;
	s9 =	sld [smem:$0x3FA9]  }
0x2f: {  	lr =	sadd.s32 s0, s3;
	s0 =	sld [smem:$0x3FA0]  }
0x30: {  	s3 =	sld [smem:$0x3FA3]  }
0x31: {  	[smem:$0x3FAC] =	sst s10  }
0x32: {  	s10 =	sld [smem:$0x3FAA];
	_ =	sdelay $0x3  }
0x33: {  	p0 =	seq.s32 s10, $0x1;
	s10 =	sld [smem:$0x3FAC];
	_ =	sdelay $0x3  }
0x34: {  	[smem:$0x3FAC] =	sst s10  }
0x35: {  	s10 =	sld [smem:$0x3FAB];
	_ =	sdelay $0x3  }
0x36: {  	p1 =	seq.s32 s10, $0x1;
	s10 =	sld [smem:$0x3FAC];
	_ =	sdelay $0x3  }
0x37: {  	[smem:$0x3FAC] =	sst s10  }
0x38: {  	s10 =	sld [smem:$0x3FAD]  }
0x39: {  	_ = 	snop;
	(pc) =	sbr.ind lr, $3  }
0x3a: {  	_ = 	snop  }
0x3b: {  	_ = 	snop  }
0x3c: {  	p2 =	seq.s32 s10, $0x1;
	s10 =	sld [smem:$0x3FAC]  }
0x3d: {  	_ =	shalt  }
0x3e: {  	_ =	shalt  }
0x3f: {  	_ =	shalt  }
0x40: {  	_ =	shalt  }
0x41: {  	_ =	shalt  }
0x42: {  	_ =	shalt  }
0x43: {  	_ =	shalt  }
0x44: {  	_ =	shalt  }
0x45: {  	_ =	shalt  }
0x46: {  	_ =	shalt  }
0x47: {  	_ =	shalt  }
0x48: {  	_ =	shalt  }
0x49: {  	_ =	shalt  }
0x4a: {  	_ =	shalt  }
0x4b: {  	_ =	shalt  }
0x4c: {  	_ =	shalt  }
0x4d: {  	_ =	shalt  }
0x4e: {  	_ =	shalt  }
0x4f: {  	_ =	shalt  }
0x50: {  	_ =	shalt  }
0x51: {  	_ =	shalt  }
0x52: {  	_ =	shalt  }
0x53: {  	_ =	shalt  }
0x54: {  	_ =	shalt  }
0x55: {  	_ =	shalt  }
0x56: {  	_ =	shalt  }
0x57: {  	_ =	shalt  }
0x58: {  	_ =	shalt  }
0x59: {  	_ =	shalt  }
0x5a: {  	_ =	shalt  }
0x5b: {  	_ =	shalt  }
0x5c: {  	_ =	shalt  }
0x5d: {  	_ =	shalt  }
0x5e: {  	_ =	shalt  }
0x5f: {  	_ =	shalt  }
0x60: {  	_ =	shalt  }
0x61: {  	_ =	shalt  }
0x62: {  	_ =	shalt  }
0x63: {  	_ =	shalt  }
0x64: {  	_ =	shalt  }
0x65: {  	_ =	shalt  }
0x66: {  	_ =	shalt  }
0x67: {  	_ =	shalt  }
0x68: {  	_ =	shalt  }
0x69: {  	_ =	shalt  }
0x6a: {  	_ =	shalt  }
0x6b: {  	_ =	shalt  }
0x6c: {  	_ =	shalt  }
0x6d: {  	_ =	shalt  }
0x6e: {  	_ =	shalt  }
0x6f: {  	_ =	shalt  }
0x70: {  	_ =	shalt  }
0x71: {  	_ =	shalt  }
0x72: {  	_ =	shalt  }
0x73: {  	_ =	shalt  }
0x74: {  	_ =	shalt  }
0x75: {  	_ =	shalt  }
0x76: {  	_ =	shalt  }
0x77: {  	_ =	shalt  }
0x78: {  	_ =	shalt  }
0x79: {  	_ =	shalt  }
0x7a: {  	_ =	shalt  }
0x7b: {  	_ =	shalt  }
0x7c: {  	_ =	shalt  }
0x7d: {  	_ =	shalt  }
0x7e: {  	_ =	shalt  }
0x7f: {  	_ =	shalt  }
0x80: {  	_ =	shalt  }
0x81: {  	_ =	shalt  }
0x82: {  	_ =	shalt  }
0x83: {  	_ =	shalt  }
0x84: {  	_ =	shalt  }
0x85: {  	_ =	shalt  }
0x86: {  	_ =	shalt  }
0x87: {  	_ =	shalt  }
.Lfunc_end0:
.L_simem_size_0:
called_computation.3_lowered:
.L_overlay_start_0:
0x88: {  	s2 =	sld [smem:$0x3FD9]  }
0x89: {  	s3 =	sld [smem:$0x3FFE];
	_ =	sdelay $0x1  }
0x8a: {  	s1 =	srdreg.scid  }
0x8b: {  	s0 =	sand.u32 $0x1, s1  }
0x8c: {  	s14 =	sshll.u32 s0, $0xA;
	s2 =	sadd.s32 s3, s2  }
0x8d: {  	s2 =	sadd.s32 s2, s14  }
0x8e: {  	[smem:$0x3FB8] =	sst s2  }
0x8f: {  	_ = 	snop  }
0x90: {  	s2 =	sld [smem:$0x3FD0];
	_ =	sdelay $0x2  }
0x91: {  	s15 =	simm.s32 $0xA;
	s4 =	simm.s32 $0x10  }
0x92: {  	[smem:s4], [sflag:s15] =	dma.local [hbm:s2], $0x1  }
0x93: {  	_ =	swait.eq [sflag:s15], $0x1  }
0x94: {  	[sflag:s15] =	ssyncset.done $0x0  }
0x95: {  	s16 =	sld [smem:$0x10];
	[sflag:s15] =	ssyncadd.s32 $0xFFFFFFFF  }
0x96: {  	s17 =	sld [smem:$0x11];
	(tm) =	ssettm $0x1  }
0x97: {  	s18 =	sld [smem:$0x3FFB];
	_ =	sdelay $0x3  }
0x98: {  	_ =	strace s18  }
0x99: {  	s4 =	sld [smem:$0x3FFC];
	_ =	sdelay $0x3  }
0x9a: {  	_ =	strace s4  }
0x9b: {  	s4 =	sld [smem:$0x3FFD];
	_ =	sdelay $0x3  }
0x9c: {  	_ =	strace s4  }
0x9d: {  	_ =	strace $0x8FFFFFFF  }
0x9e: {  	s19 =	sld [smem:$0x3FDB];
	_ =	sdelay $0x1  }
0x9f: {  	s5 =	simm.s32 $_scs_section_size  }
0xa0: {  	s6 =	simm.s32 $_size__tile_overlayer_lowered;
	s7 =	simm.s32 $_tile_overlayer_lowered  }
0xa1: {  	s22 =	simm.s32 $0x1BFF;
	s21 =	sshll.u32 s7, $0x1;
	s4 =	sadd.s32 s5, s19  }
0xa2: {  	s8 =	simm.s32 $0x0;
	s20 =	sshll.u32 s6, $0x1;
	s6 =	sadd.s32 s21, s4  }
0xa3: {  	[timem:s8], [sflag:s22] =	dma.local [hbm:s6], s20  }
0xa4: {  	_ =	swait.ge [sflag:s22], s20  }
0xa5: {  	s5 =	ssub.s32 $0x0, s20;
	[sflag:s22] =	ssyncset.done $0x0  }
0xa6: {  	[sflag:s22] =	ssyncadd.s32 s5;
	_ =	sdelay $0x1  }
0xa7: {  	s23 =	simm.s32 $0x1B8B  }
0xa8: {  	_ =	swait.ge [sflag:s23], $0x1  }
0xa9: {  	[sflag:s23] =	ssyncset.done $0x0  }
0xaa: {  	s25 =	simm.s32 $0x1B8E;
	s24 =	sld [smem:$0x3FFE];
	[sflag:s23] =	ssyncadd.s32 $0xFFFFFFFF  }
0xab: {  	s26 =	simm.s32 $execute0_lowered;
	[smem:$0x3FD2] =	sst s25  }
0xac: {  	s6 =	sshll.u32 s26, $0x1;
	_ =	strace $0x8000004F;
	[dreg:$0x1] =	wrdreg $0xFFFFFFFF  }
0xad: {  	s28 =	simm.s32 $_size_execute0_lowered;
	s4 =	sadd.s32 s4, s6;
	[dreg:$0x0] =	wrdreg $0x0  }
0xae: {  	s6 =	sshll.u32 s28, $0x1;
	[dreg:$0x2] =	wrdreg s4  }
0xaf: {  	[dreg:$0x3] =	wrdreg s6  }
0xb0: {  	[dreg:$0x4] =	wrdreg $0xC0  }
0xb1: {  	_ =	task [dreg:s8], $0x5FFFF  }
0xb2: {  	[dreg:$0x1] =	wrdreg $0xFFFFFFFF  }
0xb3: {  	[dreg:$0x0] =	wrdreg $0x60  }
0xb4: {  	[dreg:$0x2] =	wrdreg s17  }
0xb5: {  	[dreg:$0x3] =	wrdreg s24  }
0xb6: {  	[dreg:$0x4] =	wrdreg s16  }
0xb7: {  	[dreg:$0x5] =	wrdreg $0xCD000  }
0xb8: {  	[dreg:$0x6] =	wrdreg $0x9  }
0xb9: {  	_ =	task.clear_ibuf [dreg:s8], $0x7FFFF;
	_ =	strace $0x9000004F  }
0xba: {  	s29 =	simm.s32 $0x9;
	_ =	strace $0x80000051  }
0xbb: {  	_ =	swait.ge [sflag:s29], $0x1  }
0xbc: {  	[sflag:s29] =	ssyncadd.s32 $0xFFFFFFFF  }
0xbd: {  	_ =	strace $0x90000051  }
0xbe: {  	_ =	sfence  }
0xbf: {  	s30 =	sld [smem:$0x0];
	_ =	sdelay $0x2  }
0xc0: {  	s31 =	sshll.u32 s1, $0xD;
	s1 =	sshrl.u32 s1, $0x2  }
0xc1: {  	s3 =	sand.u32 $0x4000, s31;
	s1 =	sadd.s32 s1, s30  }
0xc2: {  	s0 =	sor.u32 s3, s0;
	s1 =	sshll.u32 s1, $0x11  }
0xc3: {  	s0 =	sor.u32 s1, s0  }
0xc4: {  	s0 =	sadd.s32 $0x8F2B, s0  }
0xc5: {  	[sflag:s0] =	ssyncadd.remote.s32 $0x1  }
0xc6: {  	_ =	sfence.sel $0xFFFF  }
0xc7: {  	[dreg:$0x0] =	wrdreg $0xFFFFFFFF;
	(pc) =	sbr.abs _section_cstart, $3  }
0xc8: {  	[dreg:$0x1] =	wrdreg $0xFFFFFFFF  }
0xc9: {  	_ =	task.clear_ibuf [dreg:s8], $0x2FFFF;
	_ =	strace $0x9FFFFFFF  }
0xca: {  	(tm) =	ssettm $0x7FFFFFFF  }
0xcb: {  	_ =	shalt  }
tec
execute0_lowered:
.L_overlay_start_1:
0x0: {  	(tag) =	ssettag $0x1  }
0x1: {  	s1 =	rddreg [dreg:$0x0]  }
0x2: {  	s0 =	rddreg [dreg:$0x1]  }
0x3: {  	s2 =	srdreg.scid;
	s5 =	rddreg [dreg:$0x2]  }
0x4: {  	s13 =	stileid.u32;
	s3 =	rddreg [dreg:$0x3];
	s15 =	simm.s32 $0x9  }
0x5: {  	s17 =	simm.s32 $0x7D;
	s18 =	simm.s32 $0x5000;
	s22 =	simm.s32 $0x6F40  }
0x6: {  	s28 =	simm.s32 $0x8E80;
	s16 =	simm.s32 $0xBD60;
	s19 =	simm.s32 $0x1  }
0x7: {  	s20 =	simm.s32 $0x3;
	s21 =	simm.s32 $0x5;
	s7 =	smul.u32 $0x4F00, s13  }
0x8: {  	s23 =	simm.s32 $0x7;
	s24 =	simm.s32 $0x8;
	s26 =	smul.u32 $0x9E0, s13  }
0x9: {  	s2 =	sand.u32 $0x1, s2;
	s4 =	sshll.u32 s13, $0x1;
	s30 =	smul.u32 $0x13C00, s13  }
0xa: {  	p0 =	seq.s32 s13, $0xF;
	s6 =	sor.u32 s2, s4;
	s11 =	smul.u32 $0x9C40, s2  }
0xb: {  	s4 =	simm.s32 $0x0;
	s9 =	ssub.s32 $0x2, s2;
	s2 =	smul.u32 $0x4E200, s2  }
0xc: {  	s6 =	smul.u32 $0x500, s6;
	[smem:$0x7FF] =	sst s4;
	s8 =	sshrl.u32 s7, $0x3  }
0xd: {  	s10 =	sshrl.u32 s9, $0x1;
	s7 =	sadd.s32 s7, s3;
	_ =	strace $0x80000050  }
0xe: {  	s8 =	sadd.s32 s8, s0;
	s12 =	ssub.s32 s9, s10;
	s31 =	sadd.s32 s26, s11  }
0xf: {  	s2 =	sshrl.u32 s2, $0x3;
	s14 =	sshrl.u32 @!p0 s7, $0x3;
	s26 =	simm.s32 $0x0  }
0x10: {  	s6 =	sadd.s32 s6, s0;
	s8 =	sadd.s32 $0x18000, s8;
	s0 =	sadd.s32 $0x21420, s0  }
0x11: {  	s2 =	sadd.s32 s5, s2;
	s11 =	smax.u32 s12, $0x1;
	[dreg:$0x5] =	wrdreg s8  }
0x12: {  	s8 =	sadd.s32 $0x4A100, s3;
	[dreg:$0x6] =	wrdreg s0;
	s29 =	sadd.s32 $0xE000, s6  }
.Ltmp0:
0x13: {  	s6 =	sadd.s32 $0x4000, s6;
	[dreg:$0x7] =	wrdreg s29;
	(pc) =	sbr.rel .LBB2_1-.Ltmp0, $4  }
0x14: {  	s0 =	sshrl.u32 s30, $0x2;
	s2 =	sadd.s32 $0x9420, s2;
	[dreg:$0x8] =	wrdreg s6  }
0x15: {  	s6 =	sadd.s32 s5, s31;
	s0 =	sadd.s32 s0, s3;
	[dreg:$0xa] =	wrdreg s2  }
0x16: {  	s12 =	sshrl.u32 @p0 s8, $0x3;
	s2 =	sshll.u32 @!p0 s13, $0x6;
	[dreg:$0x9] =	wrdreg s6  }
0x17: {  	s13 =	sor.u32 @!p0 $0x1C09, s2;
	s25 =	sshrl.u32 @!p0 s0, $0x3;
	s2 =	simm.s32 $0xADC0  }
.LBB2_4:
0x18: {  	_ =	swait.ge [sflag:s24], $0xFA0  }
0x19: {  	[sflag:s24] =	ssyncset.done $0x0  }
0x1a: {  	[sflag:s24] =	ssyncadd.s32 $0xFFFFF060  }
0x1b: {  	[spmem:s3] =	stream.indirect.scatter.add.f32 [tilespmem:s16], [sflag:$0x9], $0x20, s0, s17, $0xb8;
	[tilespmem:$0x11B20] =	vst v63  }
0x1c: {  	_ =	swait.ge [sflag:s15], $0xFA0  }
0x1d: {  	[sflag:s15] =	ssyncset.done $0x0  }
0x1e: {  	[sflag:s15] =	ssyncadd.s32 $0xFFFFF060  }
0x1f: {  	[bflag:$0x0] =	sbarrier.arrive $0xFFFF  }
0x20: {  	s0 =	simm.s32 @p0 $0x1FC9;
	s5 =	rddreg [dreg:$0xa]  }
0x21: {  	[hbm:s5], [sflag:s0] =	dma.local @p0 [spmem:s12], $0x820  }
0x22: {  	s0 =	simm.s32 @p0 $0x9  }
0x23: {  	_ =	swait.ge @p0 [sflag:s0], $0x820  }
0x24: {  	s26 =	sadd.s32 $0x1, s26;
	[sflag:s0] =	ssyncset.done @p0 $0x0  }
0x25: {  	p1 =	sne.s32 s26, s11;
	[sflag:s0] =	ssyncadd.s32 @p0 $0xFFFFF7E0;
	s0 =	rddreg [dreg:$0x9]  }
0x26: {  	[hbm:s0], [sflag:s13] =	dma.local @!p0 [spmem:s25], $0x9E0  }
.Ltmp1:
0x27: {  	_ = 	snop;
	(pc) =	sbr.rel @!p1 .LBB2_5-.Ltmp1, $4  }
0x28: {  	s0 =	simm.s32 @!p0 $0x9  }
0x29: {  	_ =	swait.ge @!p0 [sflag:s0], $0x9E0  }
0x2a: {  	[sflag:s0] =	ssyncset.done @!p0 $0x0  }
0x2b: {  	[sflag:s0] =	ssyncadd.s32 @!p0 $0xFFFFF620  }
.LBB2_1:
0x2c: {  	s0 =	simm.s32 @p0 $0x1FC9;
	s5 =	rddreg [dreg:$0x6]  }
0x2d: {  	[spmem:s12], [sflag:s0] =	dma.local @p0 [hbm:s5], $0x820  }
0x2e: {  	s0 =	simm.s32 @p0 $0x9  }
0x2f: {  	_ =	swait.ge @p0 [sflag:s0], $0x820  }
0x30: {  	[sflag:s0] =	ssyncset.done @p0 $0x0  }
0x31: {  	[sflag:s0] =	ssyncadd.s32 @p0 $0xFFFFF7E0;
	s0 =	rddreg [dreg:$0x5]  }
0x32: {  	[spmem:s14], [sflag:s13] =	dma.local @!p0 [hbm:s0], $0x9E0  }
0x33: {  	s0 =	simm.s32 @!p0 $0x9  }
0x34: {  	_ =	swait.ge @!p0 [sflag:s0], $0x9E0  }
0x35: {  	[sflag:s0] =	ssyncset.done @!p0 $0x0  }
0x36: {  	s8 =	rddreg [dreg:$0x7];
	[sflag:s0] =	ssyncadd.s32 @!p0 $0xFFFFF620  }
0x37: {  	[tilespmem:s4], [sflag:$0x9] =	stream.linear.gather [hbm4b:s8+s4], $0x2800, $0x38;
	[tilespmem:$0x11B20] =	vst v63  }
0x38: {  	_ =	swait.ge [sflag:s15], $0x2800  }
0x39: {  	[sflag:s15] =	ssyncset.done $0x0  }
0x3a: {  	s10 =	simm.s32 $0x2800;
	s9 =	rddreg [dreg:$0x8];
	[sflag:s15] =	ssyncadd.s32 $0xFFFFD800  }
0x3b: {  	[tilespmem:s10], [sflag:$0x9] =	stream.linear.gather [hbm4b:s9+s4], $0x2800, $0x38;
	[tilespmem:$0x11B20] =	vst v63  }
0x3c: {  	_ =	swait.ge [sflag:s15], $0x2800  }
0x3d: {  	[sflag:s15] =	ssyncset.done $0x0  }
0x3e: {  	[sflag:s15] =	ssyncadd.s32 $0xFFFFD800  }
0x3f: {  	[bflag:$0x0] =	sbarrier.arrive $0xFFFF  }
0x40: {  	[tilespmem:s18], [sflag:$0x1] =	stream.indirect.gather [hbm4b:s1+s17], $0x20, s4, s17, $0xb8;
	[tilespmem:$0x11B20] =	vst v63  }
0x41: {  	s30 =	simm.s32 $0x80;
	s31 =	simm.s32 $0x5FA0  }
0x42: {  	[tilespmem:s31], [sflag:$0x2] =	stream.indirect.gather [hbm4b:s1+s17], $0x20, s30, s17, $0xb8;
	[tilespmem:$0x11B20] =	vst v63  }
0x43: {  	s5 =	simm.s32 $0x100  }
0x44: {  	[tilespmem:s22], [sflag:$0x3] =	stream.indirect.gather [hbm4b:s1+s17], $0x20, s5, s17, $0xb8;
	[tilespmem:$0x11B20] =	vst v63  }
0x45: {  	s6 =	simm.s32 $0x180;
	s7 =	simm.s32 $0x7EE0  }
0x46: {  	[tilespmem:s7], [sflag:$0x4] =	stream.indirect.gather [hbm4b:s1+s17], $0x20, s6, s17, $0xb8;
	[tilespmem:$0x11B20] =	vst v63  }
0x47: {  	s8 =	simm.s32 $0x200  }
0x48: {  	[tilespmem:s28], [sflag:$0x5] =	stream.indirect.gather [hbm4b:s1+s17], $0x20, s8, s17, $0xb8;
	[tilespmem:$0x11B20] =	vst v63  }
0x49: {  	s9 =	simm.s32 $0x280;
	s10 =	simm.s32 $0x9E20  }
0x4a: {  	[tilespmem:s10], [sflag:$0x6] =	stream.indirect.gather [hbm4b:s1+s17], $0x20, s9, s17, $0xb8;
	[tilespmem:$0x11B20] =	vst v63  }
0x4b: {  	s30 =	simm.s32 $0x300  }
0x4c: {  	[tilespmem:s2], [sflag:$0x7] =	stream.indirect.gather [hbm4b:s1+s17], $0x20, s30, s17, $0xb8;
	[tilespmem:$0x11B20] =	vst v63  }
0x4d: {  	s29 =	simm.s32 $0x0;
	s31 =	simm.s32 $0x380  }
0x4e: {  	[tilespmem:s16], [sflag:$0x8] =	stream.indirect.gather [hbm4b:s1+s17], $0x20, s31, s17, $0xb8;
	[tilespmem:$0x11B20] =	vst v63  }
.LBB2_2:
0x4f: {  	_ =	swait.ge [sflag:s19], $0xFA0  }
0x50: {  	s30 =	sshra.s32 s29, $0x2;
	[sflag:s19] =	ssyncset.done $0x0  }
0x51: {  	s0 =	sadd.s32 $0x2800, s30;
	[sflag:s19] =	ssyncadd.s32 $0xFFFFF060  }
0x52: {  	[spmem:s3] =	stream.indirect.scatter.add.f32 [tilespmem:s18], [sflag:$0x9], $0x20, s0, s17, $0xb8;
	[tilespmem:$0x11B20] =	vst v63  }
0x53: {  	_ =	swait.ge [sflag:s15], $0xFA0  }
0x54: {  	p1 =	seq.s32 s29, $0x9000;
	[sflag:s15] =	ssyncset.done $0x0  }
0x55: {  	s0 =	simm.s32 @p1 $0x2;
	[sflag:s15] =	ssyncadd.s32 $0xFFFFF060  }
0x56: {  	_ =	swait.ge @p1 [sflag:s0], $0xFA0  }
0x57: {  	s5 =	sshra.s32 @p1 s29, $0x2;
	s6 =	simm.s32 @p1 $0x7D;
	[sflag:s0] =	ssyncset.done @p1 $0x0  }
0x58: {  	s7 =	simm.s32 @p1 $0x5FA0;
	[sflag:s0] =	ssyncadd.s32 @p1 $0xFFFFF060;
	s0 =	sadd.s32 @p1 $0x2880, s5  }
0x59: {  	[spmem:s3] =	stream.indirect.scatter.add.f32 @p1 [tilespmem:s7], [sflag:$0x9], $0x20, s0, s6, $0xb8;
	[tilespmem:$0x11B20] =	vst v63  }
0x5a: {  	s7 =	simm.s32 @p1 $0x9  }
0x5b: {  	_ =	swait.ge @p1 [sflag:s7], $0xFA0  }
0x5c: {  	s31 =	sshra.s32 @!p1 s29, $0x2;
	s9 =	simm.s32 @!p1 $0x5000;
	[sflag:s7] =	ssyncset.done @p1 $0x0  }
0x5d: {  	s8 =	sadd.s32 @!p1 $0x400, s31;
	s0 =	simm.s32 @!p1 $0x7D;
	[sflag:s7] =	ssyncadd.s32 @p1 $0xFFFFF060  }
0x5e: {  	[tilespmem:s9], [sflag:$0x1] =	stream.indirect.gather @!p1 [hbm4b:s1+s0], $0x20, s8, s0, $0xb8;
	[tilespmem:$0x11B20] =	vst v63  }
0x5f: {  	s8 =	simm.s32 @!p1 $0x2  }
0x60: {  	_ =	swait.ge @!p1 [sflag:s8], $0xFA0  }
0x61: {  	[sflag:s8] =	ssyncset.done @!p1 $0x0  }
0x62: {  	s9 =	simm.s32 @!p1 $0x5FA0;
	[sflag:s8] =	ssyncadd.s32 @!p1 $0xFFFFF060;
	s8 =	sadd.s32 @!p1 $0x2880, s31  }
0x63: {  	[spmem:s3] =	stream.indirect.scatter.add.f32 @!p1 [tilespmem:s9], [sflag:$0x9], $0x20, s8, s0, $0xb8;
	[tilespmem:$0x11B20] =	vst v63  }
0x64: {  	s8 =	simm.s32 @!p1 $0x9  }
0x65: {  	_ =	swait.ge @!p1 [sflag:s8], $0xFA0  }
0x66: {  	[sflag:s8] =	ssyncset.done @!p1 $0x0  }
0x67: {  	s10 =	sadd.s32 @!p1 $0x480, s31;
	[sflag:s8] =	ssyncadd.s32 @!p1 $0xFFFFF060  }
0x68: {  	[tilespmem:s9], [sflag:$0x2] =	stream.indirect.gather @!p1 [hbm4b:s1+s0], $0x20, s10, s0, $0xb8;
	[tilespmem:$0x11B20] =	vst v63  }
0x69: {  	_ =	swait.ge [sflag:s20], $0xFA0  }
0x6a: {  	[sflag:s20] =	ssyncset.done $0x0  }
0x6b: {  	s10 =	sadd.s32 $0x2900, s30;
	[sflag:s20] =	ssyncadd.s32 $0xFFFFF060  }
0x6c: {  	[spmem:s3] =	stream.indirect.scatter.add.f32 [tilespmem:s22], [sflag:$0x9], $0x20, s10, s17, $0xb8;
	[tilespmem:$0x11B20] =	vst v63  }
0x6d: {  	_ =	swait.ge [sflag:s15], $0xFA0  }
0x6e: {  	[sflag:s15] =	ssyncset.done $0x0  }
0x6f: {  	s9 =	simm.s32 @p1 $0x4;
	[sflag:s15] =	ssyncadd.s32 $0xFFFFF060  }
0x70: {  	_ =	swait.ge @p1 [sflag:s9], $0xFA0  }
0x71: {  	[sflag:s9] =	ssyncset.done @p1 $0x0  }
0x72: {  	s10 =	simm.s32 @p1 $0x7EE0;
	[sflag:s9] =	ssyncadd.s32 @p1 $0xFFFFF060;
	s9 =	sadd.s32 @p1 $0x2980, s5  }
0x73: {  	[spmem:s3] =	stream.indirect.scatter.add.f32 @p1 [tilespmem:s10], [sflag:$0x9], $0x20, s9, s6, $0xb8;
	[tilespmem:$0x11B20] =	vst v63  }
0x74: {  	_ =	swait.ge @p1 [sflag:s7], $0xFA0  }
0x75: {  	[sflag:s7] =	ssyncset.done @p1 $0x0  }
0x76: {  	s9 =	sadd.s32 @!p1 $0x500, s31;
	s10 =	simm.s32 @!p1 $0x6F40;
	[sflag:s7] =	ssyncadd.s32 @p1 $0xFFFFF060  }
0x77: {  	[tilespmem:s10], [sflag:$0x3] =	stream.indirect.gather @!p1 [hbm4b:s1+s0], $0x20, s9, s0, $0xb8;
	[tilespmem:$0x11B20] =	vst v63  }
0x78: {  	s9 =	simm.s32 @!p1 $0x4  }
0x79: {  	_ =	swait.ge @!p1 [sflag:s9], $0xFA0  }
0x7a: {  	[sflag:s9] =	ssyncset.done @!p1 $0x0  }
0x7b: {  	s10 =	simm.s32 @!p1 $0x7EE0;
	[sflag:s9] =	ssyncadd.s32 @!p1 $0xFFFFF060;
	s9 =	sadd.s32 @!p1 $0x2980, s31  }
0x7c: {  	[spmem:s3] =	stream.indirect.scatter.add.f32 @!p1 [tilespmem:s10], [sflag:$0x9], $0x20, s9, s0, $0xb8;
	[tilespmem:$0x11B20] =	vst v63  }
0x7d: {  	_ =	swait.ge @!p1 [sflag:s8], $0xFA0  }
0x7e: {  	[sflag:s8] =	ssyncset.done @!p1 $0x0  }
0x7f: {  	s9 =	sadd.s32 @!p1 $0x580, s31;
	[sflag:s8] =	ssyncadd.s32 @!p1 $0xFFFFF060  }
0x80: {  	[tilespmem:s10], [sflag:$0x4] =	stream.indirect.gather @!p1 [hbm4b:s1+s0], $0x20, s9, s0, $0xb8;
	[tilespmem:$0x11B20] =	vst v63  }
0x81: {  	_ =	swait.ge [sflag:s21], $0xFA0  }
0x82: {  	[sflag:s21] =	ssyncset.done $0x0  }
0x83: {  	s10 =	sadd.s32 $0x2A00, s30;
	[sflag:s21] =	ssyncadd.s32 $0xFFFFF060  }
0x84: {  	[spmem:s3] =	stream.indirect.scatter.add.f32 [tilespmem:s28], [sflag:$0x9], $0x20, s10, s17, $0xb8;
	[tilespmem:$0x11B20] =	vst v63  }
0x85: {  	_ =	swait.ge [sflag:s15], $0xFA0  }
0x86: {  	[sflag:s15] =	ssyncset.done $0x0  }
0x87: {  	s9 =	simm.s32 @p1 $0x6;
	[sflag:s15] =	ssyncadd.s32 $0xFFFFF060  }
0x88: {  	_ =	swait.ge @p1 [sflag:s9], $0xFA0  }
0x89: {  	[sflag:s9] =	ssyncset.done @p1 $0x0  }
0x8a: {  	s5 =	sadd.s32 @p1 $0x2A80, s5;
	[sflag:s9] =	ssyncadd.s32 @p1 $0xFFFFF060;
	s9 =	simm.s32 @p1 $0x9E20  }
0x8b: {  	[spmem:s3] =	stream.indirect.scatter.add.f32 @p1 [tilespmem:s9], [sflag:$0x9], $0x20, s5, s6, $0xb8;
	[tilespmem:$0x11B20] =	vst v63  }
0x8c: {  	_ =	swait.ge @p1 [sflag:s7], $0xFA0  }
0x8d: {  	[sflag:s7] =	ssyncset.done @p1 $0x0  }
0x8e: {  	s5 =	sadd.s32 @!p1 $0x600, s31;
	s6 =	simm.s32 @!p1 $0x8E80;
	[sflag:s7] =	ssyncadd.s32 @p1 $0xFFFFF060  }
0x8f: {  	[tilespmem:s6], [sflag:$0x5] =	stream.indirect.gather @!p1 [hbm4b:s1+s0], $0x20, s5, s0, $0xb8;
	[tilespmem:$0x11B20] =	vst v63  }
0x90: {  	s5 =	simm.s32 @!p1 $0x6  }
0x91: {  	_ =	swait.ge @!p1 [sflag:s5], $0xFA0  }
0x92: {  	[sflag:s5] =	ssyncset.done @!p1 $0x0  }
0x93: {  	s6 =	simm.s32 @!p1 $0x9E20;
	[sflag:s5] =	ssyncadd.s32 @!p1 $0xFFFFF060;
	s5 =	sadd.s32 @!p1 $0x2A80, s31  }
0x94: {  	[spmem:s3] =	stream.indirect.scatter.add.f32 @!p1 [tilespmem:s6], [sflag:$0x9], $0x20, s5, s0, $0xb8;
	[tilespmem:$0x11B20] =	vst v63  }
0x95: {  	_ =	swait.ge @!p1 [sflag:s8], $0xFA0  }
0x96: {  	[sflag:s8] =	ssyncset.done @!p1 $0x0  }
0x97: {  	s5 =	sadd.s32 @!p1 $0x680, s31;
	[sflag:s8] =	ssyncadd.s32 @!p1 $0xFFFFF060  }
0x98: {  	[tilespmem:s6], [sflag:$0x6] =	stream.indirect.gather @!p1 [hbm4b:s1+s0], $0x20, s5, s0, $0xb8;
	[tilespmem:$0x11B20] =	vst v63  }
0x99: {  	_ =	swait.ge [sflag:s23], $0xFA0  }
0x9a: {  	[sflag:s23] =	ssyncset.done $0x0  }
.Ltmp2:
0x9b: {  	s31 =	sadd.s32 $0x2B00, s30;
	[sflag:s23] =	ssyncadd.s32 $0xFFFFF060;
	(pc) =	sbr.rel @p1 .LBB2_4-.Ltmp2, $4  }
0x9c: {  	[spmem:s3] =	stream.indirect.scatter.add.f32 [tilespmem:s2], [sflag:$0x9], $0x20, s31, s17, $0xb8;
	[tilespmem:$0x11B20] =	vst v63  }
0x9d: {  	_ =	swait.ge [sflag:s15], $0xFA0  }
0x9e: {  	[sflag:s15] =	ssyncset.done $0x0  }
0x9f: {  	s0 =	sadd.s32 $0x2B80, s30;
	[sflag:s15] =	ssyncadd.s32 $0xFFFFF060  }
0xa0: {  	s5 =	sadd.s32 $0x700, s30  }
0xa1: {  	[tilespmem:s2], [sflag:$0x7] =	stream.indirect.gather [hbm4b:s1+s17], $0x20, s5, s17, $0xb8;
	[tilespmem:$0x11B20] =	vst v63  }
0xa2: {  	_ =	swait.ge [sflag:s24], $0xFA0  }
0xa3: {  	[sflag:s24] =	ssyncset.done $0x0  }
0xa4: {  	[sflag:s24] =	ssyncadd.s32 $0xFFFFF060  }
0xa5: {  	[spmem:s3] =	stream.indirect.scatter.add.f32 [tilespmem:s16], [sflag:$0x9], $0x20, s0, s17, $0xb8;
	[tilespmem:$0x11B20] =	vst v63  }
.Ltmp3:
0xa6: {  	_ = 	snop;
	(pc) =	sbr.rel .LBB2_2-.Ltmp3, $4  }
0xa7: {  	_ =	swait.ge [sflag:s15], $0xFA0  }
0xa8: {  	[sflag:s15] =	ssyncset.done $0x0  }
0xa9: {  	s31 =	sadd.s32 $0x780, s30;
	s29 =	sadd.s32 $0x1000, s29;
	[sflag:s15] =	ssyncadd.s32 $0xFFFFF060  }
0xaa: {  	[tilespmem:s16], [sflag:$0x8] =	stream.indirect.gather [hbm4b:s1+s17], $0x20, s31, s17, $0xb8;
	[tilespmem:$0x11B20] =	vst v63  }
.LBB2_5:
0xab: {  	_ =	sfence.sel $0x180000  }
0xac: {  	[bflag:$0x0] =	sbarrier.arrive $0xFFFF  }
0xad: {  	_ =	strace $0x90000050  }
0xae: {  	s0 =	stileid.u32;
	[bflag:$0x2] =	sbarrier.arrive $0xFFFF  }
0xaf: {  	p0 =	sne.s32 s0, $0x0;
	s0 =	rddreg [dreg:$0x4]  }
0xb0: {  	s0 =	sadd.s32 @!p0 $0x100000, s0  }
0xb1: {  	[sflag:s0] =	ssyncadd.tile.s32 @!p0 $0x1;
	_ =	shalt  }
.Lfunc_end2:
_tile_overlayer_lowered:
.L_overlay_start_2:
0xb2: {  	(tag) =	ssettag $0x2  }
0xb3: {  	s0 =	rddreg [dreg:$0x0];
	s2 =	stileid.u32  }
0xb4: {  	s1 =	rddreg [dreg:$0x1];
	p0 =	sne.s32 s2, $0x0  }
0xb5: {  	s3 =	rddreg [dreg:$0x2];
	[bflag:$0x3] =	sbarrier.arrive $0xFFFF;
	s2 =	simm.s32 @!p0 $0x1C09  }
0xb6: {  	[timem:s3], [sflag:s2] =	dma.local @!p0 [hbm:s0], s1  }
0xb7: {  	s0 =	simm.s32 @!p0 $0x9  }
0xb8: {  	_ =	swait.ge @!p0 [sflag:s0], s1  }
0xb9: {  	s1 =	ssub.s32 @!p0 $0x0, s1;
	[sflag:s0] =	ssyncset.done @!p0 $0x0  }
0xba: {  	[sflag:s0] =	ssyncadd.s32 @!p0 s1  }
0xbb: {  	[bflag:$0x3] =	sbarrier.arrive $0xFFFF  }
0xbc: {  	_ =	shalt  }

</sc_bundles>
